<compile_context>
chip_gen: v7x
topology: tpu7x:2x2x1
jax: 0.10.2.dev20260603
libtpu: 0.0.44.dev20260713+nightly
codegen_flags: <defaults>
</compile_context>

<pallas_src>
import jax
import jax.numpy as jnp
from jax import lax
from jax.experimental import pallas as pl
from jax.experimental.pallas import tpu as pltpu
from jax.experimental.pallas import tpu_sc as plsc

N_NODES = 10000
FEAT = 128
HF = FEAT // 2
N_EDGES = 320000

NC = 2
NS = 16
E_PER_T = N_EDGES // NS
CHUNK = 40
N_CHUNKS = E_PER_T // CHUNK
N_PAD = 10240
ROWS_PER_TILE = N_PAD // NS
ZCH = 128
CW = 16


def _sc_agg(want_count: bool, NBUF: int = 5):
  LAG = NBUF - 1
  mesh = plsc.VectorSubcoreMesh(core_axis_name="c", subcore_axis_name="s")

  out_type = [jax.ShapeDtypeStruct((NC, N_PAD, FEAT), jnp.float32)]
  scratch = [
      pltpu.VMEM((E_PER_T,), jnp.int32),
      pltpu.VMEM((E_PER_T,), jnp.int32),
      pltpu.VMEM((NBUF, CHUNK, HF), jnp.float32),
      pltpu.VMEM((ZCH, HF), jnp.float32),
      pltpu.VMEM_SHARED((N_PAD, HF), jnp.float32),
  ]
  scratch += [pltpu.SemaphoreType.DMA] * (2 * NBUF)
  if want_count:
    out_type.append(jax.ShapeDtypeStruct((N_PAD, FEAT), jnp.float32))
    scratch += [
        pltpu.VMEM((CHUNK, CW), jnp.float32),
        pltpu.VMEM_SHARED((N_PAD, CW), jnp.float32),
        pltpu.SemaphoreType.DMA,
    ]

  def body(table_hbm, src_hbm, dst_hbm, zeros_hbm, zcol_hbm, ones_hbm,
           *rest):
    if want_count:
      part_hbm, cnt_hbm = rest[0], rest[1]
      rest = rest[2:]
    else:
      part_hbm = rest[0]
      rest = rest[1:]
    idx_s, idx_d, rows_v, zbuf_v, acc_sh = rest[:5]
    semg = rest[5:5 + NBUF]
    sems = rest[5 + NBUF:5 + 2 * NBUF]
    if want_count:
      ones_v, cnt_sh, semc = rest[5 + 2 * NBUF:]

    c = lax.axis_index("c")
    s = lax.axis_index("s")
    row0 = s * ROWS_PER_TILE

    def start_gather(chunk, b):
      pltpu.async_copy(table_hbm.at[idx_s.at[pl.ds(chunk * CHUNK, CHUNK)]],
                       rows_v.at[b], semg[b])

    def wait_gather(b):
      pltpu.make_async_copy(table_hbm.at[idx_s.at[pl.ds(0, CHUNK)]],
                            rows_v.at[b], semg[b]).wait()

    def start_scatter(chunk, b):
      pltpu.async_copy(rows_v.at[b],
                       acc_sh.at[idx_d.at[pl.ds(chunk * CHUNK, CHUNK)]],
                       sems[b], add=True)
      if want_count:
        @pl.when(c == 0)
        def _():
          pltpu.async_copy(ones_v,
                           cnt_sh.at[idx_d.at[pl.ds(chunk * CHUNK, CHUNK)]],
                           semc, add=True)

    def wait_scatter(b):
      pltpu.make_async_copy(rows_v.at[b], acc_sh.at[idx_d.at[pl.ds(0, CHUNK)]],
                            sems[b]).wait()
      if want_count:
        @pl.when(c == 0)
        def _():
          pltpu.make_async_copy(ones_v, cnt_sh.at[idx_d.at[pl.ds(0, CHUNK)]],
                                semc).wait()

    pltpu.sync_copy(src_hbm.at[pl.ds(c * N_EDGES + s * E_PER_T, E_PER_T)],
                    idx_s)
    for b in range(LAG):
      start_gather(b, b)
    pltpu.sync_copy(dst_hbm.at[pl.ds(s * E_PER_T, E_PER_T)], idx_d)

    pltpu.sync_copy(zeros_hbm, zbuf_v)
    for z in range(ROWS_PER_TILE // ZCH):
      pltpu.sync_copy(zbuf_v, acc_sh.at[pl.ds(row0 + z * ZCH, ZCH)])
    if want_count:
      pltpu.sync_copy(ones_hbm, ones_v)

      @pl.when(c == 0)
      def _():
        pltpu.sync_copy(zcol_hbm, cnt_sh.at[pl.ds(row0, ROWS_PER_TILE)])
    plsc.subcore_barrier()

    def outer_body(k, carry):
      for b in range(NBUF):
        chunk = k * NBUF + b
        wait_gather(b)
        start_scatter(chunk, b)
        nxt = chunk + LAG
        b2 = (b + LAG) % NBUF

        @pl.when(nxt < N_CHUNKS)
        def _():
          @pl.when(nxt >= NBUF)
          def _():
            wait_scatter(b2)
          start_gather(nxt, b2)
      return carry

    lax.fori_loop(0, N_CHUNKS // NBUF, outer_body, 0)
    for b in range(NBUF):
      wait_scatter(b)
    plsc.subcore_barrier()

    pltpu.sync_copy(acc_sh.at[pl.ds(row0, ROWS_PER_TILE)],
                    part_hbm.at[c, pl.ds(row0, ROWS_PER_TILE), pl.ds(0, HF)])
    if want_count:
      @pl.when(c == 0)
      def _():
        pltpu.sync_copy(cnt_sh.at[pl.ds(row0, ROWS_PER_TILE)],
                        cnt_hbm.at[pl.ds(row0, ROWS_PER_TILE), pl.ds(0, CW)])

  return pl.kernel(body, out_type=tuple(out_type), mesh=mesh,
                   scratch_types=scratch,
                   compiler_params=pltpu.CompilerParams(
                       use_tc_tiling_on_sc=False))


_sc_agg_count = _sc_agg(True, NBUF=10)
_sc_agg_plain = _sc_agg(False, NBUF=10)


BN = 1000


def _tc_root_body(x_ref, wr_ref, b_ref, out_ref):
  out_ref[...] = (jnp.dot(x_ref[...], wr_ref[...],
                          preferred_element_type=jnp.float32) + b_ref[...])


def _tc_root(x, wrT, b):
  grid = (N_NODES // BN,)
  return pl.pallas_call(
      _tc_root_body,
      grid=grid,
      in_specs=[
          pl.BlockSpec((BN, FEAT), lambda i: (i, 0)),
          pl.BlockSpec((FEAT, FEAT), lambda i: (0, 0)),
          pl.BlockSpec((1, FEAT), lambda i: (0, 0)),
      ],
      out_specs=pl.BlockSpec((BN, FEAT), lambda i: (i, 0)),
      out_shape=jax.ShapeDtypeStruct((N_NODES, FEAT), jnp.float32),
  )(x, wrT, b)


def _tc_layer1_body(part_ref, cnt_ref, pre_ref, wl_ref, out_ref, inv_ref):
  inv = 1.0 / jnp.maximum(cnt_ref[:, :1], 1.0)
  agg = jnp.concatenate([part_ref[0, :, :HF], part_ref[1, :, :HF]],
                        axis=1) * inv
  o = (jnp.dot(agg, wl_ref[...], preferred_element_type=jnp.float32)
       + pre_ref[...])
  out_ref[...] = jnp.maximum(o, 0.0)
  inv_ref[...] = inv


def _tc_layer2_body(part_ref, inv_ref, pre_ref, wl_ref, out_ref):
  agg = jnp.concatenate([part_ref[0, :, :HF], part_ref[1, :, :HF]],
                        axis=1) * inv_ref[...]
  out_ref[...] = (jnp.dot(agg, wl_ref[...], preferred_element_type=jnp.float32)
                  + pre_ref[...])


def _tc_layer1(part, cnt, pre, wlT):
  grid = (N_NODES // BN,)
  return pl.pallas_call(
      _tc_layer1_body,
      grid=grid,
      in_specs=[
          pl.BlockSpec((NC, BN, FEAT), lambda i: (0, i, 0)),
          pl.BlockSpec((BN, FEAT), lambda i: (i, 0)),
          pl.BlockSpec((BN, FEAT), lambda i: (i, 0)),
          pl.BlockSpec((FEAT, FEAT), lambda i: (0, 0)),
      ],
      out_specs=[
          pl.BlockSpec((BN, FEAT), lambda i: (i, 0)),
          pl.BlockSpec((BN, 1), lambda i: (i, 0)),
      ],
      out_shape=[
          jax.ShapeDtypeStruct((N_NODES, FEAT), jnp.float32),
          jax.ShapeDtypeStruct((N_NODES, 1), jnp.float32),
      ],
  )(part, cnt, pre, wlT)


def _tc_layer2(part, inv, pre, wlT):
  grid = (N_NODES // BN,)
  return pl.pallas_call(
      _tc_layer2_body,
      grid=grid,
      in_specs=[
          pl.BlockSpec((NC, BN, FEAT), lambda i: (0, i, 0)),
          pl.BlockSpec((BN, 1), lambda i: (i, 0)),
          pl.BlockSpec((BN, FEAT), lambda i: (i, 0)),
          pl.BlockSpec((FEAT, FEAT), lambda i: (0, 0)),
      ],
      out_specs=pl.BlockSpec((BN, FEAT), lambda i: (i, 0)),
      out_shape=jax.ShapeDtypeStruct((N_NODES, FEAT), jnp.float32),
  )(part, inv, pre, wlT)


@jax.jit
def kernel(x, edge_index, W1_l, W1_r, b1, W2_l, W2_r, b2):
  src = edge_index[0].astype(jnp.int32)
  dst = edge_index[1].astype(jnp.int32)
  srcg = jnp.concatenate([src * 2, src * 2 + 1])
  zeros2d = jnp.zeros((ZCH, HF), jnp.float32)
  zcol = jnp.zeros((ROWS_PER_TILE, CW), jnp.float32)
  ones = jnp.ones((CHUNK, CW), jnp.float32)

  xr = x.reshape(2 * N_NODES, HF)
  part1, cnt = _sc_agg_count(xr, srcg, dst, zeros2d, zcol, ones)
  pre1 = _tc_root(x, W1_r.T, b1.reshape(1, FEAT))
  h, inv = _tc_layer1(part1, cnt, pre1, W1_l.T)
  hr = h.reshape(2 * N_NODES, HF)
  (part2,) = _sc_agg_plain(hr, srcg, dst, zeros2d, zcol, ones)
  pre2 = _tc_root(h, W2_r.T, b2.reshape(1, FEAT))
  z = _tc_layer2(part2, inv, pre2, W2_l.T)
  return z

# --- scband reference (transcript-rebuilt; emitter-appended) ---
"""Pipeline reference for scband-graph-sage-9732395892856 (READ-ONLY COPY).

The authoritative reference and input builder live on the scoring server;
editing this copy changes nothing except your own understanding.
"""

import jax, jax.numpy as jnp
import numpy as np

N_NODES = 10000
IN_CH = 128
HID_CH = 128
N_EDGES = 320000


def _glorot(key, shape):
    fan_in, fan_out = shape[1], shape[0]
    lim = jnp.sqrt(6.0 / (fan_in + fan_out))
    return jax.random.uniform(key, shape, minval=-lim, maxval=lim, dtype=jnp.float32)


def setup_inputs(seed: int = 0) -> dict:
    key = jax.random.key(seed)
    ks = jax.random.split(key, 8)
    x = jax.random.normal(ks[0], (N_NODES, IN_CH), dtype=jnp.float32)
    edge_index = jax.random.randint(ks[1], (2, N_EDGES), 0, N_NODES, dtype=jnp.int64)
    # SAGEConv params: lin_l applied to aggregated neighbors, lin_r to root
    W1_l = _glorot(ks[2], (HID_CH, IN_CH))
    W1_r = _glorot(ks[3], (HID_CH, IN_CH))
    b1 = jnp.zeros((HID_CH,), dtype=jnp.float32)
    W2_l = _glorot(ks[4], (HID_CH, HID_CH))
    W2_r = _glorot(ks[5], (HID_CH, HID_CH))
    b2 = jnp.zeros((HID_CH,), dtype=jnp.float32)
    return {"x": x, "edge_index": edge_index, "W1_l": W1_l, "W1_r": W1_r, "b1": b1,
            "W2_l": W2_l, "W2_r": W2_r, "b2": b2}


def _sage_conv(x, edge_index, W_l, W_r, b):
    # PyG SAGEConv with mean aggregation:
    # out = lin_l(mean_{j in N(i)} x_j) + lin_r(x_i) + bias
    src = edge_index[0]
    dst = edge_index[1]
    msgs = jnp.take(x, src, axis=0)                      # gather x_j
    agg = jax.ops.segment_sum(msgs, dst, num_segments=N_NODES)
    cnt = jax.ops.segment_sum(jnp.ones((edge_index.shape[1],), dtype=x.dtype), dst,
                              num_segments=N_NODES)
    agg = agg / jnp.clip(cnt, 1.0, None)[:, None]        # mean over incoming edges
    return agg @ W_l.T + x @ W_r.T + b


def reference(x, edge_index, W1_l, W1_r, b1, W2_l, W2_r, b2):
    # GraphSAGE.encode
    h = jax.nn.relu(_sage_conv(x, edge_index, W1_l, W1_r, b1))
    z = _sage_conv(h, edge_index, W2_l, W2_r, b2)
    return z

if __name__ == "__main__":
    import jax
    _d = setup_inputs()
    print(jax.jit(kernel)(*tuple(_d.values())))

</pallas_src>

<mosaic_0001>
#map = affine_map<(d0, d1) -> (0, 0)>
#map1 = affine_map<(d0, d1) -> (0)>
#map2 = affine_map<(d0, d1) -> (0, 0, 0)>
module attributes {stable_mosaic.version = 14 : i64} {
  func.func @body(%arg0: i32, %arg1: i32, %arg2: memref<20000x64xf32, #tpu.memory_space<hbm>>, %arg3: memref<640000xi32, #tpu.memory_space<hbm>>, %arg4: memref<320000xi32, #tpu.memory_space<hbm>>, %arg5: memref<128x64xf32, #tpu.memory_space<hbm>>, %arg6: memref<640x16xf32, #tpu.memory_space<hbm>>, %arg7: memref<40x16xf32, #tpu.memory_space<hbm>>, %arg8: memref<2x10240x128xf32, #tpu.memory_space<hbm>>, %arg9: memref<10240x128xf32, #tpu.memory_space<hbm>>, %arg10: memref<20000xi32, #tpu.memory_space<vmem>>, %arg11: memref<20000xi32, #tpu.memory_space<vmem>>, %arg12: memref<10x40x64xf32, #tpu.memory_space<vmem>>, %arg13: memref<128x64xf32, #tpu.memory_space<vmem>>, %arg14: memref<10240x64xf32, #tpu.memory_space<vmem_shared>>, %arg15: memref<!tpu.dma_semaphore, #tpu.memory_space<semaphore_mem>>, %arg16: memref<!tpu.dma_semaphore, #tpu.memory_space<semaphore_mem>>, %arg17: memref<!tpu.dma_semaphore, #tpu.memory_space<semaphore_mem>>, %arg18: memref<!tpu.dma_semaphore, #tpu.memory_space<semaphore_mem>>, %arg19: memref<!tpu.dma_semaphore, #tpu.memory_space<semaphore_mem>>, %arg20: memref<!tpu.dma_semaphore, #tpu.memory_space<semaphore_mem>>, %arg21: memref<!tpu.dma_semaphore, #tpu.memory_space<semaphore_mem>>, %arg22: memref<!tpu.dma_semaphore, #tpu.memory_space<semaphore_mem>>, %arg23: memref<!tpu.dma_semaphore, #tpu.memory_space<semaphore_mem>>, %arg24: memref<!tpu.dma_semaphore, #tpu.memory_space<semaphore_mem>>, %arg25: memref<!tpu.dma_semaphore, #tpu.memory_space<semaphore_mem>>, %arg26: memref<!tpu.dma_semaphore, #tpu.memory_space<semaphore_mem>>, %arg27: memref<!tpu.dma_semaphore, #tpu.memory_space<semaphore_mem>>, %arg28: memref<!tpu.dma_semaphore, #tpu.memory_space<semaphore_mem>>, %arg29: memref<!tpu.dma_semaphore, #tpu.memory_space<semaphore_mem>>, %arg30: memref<!tpu.dma_semaphore, #tpu.memory_space<semaphore_mem>>, %arg31: memref<!tpu.dma_semaphore, #tpu.memory_space<semaphore_mem>>, %arg32: memref<!tpu.dma_semaphore, #tpu.memory_space<semaphore_mem>>, %arg33: memref<!tpu.dma_semaphore, #tpu.memory_space<semaphore_mem>>, %arg34: memref<!tpu.dma_semaphore, #tpu.memory_space<semaphore_mem>>, %arg35: memref<40x16xf32, #tpu.memory_space<vmem>>, %arg36: memref<10240x16xf32, #tpu.memory_space<vmem_shared>>, %arg37: memref<!tpu.dma_semaphore, #tpu.memory_space<semaphore_mem>>) attributes {dimension_semantics = [#tpu.dimension_semantics<core_parallel>, #tpu.dimension_semantics<subcore_parallel>], iteration_bounds = array<i64: 2, 16>, scalar_prefetch = 0 : i64, scratch_operands = 28 : i64, tpu.core_type = #tpu.core_type<sc_vector_subcore>, window_params = [{transform_indices = #map}, {transform_indices = #map1}, {transform_indices = #map1}, {transform_indices = #map}, {transform_indices = #map}, {transform_indices = #map}, {transform_indices = #map2}, {transform_indices = #map}]} {
    %mul3A = arith.constant 640 : i32
    %mul3A_0 = arith.muli %arg1, %mul3A : i32
    %mul3A_1 = arith.constant 320000 : i32
    %mul3A_2 = arith.muli %arg0, %mul3A_1 : i32
    %mul3A_3 = arith.constant 20000 : i32
    %mul3A_4 = arith.muli %arg1, %mul3A_3 : i32
    %add3A = arith.addi %mul3A_2, %mul3A_4 : i32
    "tpu.region"() ({
      %run_scoped3A = tpu.sem_alloc : memref<!tpu.dma_semaphore, #tpu.memory_space<semaphore_mem>>
      %dma_start3A_268 = tpu.memref_slice %arg3[%add3A] : memref<640000xi32, #tpu.memory_space<hbm>> -> memref<20000xi32, #tpu.memory_space<hbm>>
      %dma_start3A_269 = tpu.memref_slice %arg3[%add3A] : memref<640000xi32, #tpu.memory_space<hbm>> -> memref<20000xi32, #tpu.memory_space<hbm>>
      tpu.enqueue_dma source(%dma_start3A_269 : memref<20000xi32, #tpu.memory_space<hbm>>) target(%arg10 : memref<20000xi32, #tpu.memory_space<vmem>>) target_semaphore(%run_scoped3A : memref<!tpu.dma_semaphore, #tpu.memory_space<semaphore_mem>>)
      %dma_wait3A_270 = tpu.memref_slice %arg3[%add3A] : memref<640000xi32, #tpu.memory_space<hbm>> -> memref<20000xi32, #tpu.memory_space<hbm>>
      %dma_wait3A_271 = tpu.memref_slice %arg3[%add3A] : memref<640000xi32, #tpu.memory_space<hbm>> -> memref<20000xi32, #tpu.memory_space<hbm>>
      tpu.wait_dma2 semaphore(%run_scoped3A : memref<!tpu.dma_semaphore, #tpu.memory_space<semaphore_mem>>) src(%dma_wait3A_271 : memref<20000xi32, #tpu.memory_space<hbm>>) dst(%arg10 : memref<20000xi32, #tpu.memory_space<vmem>>)
      tpu.yield
    }) : () -> ()
    %dma_start3A = arith.constant 0 : i32
    %dma_start3A_5 = arith.constant 0 : i32
    %dma_start3A_6 = arith.constant 0 : i32
    %dma_start3A_7 = tpu.memref_slice %arg12[%dma_start3A, %dma_start3A_5, %dma_start3A_6] : memref<10x40x64xf32, #tpu.memory_space<vmem>> -> memref<1x40x64xf32, #tpu.memory_space<vmem>>
    %dma_start3A_8 = tpu.memref_squeeze %dma_start3A_7 : memref<1x40x64xf32, #tpu.memory_space<vmem>> -> memref<40x64xf32, #tpu.memory_space<vmem>>
    %dma_start3A_9 = arith.constant 0 : i32
    %dma_start3A_10 = tpu.memref_slice %arg10[%dma_start3A_9] : memref<20000xi32, #tpu.memory_space<vmem>> -> memref<40xi32, #tpu.memory_space<vmem>>
    %dma_start3A_11 = arith.constant 0 : i32
    %dma_start3A_12 = arith.constant 0 : i32
    %dma_start3A_13 = tpu.memref_slice %arg2[%dma_start3A_11, %dma_start3A_12] : memref<20000x64xf32, #tpu.memory_space<hbm>> -> memref<20000x64xf32, #tpu.memory_space<hbm>>
    tpu.enqueue_indirect_dma source(%dma_start3A_13 : memref<20000x64xf32, #tpu.memory_space<hbm>>) target(%dma_start3A_8 : memref<40x64xf32, #tpu.memory_space<vmem>>) offsets(%dma_start3A_10 : memref<40xi32, #tpu.memory_space<vmem>>) semaphore(%arg15 : memref<!tpu.dma_semaphore, #tpu.memory_space<semaphore_mem>>)
    %dma_start3A_14 = arith.constant 1 : i32
    %dma_start3A_15 = arith.constant 0 : i32
    %dma_start3A_16 = arith.constant 0 : i32
    %dma_start3A_17 = tpu.memref_slice %arg12[%dma_start3A_14, %dma_start3A_15, %dma_start3A_16] : memref<10x40x64xf32, #tpu.memory_space<vmem>> -> memref<1x40x64xf32, #tpu.memory_space<vmem>>
    %dma_start3A_18 = tpu.memref_squeeze %dma_start3A_17 : memref<1x40x64xf32, #tpu.memory_space<vmem>> -> memref<40x64xf32, #tpu.memory_space<vmem>>
    %dma_start3A_19 = arith.constant 40 : i32
    %dma_start3A_20 = tpu.memref_slice %arg10[%dma_start3A_19] : memref<20000xi32, #tpu.memory_space<vmem>> -> memref<40xi32, #tpu.memory_space<vmem>>
    %dma_start3A_21 = arith.constant 0 : i32
    %dma_start3A_22 = arith.constant 0 : i32
    %dma_start3A_23 = tpu.memref_slice %arg2[%dma_start3A_21, %dma_start3A_22] : memref<20000x64xf32, #tpu.memory_space<hbm>> -> memref<20000x64xf32, #tpu.memory_space<hbm>>
    tpu.enqueue_indirect_dma source(%dma_start3A_23 : memref<20000x64xf32, #tpu.memory_space<hbm>>) target(%dma_start3A_18 : memref<40x64xf32, #tpu.memory_space<vmem>>) offsets(%dma_start3A_20 : memref<40xi32, #tpu.memory_space<vmem>>) semaphore(%arg16 : memref<!tpu.dma_semaphore, #tpu.memory_space<semaphore_mem>>)
    %dma_start3A_24 = arith.constant 2 : i32
    %dma_start3A_25 = arith.constant 0 : i32
    %dma_start3A_26 = arith.constant 0 : i32
    %dma_start3A_27 = tpu.memref_slice %arg12[%dma_start3A_24, %dma_start3A_25, %dma_start3A_26] : memref<10x40x64xf32, #tpu.memory_space<vmem>> -> memref<1x40x64xf32, #tpu.memory_space<vmem>>
    %dma_start3A_28 = tpu.memref_squeeze %dma_start3A_27 : memref<1x40x64xf32, #tpu.memory_space<vmem>> -> memref<40x64xf32, #tpu.memory_space<vmem>>
    %dma_start3A_29 = arith.constant 80 : i32
    %dma_start3A_30 = tpu.memref_slice %arg10[%dma_start3A_29] : memref<20000xi32, #tpu.memory_space<vmem>> -> memref<40xi32, #tpu.memory_space<vmem>>
    %dma_start3A_31 = arith.constant 0 : i32
    %dma_start3A_32 = arith.constant 0 : i32
    %dma_start3A_33 = tpu.memref_slice %arg2[%dma_start3A_31, %dma_start3A_32] : memref<20000x64xf32, #tpu.memory_space<hbm>> -> memref<20000x64xf32, #tpu.memory_space<hbm>>
    tpu.enqueue_indirect_dma source(%dma_start3A_33 : memref<20000x64xf32, #tpu.memory_space<hbm>>) target(%dma_start3A_28 : memref<40x64xf32, #tpu.memory_space<vmem>>) offsets(%dma_start3A_30 : memref<40xi32, #tpu.memory_space<vmem>>) semaphore(%arg17 : memref<!tpu.dma_semaphore, #tpu.memory_space<semaphore_mem>>)
    %dma_start3A_34 = arith.constant 3 : i32
    %dma_start3A_35 = arith.constant 0 : i32
    %dma_start3A_36 = arith.constant 0 : i32
    %dma_start3A_37 = tpu.memref_slice %arg12[%dma_start3A_34, %dma_start3A_35, %dma_start3A_36] : memref<10x40x64xf32, #tpu.memory_space<vmem>> -> memref<1x40x64xf32, #tpu.memory_space<vmem>>
    %dma_start3A_38 = tpu.memref_squeeze %dma_start3A_37 : memref<1x40x64xf32, #tpu.memory_space<vmem>> -> memref<40x64xf32, #tpu.memory_space<vmem>>
    %dma_start3A_39 = arith.constant 120 : i32
    %dma_start3A_40 = tpu.memref_slice %arg10[%dma_start3A_39] : memref<20000xi32, #tpu.memory_space<vmem>> -> memref<40xi32, #tpu.memory_space<vmem>>
    %dma_start3A_41 = arith.constant 0 : i32
    %dma_start3A_42 = arith.constant 0 : i32
    %dma_start3A_43 = tpu.memref_slice %arg2[%dma_start3A_41, %dma_start3A_42] : memref<20000x64xf32, #tpu.memory_space<hbm>> -> memref<20000x64xf32, #tpu.memory_space<hbm>>
    tpu.enqueue_indirect_dma source(%dma_start3A_43 : memref<20000x64xf32, #tpu.memory_space<hbm>>) target(%dma_start3A_38 : memref<40x64xf32, #tpu.memory_space<vmem>>) offsets(%dma_start3A_40 : memref<40xi32, #tpu.memory_space<vmem>>) semaphore(%arg18 : memref<!tpu.dma_semaphore, #tpu.memory_space<semaphore_mem>>)
    %dma_start3A_44 = arith.constant 4 : i32
    %dma_start3A_45 = arith.constant 0 : i32
    %dma_start3A_46 = arith.constant 0 : i32
    %dma_start3A_47 = tpu.memref_slice %arg12[%dma_start3A_44, %dma_start3A_45, %dma_start3A_46] : memref<10x40x64xf32, #tpu.memory_space<vmem>> -> memref<1x40x64xf32, #tpu.memory_space<vmem>>
    %dma_start3A_48 = tpu.memref_squeeze %dma_start3A_47 : memref<1x40x64xf32, #tpu.memory_space<vmem>> -> memref<40x64xf32, #tpu.memory_space<vmem>>
    %dma_start3A_49 = arith.constant 160 : i32
    %dma_start3A_50 = tpu.memref_slice %arg10[%dma_start3A_49] : memref<20000xi32, #tpu.memory_space<vmem>> -> memref<40xi32, #tpu.memory_space<vmem>>
    %dma_start3A_51 = arith.constant 0 : i32
    %dma_start3A_52 = arith.constant 0 : i32
    %dma_start3A_53 = tpu.memref_slice %arg2[%dma_start3A_51, %dma_start3A_52] : memref<20000x64xf32, #tpu.memory_space<hbm>> -> memref<20000x64xf32, #tpu.memory_space<hbm>>
    tpu.enqueue_indirect_dma source(%dma_start3A_53 : memref<20000x64xf32, #tpu.memory_space<hbm>>) target(%dma_start3A_48 : memref<40x64xf32, #tpu.memory_space<vmem>>) offsets(%dma_start3A_50 : memref<40xi32, #tpu.memory_space<vmem>>) semaphore(%arg19 : memref<!tpu.dma_semaphore, #tpu.memory_space<semaphore_mem>>)
    %dma_start3A_54 = arith.constant 5 : i32
    %dma_start3A_55 = arith.constant 0 : i32
    %dma_start3A_56 = arith.constant 0 : i32
    %dma_start3A_57 = tpu.memref_slice %arg12[%dma_start3A_54, %dma_start3A_55, %dma_start3A_56] : memref<10x40x64xf32, #tpu.memory_space<vmem>> -> memref<1x40x64xf32, #tpu.memory_space<vmem>>
    %dma_start3A_58 = tpu.memref_squeeze %dma_start3A_57 : memref<1x40x64xf32, #tpu.memory_space<vmem>> -> memref<40x64xf32, #tpu.memory_space<vmem>>
    %dma_start3A_59 = arith.constant 200 : i32
    %dma_start3A_60 = tpu.memref_slice %arg10[%dma_start3A_59] : memref<20000xi32, #tpu.memory_space<vmem>> -> memref<40xi32, #tpu.memory_space<vmem>>
    %dma_start3A_61 = arith.constant 0 : i32
    %dma_start3A_62 = arith.constant 0 : i32
    %dma_start3A_63 = tpu.memref_slice %arg2[%dma_start3A_61, %dma_start3A_62] : memref<20000x64xf32, #tpu.memory_space<hbm>> -> memref<20000x64xf32, #tpu.memory_space<hbm>>
    tpu.enqueue_indirect_dma source(%dma_start3A_63 : memref<20000x64xf32, #tpu.memory_space<hbm>>) target(%dma_start3A_58 : memref<40x64xf32, #tpu.memory_space<vmem>>) offsets(%dma_start3A_60 : memref<40xi32, #tpu.memory_space<vmem>>) semaphore(%arg20 : memref<!tpu.dma_semaphore, #tpu.memory_space<semaphore_mem>>)
    %dma_start3A_64 = arith.constant 6 : i32
    %dma_start3A_65 = arith.constant 0 : i32
    %dma_start3A_66 = arith.constant 0 : i32
    %dma_start3A_67 = tpu.memref_slice %arg12[%dma_start3A_64, %dma_start3A_65, %dma_start3A_66] : memref<10x40x64xf32, #tpu.memory_space<vmem>> -> memref<1x40x64xf32, #tpu.memory_space<vmem>>
    %dma_start3A_68 = tpu.memref_squeeze %dma_start3A_67 : memref<1x40x64xf32, #tpu.memory_space<vmem>> -> memref<40x64xf32, #tpu.memory_space<vmem>>
    %dma_start3A_69 = arith.constant 240 : i32
    %dma_start3A_70 = tpu.memref_slice %arg10[%dma_start3A_69] : memref<20000xi32, #tpu.memory_space<vmem>> -> memref<40xi32, #tpu.memory_space<vmem>>
    %dma_start3A_71 = arith.constant 0 : i32
    %dma_start3A_72 = arith.constant 0 : i32
    %dma_start3A_73 = tpu.memref_slice %arg2[%dma_start3A_71, %dma_start3A_72] : memref<20000x64xf32, #tpu.memory_space<hbm>> -> memref<20000x64xf32, #tpu.memory_space<hbm>>
    tpu.enqueue_indirect_dma source(%dma_start3A_73 : memref<20000x64xf32, #tpu.memory_space<hbm>>) target(%dma_start3A_68 : memref<40x64xf32, #tpu.memory_space<vmem>>) offsets(%dma_start3A_70 : memref<40xi32, #tpu.memory_space<vmem>>) semaphore(%arg21 : memref<!tpu.dma_semaphore, #tpu.memory_space<semaphore_mem>>)
    %dma_start3A_74 = arith.constant 7 : i32
    %dma_start3A_75 = arith.constant 0 : i32
    %dma_start3A_76 = arith.constant 0 : i32
    %dma_start3A_77 = tpu.memref_slice %arg12[%dma_start3A_74, %dma_start3A_75, %dma_start3A_76] : memref<10x40x64xf32, #tpu.memory_space<vmem>> -> memref<1x40x64xf32, #tpu.memory_space<vmem>>
    %dma_start3A_78 = tpu.memref_squeeze %dma_start3A_77 : memref<1x40x64xf32, #tpu.memory_space<vmem>> -> memref<40x64xf32, #tpu.memory_space<vmem>>
    %dma_start3A_79 = arith.constant 280 : i32
    %dma_start3A_80 = tpu.memref_slice %arg10[%dma_start3A_79] : memref<20000xi32, #tpu.memory_space<vmem>> -> memref<40xi32, #tpu.memory_space<vmem>>
    %dma_start3A_81 = arith.constant 0 : i32
    %dma_start3A_82 = arith.constant 0 : i32
    %dma_start3A_83 = tpu.memref_slice %arg2[%dma_start3A_81, %dma_start3A_82] : memref<20000x64xf32, #tpu.memory_space<hbm>> -> memref<20000x64xf32, #tpu.memory_space<hbm>>
    tpu.enqueue_indirect_dma source(%dma_start3A_83 : memref<20000x64xf32, #tpu.memory_space<hbm>>) target(%dma_start3A_78 : memref<40x64xf32, #tpu.memory_space<vmem>>) offsets(%dma_start3A_80 : memref<40xi32, #tpu.memory_space<vmem>>) semaphore(%arg22 : memref<!tpu.dma_semaphore, #tpu.memory_space<semaphore_mem>>)
    %dma_start3A_84 = arith.constant 8 : i32
    %dma_start3A_85 = arith.constant 0 : i32
    %dma_start3A_86 = arith.constant 0 : i32
    %dma_start3A_87 = tpu.memref_slice %arg12[%dma_start3A_84, %dma_start3A_85, %dma_start3A_86] : memref<10x40x64xf32, #tpu.memory_space<vmem>> -> memref<1x40x64xf32, #tpu.memory_space<vmem>>
    %dma_start3A_88 = tpu.memref_squeeze %dma_start3A_87 : memref<1x40x64xf32, #tpu.memory_space<vmem>> -> memref<40x64xf32, #tpu.memory_space<vmem>>
    %dma_start3A_89 = arith.constant 320 : i32
    %dma_start3A_90 = tpu.memref_slice %arg10[%dma_start3A_89] : memref<20000xi32, #tpu.memory_space<vmem>> -> memref<40xi32, #tpu.memory_space<vmem>>
    %dma_start3A_91 = arith.constant 0 : i32
    %dma_start3A_92 = arith.constant 0 : i32
    %dma_start3A_93 = tpu.memref_slice %arg2[%dma_start3A_91, %dma_start3A_92] : memref<20000x64xf32, #tpu.memory_space<hbm>> -> memref<20000x64xf32, #tpu.memory_space<hbm>>
    tpu.enqueue_indirect_dma source(%dma_start3A_93 : memref<20000x64xf32, #tpu.memory_space<hbm>>) target(%dma_start3A_88 : memref<40x64xf32, #tpu.memory_space<vmem>>) offsets(%dma_start3A_90 : memref<40xi32, #tpu.memory_space<vmem>>) semaphore(%arg23 : memref<!tpu.dma_semaphore, #tpu.memory_space<semaphore_mem>>)
    %mul3A_94 = arith.constant 20000 : i32
    %mul3A_95 = arith.muli %arg1, %mul3A_94 : i32
    "tpu.region"() ({
      %run_scoped3A = tpu.sem_alloc : memref<!tpu.dma_semaphore, #tpu.memory_space<semaphore_mem>>
      %dma_start3A_268 = tpu.memref_slice %arg4[%mul3A_95] : memref<320000xi32, #tpu.memory_space<hbm>> -> memref<20000xi32, #tpu.memory_space<hbm>>
      %dma_start3A_269 = tpu.memref_slice %arg4[%mul3A_95] : memref<320000xi32, #tpu.memory_space<hbm>> -> memref<20000xi32, #tpu.memory_space<hbm>>
      tpu.enqueue_dma source(%dma_start3A_269 : memref<20000xi32, #tpu.memory_space<hbm>>) target(%arg11 : memref<20000xi32, #tpu.memory_space<vmem>>) target_semaphore(%run_scoped3A : memref<!tpu.dma_semaphore, #tpu.memory_space<semaphore_mem>>)
      %dma_wait3A_270 = tpu.memref_slice %arg4[%mul3A_95] : memref<320000xi32, #tpu.memory_space<hbm>> -> memref<20000xi32, #tpu.memory_space<hbm>>
      %dma_wait3A_271 = tpu.memref_slice %arg4[%mul3A_95] : memref<320000xi32, #tpu.memory_space<hbm>> -> memref<20000xi32, #tpu.memory_space<hbm>>
      tpu.wait_dma2 semaphore(%run_scoped3A : memref<!tpu.dma_semaphore, #tpu.memory_space<semaphore_mem>>) src(%dma_wait3A_271 : memref<20000xi32, #tpu.memory_space<hbm>>) dst(%arg11 : memref<20000xi32, #tpu.memory_space<vmem>>)
      tpu.yield
    }) : () -> ()
    "tpu.region"() ({
      %run_scoped3A = tpu.sem_alloc : memref<!tpu.dma_semaphore, #tpu.memory_space<semaphore_mem>>
      tpu.enqueue_dma source(%arg5 : memref<128x64xf32, #tpu.memory_space<hbm>>) target(%arg13 : memref<128x64xf32, #tpu.memory_space<vmem>>) target_semaphore(%run_scoped3A : memref<!tpu.dma_semaphore, #tpu.memory_space<semaphore_mem>>)
      tpu.wait_dma2 semaphore(%run_scoped3A : memref<!tpu.dma_semaphore, #tpu.memory_space<semaphore_mem>>) src(%arg5 : memref<128x64xf32, #tpu.memory_space<hbm>>) dst(%arg13 : memref<128x64xf32, #tpu.memory_space<vmem>>)
      tpu.yield
    }) : () -> ()
    %add3A_96 = arith.constant 0 : i32
    %add3A_97 = arith.addi %mul3A_0, %add3A_96 : i32
    "tpu.region"() ({
      %run_scoped3A = tpu.sem_alloc : memref<!tpu.dma_semaphore, #tpu.memory_space<semaphore_mem>>
      %dma_start3A_268 = arith.constant 0 : i32
      %dma_start3A_269 = tpu.memref_slice %arg14[%add3A_97, %dma_start3A_268] : memref<10240x64xf32, #tpu.memory_space<vmem_shared>> -> memref<128x64xf32, #tpu.memory_space<vmem_shared>>
      %dma_start3A_270 = arith.constant 0 : i32
      %dma_start3A_271 = tpu.memref_slice %arg14[%add3A_97, %dma_start3A_270] : memref<10240x64xf32, #tpu.memory_space<vmem_shared>> -> memref<128x64xf32, #tpu.memory_space<vmem_shared>>
      tpu.enqueue_dma source(%arg13 : memref<128x64xf32, #tpu.memory_space<vmem>>) target(%dma_start3A_271 : memref<128x64xf32, #tpu.memory_space<vmem_shared>>) target_semaphore(%run_scoped3A : memref<!tpu.dma_semaphore, #tpu.memory_space<semaphore_mem>>)
      %dma_wait3A_272 = arith.constant 0 : i32
      %dma_wait3A_273 = tpu.memref_slice %arg14[%add3A_97, %dma_wait3A_272] : memref<10240x64xf32, #tpu.memory_space<vmem_shared>> -> memref<128x64xf32, #tpu.memory_space<vmem_shared>>
      %dma_wait3A_274 = arith.constant 0 : i32
      %dma_wait3A_275 = tpu.memref_slice %arg14[%add3A_97, %dma_wait3A_274] : memref<10240x64xf32, #tpu.memory_space<vmem_shared>> -> memref<128x64xf32, #tpu.memory_space<vmem_shared>>
      tpu.wait_dma2 semaphore(%run_scoped3A : memref<!tpu.dma_semaphore, #tpu.memory_space<semaphore_mem>>) src(%arg13 : memref<128x64xf32, #tpu.memory_space<vmem>>) dst(%dma_wait3A_275 : memref<128x64xf32, #tpu.memory_space<vmem_shared>>)
      tpu.yield
    }) : () -> ()
    %add3A_98 = arith.constant 128 : i32
    %add3A_99 = arith.addi %mul3A_0, %add3A_98 : i32
    "tpu.region"() ({
      %run_scoped3A = tpu.sem_alloc : memref<!tpu.dma_semaphore, #tpu.memory_space<semaphore_mem>>
      %dma_start3A_268 = arith.constant 0 : i32
      %dma_start3A_269 = tpu.memref_slice %arg14[%add3A_99, %dma_start3A_268] : memref<10240x64xf32, #tpu.memory_space<vmem_shared>> -> memref<128x64xf32, #tpu.memory_space<vmem_shared>>
      %dma_start3A_270 = arith.constant 0 : i32
      %dma_start3A_271 = tpu.memref_slice %arg14[%add3A_99, %dma_start3A_270] : memref<10240x64xf32, #tpu.memory_space<vmem_shared>> -> memref<128x64xf32, #tpu.memory_space<vmem_shared>>
      tpu.enqueue_dma source(%arg13 : memref<128x64xf32, #tpu.memory_space<vmem>>) target(%dma_start3A_271 : memref<128x64xf32, #tpu.memory_space<vmem_shared>>) target_semaphore(%run_scoped3A : memref<!tpu.dma_semaphore, #tpu.memory_space<semaphore_mem>>)
      %dma_wait3A_272 = arith.constant 0 : i32
      %dma_wait3A_273 = tpu.memref_slice %arg14[%add3A_99, %dma_wait3A_272] : memref<10240x64xf32, #tpu.memory_space<vmem_shared>> -> memref<128x64xf32, #tpu.memory_space<vmem_shared>>
      %dma_wait3A_274 = arith.constant 0 : i32
      %dma_wait3A_275 = tpu.memref_slice %arg14[%add3A_99, %dma_wait3A_274] : memref<10240x64xf32, #tpu.memory_space<vmem_shared>> -> memref<128x64xf32, #tpu.memory_space<vmem_shared>>
      tpu.wait_dma2 semaphore(%run_scoped3A : memref<!tpu.dma_semaphore, #tpu.memory_space<semaphore_mem>>) src(%arg13 : memref<128x64xf32, #tpu.memory_space<vmem>>) dst(%dma_wait3A_275 : memref<128x64xf32, #tpu.memory_space<vmem_shared>>)
      tpu.yield
    }) : () -> ()
    %add3A_100 = arith.constant 256 : i32
    %add3A_101 = arith.addi %mul3A_0, %add3A_100 : i32
    "tpu.region"() ({
      %run_scoped3A = tpu.sem_alloc : memref<!tpu.dma_semaphore, #tpu.memory_space<semaphore_mem>>
      %dma_start3A_268 = arith.constant 0 : i32
      %dma_start3A_269 = tpu.memref_slice %arg14[%add3A_101, %dma_start3A_268] : memref<10240x64xf32, #tpu.memory_space<vmem_shared>> -> memref<128x64xf32, #tpu.memory_space<vmem_shared>>
      %dma_start3A_270 = arith.constant 0 : i32
      %dma_start3A_271 = tpu.memref_slice %arg14[%add3A_101, %dma_start3A_270] : memref<10240x64xf32, #tpu.memory_space<vmem_shared>> -> memref<128x64xf32, #tpu.memory_space<vmem_shared>>
      tpu.enqueue_dma source(%arg13 : memref<128x64xf32, #tpu.memory_space<vmem>>) target(%dma_start3A_271 : memref<128x64xf32, #tpu.memory_space<vmem_shared>>) target_semaphore(%run_scoped3A : memref<!tpu.dma_semaphore, #tpu.memory_space<semaphore_mem>>)
      %dma_wait3A_272 = arith.constant 0 : i32
      %dma_wait3A_273 = tpu.memref_slice %arg14[%add3A_101, %dma_wait3A_272] : memref<10240x64xf32, #tpu.memory_space<vmem_shared>> -> memref<128x64xf32, #tpu.memory_space<vmem_shared>>
      %dma_wait3A_274 = arith.constant 0 : i32
      %dma_wait3A_275 = tpu.memref_slice %arg14[%add3A_101, %dma_wait3A_274] : memref<10240x64xf32, #tpu.memory_space<vmem_shared>> -> memref<128x64xf32, #tpu.memory_space<vmem_shared>>
      tpu.wait_dma2 semaphore(%run_scoped3A : memref<!tpu.dma_semaphore, #tpu.memory_space<semaphore_mem>>) src(%arg13 : memref<128x64xf32, #tpu.memory_space<vmem>>) dst(%dma_wait3A_275 : memref<128x64xf32, #tpu.memory_space<vmem_shared>>)
      tpu.yield
    }) : () -> ()
    %add3A_102 = arith.constant 384 : i32
    %add3A_103 = arith.addi %mul3A_0, %add3A_102 : i32
    "tpu.region"() ({
      %run_scoped3A = tpu.sem_alloc : memref<!tpu.dma_semaphore, #tpu.memory_space<semaphore_mem>>
      %dma_start3A_268 = arith.constant 0 : i32
      %dma_start3A_269 = tpu.memref_slice %arg14[%add3A_103, %dma_start3A_268] : memref<10240x64xf32, #tpu.memory_space<vmem_shared>> -> memref<128x64xf32, #tpu.memory_space<vmem_shared>>
      %dma_start3A_270 = arith.constant 0 : i32
      %dma_start3A_271 = tpu.memref_slice %arg14[%add3A_103, %dma_start3A_270] : memref<10240x64xf32, #tpu.memory_space<vmem_shared>> -> memref<128x64xf32, #tpu.memory_space<vmem_shared>>
      tpu.enqueue_dma source(%arg13 : memref<128x64xf32, #tpu.memory_space<vmem>>) target(%dma_start3A_271 : memref<128x64xf32, #tpu.memory_space<vmem_shared>>) target_semaphore(%run_scoped3A : memref<!tpu.dma_semaphore, #tpu.memory_space<semaphore_mem>>)
      %dma_wait3A_272 = arith.constant 0 : i32
      %dma_wait3A_273 = tpu.memref_slice %arg14[%add3A_103, %dma_wait3A_272] : memref<10240x64xf32, #tpu.memory_space<vmem_shared>> -> memref<128x64xf32, #tpu.memory_space<vmem_shared>>
      %dma_wait3A_274 = arith.constant 0 : i32
      %dma_wait3A_275 = tpu.memref_slice %arg14[%add3A_103, %dma_wait3A_274] : memref<10240x64xf32, #tpu.memory_space<vmem_shared>> -> memref<128x64xf32, #tpu.memory_space<vmem_shared>>
      tpu.wait_dma2 semaphore(%run_scoped3A : memref<!tpu.dma_semaphore, #tpu.memory_space<semaphore_mem>>) src(%arg13 : memref<128x64xf32, #tpu.memory_space<vmem>>) dst(%dma_wait3A_275 : memref<128x64xf32, #tpu.memory_space<vmem_shared>>)
      tpu.yield
    }) : () -> ()
    %add3A_104 = arith.constant 512 : i32
    %add3A_105 = arith.addi %mul3A_0, %add3A_104 : i32
    "tpu.region"() ({
      %run_scoped3A = tpu.sem_alloc : memref<!tpu.dma_semaphore, #tpu.memory_space<semaphore_mem>>
      %dma_start3A_268 = arith.constant 0 : i32
      %dma_start3A_269 = tpu.memref_slice %arg14[%add3A_105, %dma_start3A_268] : memref<10240x64xf32, #tpu.memory_space<vmem_shared>> -> memref<128x64xf32, #tpu.memory_space<vmem_shared>>
      %dma_start3A_270 = arith.constant 0 : i32
      %dma_start3A_271 = tpu.memref_slice %arg14[%add3A_105, %dma_start3A_270] : memref<10240x64xf32, #tpu.memory_space<vmem_shared>> -> memref<128x64xf32, #tpu.memory_space<vmem_shared>>
      tpu.enqueue_dma source(%arg13 : memref<128x64xf32, #tpu.memory_space<vmem>>) target(%dma_start3A_271 : memref<128x64xf32, #tpu.memory_space<vmem_shared>>) target_semaphore(%run_scoped3A : memref<!tpu.dma_semaphore, #tpu.memory_space<semaphore_mem>>)
      %dma_wait3A_272 = arith.constant 0 : i32
      %dma_wait3A_273 = tpu.memref_slice %arg14[%add3A_105, %dma_wait3A_272] : memref<10240x64xf32, #tpu.memory_space<vmem_shared>> -> memref<128x64xf32, #tpu.memory_space<vmem_shared>>
      %dma_wait3A_274 = arith.constant 0 : i32
      %dma_wait3A_275 = tpu.memref_slice %arg14[%add3A_105, %dma_wait3A_274] : memref<10240x64xf32, #tpu.memory_space<vmem_shared>> -> memref<128x64xf32, #tpu.memory_space<vmem_shared>>
      tpu.wait_dma2 semaphore(%run_scoped3A : memref<!tpu.dma_semaphore, #tpu.memory_space<semaphore_mem>>) src(%arg13 : memref<128x64xf32, #tpu.memory_space<vmem>>) dst(%dma_wait3A_275 : memref<128x64xf32, #tpu.memory_space<vmem_shared>>)
      tpu.yield
    }) : () -> ()
    "tpu.region"() ({
      %run_scoped3A = tpu.sem_alloc : memref<!tpu.dma_semaphore, #tpu.memory_space<semaphore_mem>>
      tpu.enqueue_dma source(%arg7 : memref<40x16xf32, #tpu.memory_space<hbm>>) target(%arg35 : memref<40x16xf32, #tpu.memory_space<vmem>>) target_semaphore(%run_scoped3A : memref<!tpu.dma_semaphore, #tpu.memory_space<semaphore_mem>>)
      tpu.wait_dma2 semaphore(%run_scoped3A : memref<!tpu.dma_semaphore, #tpu.memory_space<semaphore_mem>>) src(%arg7 : memref<40x16xf32, #tpu.memory_space<hbm>>) dst(%arg35 : memref<40x16xf32, #tpu.memory_space<vmem>>)
      tpu.yield
    }) : () -> ()
    %eq3A = arith.constant 0 : i32
    %eq3A_106 = arith.cmpi eq, %arg0, %eq3A : i32
    %convert_element_type3A = arith.extui %eq3A_106 : i1 to i32
    %cond3A = arith.constant 0 : i32
    %cond3A_107 = arith.cmpi ne, %convert_element_type3A, %cond3A : i32
    scf.if %cond3A_107 {
      "tpu.region"() ({
        %run_scoped3A = tpu.sem_alloc : memref<!tpu.dma_semaphore, #tpu.memory_space<semaphore_mem>>
        %dma_start3A_268 = arith.constant 0 : i32
        %dma_start3A_269 = tpu.memref_slice %arg36[%mul3A_0, %dma_start3A_268] : memref<10240x16xf32, #tpu.memory_space<vmem_shared>> -> memref<640x16xf32, #tpu.memory_space<vmem_shared>>
        tpu.enqueue_dma source(%arg6 : memref<640x16xf32, #tpu.memory_space<hbm>>) target(%dma_start3A_269 : memref<640x16xf32, #tpu.memory_space<vmem_shared>>) target_semaphore(%run_scoped3A : memref<!tpu.dma_semaphore, #tpu.memory_space<semaphore_mem>>)
        %dma_wait3A_270 = arith.constant 0 : i32
        %dma_wait3A_271 = tpu.memref_slice %arg36[%mul3A_0, %dma_wait3A_270] : memref<10240x16xf32, #tpu.memory_space<vmem_shared>> -> memref<640x16xf32, #tpu.memory_space<vmem_shared>>
        tpu.wait_dma2 semaphore(%run_scoped3A : memref<!tpu.dma_semaphore, #tpu.memory_space<semaphore_mem>>) src(%arg6 : memref<640x16xf32, #tpu.memory_space<hbm>>) dst(%dma_wait3A_271 : memref<640x16xf32, #tpu.memory_space<vmem_shared>>)
        tpu.yield
      }) : () -> ()
    } else {
    }
    %barrier3A = arith.constant 0 : index
    tpu.barrier barrier_id(%barrier3A)
    %scan3A = arith.constant 0 : i32
    %scan3A_108 = arith.constant 0 : i32
    %scan3A_109 = arith.constant 50 : i32
    %scan3A_110 = arith.addi %scan3A_108, %scan3A_109 : i32
    %scan3A_111 = arith.constant 1 : i32
    scf.for %scan3A_268 = %scan3A_108 to %scan3A_110 step %scan3A_111  : i32 {
      %mul3A_269 = arith.constant 10 : i32
      %mul3A_270 = arith.muli %scan3A_268, %mul3A_269 : i32
      %add3A_271 = arith.constant 0 : i32
      %add3A_272 = arith.addi %mul3A_270, %add3A_271 : i32
      %dma_wait3A_273 = arith.constant 0 : i32
      %dma_wait3A_274 = arith.constant 0 : i32
      %dma_wait3A_275 = arith.constant 0 : i32
      %dma_wait3A_276 = tpu.memref_slice %arg12[%dma_wait3A_273, %dma_wait3A_274, %dma_wait3A_275] : memref<10x40x64xf32, #tpu.memory_space<vmem>> -> memref<1x40x64xf32, #tpu.memory_space<vmem>>
      %dma_wait3A_277 = tpu.memref_squeeze %dma_wait3A_276 : memref<1x40x64xf32, #tpu.memory_space<vmem>> -> memref<40x64xf32, #tpu.memory_space<vmem>>
      %dma_wait3A_278 = arith.constant 0 : i32
      %dma_wait3A_279 = tpu.memref_slice %arg10[%dma_wait3A_278] : memref<20000xi32, #tpu.memory_space<vmem>> -> memref<40xi32, #tpu.memory_space<vmem>>
      %dma_wait3A_280 = arith.constant 0 : i32
      %dma_wait3A_281 = arith.constant 0 : i32
      %dma_wait3A_282 = tpu.memref_slice %arg2[%dma_wait3A_280, %dma_wait3A_281] : memref<20000x64xf32, #tpu.memory_space<hbm>> -> memref<20000x64xf32, #tpu.memory_space<hbm>>
      tpu.wait_indirect_dma semaphore(%arg15 : memref<!tpu.dma_semaphore, #tpu.memory_space<semaphore_mem>>) src(%dma_wait3A_282 : memref<20000x64xf32, #tpu.memory_space<hbm>>) dst(%dma_wait3A_277 : memref<40x64xf32, #tpu.memory_space<vmem>>)
      %mul3A_283 = arith.constant 40 : i32
      %mul3A_284 = arith.muli %add3A_272, %mul3A_283 : i32
      %dma_start3A_285 = arith.constant 0 : i32
      %dma_start3A_286 = arith.constant 0 : i32
      %dma_start3A_287 = arith.constant 0 : i32
      %dma_start3A_288 = tpu.memref_slice %arg12[%dma_start3A_285, %dma_start3A_286, %dma_start3A_287] : memref<10x40x64xf32, #tpu.memory_space<vmem>> -> memref<1x40x64xf32, #tpu.memory_space<vmem>>
      %dma_start3A_289 = tpu.memref_squeeze %dma_start3A_288 : memref<1x40x64xf32, #tpu.memory_space<vmem>> -> memref<40x64xf32, #tpu.memory_space<vmem>>
      %dma_start3A_290 = tpu.memref_slice %arg11[%mul3A_284] : memref<20000xi32, #tpu.memory_space<vmem>> -> memref<40xi32, #tpu.memory_space<vmem>>
      %dma_start3A_291 = arith.constant 0 : i32
      %dma_start3A_292 = arith.constant 0 : i32
      %dma_start3A_293 = tpu.memref_slice %arg14[%dma_start3A_291, %dma_start3A_292] : memref<10240x64xf32, #tpu.memory_space<vmem_shared>> -> memref<10240x64xf32, #tpu.memory_space<vmem_shared>>
      tpu.enqueue_indirect_dma source(%dma_start3A_289 : memref<40x64xf32, #tpu.memory_space<vmem>>) target(%dma_start3A_293 : memref<10240x64xf32, #tpu.memory_space<vmem_shared>>) offsets(%dma_start3A_290 : memref<40xi32, #tpu.memory_space<vmem>>) semaphore(%arg25 : memref<!tpu.dma_semaphore, #tpu.memory_space<semaphore_mem>>) {add = true}
      %eq3A_294 = arith.constant 0 : i32
      %eq3A_295 = arith.cmpi eq, %arg0, %eq3A_294 : i32
      %convert_element_type3A_296 = arith.extui %eq3A_295 : i1 to i32
      %cond3A_297 = arith.constant 0 : i32
      %cond3A_298 = arith.cmpi ne, %convert_element_type3A_296, %cond3A_297 : i32
      scf.if %cond3A_298 {
        %mul3A_638 = arith.constant 40 : i32
        %mul3A_639 = arith.muli %add3A_272, %mul3A_638 : i32
        %dma_start3A_640 = tpu.memref_slice %arg11[%mul3A_639] : memref<20000xi32, #tpu.memory_space<vmem>> -> memref<40xi32, #tpu.memory_space<vmem>>
        %dma_start3A_641 = arith.constant 0 : i32
        %dma_start3A_642 = arith.constant 0 : i32
        %dma_start3A_643 = tpu.memref_slice %arg36[%dma_start3A_641, %dma_start3A_642] : memref<10240x16xf32, #tpu.memory_space<vmem_shared>> -> memref<10240x16xf32, #tpu.memory_space<vmem_shared>>
        tpu.enqueue_indirect_dma source(%arg35 : memref<40x16xf32, #tpu.memory_space<vmem>>) target(%dma_start3A_643 : memref<10240x16xf32, #tpu.memory_space<vmem_shared>>) offsets(%dma_start3A_640 : memref<40xi32, #tpu.memory_space<vmem>>) semaphore(%arg37 : memref<!tpu.dma_semaphore, #tpu.memory_space<semaphore_mem>>) {add = true}
      } else {
      }
      %add3A_299 = arith.constant 9 : i32
      %add3A_300 = arith.addi %add3A_272, %add3A_299 : i32
      %lt3A = arith.constant 500 : i32
      %lt3A_301 = arith.cmpi slt, %add3A_300, %lt3A : i32
      %convert_element_type3A_302 = arith.extui %lt3A_301 : i1 to i32
      %cond3A_303 = arith.constant 0 : i32
      %cond3A_304 = arith.cmpi ne, %convert_element_type3A_302, %cond3A_303 : i32
      scf.if %cond3A_304 {
        %ge3A = arith.constant 10 : i32
        %ge3A_638 = arith.cmpi sge, %add3A_300, %ge3A : i32
        %convert_element_type3A_639 = arith.extui %ge3A_638 : i1 to i32
        %cond3A_640 = arith.constant 0 : i32
        %cond3A_641 = arith.cmpi ne, %convert_element_type3A_639, %cond3A_640 : i32
        scf.if %cond3A_641 {
          %dma_wait3A_653 = arith.constant 9 : i32
          %dma_wait3A_654 = arith.constant 0 : i32
          %dma_wait3A_655 = arith.constant 0 : i32
          %dma_wait3A_656 = tpu.memref_slice %arg12[%dma_wait3A_653, %dma_wait3A_654, %dma_wait3A_655] : memref<10x40x64xf32, #tpu.memory_space<vmem>> -> memref<1x40x64xf32, #tpu.memory_space<vmem>>
          %dma_wait3A_657 = tpu.memref_squeeze %dma_wait3A_656 : memref<1x40x64xf32, #tpu.memory_space<vmem>> -> memref<40x64xf32, #tpu.memory_space<vmem>>
          %dma_wait3A_658 = arith.constant 0 : i32
          %dma_wait3A_659 = tpu.memref_slice %arg11[%dma_wait3A_658] : memref<20000xi32, #tpu.memory_space<vmem>> -> memref<40xi32, #tpu.memory_space<vmem>>
          %dma_wait3A_660 = arith.constant 0 : i32
          %dma_wait3A_661 = arith.constant 0 : i32
          %dma_wait3A_662 = tpu.memref_slice %arg14[%dma_wait3A_660, %dma_wait3A_661] : memref<10240x64xf32, #tpu.memory_space<vmem_shared>> -> memref<10240x64xf32, #tpu.memory_space<vmem_shared>>
          tpu.wait_indirect_dma semaphore(%arg34 : memref<!tpu.dma_semaphore, #tpu.memory_space<semaphore_mem>>) src(%dma_wait3A_657 : memref<40x64xf32, #tpu.memory_space<vmem>>) dst(%dma_wait3A_662 : memref<10240x64xf32, #tpu.memory_space<vmem_shared>>)
          %eq3A_663 = arith.constant 0 : i32
          %eq3A_664 = arith.cmpi eq, %arg0, %eq3A_663 : i32
          %convert_element_type3A_665 = arith.extui %eq3A_664 : i1 to i32
          %cond3A_666 = arith.constant 0 : i32
          %cond3A_667 = arith.cmpi ne, %convert_element_type3A_665, %cond3A_666 : i32
          scf.if %cond3A_667 {
            %dma_wait3A_668 = arith.constant 0 : i32
            %dma_wait3A_669 = tpu.memref_slice %arg11[%dma_wait3A_668] : memref<20000xi32, #tpu.memory_space<vmem>> -> memref<40xi32, #tpu.memory_space<vmem>>
            %dma_wait3A_670 = arith.constant 0 : i32
            %dma_wait3A_671 = arith.constant 0 : i32
            %dma_wait3A_672 = tpu.memref_slice %arg36[%dma_wait3A_670, %dma_wait3A_671] : memref<10240x16xf32, #tpu.memory_space<vmem_shared>> -> memref<10240x16xf32, #tpu.memory_space<vmem_shared>>
            tpu.wait_indirect_dma semaphore(%arg37 : memref<!tpu.dma_semaphore, #tpu.memory_space<semaphore_mem>>) src(%arg35 : memref<40x16xf32, #tpu.memory_space<vmem>>) dst(%dma_wait3A_672 : memref<10240x16xf32, #tpu.memory_space<vmem_shared>>)
          } else {
          }
        } else {
        }
        %mul3A_642 = arith.constant 40 : i32
        %mul3A_643 = arith.muli %add3A_300, %mul3A_642 : i32
        %dma_start3A_644 = arith.constant 9 : i32
        %dma_start3A_645 = arith.constant 0 : i32
        %dma_start3A_646 = arith.constant 0 : i32
        %dma_start3A_647 = tpu.memref_slice %arg12[%dma_start3A_644, %dma_start3A_645, %dma_start3A_646] : memref<10x40x64xf32, #tpu.memory_space<vmem>> -> memref<1x40x64xf32, #tpu.memory_space<vmem>>
        %dma_start3A_648 = tpu.memref_squeeze %dma_start3A_647 : memref<1x40x64xf32, #tpu.memory_space<vmem>> -> memref<40x64xf32, #tpu.memory_space<vmem>>
        %dma_start3A_649 = tpu.memref_slice %arg10[%mul3A_643] : memref<20000xi32, #tpu.memory_space<vmem>> -> memref<40xi32, #tpu.memory_space<vmem>>
        %dma_start3A_650 = arith.constant 0 : i32
        %dma_start3A_651 = arith.constant 0 : i32
        %dma_start3A_652 = tpu.memref_slice %arg2[%dma_start3A_650, %dma_start3A_651] : memref<20000x64xf32, #tpu.memory_space<hbm>> -> memref<20000x64xf32, #tpu.memory_space<hbm>>
        tpu.enqueue_indirect_dma source(%dma_start3A_652 : memref<20000x64xf32, #tpu.memory_space<hbm>>) target(%dma_start3A_648 : memref<40x64xf32, #tpu.memory_space<vmem>>) offsets(%dma_start3A_649 : memref<40xi32, #tpu.memory_space<vmem>>) semaphore(%arg24 : memref<!tpu.dma_semaphore, #tpu.memory_space<semaphore_mem>>)
      } else {
      }
      %mul3A_305 = arith.constant 10 : i32
      %mul3A_306 = arith.muli %scan3A_268, %mul3A_305 : i32
      %add3A_307 = arith.constant 1 : i32
      %add3A_308 = arith.addi %mul3A_306, %add3A_307 : i32
      %dma_wait3A_309 = arith.constant 1 : i32
      %dma_wait3A_310 = arith.constant 0 : i32
      %dma_wait3A_311 = arith.constant 0 : i32
      %dma_wait3A_312 = tpu.memref_slice %arg12[%dma_wait3A_309, %dma_wait3A_310, %dma_wait3A_311] : memref<10x40x64xf32, #tpu.memory_space<vmem>> -> memref<1x40x64xf32, #tpu.memory_space<vmem>>
      %dma_wait3A_313 = tpu.memref_squeeze %dma_wait3A_312 : memref<1x40x64xf32, #tpu.memory_space<vmem>> -> memref<40x64xf32, #tpu.memory_space<vmem>>
      %dma_wait3A_314 = arith.constant 0 : i32
      %dma_wait3A_315 = tpu.memref_slice %arg10[%dma_wait3A_314] : memref<20000xi32, #tpu.memory_space<vmem>> -> memref<40xi32, #tpu.memory_space<vmem>>
      %dma_wait3A_316 = arith.constant 0 : i32
      %dma_wait3A_317 = arith.constant 0 : i32
      %dma_wait3A_318 = tpu.memref_slice %arg2[%dma_wait3A_316, %dma_wait3A_317] : memref<20000x64xf32, #tpu.memory_space<hbm>> -> memref<20000x64xf32, #tpu.memory_space<hbm>>
      tpu.wait_indirect_dma semaphore(%arg16 : memref<!tpu.dma_semaphore, #tpu.memory_space<semaphore_mem>>) src(%dma_wait3A_318 : memref<20000x64xf32, #tpu.memory_space<hbm>>) dst(%dma_wait3A_313 : memref<40x64xf32, #tpu.memory_space<vmem>>)
      %mul3A_319 = arith.constant 40 : i32
      %mul3A_320 = arith.muli %add3A_308, %mul3A_319 : i32
      %dma_start3A_321 = arith.constant 1 : i32
      %dma_start3A_322 = arith.constant 0 : i32
      %dma_start3A_323 = arith.constant 0 : i32
      %dma_start3A_324 = tpu.memref_slice %arg12[%dma_start3A_321, %dma_start3A_322, %dma_start3A_323] : memref<10x40x64xf32, #tpu.memory_space<vmem>> -> memref<1x40x64xf32, #tpu.memory_space<vmem>>
      %dma_start3A_325 = tpu.memref_squeeze %dma_start3A_324 : memref<1x40x64xf32, #tpu.memory_space<vmem>> -> memref<40x64xf32, #tpu.memory_space<vmem>>
      %dma_start3A_326 = tpu.memref_slice %arg11[%mul3A_320] : memref<20000xi32, #tpu.memory_space<vmem>> -> memref<40xi32, #tpu.memory_space<vmem>>
      %dma_start3A_327 = arith.constant 0 : i32
      %dma_start3A_328 = arith.constant 0 : i32
      %dma_start3A_329 = tpu.memref_slice %arg14[%dma_start3A_327, %dma_start3A_328] : memref<10240x64xf32, #tpu.memory_space<vmem_shared>> -> memref<10240x64xf32, #tpu.memory_space<vmem_shared>>
      tpu.enqueue_indirect_dma source(%dma_start3A_325 : memref<40x64xf32, #tpu.memory_space<vmem>>) target(%dma_start3A_329 : memref<10240x64xf32, #tpu.memory_space<vmem_shared>>) offsets(%dma_start3A_326 : memref<40xi32, #tpu.memory_space<vmem>>) semaphore(%arg26 : memref<!tpu.dma_semaphore, #tpu.memory_space<semaphore_mem>>) {add = true}
      %eq3A_330 = arith.constant 0 : i32
      %eq3A_331 = arith.cmpi eq, %arg0, %eq3A_330 : i32
      %convert_element_type3A_332 = arith.extui %eq3A_331 : i1 to i32
      %cond3A_333 = arith.constant 0 : i32
      %cond3A_334 = arith.cmpi ne, %convert_element_type3A_332, %cond3A_333 : i32
      scf.if %cond3A_334 {
        %mul3A_638 = arith.constant 40 : i32
        %mul3A_639 = arith.muli %add3A_308, %mul3A_638 : i32
        %dma_start3A_640 = tpu.memref_slice %arg11[%mul3A_639] : memref<20000xi32, #tpu.memory_space<vmem>> -> memref<40xi32, #tpu.memory_space<vmem>>
        %dma_start3A_641 = arith.constant 0 : i32
        %dma_start3A_642 = arith.constant 0 : i32
        %dma_start3A_643 = tpu.memref_slice %arg36[%dma_start3A_641, %dma_start3A_642] : memref<10240x16xf32, #tpu.memory_space<vmem_shared>> -> memref<10240x16xf32, #tpu.memory_space<vmem_shared>>
        tpu.enqueue_indirect_dma source(%arg35 : memref<40x16xf32, #tpu.memory_space<vmem>>) target(%dma_start3A_643 : memref<10240x16xf32, #tpu.memory_space<vmem_shared>>) offsets(%dma_start3A_640 : memref<40xi32, #tpu.memory_space<vmem>>) semaphore(%arg37 : memref<!tpu.dma_semaphore, #tpu.memory_space<semaphore_mem>>) {add = true}
      } else {
      }
      %add3A_335 = arith.constant 9 : i32
      %add3A_336 = arith.addi %add3A_308, %add3A_335 : i32
      %lt3A_337 = arith.constant 500 : i32
      %lt3A_338 = arith.cmpi slt, %add3A_336, %lt3A_337 : i32
      %convert_element_type3A_339 = arith.extui %lt3A_338 : i1 to i32
      %cond3A_340 = arith.constant 0 : i32
      %cond3A_341 = arith.cmpi ne, %convert_element_type3A_339, %cond3A_340 : i32
      scf.if %cond3A_341 {
        %ge3A = arith.constant 10 : i32
        %ge3A_638 = arith.cmpi sge, %add3A_336, %ge3A : i32
        %convert_element_type3A_639 = arith.extui %ge3A_638 : i1 to i32
        %cond3A_640 = arith.constant 0 : i32
        %cond3A_641 = arith.cmpi ne, %convert_element_type3A_639, %cond3A_640 : i32
        scf.if %cond3A_641 {
          %dma_wait3A_653 = arith.constant 0 : i32
          %dma_wait3A_654 = arith.constant 0 : i32
          %dma_wait3A_655 = arith.constant 0 : i32
          %dma_wait3A_656 = tpu.memref_slice %arg12[%dma_wait3A_653, %dma_wait3A_654, %dma_wait3A_655] : memref<10x40x64xf32, #tpu.memory_space<vmem>> -> memref<1x40x64xf32, #tpu.memory_space<vmem>>
          %dma_wait3A_657 = tpu.memref_squeeze %dma_wait3A_656 : memref<1x40x64xf32, #tpu.memory_space<vmem>> -> memref<40x64xf32, #tpu.memory_space<vmem>>
          %dma_wait3A_658 = arith.constant 0 : i32
          %dma_wait3A_659 = tpu.memref_slice %arg11[%dma_wait3A_658] : memref<20000xi32, #tpu.memory_space<vmem>> -> memref<40xi32, #tpu.memory_space<vmem>>
          %dma_wait3A_660 = arith.constant 0 : i32
          %dma_wait3A_661 = arith.constant 0 : i32
          %dma_wait3A_662 = tpu.memref_slice %arg14[%dma_wait3A_660, %dma_wait3A_661] : memref<10240x64xf32, #tpu.memory_space<vmem_shared>> -> memref<10240x64xf32, #tpu.memory_space<vmem_shared>>
          tpu.wait_indirect_dma semaphore(%arg25 : memref<!tpu.dma_semaphore, #tpu.memory_space<semaphore_mem>>) src(%dma_wait3A_657 : memref<40x64xf32, #tpu.memory_space<vmem>>) dst(%dma_wait3A_662 : memref<10240x64xf32, #tpu.memory_space<vmem_shared>>)
          %eq3A_663 = arith.constant 0 : i32
          %eq3A_664 = arith.cmpi eq, %arg0, %eq3A_663 : i32
          %convert_element_type3A_665 = arith.extui %eq3A_664 : i1 to i32
          %cond3A_666 = arith.constant 0 : i32
          %cond3A_667 = arith.cmpi ne, %convert_element_type3A_665, %cond3A_666 : i32
          scf.if %cond3A_667 {
            %dma_wait3A_668 = arith.constant 0 : i32
            %dma_wait3A_669 = tpu.memref_slice %arg11[%dma_wait3A_668] : memref<20000xi32, #tpu.memory_space<vmem>> -> memref<40xi32, #tpu.memory_space<vmem>>
            %dma_wait3A_670 = arith.constant 0 : i32
            %dma_wait3A_671 = arith.constant 0 : i32
            %dma_wait3A_672 = tpu.memref_slice %arg36[%dma_wait3A_670, %dma_wait3A_671] : memref<10240x16xf32, #tpu.memory_space<vmem_shared>> -> memref<10240x16xf32, #tpu.memory_space<vmem_shared>>
            tpu.wait_indirect_dma semaphore(%arg37 : memref<!tpu.dma_semaphore, #tpu.memory_space<semaphore_mem>>) src(%arg35 : memref<40x16xf32, #tpu.memory_space<vmem>>) dst(%dma_wait3A_672 : memref<10240x16xf32, #tpu.memory_space<vmem_shared>>)
          } else {
          }
        } else {
        }
        %mul3A_642 = arith.constant 40 : i32
        %mul3A_643 = arith.muli %add3A_336, %mul3A_642 : i32
        %dma_start3A_644 = arith.constant 0 : i32
        %dma_start3A_645 = arith.constant 0 : i32
        %dma_start3A_646 = arith.constant 0 : i32
        %dma_start3A_647 = tpu.memref_slice %arg12[%dma_start3A_644, %dma_start3A_645, %dma_start3A_646] : memref<10x40x64xf32, #tpu.memory_space<vmem>> -> memref<1x40x64xf32, #tpu.memory_space<vmem>>
        %dma_start3A_648 = tpu.memref_squeeze %dma_start3A_647 : memref<1x40x64xf32, #tpu.memory_space<vmem>> -> memref<40x64xf32, #tpu.memory_space<vmem>>
        %dma_start3A_649 = tpu.memref_slice %arg10[%mul3A_643] : memref<20000xi32, #tpu.memory_space<vmem>> -> memref<40xi32, #tpu.memory_space<vmem>>
        %dma_start3A_650 = arith.constant 0 : i32
        %dma_start3A_651 = arith.constant 0 : i32
        %dma_start3A_652 = tpu.memref_slice %arg2[%dma_start3A_650, %dma_start3A_651] : memref<20000x64xf32, #tpu.memory_space<hbm>> -> memref<20000x64xf32, #tpu.memory_space<hbm>>
        tpu.enqueue_indirect_dma source(%dma_start3A_652 : memref<20000x64xf32, #tpu.memory_space<hbm>>) target(%dma_start3A_648 : memref<40x64xf32, #tpu.memory_space<vmem>>) offsets(%dma_start3A_649 : memref<40xi32, #tpu.memory_space<vmem>>) semaphore(%arg15 : memref<!tpu.dma_semaphore, #tpu.memory_space<semaphore_mem>>)
      } else {
      }
      %mul3A_342 = arith.constant 10 : i32
      %mul3A_343 = arith.muli %scan3A_268, %mul3A_342 : i32
      %add3A_344 = arith.constant 2 : i32
      %add3A_345 = arith.addi %mul3A_343, %add3A_344 : i32
      %dma_wait3A_346 = arith.constant 2 : i32
      %dma_wait3A_347 = arith.constant 0 : i32
      %dma_wait3A_348 = arith.constant 0 : i32
      %dma_wait3A_349 = tpu.memref_slice %arg12[%dma_wait3A_346, %dma_wait3A_347, %dma_wait3A_348] : memref<10x40x64xf32, #tpu.memory_space<vmem>> -> memref<1x40x64xf32, #tpu.memory_space<vmem>>
      %dma_wait3A_350 = tpu.memref_squeeze %dma_wait3A_349 : memref<1x40x64xf32, #tpu.memory_space<vmem>> -> memref<40x64xf32, #tpu.memory_space<vmem>>
      %dma_wait3A_351 = arith.constant 0 : i32
      %dma_wait3A_352 = tpu.memref_slice %arg10[%dma_wait3A_351] : memref<20000xi32, #tpu.memory_space<vmem>> -> memref<40xi32, #tpu.memory_space<vmem>>
      %dma_wait3A_353 = arith.constant 0 : i32
      %dma_wait3A_354 = arith.constant 0 : i32
      %dma_wait3A_355 = tpu.memref_slice %arg2[%dma_wait3A_353, %dma_wait3A_354] : memref<20000x64xf32, #tpu.memory_space<hbm>> -> memref<20000x64xf32, #tpu.memory_space<hbm>>
      tpu.wait_indirect_dma semaphore(%arg17 : memref<!tpu.dma_semaphore, #tpu.memory_space<semaphore_mem>>) src(%dma_wait3A_355 : memref<20000x64xf32, #tpu.memory_space<hbm>>) dst(%dma_wait3A_350 : memref<40x64xf32, #tpu.memory_space<vmem>>)
      %mul3A_356 = arith.constant 40 : i32
      %mul3A_357 = arith.muli %add3A_345, %mul3A_356 : i32
      %dma_start3A_358 = arith.constant 2 : i32
      %dma_start3A_359 = arith.constant 0 : i32
      %dma_start3A_360 = arith.constant 0 : i32
      %dma_start3A_361 = tpu.memref_slice %arg12[%dma_start3A_358, %dma_start3A_359, %dma_start3A_360] : memref<10x40x64xf32, #tpu.memory_space<vmem>> -> memref<1x40x64xf32, #tpu.memory_space<vmem>>
      %dma_start3A_362 = tpu.memref_squeeze %dma_start3A_361 : memref<1x40x64xf32, #tpu.memory_space<vmem>> -> memref<40x64xf32, #tpu.memory_space<vmem>>
      %dma_start3A_363 = tpu.memref_slice %arg11[%mul3A_357] : memref<20000xi32, #tpu.memory_space<vmem>> -> memref<40xi32, #tpu.memory_space<vmem>>
      %dma_start3A_364 = arith.constant 0 : i32
      %dma_start3A_365 = arith.constant 0 : i32
      %dma_start3A_366 = tpu.memref_slice %arg14[%dma_start3A_364, %dma_start3A_365] : memref<10240x64xf32, #tpu.memory_space<vmem_shared>> -> memref<10240x64xf32, #tpu.memory_space<vmem_shared>>
      tpu.enqueue_indirect_dma source(%dma_start3A_362 : memref<40x64xf32, #tpu.memory_space<vmem>>) target(%dma_start3A_366 : memref<10240x64xf32, #tpu.memory_space<vmem_shared>>) offsets(%dma_start3A_363 : memref<40xi32, #tpu.memory_space<vmem>>) semaphore(%arg27 : memref<!tpu.dma_semaphore, #tpu.memory_space<semaphore_mem>>) {add = true}
      %eq3A_367 = arith.constant 0 : i32
      %eq3A_368 = arith.cmpi eq, %arg0, %eq3A_367 : i32
      %convert_element_type3A_369 = arith.extui %eq3A_368 : i1 to i32
      %cond3A_370 = arith.constant 0 : i32
      %cond3A_371 = arith.cmpi ne, %convert_element_type3A_369, %cond3A_370 : i32
      scf.if %cond3A_371 {
        %mul3A_638 = arith.constant 40 : i32
        %mul3A_639 = arith.muli %add3A_345, %mul3A_638 : i32
        %dma_start3A_640 = tpu.memref_slice %arg11[%mul3A_639] : memref<20000xi32, #tpu.memory_space<vmem>> -> memref<40xi32, #tpu.memory_space<vmem>>
        %dma_start3A_641 = arith.constant 0 : i32
        %dma_start3A_642 = arith.constant 0 : i32
        %dma_start3A_643 = tpu.memref_slice %arg36[%dma_start3A_641, %dma_start3A_642] : memref<10240x16xf32, #tpu.memory_space<vmem_shared>> -> memref<10240x16xf32, #tpu.memory_space<vmem_shared>>
        tpu.enqueue_indirect_dma source(%arg35 : memref<40x16xf32, #tpu.memory_space<vmem>>) target(%dma_start3A_643 : memref<10240x16xf32, #tpu.memory_space<vmem_shared>>) offsets(%dma_start3A_640 : memref<40xi32, #tpu.memory_space<vmem>>) semaphore(%arg37 : memref<!tpu.dma_semaphore, #tpu.memory_space<semaphore_mem>>) {add = true}
      } else {
      }
      %add3A_372 = arith.constant 9 : i32
      %add3A_373 = arith.addi %add3A_345, %add3A_372 : i32
      %lt3A_374 = arith.constant 500 : i32
      %lt3A_375 = arith.cmpi slt, %add3A_373, %lt3A_374 : i32
      %convert_element_type3A_376 = arith.extui %lt3A_375 : i1 to i32
      %cond3A_377 = arith.constant 0 : i32
      %cond3A_378 = arith.cmpi ne, %convert_element_type3A_376, %cond3A_377 : i32
      scf.if %cond3A_378 {
        %ge3A = arith.constant 10 : i32
        %ge3A_638 = arith.cmpi sge, %add3A_373, %ge3A : i32
        %convert_element_type3A_639 = arith.extui %ge3A_638 : i1 to i32
        %cond3A_640 = arith.constant 0 : i32
        %cond3A_641 = arith.cmpi ne, %convert_element_type3A_639, %cond3A_640 : i32
        scf.if %cond3A_641 {
          %dma_wait3A_653 = arith.constant 1 : i32
          %dma_wait3A_654 = arith.constant 0 : i32
          %dma_wait3A_655 = arith.constant 0 : i32
          %dma_wait3A_656 = tpu.memref_slice %arg12[%dma_wait3A_653, %dma_wait3A_654, %dma_wait3A_655] : memref<10x40x64xf32, #tpu.memory_space<vmem>> -> memref<1x40x64xf32, #tpu.memory_space<vmem>>
          %dma_wait3A_657 = tpu.memref_squeeze %dma_wait3A_656 : memref<1x40x64xf32, #tpu.memory_space<vmem>> -> memref<40x64xf32, #tpu.memory_space<vmem>>
          %dma_wait3A_658 = arith.constant 0 : i32
          %dma_wait3A_659 = tpu.memref_slice %arg11[%dma_wait3A_658] : memref<20000xi32, #tpu.memory_space<vmem>> -> memref<40xi32, #tpu.memory_space<vmem>>
          %dma_wait3A_660 = arith.constant 0 : i32
          %dma_wait3A_661 = arith.constant 0 : i32
          %dma_wait3A_662 = tpu.memref_slice %arg14[%dma_wait3A_660, %dma_wait3A_661] : memref<10240x64xf32, #tpu.memory_space<vmem_shared>> -> memref<10240x64xf32, #tpu.memory_space<vmem_shared>>
          tpu.wait_indirect_dma semaphore(%arg26 : memref<!tpu.dma_semaphore, #tpu.memory_space<semaphore_mem>>) src(%dma_wait3A_657 : memref<40x64xf32, #tpu.memory_space<vmem>>) dst(%dma_wait3A_662 : memref<10240x64xf32, #tpu.memory_space<vmem_shared>>)
          %eq3A_663 = arith.constant 0 : i32
          %eq3A_664 = arith.cmpi eq, %arg0, %eq3A_663 : i32
          %convert_element_type3A_665 = arith.extui %eq3A_664 : i1 to i32
          %cond3A_666 = arith.constant 0 : i32
          %cond3A_667 = arith.cmpi ne, %convert_element_type3A_665, %cond3A_666 : i32
          scf.if %cond3A_667 {
            %dma_wait3A_668 = arith.constant 0 : i32
            %dma_wait3A_669 = tpu.memref_slice %arg11[%dma_wait3A_668] : memref<20000xi32, #tpu.memory_space<vmem>> -> memref<40xi32, #tpu.memory_space<vmem>>
            %dma_wait3A_670 = arith.constant 0 : i32
            %dma_wait3A_671 = arith.constant 0 : i32
            %dma_wait3A_672 = tpu.memref_slice %arg36[%dma_wait3A_670, %dma_wait3A_671] : memref<10240x16xf32, #tpu.memory_space<vmem_shared>> -> memref<10240x16xf32, #tpu.memory_space<vmem_shared>>
            tpu.wait_indirect_dma semaphore(%arg37 : memref<!tpu.dma_semaphore, #tpu.memory_space<semaphore_mem>>) src(%arg35 : memref<40x16xf32, #tpu.memory_space<vmem>>) dst(%dma_wait3A_672 : memref<10240x16xf32, #tpu.memory_space<vmem_shared>>)
          } else {
          }
        } else {
        }
        %mul3A_642 = arith.constant 40 : i32
        %mul3A_643 = arith.muli %add3A_373, %mul3A_642 : i32
        %dma_start3A_644 = arith.constant 1 : i32
        %dma_start3A_645 = arith.constant 0 : i32
        %dma_start3A_646 = arith.constant 0 : i32
        %dma_start3A_647 = tpu.memref_slice %arg12[%dma_start3A_644, %dma_start3A_645, %dma_start3A_646] : memref<10x40x64xf32, #tpu.memory_space<vmem>> -> memref<1x40x64xf32, #tpu.memory_space<vmem>>
        %dma_start3A_648 = tpu.memref_squeeze %dma_start3A_647 : memref<1x40x64xf32, #tpu.memory_space<vmem>> -> memref<40x64xf32, #tpu.memory_space<vmem>>
        %dma_start3A_649 = tpu.memref_slice %arg10[%mul3A_643] : memref<20000xi32, #tpu.memory_space<vmem>> -> memref<40xi32, #tpu.memory_space<vmem>>
        %dma_start3A_650 = arith.constant 0 : i32
        %dma_start3A_651 = arith.constant 0 : i32
        %dma_start3A_652 = tpu.memref_slice %arg2[%dma_start3A_650, %dma_start3A_651] : memref<20000x64xf32, #tpu.memory_space<hbm>> -> memref<20000x64xf32, #tpu.memory_space<hbm>>
        tpu.enqueue_indirect_dma source(%dma_start3A_652 : memref<20000x64xf32, #tpu.memory_space<hbm>>) target(%dma_start3A_648 : memref<40x64xf32, #tpu.memory_space<vmem>>) offsets(%dma_start3A_649 : memref<40xi32, #tpu.memory_space<vmem>>) semaphore(%arg16 : memref<!tpu.dma_semaphore, #tpu.memory_space<semaphore_mem>>)
      } else {
      }
      %mul3A_379 = arith.constant 10 : i32
      %mul3A_380 = arith.muli %scan3A_268, %mul3A_379 : i32
      %add3A_381 = arith.constant 3 : i32
      %add3A_382 = arith.addi %mul3A_380, %add3A_381 : i32
      %dma_wait3A_383 = arith.constant 3 : i32
      %dma_wait3A_384 = arith.constant 0 : i32
      %dma_wait3A_385 = arith.constant 0 : i32
      %dma_wait3A_386 = tpu.memref_slice %arg12[%dma_wait3A_383, %dma_wait3A_384, %dma_wait3A_385] : memref<10x40x64xf32, #tpu.memory_space<vmem>> -> memref<1x40x64xf32, #tpu.memory_space<vmem>>
      %dma_wait3A_387 = tpu.memref_squeeze %dma_wait3A_386 : memref<1x40x64xf32, #tpu.memory_space<vmem>> -> memref<40x64xf32, #tpu.memory_space<vmem>>
      %dma_wait3A_388 = arith.constant 0 : i32
      %dma_wait3A_389 = tpu.memref_slice %arg10[%dma_wait3A_388] : memref<20000xi32, #tpu.memory_space<vmem>> -> memref<40xi32, #tpu.memory_space<vmem>>
      %dma_wait3A_390 = arith.constant 0 : i32
      %dma_wait3A_391 = arith.constant 0 : i32
      %dma_wait3A_392 = tpu.memref_slice %arg2[%dma_wait3A_390, %dma_wait3A_391] : memref<20000x64xf32, #tpu.memory_space<hbm>> -> memref<20000x64xf32, #tpu.memory_space<hbm>>
      tpu.wait_indirect_dma semaphore(%arg18 : memref<!tpu.dma_semaphore, #tpu.memory_space<semaphore_mem>>) src(%dma_wait3A_392 : memref<20000x64xf32, #tpu.memory_space<hbm>>) dst(%dma_wait3A_387 : memref<40x64xf32, #tpu.memory_space<vmem>>)
      %mul3A_393 = arith.constant 40 : i32
      %mul3A_394 = arith.muli %add3A_382, %mul3A_393 : i32
      %dma_start3A_395 = arith.constant 3 : i32
      %dma_start3A_396 = arith.constant 0 : i32
      %dma_start3A_397 = arith.constant 0 : i32
      %dma_start3A_398 = tpu.memref_slice %arg12[%dma_start3A_395, %dma_start3A_396, %dma_start3A_397] : memref<10x40x64xf32, #tpu.memory_space<vmem>> -> memref<1x40x64xf32, #tpu.memory_space<vmem>>
      %dma_start3A_399 = tpu.memref_squeeze %dma_start3A_398 : memref<1x40x64xf32, #tpu.memory_space<vmem>> -> memref<40x64xf32, #tpu.memory_space<vmem>>
      %dma_start3A_400 = tpu.memref_slice %arg11[%mul3A_394] : memref<20000xi32, #tpu.memory_space<vmem>> -> memref<40xi32, #tpu.memory_space<vmem>>
      %dma_start3A_401 = arith.constant 0 : i32
      %dma_start3A_402 = arith.constant 0 : i32
      %dma_start3A_403 = tpu.memref_slice %arg14[%dma_start3A_401, %dma_start3A_402] : memref<10240x64xf32, #tpu.memory_space<vmem_shared>> -> memref<10240x64xf32, #tpu.memory_space<vmem_shared>>
      tpu.enqueue_indirect_dma source(%dma_start3A_399 : memref<40x64xf32, #tpu.memory_space<vmem>>) target(%dma_start3A_403 : memref<10240x64xf32, #tpu.memory_space<vmem_shared>>) offsets(%dma_start3A_400 : memref<40xi32, #tpu.memory_space<vmem>>) semaphore(%arg28 : memref<!tpu.dma_semaphore, #tpu.memory_space<semaphore_mem>>) {add = true}
      %eq3A_404 = arith.constant 0 : i32
      %eq3A_405 = arith.cmpi eq, %arg0, %eq3A_404 : i32
      %convert_element_type3A_406 = arith.extui %eq3A_405 : i1 to i32
      %cond3A_407 = arith.constant 0 : i32
      %cond3A_408 = arith.cmpi ne, %convert_element_type3A_406, %cond3A_407 : i32
      scf.if %cond3A_408 {
        %mul3A_638 = arith.constant 40 : i32
        %mul3A_639 = arith.muli %add3A_382, %mul3A_638 : i32
        %dma_start3A_640 = tpu.memref_slice %arg11[%mul3A_639] : memref<20000xi32, #tpu.memory_space<vmem>> -> memref<40xi32, #tpu.memory_space<vmem>>
        %dma_start3A_641 = arith.constant 0 : i32
        %dma_start3A_642 = arith.constant 0 : i32
        %dma_start3A_643 = tpu.memref_slice %arg36[%dma_start3A_641, %dma_start3A_642] : memref<10240x16xf32, #tpu.memory_space<vmem_shared>> -> memref<10240x16xf32, #tpu.memory_space<vmem_shared>>
        tpu.enqueue_indirect_dma source(%arg35 : memref<40x16xf32, #tpu.memory_space<vmem>>) target(%dma_start3A_643 : memref<10240x16xf32, #tpu.memory_space<vmem_shared>>) offsets(%dma_start3A_640 : memref<40xi32, #tpu.memory_space<vmem>>) semaphore(%arg37 : memref<!tpu.dma_semaphore, #tpu.memory_space<semaphore_mem>>) {add = true}
      } else {
      }
      %add3A_409 = arith.constant 9 : i32
      %add3A_410 = arith.addi %add3A_382, %add3A_409 : i32
      %lt3A_411 = arith.constant 500 : i32
      %lt3A_412 = arith.cmpi slt, %add3A_410, %lt3A_411 : i32
      %convert_element_type3A_413 = arith.extui %lt3A_412 : i1 to i32
      %cond3A_414 = arith.constant 0 : i32
      %cond3A_415 = arith.cmpi ne, %convert_element_type3A_413, %cond3A_414 : i32
      scf.if %cond3A_415 {
        %ge3A = arith.constant 10 : i32
        %ge3A_638 = arith.cmpi sge, %add3A_410, %ge3A : i32
        %convert_element_type3A_639 = arith.extui %ge3A_638 : i1 to i32
        %cond3A_640 = arith.constant 0 : i32
        %cond3A_641 = arith.cmpi ne, %convert_element_type3A_639, %cond3A_640 : i32
        scf.if %cond3A_641 {
          %dma_wait3A_653 = arith.constant 2 : i32
          %dma_wait3A_654 = arith.constant 0 : i32
          %dma_wait3A_655 = arith.constant 0 : i32
          %dma_wait3A_656 = tpu.memref_slice %arg12[%dma_wait3A_653, %dma_wait3A_654, %dma_wait3A_655] : memref<10x40x64xf32, #tpu.memory_space<vmem>> -> memref<1x40x64xf32, #tpu.memory_space<vmem>>
          %dma_wait3A_657 = tpu.memref_squeeze %dma_wait3A_656 : memref<1x40x64xf32, #tpu.memory_space<vmem>> -> memref<40x64xf32, #tpu.memory_space<vmem>>
          %dma_wait3A_658 = arith.constant 0 : i32
          %dma_wait3A_659 = tpu.memref_slice %arg11[%dma_wait3A_658] : memref<20000xi32, #tpu.memory_space<vmem>> -> memref<40xi32, #tpu.memory_space<vmem>>
          %dma_wait3A_660 = arith.constant 0 : i32
          %dma_wait3A_661 = arith.constant 0 : i32
          %dma_wait3A_662 = tpu.memref_slice %arg14[%dma_wait3A_660, %dma_wait3A_661] : memref<10240x64xf32, #tpu.memory_space<vmem_shared>> -> memref<10240x64xf32, #tpu.memory_space<vmem_shared>>
          tpu.wait_indirect_dma semaphore(%arg27 : memref<!tpu.dma_semaphore, #tpu.memory_space<semaphore_mem>>) src(%dma_wait3A_657 : memref<40x64xf32, #tpu.memory_space<vmem>>) dst(%dma_wait3A_662 : memref<10240x64xf32, #tpu.memory_space<vmem_shared>>)
          %eq3A_663 = arith.constant 0 : i32
          %eq3A_664 = arith.cmpi eq, %arg0, %eq3A_663 : i32
          %convert_element_type3A_665 = arith.extui %eq3A_664 : i1 to i32
          %cond3A_666 = arith.constant 0 : i32
          %cond3A_667 = arith.cmpi ne, %convert_element_type3A_665, %cond3A_666 : i32
          scf.if %cond3A_667 {
            %dma_wait3A_668 = arith.constant 0 : i32
            %dma_wait3A_669 = tpu.memref_slice %arg11[%dma_wait3A_668] : memref<20000xi32, #tpu.memory_space<vmem>> -> memref<40xi32, #tpu.memory_space<vmem>>
            %dma_wait3A_670 = arith.constant 0 : i32
            %dma_wait3A_671 = arith.constant 0 : i32
            %dma_wait3A_672 = tpu.memref_slice %arg36[%dma_wait3A_670, %dma_wait3A_671] : memref<10240x16xf32, #tpu.memory_space<vmem_shared>> -> memref<10240x16xf32, #tpu.memory_space<vmem_shared>>
            tpu.wait_indirect_dma semaphore(%arg37 : memref<!tpu.dma_semaphore, #tpu.memory_space<semaphore_mem>>) src(%arg35 : memref<40x16xf32, #tpu.memory_space<vmem>>) dst(%dma_wait3A_672 : memref<10240x16xf32, #tpu.memory_space<vmem_shared>>)
          } else {
          }
        } else {
        }
        %mul3A_642 = arith.constant 40 : i32
        %mul3A_643 = arith.muli %add3A_410, %mul3A_642 : i32
        %dma_start3A_644 = arith.constant 2 : i32
        %dma_start3A_645 = arith.constant 0 : i32
        %dma_start3A_646 = arith.constant 0 : i32
        %dma_start3A_647 = tpu.memref_slice %arg12[%dma_start3A_644, %dma_start3A_645, %dma_start3A_646] : memref<10x40x64xf32, #tpu.memory_space<vmem>> -> memref<1x40x64xf32, #tpu.memory_space<vmem>>
        %dma_start3A_648 = tpu.memref_squeeze %dma_start3A_647 : memref<1x40x64xf32, #tpu.memory_space<vmem>> -> memref<40x64xf32, #tpu.memory_space<vmem>>
        %dma_start3A_649 = tpu.memref_slice %arg10[%mul3A_643] : memref<20000xi32, #tpu.memory_space<vmem>> -> memref<40xi32, #tpu.memory_space<vmem>>
        %dma_start3A_650 = arith.constant 0 : i32
        %dma_start3A_651 = arith.constant 0 : i32
        %dma_start3A_652 = tpu.memref_slice %arg2[%dma_start3A_650, %dma_start3A_651] : memref<20000x64xf32, #tpu.memory_space<hbm>> -> memref<20000x64xf32, #tpu.memory_space<hbm>>
        tpu.enqueue_indirect_dma source(%dma_start3A_652 : memref<20000x64xf32, #tpu.memory_space<hbm>>) target(%dma_start3A_648 : memref<40x64xf32, #tpu.memory_space<vmem>>) offsets(%dma_start3A_649 : memref<40xi32, #tpu.memory_space<vmem>>) semaphore(%arg17 : memref<!tpu.dma_semaphore, #tpu.memory_space<semaphore_mem>>)
      } else {
      }
      %mul3A_416 = arith.constant 10 : i32
      %mul3A_417 = arith.muli %scan3A_268, %mul3A_416 : i32
      %add3A_418 = arith.constant 4 : i32
      %add3A_419 = arith.addi %mul3A_417, %add3A_418 : i32
      %dma_wait3A_420 = arith.constant 4 : i32
      %dma_wait3A_421 = arith.constant 0 : i32
      %dma_wait3A_422 = arith.constant 0 : i32
      %dma_wait3A_423 = tpu.memref_slice %arg12[%dma_wait3A_420, %dma_wait3A_421, %dma_wait3A_422] : memref<10x40x64xf32, #tpu.memory_space<vmem>> -> memref<1x40x64xf32, #tpu.memory_space<vmem>>
      %dma_wait3A_424 = tpu.memref_squeeze %dma_wait3A_423 : memref<1x40x64xf32, #tpu.memory_space<vmem>> -> memref<40x64xf32, #tpu.memory_space<vmem>>
      %dma_wait3A_425 = arith.constant 0 : i32
      %dma_wait3A_426 = tpu.memref_slice %arg10[%dma_wait3A_425] : memref<20000xi32, #tpu.memory_space<vmem>> -> memref<40xi32, #tpu.memory_space<vmem>>
      %dma_wait3A_427 = arith.constant 0 : i32
      %dma_wait3A_428 = arith.constant 0 : i32
      %dma_wait3A_429 = tpu.memref_slice %arg2[%dma_wait3A_427, %dma_wait3A_428] : memref<20000x64xf32, #tpu.memory_space<hbm>> -> memref<20000x64xf32, #tpu.memory_space<hbm>>
      tpu.wait_indirect_dma semaphore(%arg19 : memref<!tpu.dma_semaphore, #tpu.memory_space<semaphore_mem>>) src(%dma_wait3A_429 : memref<20000x64xf32, #tpu.memory_space<hbm>>) dst(%dma_wait3A_424 : memref<40x64xf32, #tpu.memory_space<vmem>>)
      %mul3A_430 = arith.constant 40 : i32
      %mul3A_431 = arith.muli %add3A_419, %mul3A_430 : i32
      %dma_start3A_432 = arith.constant 4 : i32
      %dma_start3A_433 = arith.constant 0 : i32
      %dma_start3A_434 = arith.constant 0 : i32
      %dma_start3A_435 = tpu.memref_slice %arg12[%dma_start3A_432, %dma_start3A_433, %dma_start3A_434] : memref<10x40x64xf32, #tpu.memory_space<vmem>> -> memref<1x40x64xf32, #tpu.memory_space<vmem>>
      %dma_start3A_436 = tpu.memref_squeeze %dma_start3A_435 : memref<1x40x64xf32, #tpu.memory_space<vmem>> -> memref<40x64xf32, #tpu.memory_space<vmem>>
      %dma_start3A_437 = tpu.memref_slice %arg11[%mul3A_431] : memref<20000xi32, #tpu.memory_space<vmem>> -> memref<40xi32, #tpu.memory_space<vmem>>
      %dma_start3A_438 = arith.constant 0 : i32
      %dma_start3A_439 = arith.constant 0 : i32
      %dma_start3A_440 = tpu.memref_slice %arg14[%dma_start3A_438, %dma_start3A_439] : memref<10240x64xf32, #tpu.memory_space<vmem_shared>> -> memref<10240x64xf32, #tpu.memory_space<vmem_shared>>
      tpu.enqueue_indirect_dma source(%dma_start3A_436 : memref<40x64xf32, #tpu.memory_space<vmem>>) target(%dma_start3A_440 : memref<10240x64xf32, #tpu.memory_space<vmem_shared>>) offsets(%dma_start3A_437 : memref<40xi32, #tpu.memory_space<vmem>>) semaphore(%arg29 : memref<!tpu.dma_semaphore, #tpu.memory_space<semaphore_mem>>) {add = true}
      %eq3A_441 = arith.constant 0 : i32
      %eq3A_442 = arith.cmpi eq, %arg0, %eq3A_441 : i32
      %convert_element_type3A_443 = arith.extui %eq3A_442 : i1 to i32
      %cond3A_444 = arith.constant 0 : i32
      %cond3A_445 = arith.cmpi ne, %convert_element_type3A_443, %cond3A_444 : i32
      scf.if %cond3A_445 {
        %mul3A_638 = arith.constant 40 : i32
        %mul3A_639 = arith.muli %add3A_419, %mul3A_638 : i32
        %dma_start3A_640 = tpu.memref_slice %arg11[%mul3A_639] : memref<20000xi32, #tpu.memory_space<vmem>> -> memref<40xi32, #tpu.memory_space<vmem>>
        %dma_start3A_641 = arith.constant 0 : i32
        %dma_start3A_642 = arith.constant 0 : i32
        %dma_start3A_643 = tpu.memref_slice %arg36[%dma_start3A_641, %dma_start3A_642] : memref<10240x16xf32, #tpu.memory_space<vmem_shared>> -> memref<10240x16xf32, #tpu.memory_space<vmem_shared>>
        tpu.enqueue_indirect_dma source(%arg35 : memref<40x16xf32, #tpu.memory_space<vmem>>) target(%dma_start3A_643 : memref<10240x16xf32, #tpu.memory_space<vmem_shared>>) offsets(%dma_start3A_640 : memref<40xi32, #tpu.memory_space<vmem>>) semaphore(%arg37 : memref<!tpu.dma_semaphore, #tpu.memory_space<semaphore_mem>>) {add = true}
      } else {
      }
      %add3A_446 = arith.constant 9 : i32
      %add3A_447 = arith.addi %add3A_419, %add3A_446 : i32
      %lt3A_448 = arith.constant 500 : i32
      %lt3A_449 = arith.cmpi slt, %add3A_447, %lt3A_448 : i32
      %convert_element_type3A_450 = arith.extui %lt3A_449 : i1 to i32
      %cond3A_451 = arith.constant 0 : i32
      %cond3A_452 = arith.cmpi ne, %convert_element_type3A_450, %cond3A_451 : i32
      scf.if %cond3A_452 {
        %ge3A = arith.constant 10 : i32
        %ge3A_638 = arith.cmpi sge, %add3A_447, %ge3A : i32
        %convert_element_type3A_639 = arith.extui %ge3A_638 : i1 to i32
        %cond3A_640 = arith.constant 0 : i32
        %cond3A_641 = arith.cmpi ne, %convert_element_type3A_639, %cond3A_640 : i32
        scf.if %cond3A_641 {
          %dma_wait3A_653 = arith.constant 3 : i32
          %dma_wait3A_654 = arith.constant 0 : i32
          %dma_wait3A_655 = arith.constant 0 : i32
          %dma_wait3A_656 = tpu.memref_slice %arg12[%dma_wait3A_653, %dma_wait3A_654, %dma_wait3A_655] : memref<10x40x64xf32, #tpu.memory_space<vmem>> -> memref<1x40x64xf32, #tpu.memory_space<vmem>>
          %dma_wait3A_657 = tpu.memref_squeeze %dma_wait3A_656 : memref<1x40x64xf32, #tpu.memory_space<vmem>> -> memref<40x64xf32, #tpu.memory_space<vmem>>
          %dma_wait3A_658 = arith.constant 0 : i32
          %dma_wait3A_659 = tpu.memref_slice %arg11[%dma_wait3A_658] : memref<20000xi32, #tpu.memory_space<vmem>> -> memref<40xi32, #tpu.memory_space<vmem>>
          %dma_wait3A_660 = arith.constant 0 : i32
          %dma_wait3A_661 = arith.constant 0 : i32
          %dma_wait3A_662 = tpu.memref_slice %arg14[%dma_wait3A_660, %dma_wait3A_661] : memref<10240x64xf32, #tpu.memory_space<vmem_shared>> -> memref<10240x64xf32, #tpu.memory_space<vmem_shared>>
          tpu.wait_indirect_dma semaphore(%arg28 : memref<!tpu.dma_semaphore, #tpu.memory_space<semaphore_mem>>) src(%dma_wait3A_657 : memref<40x64xf32, #tpu.memory_space<vmem>>) dst(%dma_wait3A_662 : memref<10240x64xf32, #tpu.memory_space<vmem_shared>>)
          %eq3A_663 = arith.constant 0 : i32
          %eq3A_664 = arith.cmpi eq, %arg0, %eq3A_663 : i32
          %convert_element_type3A_665 = arith.extui %eq3A_664 : i1 to i32
          %cond3A_666 = arith.constant 0 : i32
          %cond3A_667 = arith.cmpi ne, %convert_element_type3A_665, %cond3A_666 : i32
          scf.if %cond3A_667 {
            %dma_wait3A_668 = arith.constant 0 : i32
            %dma_wait3A_669 = tpu.memref_slice %arg11[%dma_wait3A_668] : memref<20000xi32, #tpu.memory_space<vmem>> -> memref<40xi32, #tpu.memory_space<vmem>>
            %dma_wait3A_670 = arith.constant 0 : i32
            %dma_wait3A_671 = arith.constant 0 : i32
            %dma_wait3A_672 = tpu.memref_slice %arg36[%dma_wait3A_670, %dma_wait3A_671] : memref<10240x16xf32, #tpu.memory_space<vmem_shared>> -> memref<10240x16xf32, #tpu.memory_space<vmem_shared>>
            tpu.wait_indirect_dma semaphore(%arg37 : memref<!tpu.dma_semaphore, #tpu.memory_space<semaphore_mem>>) src(%arg35 : memref<40x16xf32, #tpu.memory_space<vmem>>) dst(%dma_wait3A_672 : memref<10240x16xf32, #tpu.memory_space<vmem_shared>>)
          } else {
          }
        } else {
        }
        %mul3A_642 = arith.constant 40 : i32
        %mul3A_643 = arith.muli %add3A_447, %mul3A_642 : i32
        %dma_start3A_644 = arith.constant 3 : i32
        %dma_start3A_645 = arith.constant 0 : i32
        %dma_start3A_646 = arith.constant 0 : i32
        %dma_start3A_647 = tpu.memref_slice %arg12[%dma_start3A_644, %dma_start3A_645, %dma_start3A_646] : memref<10x40x64xf32, #tpu.memory_space<vmem>> -> memref<1x40x64xf32, #tpu.memory_space<vmem>>
        %dma_start3A_648 = tpu.memref_squeeze %dma_start3A_647 : memref<1x40x64xf32, #tpu.memory_space<vmem>> -> memref<40x64xf32, #tpu.memory_space<vmem>>
        %dma_start3A_649 = tpu.memref_slice %arg10[%mul3A_643] : memref<20000xi32, #tpu.memory_space<vmem>> -> memref<40xi32, #tpu.memory_space<vmem>>
        %dma_start3A_650 = arith.constant 0 : i32
        %dma_start3A_651 = arith.constant 0 : i32
        %dma_start3A_652 = tpu.memref_slice %arg2[%dma_start3A_650, %dma_start3A_651] : memref<20000x64xf32, #tpu.memory_space<hbm>> -> memref<20000x64xf32, #tpu.memory_space<hbm>>
        tpu.enqueue_indirect_dma source(%dma_start3A_652 : memref<20000x64xf32, #tpu.memory_space<hbm>>) target(%dma_start3A_648 : memref<40x64xf32, #tpu.memory_space<vmem>>) offsets(%dma_start3A_649 : memref<40xi32, #tpu.memory_space<vmem>>) semaphore(%arg18 : memref<!tpu.dma_semaphore, #tpu.memory_space<semaphore_mem>>)
      } else {
      }
      %mul3A_453 = arith.constant 10 : i32
      %mul3A_454 = arith.muli %scan3A_268, %mul3A_453 : i32
      %add3A_455 = arith.constant 5 : i32
      %add3A_456 = arith.addi %mul3A_454, %add3A_455 : i32
      %dma_wait3A_457 = arith.constant 5 : i32
      %dma_wait3A_458 = arith.constant 0 : i32
      %dma_wait3A_459 = arith.constant 0 : i32
      %dma_wait3A_460 = tpu.memref_slice %arg12[%dma_wait3A_457, %dma_wait3A_458, %dma_wait3A_459] : memref<10x40x64xf32, #tpu.memory_space<vmem>> -> memref<1x40x64xf32, #tpu.memory_space<vmem>>
      %dma_wait3A_461 = tpu.memref_squeeze %dma_wait3A_460 : memref<1x40x64xf32, #tpu.memory_space<vmem>> -> memref<40x64xf32, #tpu.memory_space<vmem>>
      %dma_wait3A_462 = arith.constant 0 : i32
      %dma_wait3A_463 = tpu.memref_slice %arg10[%dma_wait3A_462] : memref<20000xi32, #tpu.memory_space<vmem>> -> memref<40xi32, #tpu.memory_space<vmem>>
      %dma_wait3A_464 = arith.constant 0 : i32
      %dma_wait3A_465 = arith.constant 0 : i32
      %dma_wait3A_466 = tpu.memref_slice %arg2[%dma_wait3A_464, %dma_wait3A_465] : memref<20000x64xf32, #tpu.memory_space<hbm>> -> memref<20000x64xf32, #tpu.memory_space<hbm>>
      tpu.wait_indirect_dma semaphore(%arg20 : memref<!tpu.dma_semaphore, #tpu.memory_space<semaphore_mem>>) src(%dma_wait3A_466 : memref<20000x64xf32, #tpu.memory_space<hbm>>) dst(%dma_wait3A_461 : memref<40x64xf32, #tpu.memory_space<vmem>>)
      %mul3A_467 = arith.constant 40 : i32
      %mul3A_468 = arith.muli %add3A_456, %mul3A_467 : i32
      %dma_start3A_469 = arith.constant 5 : i32
      %dma_start3A_470 = arith.constant 0 : i32
      %dma_start3A_471 = arith.constant 0 : i32
      %dma_start3A_472 = tpu.memref_slice %arg12[%dma_start3A_469, %dma_start3A_470, %dma_start3A_471] : memref<10x40x64xf32, #tpu.memory_space<vmem>> -> memref<1x40x64xf32, #tpu.memory_space<vmem>>
      %dma_start3A_473 = tpu.memref_squeeze %dma_start3A_472 : memref<1x40x64xf32, #tpu.memory_space<vmem>> -> memref<40x64xf32, #tpu.memory_space<vmem>>
      %dma_start3A_474 = tpu.memref_slice %arg11[%mul3A_468] : memref<20000xi32, #tpu.memory_space<vmem>> -> memref<40xi32, #tpu.memory_space<vmem>>
      %dma_start3A_475 = arith.constant 0 : i32
      %dma_start3A_476 = arith.constant 0 : i32
      %dma_start3A_477 = tpu.memref_slice %arg14[%dma_start3A_475, %dma_start3A_476] : memref<10240x64xf32, #tpu.memory_space<vmem_shared>> -> memref<10240x64xf32, #tpu.memory_space<vmem_shared>>
      tpu.enqueue_indirect_dma source(%dma_start3A_473 : memref<40x64xf32, #tpu.memory_space<vmem>>) target(%dma_start3A_477 : memref<10240x64xf32, #tpu.memory_space<vmem_shared>>) offsets(%dma_start3A_474 : memref<40xi32, #tpu.memory_space<vmem>>) semaphore(%arg30 : memref<!tpu.dma_semaphore, #tpu.memory_space<semaphore_mem>>) {add = true}
      %eq3A_478 = arith.constant 0 : i32
      %eq3A_479 = arith.cmpi eq, %arg0, %eq3A_478 : i32
      %convert_element_type3A_480 = arith.extui %eq3A_479 : i1 to i32
      %cond3A_481 = arith.constant 0 : i32
      %cond3A_482 = arith.cmpi ne, %convert_element_type3A_480, %cond3A_481 : i32
      scf.if %cond3A_482 {
        %mul3A_638 = arith.constant 40 : i32
        %mul3A_639 = arith.muli %add3A_456, %mul3A_638 : i32
        %dma_start3A_640 = tpu.memref_slice %arg11[%mul3A_639] : memref<20000xi32, #tpu.memory_space<vmem>> -> memref<40xi32, #tpu.memory_space<vmem>>
        %dma_start3A_641 = arith.constant 0 : i32
        %dma_start3A_642 = arith.constant 0 : i32
        %dma_start3A_643 = tpu.memref_slice %arg36[%dma_start3A_641, %dma_start3A_642] : memref<10240x16xf32, #tpu.memory_space<vmem_shared>> -> memref<10240x16xf32, #tpu.memory_space<vmem_shared>>
        tpu.enqueue_indirect_dma source(%arg35 : memref<40x16xf32, #tpu.memory_space<vmem>>) target(%dma_start3A_643 : memref<10240x16xf32, #tpu.memory_space<vmem_shared>>) offsets(%dma_start3A_640 : memref<40xi32, #tpu.memory_space<vmem>>) semaphore(%arg37 : memref<!tpu.dma_semaphore, #tpu.memory_space<semaphore_mem>>) {add = true}
      } else {
      }
      %add3A_483 = arith.constant 9 : i32
      %add3A_484 = arith.addi %add3A_456, %add3A_483 : i32
      %lt3A_485 = arith.constant 500 : i32
      %lt3A_486 = arith.cmpi slt, %add3A_484, %lt3A_485 : i32
      %convert_element_type3A_487 = arith.extui %lt3A_486 : i1 to i32
      %cond3A_488 = arith.constant 0 : i32
      %cond3A_489 = arith.cmpi ne, %convert_element_type3A_487, %cond3A_488 : i32
      scf.if %cond3A_489 {
        %ge3A = arith.constant 10 : i32
        %ge3A_638 = arith.cmpi sge, %add3A_484, %ge3A : i32
        %convert_element_type3A_639 = arith.extui %ge3A_638 : i1 to i32
        %cond3A_640 = arith.constant 0 : i32
        %cond3A_641 = arith.cmpi ne, %convert_element_type3A_639, %cond3A_640 : i32
        scf.if %cond3A_641 {
          %dma_wait3A_653 = arith.constant 4 : i32
          %dma_wait3A_654 = arith.constant 0 : i32
          %dma_wait3A_655 = arith.constant 0 : i32
          %dma_wait3A_656 = tpu.memref_slice %arg12[%dma_wait3A_653, %dma_wait3A_654, %dma_wait3A_655] : memref<10x40x64xf32, #tpu.memory_space<vmem>> -> memref<1x40x64xf32, #tpu.memory_space<vmem>>
          %dma_wait3A_657 = tpu.memref_squeeze %dma_wait3A_656 : memref<1x40x64xf32, #tpu.memory_space<vmem>> -> memref<40x64xf32, #tpu.memory_space<vmem>>
          %dma_wait3A_658 = arith.constant 0 : i32
          %dma_wait3A_659 = tpu.memref_slice %arg11[%dma_wait3A_658] : memref<20000xi32, #tpu.memory_space<vmem>> -> memref<40xi32, #tpu.memory_space<vmem>>
          %dma_wait3A_660 = arith.constant 0 : i32
          %dma_wait3A_661 = arith.constant 0 : i32
          %dma_wait3A_662 = tpu.memref_slice %arg14[%dma_wait3A_660, %dma_wait3A_661] : memref<10240x64xf32, #tpu.memory_space<vmem_shared>> -> memref<10240x64xf32, #tpu.memory_space<vmem_shared>>
          tpu.wait_indirect_dma semaphore(%arg29 : memref<!tpu.dma_semaphore, #tpu.memory_space<semaphore_mem>>) src(%dma_wait3A_657 : memref<40x64xf32, #tpu.memory_space<vmem>>) dst(%dma_wait3A_662 : memref<10240x64xf32, #tpu.memory_space<vmem_shared>>)
          %eq3A_663 = arith.constant 0 : i32
          %eq3A_664 = arith.cmpi eq, %arg0, %eq3A_663 : i32
          %convert_element_type3A_665 = arith.extui %eq3A_664 : i1 to i32
          %cond3A_666 = arith.constant 0 : i32
          %cond3A_667 = arith.cmpi ne, %convert_element_type3A_665, %cond3A_666 : i32
          scf.if %cond3A_667 {
            %dma_wait3A_668 = arith.constant 0 : i32
            %dma_wait3A_669 = tpu.memref_slice %arg11[%dma_wait3A_668] : memref<20000xi32, #tpu.memory_space<vmem>> -> memref<40xi32, #tpu.memory_space<vmem>>
            %dma_wait3A_670 = arith.constant 0 : i32
            %dma_wait3A_671 = arith.constant 0 : i32
            %dma_wait3A_672 = tpu.memref_slice %arg36[%dma_wait3A_670, %dma_wait3A_671] : memref<10240x16xf32, #tpu.memory_space<vmem_shared>> -> memref<10240x16xf32, #tpu.memory_space<vmem_shared>>
            tpu.wait_indirect_dma semaphore(%arg37 : memref<!tpu.dma_semaphore, #tpu.memory_space<semaphore_mem>>) src(%arg35 : memref<40x16xf32, #tpu.memory_space<vmem>>) dst(%dma_wait3A_672 : memref<10240x16xf32, #tpu.memory_space<vmem_shared>>)
          } else {
          }
        } else {
        }
        %mul3A_642 = arith.constant 40 : i32
        %mul3A_643 = arith.muli %add3A_484, %mul3A_642 : i32
        %dma_start3A_644 = arith.constant 4 : i32
        %dma_start3A_645 = arith.constant 0 : i32
        %dma_start3A_646 = arith.constant 0 : i32
        %dma_start3A_647 = tpu.memref_slice %arg12[%dma_start3A_644, %dma_start3A_645, %dma_start3A_646] : memref<10x40x64xf32, #tpu.memory_space<vmem>> -> memref<1x40x64xf32, #tpu.memory_space<vmem>>
        %dma_start3A_648 = tpu.memref_squeeze %dma_start3A_647 : memref<1x40x64xf32, #tpu.memory_space<vmem>> -> memref<40x64xf32, #tpu.memory_space<vmem>>
        %dma_start3A_649 = tpu.memref_slice %arg10[%mul3A_643] : memref<20000xi32, #tpu.memory_space<vmem>> -> memref<40xi32, #tpu.memory_space<vmem>>
        %dma_start3A_650 = arith.constant 0 : i32
        %dma_start3A_651 = arith.constant 0 : i32
        %dma_start3A_652 = tpu.memref_slice %arg2[%dma_start3A_650, %dma_start3A_651] : memref<20000x64xf32, #tpu.memory_space<hbm>> -> memref<20000x64xf32, #tpu.memory_space<hbm>>
        tpu.enqueue_indirect_dma source(%dma_start3A_652 : memref<20000x64xf32, #tpu.memory_space<hbm>>) target(%dma_start3A_648 : memref<40x64xf32, #tpu.memory_space<vmem>>) offsets(%dma_start3A_649 : memref<40xi32, #tpu.memory_space<vmem>>) semaphore(%arg19 : memref<!tpu.dma_semaphore, #tpu.memory_space<semaphore_mem>>)
      } else {
      }
      %mul3A_490 = arith.constant 10 : i32
      %mul3A_491 = arith.muli %scan3A_268, %mul3A_490 : i32
      %add3A_492 = arith.constant 6 : i32
      %add3A_493 = arith.addi %mul3A_491, %add3A_492 : i32
      %dma_wait3A_494 = arith.constant 6 : i32
      %dma_wait3A_495 = arith.constant 0 : i32
      %dma_wait3A_496 = arith.constant 0 : i32
      %dma_wait3A_497 = tpu.memref_slice %arg12[%dma_wait3A_494, %dma_wait3A_495, %dma_wait3A_496] : memref<10x40x64xf32, #tpu.memory_space<vmem>> -> memref<1x40x64xf32, #tpu.memory_space<vmem>>
      %dma_wait3A_498 = tpu.memref_squeeze %dma_wait3A_497 : memref<1x40x64xf32, #tpu.memory_space<vmem>> -> memref<40x64xf32, #tpu.memory_space<vmem>>
      %dma_wait3A_499 = arith.constant 0 : i32
      %dma_wait3A_500 = tpu.memref_slice %arg10[%dma_wait3A_499] : memref<20000xi32, #tpu.memory_space<vmem>> -> memref<40xi32, #tpu.memory_space<vmem>>
      %dma_wait3A_501 = arith.constant 0 : i32
      %dma_wait3A_502 = arith.constant 0 : i32
      %dma_wait3A_503 = tpu.memref_slice %arg2[%dma_wait3A_501, %dma_wait3A_502] : memref<20000x64xf32, #tpu.memory_space<hbm>> -> memref<20000x64xf32, #tpu.memory_space<hbm>>
      tpu.wait_indirect_dma semaphore(%arg21 : memref<!tpu.dma_semaphore, #tpu.memory_space<semaphore_mem>>) src(%dma_wait3A_503 : memref<20000x64xf32, #tpu.memory_space<hbm>>) dst(%dma_wait3A_498 : memref<40x64xf32, #tpu.memory_space<vmem>>)
      %mul3A_504 = arith.constant 40 : i32
      %mul3A_505 = arith.muli %add3A_493, %mul3A_504 : i32
      %dma_start3A_506 = arith.constant 6 : i32
      %dma_start3A_507 = arith.constant 0 : i32
      %dma_start3A_508 = arith.constant 0 : i32
      %dma_start3A_509 = tpu.memref_slice %arg12[%dma_start3A_506, %dma_start3A_507, %dma_start3A_508] : memref<10x40x64xf32, #tpu.memory_space<vmem>> -> memref<1x40x64xf32, #tpu.memory_space<vmem>>
      %dma_start3A_510 = tpu.memref_squeeze %dma_start3A_509 : memref<1x40x64xf32, #tpu.memory_space<vmem>> -> memref<40x64xf32, #tpu.memory_space<vmem>>
      %dma_start3A_511 = tpu.memref_slice %arg11[%mul3A_505] : memref<20000xi32, #tpu.memory_space<vmem>> -> memref<40xi32, #tpu.memory_space<vmem>>
      %dma_start3A_512 = arith.constant 0 : i32
      %dma_start3A_513 = arith.constant 0 : i32
      %dma_start3A_514 = tpu.memref_slice %arg14[%dma_start3A_512, %dma_start3A_513] : memref<10240x64xf32, #tpu.memory_space<vmem_shared>> -> memref<10240x64xf32, #tpu.memory_space<vmem_shared>>
      tpu.enqueue_indirect_dma source(%dma_start3A_510 : memref<40x64xf32, #tpu.memory_space<vmem>>) target(%dma_start3A_514 : memref<10240x64xf32, #tpu.memory_space<vmem_shared>>) offsets(%dma_start3A_511 : memref<40xi32, #tpu.memory_space<vmem>>) semaphore(%arg31 : memref<!tpu.dma_semaphore, #tpu.memory_space<semaphore_mem>>) {add = true}
      %eq3A_515 = arith.constant 0 : i32
      %eq3A_516 = arith.cmpi eq, %arg0, %eq3A_515 : i32
      %convert_element_type3A_517 = arith.extui %eq3A_516 : i1 to i32
      %cond3A_518 = arith.constant 0 : i32
      %cond3A_519 = arith.cmpi ne, %convert_element_type3A_517, %cond3A_518 : i32
      scf.if %cond3A_519 {
        %mul3A_638 = arith.constant 40 : i32
        %mul3A_639 = arith.muli %add3A_493, %mul3A_638 : i32
        %dma_start3A_640 = tpu.memref_slice %arg11[%mul3A_639] : memref<20000xi32, #tpu.memory_space<vmem>> -> memref<40xi32, #tpu.memory_space<vmem>>
        %dma_start3A_641 = arith.constant 0 : i32
        %dma_start3A_642 = arith.constant 0 : i32
        %dma_start3A_643 = tpu.memref_slice %arg36[%dma_start3A_641, %dma_start3A_642] : memref<10240x16xf32, #tpu.memory_space<vmem_shared>> -> memref<10240x16xf32, #tpu.memory_space<vmem_shared>>
        tpu.enqueue_indirect_dma source(%arg35 : memref<40x16xf32, #tpu.memory_space<vmem>>) target(%dma_start3A_643 : memref<10240x16xf32, #tpu.memory_space<vmem_shared>>) offsets(%dma_start3A_640 : memref<40xi32, #tpu.memory_space<vmem>>) semaphore(%arg37 : memref<!tpu.dma_semaphore, #tpu.memory_space<semaphore_mem>>) {add = true}
      } else {
      }
      %add3A_520 = arith.constant 9 : i32
      %add3A_521 = arith.addi %add3A_493, %add3A_520 : i32
      %lt3A_522 = arith.constant 500 : i32
      %lt3A_523 = arith.cmpi slt, %add3A_521, %lt3A_522 : i32
      %convert_element_type3A_524 = arith.extui %lt3A_523 : i1 to i32
      %cond3A_525 = arith.constant 0 : i32
      %cond3A_526 = arith.cmpi ne, %convert_element_type3A_524, %cond3A_525 : i32
      scf.if %cond3A_526 {
        %ge3A = arith.constant 10 : i32
        %ge3A_638 = arith.cmpi sge, %add3A_521, %ge3A : i32
        %convert_element_type3A_639 = arith.extui %ge3A_638 : i1 to i32
        %cond3A_640 = arith.constant 0 : i32
        %cond3A_641 = arith.cmpi ne, %convert_element_type3A_639, %cond3A_640 : i32
        scf.if %cond3A_641 {
          %dma_wait3A_653 = arith.constant 5 : i32
          %dma_wait3A_654 = arith.constant 0 : i32
          %dma_wait3A_655 = arith.constant 0 : i32
          %dma_wait3A_656 = tpu.memref_slice %arg12[%dma_wait3A_653, %dma_wait3A_654, %dma_wait3A_655] : memref<10x40x64xf32, #tpu.memory_space<vmem>> -> memref<1x40x64xf32, #tpu.memory_space<vmem>>
          %dma_wait3A_657 = tpu.memref_squeeze %dma_wait3A_656 : memref<1x40x64xf32, #tpu.memory_space<vmem>> -> memref<40x64xf32, #tpu.memory_space<vmem>>
          %dma_wait3A_658 = arith.constant 0 : i32
          %dma_wait3A_659 = tpu.memref_slice %arg11[%dma_wait3A_658] : memref<20000xi32, #tpu.memory_space<vmem>> -> memref<40xi32, #tpu.memory_space<vmem>>
          %dma_wait3A_660 = arith.constant 0 : i32
          %dma_wait3A_661 = arith.constant 0 : i32
          %dma_wait3A_662 = tpu.memref_slice %arg14[%dma_wait3A_660, %dma_wait3A_661] : memref<10240x64xf32, #tpu.memory_space<vmem_shared>> -> memref<10240x64xf32, #tpu.memory_space<vmem_shared>>
          tpu.wait_indirect_dma semaphore(%arg30 : memref<!tpu.dma_semaphore, #tpu.memory_space<semaphore_mem>>) src(%dma_wait3A_657 : memref<40x64xf32, #tpu.memory_space<vmem>>) dst(%dma_wait3A_662 : memref<10240x64xf32, #tpu.memory_space<vmem_shared>>)
          %eq3A_663 = arith.constant 0 : i32
          %eq3A_664 = arith.cmpi eq, %arg0, %eq3A_663 : i32
          %convert_element_type3A_665 = arith.extui %eq3A_664 : i1 to i32
          %cond3A_666 = arith.constant 0 : i32
          %cond3A_667 = arith.cmpi ne, %convert_element_type3A_665, %cond3A_666 : i32
          scf.if %cond3A_667 {
            %dma_wait3A_668 = arith.constant 0 : i32
            %dma_wait3A_669 = tpu.memref_slice %arg11[%dma_wait3A_668] : memref<20000xi32, #tpu.memory_space<vmem>> -> memref<40xi32, #tpu.memory_space<vmem>>
            %dma_wait3A_670 = arith.constant 0 : i32
            %dma_wait3A_671 = arith.constant 0 : i32
            %dma_wait3A_672 = tpu.memref_slice %arg36[%dma_wait3A_670, %dma_wait3A_671] : memref<10240x16xf32, #tpu.memory_space<vmem_shared>> -> memref<10240x16xf32, #tpu.memory_space<vmem_shared>>
            tpu.wait_indirect_dma semaphore(%arg37 : memref<!tpu.dma_semaphore, #tpu.memory_space<semaphore_mem>>) src(%arg35 : memref<40x16xf32, #tpu.memory_space<vmem>>) dst(%dma_wait3A_672 : memref<10240x16xf32, #tpu.memory_space<vmem_shared>>)
          } else {
          }
        } else {
        }
        %mul3A_642 = arith.constant 40 : i32
        %mul3A_643 = arith.muli %add3A_521, %mul3A_642 : i32
        %dma_start3A_644 = arith.constant 5 : i32
        %dma_start3A_645 = arith.constant 0 : i32
        %dma_start3A_646 = arith.constant 0 : i32
        %dma_start3A_647 = tpu.memref_slice %arg12[%dma_start3A_644, %dma_start3A_645, %dma_start3A_646] : memref<10x40x64xf32, #tpu.memory_space<vmem>> -> memref<1x40x64xf32, #tpu.memory_space<vmem>>
        %dma_start3A_648 = tpu.memref_squeeze %dma_start3A_647 : memref<1x40x64xf32, #tpu.memory_space<vmem>> -> memref<40x64xf32, #tpu.memory_space<vmem>>
        %dma_start3A_649 = tpu.memref_slice %arg10[%mul3A_643] : memref<20000xi32, #tpu.memory_space<vmem>> -> memref<40xi32, #tpu.memory_space<vmem>>
        %dma_start3A_650 = arith.constant 0 : i32
        %dma_start3A_651 = arith.constant 0 : i32
        %dma_start3A_652 = tpu.memref_slice %arg2[%dma_start3A_650, %dma_start3A_651] : memref<20000x64xf32, #tpu.memory_space<hbm>> -> memref<20000x64xf32, #tpu.memory_space<hbm>>
        tpu.enqueue_indirect_dma source(%dma_start3A_652 : memref<20000x64xf32, #tpu.memory_space<hbm>>) target(%dma_start3A_648 : memref<40x64xf32, #tpu.memory_space<vmem>>) offsets(%dma_start3A_649 : memref<40xi32, #tpu.memory_space<vmem>>) semaphore(%arg20 : memref<!tpu.dma_semaphore, #tpu.memory_space<semaphore_mem>>)
      } else {
      }
      %mul3A_527 = arith.constant 10 : i32
      %mul3A_528 = arith.muli %scan3A_268, %mul3A_527 : i32
      %add3A_529 = arith.constant 7 : i32
      %add3A_530 = arith.addi %mul3A_528, %add3A_529 : i32
      %dma_wait3A_531 = arith.constant 7 : i32
      %dma_wait3A_532 = arith.constant 0 : i32
      %dma_wait3A_533 = arith.constant 0 : i32
      %dma_wait3A_534 = tpu.memref_slice %arg12[%dma_wait3A_531, %dma_wait3A_532, %dma_wait3A_533] : memref<10x40x64xf32, #tpu.memory_space<vmem>> -> memref<1x40x64xf32, #tpu.memory_space<vmem>>
      %dma_wait3A_535 = tpu.memref_squeeze %dma_wait3A_534 : memref<1x40x64xf32, #tpu.memory_space<vmem>> -> memref<40x64xf32, #tpu.memory_space<vmem>>
      %dma_wait3A_536 = arith.constant 0 : i32
      %dma_wait3A_537 = tpu.memref_slice %arg10[%dma_wait3A_536] : memref<20000xi32, #tpu.memory_space<vmem>> -> memref<40xi32, #tpu.memory_space<vmem>>
      %dma_wait3A_538 = arith.constant 0 : i32
      %dma_wait3A_539 = arith.constant 0 : i32
      %dma_wait3A_540 = tpu.memref_slice %arg2[%dma_wait3A_538, %dma_wait3A_539] : memref<20000x64xf32, #tpu.memory_space<hbm>> -> memref<20000x64xf32, #tpu.memory_space<hbm>>
      tpu.wait_indirect_dma semaphore(%arg22 : memref<!tpu.dma_semaphore, #tpu.memory_space<semaphore_mem>>) src(%dma_wait3A_540 : memref<20000x64xf32, #tpu.memory_space<hbm>>) dst(%dma_wait3A_535 : memref<40x64xf32, #tpu.memory_space<vmem>>)
      %mul3A_541 = arith.constant 40 : i32
      %mul3A_542 = arith.muli %add3A_530, %mul3A_541 : i32
      %dma_start3A_543 = arith.constant 7 : i32
      %dma_start3A_544 = arith.constant 0 : i32
      %dma_start3A_545 = arith.constant 0 : i32
      %dma_start3A_546 = tpu.memref_slice %arg12[%dma_start3A_543, %dma_start3A_544, %dma_start3A_545] : memref<10x40x64xf32, #tpu.memory_space<vmem>> -> memref<1x40x64xf32, #tpu.memory_space<vmem>>
      %dma_start3A_547 = tpu.memref_squeeze %dma_start3A_546 : memref<1x40x64xf32, #tpu.memory_space<vmem>> -> memref<40x64xf32, #tpu.memory_space<vmem>>
      %dma_start3A_548 = tpu.memref_slice %arg11[%mul3A_542] : memref<20000xi32, #tpu.memory_space<vmem>> -> memref<40xi32, #tpu.memory_space<vmem>>
      %dma_start3A_549 = arith.constant 0 : i32
      %dma_start3A_550 = arith.constant 0 : i32
      %dma_start3A_551 = tpu.memref_slice %arg14[%dma_start3A_549, %dma_start3A_550] : memref<10240x64xf32, #tpu.memory_space<vmem_shared>> -> memref<10240x64xf32, #tpu.memory_space<vmem_shared>>
      tpu.enqueue_indirect_dma source(%dma_start3A_547 : memref<40x64xf32, #tpu.memory_space<vmem>>) target(%dma_start3A_551 : memref<10240x64xf32, #tpu.memory_space<vmem_shared>>) offsets(%dma_start3A_548 : memref<40xi32, #tpu.memory_space<vmem>>) semaphore(%arg32 : memref<!tpu.dma_semaphore, #tpu.memory_space<semaphore_mem>>) {add = true}
      %eq3A_552 = arith.constant 0 : i32
      %eq3A_553 = arith.cmpi eq, %arg0, %eq3A_552 : i32
      %convert_element_type3A_554 = arith.extui %eq3A_553 : i1 to i32
      %cond3A_555 = arith.constant 0 : i32
      %cond3A_556 = arith.cmpi ne, %convert_element_type3A_554, %cond3A_555 : i32
      scf.if %cond3A_556 {
        %mul3A_638 = arith.constant 40 : i32
        %mul3A_639 = arith.muli %add3A_530, %mul3A_638 : i32
        %dma_start3A_640 = tpu.memref_slice %arg11[%mul3A_639] : memref<20000xi32, #tpu.memory_space<vmem>> -> memref<40xi32, #tpu.memory_space<vmem>>
        %dma_start3A_641 = arith.constant 0 : i32
        %dma_start3A_642 = arith.constant 0 : i32
        %dma_start3A_643 = tpu.memref_slice %arg36[%dma_start3A_641, %dma_start3A_642] : memref<10240x16xf32, #tpu.memory_space<vmem_shared>> -> memref<10240x16xf32, #tpu.memory_space<vmem_shared>>
        tpu.enqueue_indirect_dma source(%arg35 : memref<40x16xf32, #tpu.memory_space<vmem>>) target(%dma_start3A_643 : memref<10240x16xf32, #tpu.memory_space<vmem_shared>>) offsets(%dma_start3A_640 : memref<40xi32, #tpu.memory_space<vmem>>) semaphore(%arg37 : memref<!tpu.dma_semaphore, #tpu.memory_space<semaphore_mem>>) {add = true}
      } else {
      }
      %add3A_557 = arith.constant 9 : i32
      %add3A_558 = arith.addi %add3A_530, %add3A_557 : i32
      %lt3A_559 = arith.constant 500 : i32
      %lt3A_560 = arith.cmpi slt, %add3A_558, %lt3A_559 : i32
      %convert_element_type3A_561 = arith.extui %lt3A_560 : i1 to i32
      %cond3A_562 = arith.constant 0 : i32
      %cond3A_563 = arith.cmpi ne, %convert_element_type3A_561, %cond3A_562 : i32
      scf.if %cond3A_563 {
        %ge3A = arith.constant 10 : i32
        %ge3A_638 = arith.cmpi sge, %add3A_558, %ge3A : i32
        %convert_element_type3A_639 = arith.extui %ge3A_638 : i1 to i32
        %cond3A_640 = arith.constant 0 : i32
        %cond3A_641 = arith.cmpi ne, %convert_element_type3A_639, %cond3A_640 : i32
        scf.if %cond3A_641 {
          %dma_wait3A_653 = arith.constant 6 : i32
          %dma_wait3A_654 = arith.constant 0 : i32
          %dma_wait3A_655 = arith.constant 0 : i32
          %dma_wait3A_656 = tpu.memref_slice %arg12[%dma_wait3A_653, %dma_wait3A_654, %dma_wait3A_655] : memref<10x40x64xf32, #tpu.memory_space<vmem>> -> memref<1x40x64xf32, #tpu.memory_space<vmem>>
          %dma_wait3A_657 = tpu.memref_squeeze %dma_wait3A_656 : memref<1x40x64xf32, #tpu.memory_space<vmem>> -> memref<40x64xf32, #tpu.memory_space<vmem>>
          %dma_wait3A_658 = arith.constant 0 : i32
          %dma_wait3A_659 = tpu.memref_slice %arg11[%dma_wait3A_658] : memref<20000xi32, #tpu.memory_space<vmem>> -> memref<40xi32, #tpu.memory_space<vmem>>
          %dma_wait3A_660 = arith.constant 0 : i32
          %dma_wait3A_661 = arith.constant 0 : i32
          %dma_wait3A_662 = tpu.memref_slice %arg14[%dma_wait3A_660, %dma_wait3A_661] : memref<10240x64xf32, #tpu.memory_space<vmem_shared>> -> memref<10240x64xf32, #tpu.memory_space<vmem_shared>>
          tpu.wait_indirect_dma semaphore(%arg31 : memref<!tpu.dma_semaphore, #tpu.memory_space<semaphore_mem>>) src(%dma_wait3A_657 : memref<40x64xf32, #tpu.memory_space<vmem>>) dst(%dma_wait3A_662 : memref<10240x64xf32, #tpu.memory_space<vmem_shared>>)
          %eq3A_663 = arith.constant 0 : i32
          %eq3A_664 = arith.cmpi eq, %arg0, %eq3A_663 : i32
          %convert_element_type3A_665 = arith.extui %eq3A_664 : i1 to i32
          %cond3A_666 = arith.constant 0 : i32
          %cond3A_667 = arith.cmpi ne, %convert_element_type3A_665, %cond3A_666 : i32
          scf.if %cond3A_667 {
            %dma_wait3A_668 = arith.constant 0 : i32
            %dma_wait3A_669 = tpu.memref_slice %arg11[%dma_wait3A_668] : memref<20000xi32, #tpu.memory_space<vmem>> -> memref<40xi32, #tpu.memory_space<vmem>>
            %dma_wait3A_670 = arith.constant 0 : i32
            %dma_wait3A_671 = arith.constant 0 : i32
            %dma_wait3A_672 = tpu.memref_slice %arg36[%dma_wait3A_670, %dma_wait3A_671] : memref<10240x16xf32, #tpu.memory_space<vmem_shared>> -> memref<10240x16xf32, #tpu.memory_space<vmem_shared>>
            tpu.wait_indirect_dma semaphore(%arg37 : memref<!tpu.dma_semaphore, #tpu.memory_space<semaphore_mem>>) src(%arg35 : memref<40x16xf32, #tpu.memory_space<vmem>>) dst(%dma_wait3A_672 : memref<10240x16xf32, #tpu.memory_space<vmem_shared>>)
          } else {
          }
        } else {
        }
        %mul3A_642 = arith.constant 40 : i32
        %mul3A_643 = arith.muli %add3A_558, %mul3A_642 : i32
        %dma_start3A_644 = arith.constant 6 : i32
        %dma_start3A_645 = arith.constant 0 : i32
        %dma_start3A_646 = arith.constant 0 : i32
        %dma_start3A_647 = tpu.memref_slice %arg12[%dma_start3A_644, %dma_start3A_645, %dma_start3A_646] : memref<10x40x64xf32, #tpu.memory_space<vmem>> -> memref<1x40x64xf32, #tpu.memory_space<vmem>>
        %dma_start3A_648 = tpu.memref_squeeze %dma_start3A_647 : memref<1x40x64xf32, #tpu.memory_space<vmem>> -> memref<40x64xf32, #tpu.memory_space<vmem>>
        %dma_start3A_649 = tpu.memref_slice %arg10[%mul3A_643] : memref<20000xi32, #tpu.memory_space<vmem>> -> memref<40xi32, #tpu.memory_space<vmem>>
        %dma_start3A_650 = arith.constant 0 : i32
        %dma_start3A_651 = arith.constant 0 : i32
        %dma_start3A_652 = tpu.memref_slice %arg2[%dma_start3A_650, %dma_start3A_651] : memref<20000x64xf32, #tpu.memory_space<hbm>> -> memref<20000x64xf32, #tpu.memory_space<hbm>>
        tpu.enqueue_indirect_dma source(%dma_start3A_652 : memref<20000x64xf32, #tpu.memory_space<hbm>>) target(%dma_start3A_648 : memref<40x64xf32, #tpu.memory_space<vmem>>) offsets(%dma_start3A_649 : memref<40xi32, #tpu.memory_space<vmem>>) semaphore(%arg21 : memref<!tpu.dma_semaphore, #tpu.memory_space<semaphore_mem>>)
      } else {
      }
      %mul3A_564 = arith.constant 10 : i32
      %mul3A_565 = arith.muli %scan3A_268, %mul3A_564 : i32
      %add3A_566 = arith.constant 8 : i32
      %add3A_567 = arith.addi %mul3A_565, %add3A_566 : i32
      %dma_wait3A_568 = arith.constant 8 : i32
      %dma_wait3A_569 = arith.constant 0 : i32
      %dma_wait3A_570 = arith.constant 0 : i32
      %dma_wait3A_571 = tpu.memref_slice %arg12[%dma_wait3A_568, %dma_wait3A_569, %dma_wait3A_570] : memref<10x40x64xf32, #tpu.memory_space<vmem>> -> memref<1x40x64xf32, #tpu.memory_space<vmem>>
      %dma_wait3A_572 = tpu.memref_squeeze %dma_wait3A_571 : memref<1x40x64xf32, #tpu.memory_space<vmem>> -> memref<40x64xf32, #tpu.memory_space<vmem>>
      %dma_wait3A_573 = arith.constant 0 : i32
      %dma_wait3A_574 = tpu.memref_slice %arg10[%dma_wait3A_573] : memref<20000xi32, #tpu.memory_space<vmem>> -> memref<40xi32, #tpu.memory_space<vmem>>
      %dma_wait3A_575 = arith.constant 0 : i32
      %dma_wait3A_576 = arith.constant 0 : i32
      %dma_wait3A_577 = tpu.memref_slice %arg2[%dma_wait3A_575, %dma_wait3A_576] : memref<20000x64xf32, #tpu.memory_space<hbm>> -> memref<20000x64xf32, #tpu.memory_space<hbm>>
      tpu.wait_indirect_dma semaphore(%arg23 : memref<!tpu.dma_semaphore, #tpu.memory_space<semaphore_mem>>) src(%dma_wait3A_577 : memref<20000x64xf32, #tpu.memory_space<hbm>>) dst(%dma_wait3A_572 : memref<40x64xf32, #tpu.memory_space<vmem>>)
      %mul3A_578 = arith.constant 40 : i32
      %mul3A_579 = arith.muli %add3A_567, %mul3A_578 : i32
      %dma_start3A_580 = arith.constant 8 : i32
      %dma_start3A_581 = arith.constant 0 : i32
      %dma_start3A_582 = arith.constant 0 : i32
      %dma_start3A_583 = tpu.memref_slice %arg12[%dma_start3A_580, %dma_start3A_581, %dma_start3A_582] : memref<10x40x64xf32, #tpu.memory_space<vmem>> -> memref<1x40x64xf32, #tpu.memory_space<vmem>>
      %dma_start3A_584 = tpu.memref_squeeze %dma_start3A_583 : memref<1x40x64xf32, #tpu.memory_space<vmem>> -> memref<40x64xf32, #tpu.memory_space<vmem>>
      %dma_start3A_585 = tpu.memref_slice %arg11[%mul3A_579] : memref<20000xi32, #tpu.memory_space<vmem>> -> memref<40xi32, #tpu.memory_space<vmem>>
      %dma_start3A_586 = arith.constant 0 : i32
      %dma_start3A_587 = arith.constant 0 : i32
      %dma_start3A_588 = tpu.memref_slice %arg14[%dma_start3A_586, %dma_start3A_587] : memref<10240x64xf32, #tpu.memory_space<vmem_shared>> -> memref<10240x64xf32, #tpu.memory_space<vmem_shared>>
      tpu.enqueue_indirect_dma source(%dma_start3A_584 : memref<40x64xf32, #tpu.memory_space<vmem>>) target(%dma_start3A_588 : memref<10240x64xf32, #tpu.memory_space<vmem_shared>>) offsets(%dma_start3A_585 : memref<40xi32, #tpu.memory_space<vmem>>) semaphore(%arg33 : memref<!tpu.dma_semaphore, #tpu.memory_space<semaphore_mem>>) {add = true}
      %eq3A_589 = arith.constant 0 : i32
      %eq3A_590 = arith.cmpi eq, %arg0, %eq3A_589 : i32
      %convert_element_type3A_591 = arith.extui %eq3A_590 : i1 to i32
      %cond3A_592 = arith.constant 0 : i32
      %cond3A_593 = arith.cmpi ne, %convert_element_type3A_591, %cond3A_592 : i32
      scf.if %cond3A_593 {
        %mul3A_638 = arith.constant 40 : i32
        %mul3A_639 = arith.muli %add3A_567, %mul3A_638 : i32
        %dma_start3A_640 = tpu.memref_slice %arg11[%mul3A_639] : memref<20000xi32, #tpu.memory_space<vmem>> -> memref<40xi32, #tpu.memory_space<vmem>>
        %dma_start3A_641 = arith.constant 0 : i32
        %dma_start3A_642 = arith.constant 0 : i32
        %dma_start3A_643 = tpu.memref_slice %arg36[%dma_start3A_641, %dma_start3A_642] : memref<10240x16xf32, #tpu.memory_space<vmem_shared>> -> memref<10240x16xf32, #tpu.memory_space<vmem_shared>>
        tpu.enqueue_indirect_dma source(%arg35 : memref<40x16xf32, #tpu.memory_space<vmem>>) target(%dma_start3A_643 : memref<10240x16xf32, #tpu.memory_space<vmem_shared>>) offsets(%dma_start3A_640 : memref<40xi32, #tpu.memory_space<vmem>>) semaphore(%arg37 : memref<!tpu.dma_semaphore, #tpu.memory_space<semaphore_mem>>) {add = true}
      } else {
      }
      %add3A_594 = arith.constant 9 : i32
      %add3A_595 = arith.addi %add3A_567, %add3A_594 : i32
      %lt3A_596 = arith.constant 500 : i32
      %lt3A_597 = arith.cmpi slt, %add3A_595, %lt3A_596 : i32
      %convert_element_type3A_598 = arith.extui %lt3A_597 : i1 to i32
      %cond3A_599 = arith.constant 0 : i32
      %cond3A_600 = arith.cmpi ne, %convert_element_type3A_598, %cond3A_599 : i32
      scf.if %cond3A_600 {
        %ge3A = arith.constant 10 : i32
        %ge3A_638 = arith.cmpi sge, %add3A_595, %ge3A : i32
        %convert_element_type3A_639 = arith.extui %ge3A_638 : i1 to i32
        %cond3A_640 = arith.constant 0 : i32
        %cond3A_641 = arith.cmpi ne, %convert_element_type3A_639, %cond3A_640 : i32
        scf.if %cond3A_641 {
          %dma_wait3A_653 = arith.constant 7 : i32
          %dma_wait3A_654 = arith.constant 0 : i32
          %dma_wait3A_655 = arith.constant 0 : i32
          %dma_wait3A_656 = tpu.memref_slice %arg12[%dma_wait3A_653, %dma_wait3A_654, %dma_wait3A_655] : memref<10x40x64xf32, #tpu.memory_space<vmem>> -> memref<1x40x64xf32, #tpu.memory_space<vmem>>
          %dma_wait3A_657 = tpu.memref_squeeze %dma_wait3A_656 : memref<1x40x64xf32, #tpu.memory_space<vmem>> -> memref<40x64xf32, #tpu.memory_space<vmem>>
          %dma_wait3A_658 = arith.constant 0 : i32
          %dma_wait3A_659 = tpu.memref_slice %arg11[%dma_wait3A_658] : memref<20000xi32, #tpu.memory_space<vmem>> -> memref<40xi32, #tpu.memory_space<vmem>>
          %dma_wait3A_660 = arith.constant 0 : i32
          %dma_wait3A_661 = arith.constant 0 : i32
          %dma_wait3A_662 = tpu.memref_slice %arg14[%dma_wait3A_660, %dma_wait3A_661] : memref<10240x64xf32, #tpu.memory_space<vmem_shared>> -> memref<10240x64xf32, #tpu.memory_space<vmem_shared>>
          tpu.wait_indirect_dma semaphore(%arg32 : memref<!tpu.dma_semaphore, #tpu.memory_space<semaphore_mem>>) src(%dma_wait3A_657 : memref<40x64xf32, #tpu.memory_space<vmem>>) dst(%dma_wait3A_662 : memref<10240x64xf32, #tpu.memory_space<vmem_shared>>)
          %eq3A_663 = arith.constant 0 : i32
          %eq3A_664 = arith.cmpi eq, %arg0, %eq3A_663 : i32
          %convert_element_type3A_665 = arith.extui %eq3A_664 : i1 to i32
          %cond3A_666 = arith.constant 0 : i32
          %cond3A_667 = arith.cmpi ne, %convert_element_type3A_665, %cond3A_666 : i32
          scf.if %cond3A_667 {
            %dma_wait3A_668 = arith.constant 0 : i32
            %dma_wait3A_669 = tpu.memref_slice %arg11[%dma_wait3A_668] : memref<20000xi32, #tpu.memory_space<vmem>> -> memref<40xi32, #tpu.memory_space<vmem>>
            %dma_wait3A_670 = arith.constant 0 : i32
            %dma_wait3A_671 = arith.constant 0 : i32
            %dma_wait3A_672 = tpu.memref_slice %arg36[%dma_wait3A_670, %dma_wait3A_671] : memref<10240x16xf32, #tpu.memory_space<vmem_shared>> -> memref<10240x16xf32, #tpu.memory_space<vmem_shared>>
            tpu.wait_indirect_dma semaphore(%arg37 : memref<!tpu.dma_semaphore, #tpu.memory_space<semaphore_mem>>) src(%arg35 : memref<40x16xf32, #tpu.memory_space<vmem>>) dst(%dma_wait3A_672 : memref<10240x16xf32, #tpu.memory_space<vmem_shared>>)
          } else {
          }
        } else {
        }
        %mul3A_642 = arith.constant 40 : i32
        %mul3A_643 = arith.muli %add3A_595, %mul3A_642 : i32
        %dma_start3A_644 = arith.constant 7 : i32
        %dma_start3A_645 = arith.constant 0 : i32
        %dma_start3A_646 = arith.constant 0 : i32
        %dma_start3A_647 = tpu.memref_slice %arg12[%dma_start3A_644, %dma_start3A_645, %dma_start3A_646] : memref<10x40x64xf32, #tpu.memory_space<vmem>> -> memref<1x40x64xf32, #tpu.memory_space<vmem>>
        %dma_start3A_648 = tpu.memref_squeeze %dma_start3A_647 : memref<1x40x64xf32, #tpu.memory_space<vmem>> -> memref<40x64xf32, #tpu.memory_space<vmem>>
        %dma_start3A_649 = tpu.memref_slice %arg10[%mul3A_643] : memref<20000xi32, #tpu.memory_space<vmem>> -> memref<40xi32, #tpu.memory_space<vmem>>
        %dma_start3A_650 = arith.constant 0 : i32
        %dma_start3A_651 = arith.constant 0 : i32
        %dma_start3A_652 = tpu.memref_slice %arg2[%dma_start3A_650, %dma_start3A_651] : memref<20000x64xf32, #tpu.memory_space<hbm>> -> memref<20000x64xf32, #tpu.memory_space<hbm>>
        tpu.enqueue_indirect_dma source(%dma_start3A_652 : memref<20000x64xf32, #tpu.memory_space<hbm>>) target(%dma_start3A_648 : memref<40x64xf32, #tpu.memory_space<vmem>>) offsets(%dma_start3A_649 : memref<40xi32, #tpu.memory_space<vmem>>) semaphore(%arg22 : memref<!tpu.dma_semaphore, #tpu.memory_space<semaphore_mem>>)
      } else {
      }
      %mul3A_601 = arith.constant 10 : i32
      %mul3A_602 = arith.muli %scan3A_268, %mul3A_601 : i32
      %add3A_603 = arith.constant 9 : i32
      %add3A_604 = arith.addi %mul3A_602, %add3A_603 : i32
      %dma_wait3A_605 = arith.constant 9 : i32
      %dma_wait3A_606 = arith.constant 0 : i32
      %dma_wait3A_607 = arith.constant 0 : i32
      %dma_wait3A_608 = tpu.memref_slice %arg12[%dma_wait3A_605, %dma_wait3A_606, %dma_wait3A_607] : memref<10x40x64xf32, #tpu.memory_space<vmem>> -> memref<1x40x64xf32, #tpu.memory_space<vmem>>
      %dma_wait3A_609 = tpu.memref_squeeze %dma_wait3A_608 : memref<1x40x64xf32, #tpu.memory_space<vmem>> -> memref<40x64xf32, #tpu.memory_space<vmem>>
      %dma_wait3A_610 = arith.constant 0 : i32
      %dma_wait3A_611 = tpu.memref_slice %arg10[%dma_wait3A_610] : memref<20000xi32, #tpu.memory_space<vmem>> -> memref<40xi32, #tpu.memory_space<vmem>>
      %dma_wait3A_612 = arith.constant 0 : i32
      %dma_wait3A_613 = arith.constant 0 : i32
      %dma_wait3A_614 = tpu.memref_slice %arg2[%dma_wait3A_612, %dma_wait3A_613] : memref<20000x64xf32, #tpu.memory_space<hbm>> -> memref<20000x64xf32, #tpu.memory_space<hbm>>
      tpu.wait_indirect_dma semaphore(%arg24 : memref<!tpu.dma_semaphore, #tpu.memory_space<semaphore_mem>>) src(%dma_wait3A_614 : memref<20000x64xf32, #tpu.memory_space<hbm>>) dst(%dma_wait3A_609 : memref<40x64xf32, #tpu.memory_space<vmem>>)
      %mul3A_615 = arith.constant 40 : i32
      %mul3A_616 = arith.muli %add3A_604, %mul3A_615 : i32
      %dma_start3A_617 = arith.constant 9 : i32
      %dma_start3A_618 = arith.constant 0 : i32
      %dma_start3A_619 = arith.constant 0 : i32
      %dma_start3A_620 = tpu.memref_slice %arg12[%dma_start3A_617, %dma_start3A_618, %dma_start3A_619] : memref<10x40x64xf32, #tpu.memory_space<vmem>> -> memref<1x40x64xf32, #tpu.memory_space<vmem>>
      %dma_start3A_621 = tpu.memref_squeeze %dma_start3A_620 : memref<1x40x64xf32, #tpu.memory_space<vmem>> -> memref<40x64xf32, #tpu.memory_space<vmem>>
      %dma_start3A_622 = tpu.memref_slice %arg11[%mul3A_616] : memref<20000xi32, #tpu.memory_space<vmem>> -> memref<40xi32, #tpu.memory_space<vmem>>
      %dma_start3A_623 = arith.constant 0 : i32
      %dma_start3A_624 = arith.constant 0 : i32
      %dma_start3A_625 = tpu.memref_slice %arg14[%dma_start3A_623, %dma_start3A_624] : memref<10240x64xf32, #tpu.memory_space<vmem_shared>> -> memref<10240x64xf32, #tpu.memory_space<vmem_shared>>
      tpu.enqueue_indirect_dma source(%dma_start3A_621 : memref<40x64xf32, #tpu.memory_space<vmem>>) target(%dma_start3A_625 : memref<10240x64xf32, #tpu.memory_space<vmem_shared>>) offsets(%dma_start3A_622 : memref<40xi32, #tpu.memory_space<vmem>>) semaphore(%arg34 : memref<!tpu.dma_semaphore, #tpu.memory_space<semaphore_mem>>) {add = true}
      %eq3A_626 = arith.constant 0 : i32
      %eq3A_627 = arith.cmpi eq, %arg0, %eq3A_626 : i32
      %convert_element_type3A_628 = arith.extui %eq3A_627 : i1 to i32
      %cond3A_629 = arith.constant 0 : i32
      %cond3A_630 = arith.cmpi ne, %convert_element_type3A_628, %cond3A_629 : i32
      scf.if %cond3A_630 {
        %mul3A_638 = arith.constant 40 : i32
        %mul3A_639 = arith.muli %add3A_604, %mul3A_638 : i32
        %dma_start3A_640 = tpu.memref_slice %arg11[%mul3A_639] : memref<20000xi32, #tpu.memory_space<vmem>> -> memref<40xi32, #tpu.memory_space<vmem>>
        %dma_start3A_641 = arith.constant 0 : i32
        %dma_start3A_642 = arith.constant 0 : i32
        %dma_start3A_643 = tpu.memref_slice %arg36[%dma_start3A_641, %dma_start3A_642] : memref<10240x16xf32, #tpu.memory_space<vmem_shared>> -> memref<10240x16xf32, #tpu.memory_space<vmem_shared>>
        tpu.enqueue_indirect_dma source(%arg35 : memref<40x16xf32, #tpu.memory_space<vmem>>) target(%dma_start3A_643 : memref<10240x16xf32, #tpu.memory_space<vmem_shared>>) offsets(%dma_start3A_640 : memref<40xi32, #tpu.memory_space<vmem>>) semaphore(%arg37 : memref<!tpu.dma_semaphore, #tpu.memory_space<semaphore_mem>>) {add = true}
      } else {
      }
      %add3A_631 = arith.constant 9 : i32
      %add3A_632 = arith.addi %add3A_604, %add3A_631 : i32
      %lt3A_633 = arith.constant 500 : i32
      %lt3A_634 = arith.cmpi slt, %add3A_632, %lt3A_633 : i32
      %convert_element_type3A_635 = arith.extui %lt3A_634 : i1 to i32
      %cond3A_636 = arith.constant 0 : i32
      %cond3A_637 = arith.cmpi ne, %convert_element_type3A_635, %cond3A_636 : i32
      scf.if %cond3A_637 {
        %ge3A = arith.constant 10 : i32
        %ge3A_638 = arith.cmpi sge, %add3A_632, %ge3A : i32
        %convert_element_type3A_639 = arith.extui %ge3A_638 : i1 to i32
        %cond3A_640 = arith.constant 0 : i32
        %cond3A_641 = arith.cmpi ne, %convert_element_type3A_639, %cond3A_640 : i32
        scf.if %cond3A_641 {
          %dma_wait3A_653 = arith.constant 8 : i32
          %dma_wait3A_654 = arith.constant 0 : i32
          %dma_wait3A_655 = arith.constant 0 : i32
          %dma_wait3A_656 = tpu.memref_slice %arg12[%dma_wait3A_653, %dma_wait3A_654, %dma_wait3A_655] : memref<10x40x64xf32, #tpu.memory_space<vmem>> -> memref<1x40x64xf32, #tpu.memory_space<vmem>>
          %dma_wait3A_657 = tpu.memref_squeeze %dma_wait3A_656 : memref<1x40x64xf32, #tpu.memory_space<vmem>> -> memref<40x64xf32, #tpu.memory_space<vmem>>
          %dma_wait3A_658 = arith.constant 0 : i32
          %dma_wait3A_659 = tpu.memref_slice %arg11[%dma_wait3A_658] : memref<20000xi32, #tpu.memory_space<vmem>> -> memref<40xi32, #tpu.memory_space<vmem>>
          %dma_wait3A_660 = arith.constant 0 : i32
          %dma_wait3A_661 = arith.constant 0 : i32
          %dma_wait3A_662 = tpu.memref_slice %arg14[%dma_wait3A_660, %dma_wait3A_661] : memref<10240x64xf32, #tpu.memory_space<vmem_shared>> -> memref<10240x64xf32, #tpu.memory_space<vmem_shared>>
          tpu.wait_indirect_dma semaphore(%arg33 : memref<!tpu.dma_semaphore, #tpu.memory_space<semaphore_mem>>) src(%dma_wait3A_657 : memref<40x64xf32, #tpu.memory_space<vmem>>) dst(%dma_wait3A_662 : memref<10240x64xf32, #tpu.memory_space<vmem_shared>>)
          %eq3A_663 = arith.constant 0 : i32
          %eq3A_664 = arith.cmpi eq, %arg0, %eq3A_663 : i32
          %convert_element_type3A_665 = arith.extui %eq3A_664 : i1 to i32
          %cond3A_666 = arith.constant 0 : i32
          %cond3A_667 = arith.cmpi ne, %convert_element_type3A_665, %cond3A_666 : i32
          scf.if %cond3A_667 {
            %dma_wait3A_668 = arith.constant 0 : i32
            %dma_wait3A_669 = tpu.memref_slice %arg11[%dma_wait3A_668] : memref<20000xi32, #tpu.memory_space<vmem>> -> memref<40xi32, #tpu.memory_space<vmem>>
            %dma_wait3A_670 = arith.constant 0 : i32
            %dma_wait3A_671 = arith.constant 0 : i32
            %dma_wait3A_672 = tpu.memref_slice %arg36[%dma_wait3A_670, %dma_wait3A_671] : memref<10240x16xf32, #tpu.memory_space<vmem_shared>> -> memref<10240x16xf32, #tpu.memory_space<vmem_shared>>
            tpu.wait_indirect_dma semaphore(%arg37 : memref<!tpu.dma_semaphore, #tpu.memory_space<semaphore_mem>>) src(%arg35 : memref<40x16xf32, #tpu.memory_space<vmem>>) dst(%dma_wait3A_672 : memref<10240x16xf32, #tpu.memory_space<vmem_shared>>)
          } else {
          }
        } else {
        }
        %mul3A_642 = arith.constant 40 : i32
        %mul3A_643 = arith.muli %add3A_632, %mul3A_642 : i32
        %dma_start3A_644 = arith.constant 8 : i32
        %dma_start3A_645 = arith.constant 0 : i32
        %dma_start3A_646 = arith.constant 0 : i32
        %dma_start3A_647 = tpu.memref_slice %arg12[%dma_start3A_644, %dma_start3A_645, %dma_start3A_646] : memref<10x40x64xf32, #tpu.memory_space<vmem>> -> memref<1x40x64xf32, #tpu.memory_space<vmem>>
        %dma_start3A_648 = tpu.memref_squeeze %dma_start3A_647 : memref<1x40x64xf32, #tpu.memory_space<vmem>> -> memref<40x64xf32, #tpu.memory_space<vmem>>
        %dma_start3A_649 = tpu.memref_slice %arg10[%mul3A_643] : memref<20000xi32, #tpu.memory_space<vmem>> -> memref<40xi32, #tpu.memory_space<vmem>>
        %dma_start3A_650 = arith.constant 0 : i32
        %dma_start3A_651 = arith.constant 0 : i32
        %dma_start3A_652 = tpu.memref_slice %arg2[%dma_start3A_650, %dma_start3A_651] : memref<20000x64xf32, #tpu.memory_space<hbm>> -> memref<20000x64xf32, #tpu.memory_space<hbm>>
        tpu.enqueue_indirect_dma source(%dma_start3A_652 : memref<20000x64xf32, #tpu.memory_space<hbm>>) target(%dma_start3A_648 : memref<40x64xf32, #tpu.memory_space<vmem>>) offsets(%dma_start3A_649 : memref<40xi32, #tpu.memory_space<vmem>>) semaphore(%arg23 : memref<!tpu.dma_semaphore, #tpu.memory_space<semaphore_mem>>)
      } else {
      }
    }
    %scan3A_112 = arith.constant 50 : i32
    %dma_wait3A = arith.constant 0 : i32
    %dma_wait3A_113 = arith.constant 0 : i32
    %dma_wait3A_114 = arith.constant 0 : i32
    %dma_wait3A_115 = tpu.memref_slice %arg12[%dma_wait3A, %dma_wait3A_113, %dma_wait3A_114] : memref<10x40x64xf32, #tpu.memory_space<vmem>> -> memref<1x40x64xf32, #tpu.memory_space<vmem>>
    %dma_wait3A_116 = tpu.memref_squeeze %dma_wait3A_115 : memref<1x40x64xf32, #tpu.memory_space<vmem>> -> memref<40x64xf32, #tpu.memory_space<vmem>>
    %dma_wait3A_117 = arith.constant 0 : i32
    %dma_wait3A_118 = tpu.memref_slice %arg11[%dma_wait3A_117] : memref<20000xi32, #tpu.memory_space<vmem>> -> memref<40xi32, #tpu.memory_space<vmem>>
    %dma_wait3A_119 = arith.constant 0 : i32
    %dma_wait3A_120 = arith.constant 0 : i32
    %dma_wait3A_121 = tpu.memref_slice %arg14[%dma_wait3A_119, %dma_wait3A_120] : memref<10240x64xf32, #tpu.memory_space<vmem_shared>> -> memref<10240x64xf32, #tpu.memory_space<vmem_shared>>
    tpu.wait_indirect_dma semaphore(%arg25 : memref<!tpu.dma_semaphore, #tpu.memory_space<semaphore_mem>>) src(%dma_wait3A_116 : memref<40x64xf32, #tpu.memory_space<vmem>>) dst(%dma_wait3A_121 : memref<10240x64xf32, #tpu.memory_space<vmem_shared>>)
    %eq3A_122 = arith.constant 0 : i32
    %eq3A_123 = arith.cmpi eq, %arg0, %eq3A_122 : i32
    %convert_element_type3A_124 = arith.extui %eq3A_123 : i1 to i32
    %cond3A_125 = arith.constant 0 : i32
    %cond3A_126 = arith.cmpi ne, %convert_element_type3A_124, %cond3A_125 : i32
    scf.if %cond3A_126 {
      %dma_wait3A_268 = arith.constant 0 : i32
      %dma_wait3A_269 = tpu.memref_slice %arg11[%dma_wait3A_268] : memref<20000xi32, #tpu.memory_space<vmem>> -> memref<40xi32, #tpu.memory_space<vmem>>
      %dma_wait3A_270 = arith.constant 0 : i32
      %dma_wait3A_271 = arith.constant 0 : i32
      %dma_wait3A_272 = tpu.memref_slice %arg36[%dma_wait3A_270, %dma_wait3A_271] : memref<10240x16xf32, #tpu.memory_space<vmem_shared>> -> memref<10240x16xf32, #tpu.memory_space<vmem_shared>>
      tpu.wait_indirect_dma semaphore(%arg37 : memref<!tpu.dma_semaphore, #tpu.memory_space<semaphore_mem>>) src(%arg35 : memref<40x16xf32, #tpu.memory_space<vmem>>) dst(%dma_wait3A_272 : memref<10240x16xf32, #tpu.memory_space<vmem_shared>>)
    } else {
    }
    %dma_wait3A_127 = arith.constant 1 : i32
    %dma_wait3A_128 = arith.constant 0 : i32
    %dma_wait3A_129 = arith.constant 0 : i32
    %dma_wait3A_130 = tpu.memref_slice %arg12[%dma_wait3A_127, %dma_wait3A_128, %dma_wait3A_129] : memref<10x40x64xf32, #tpu.memory_space<vmem>> -> memref<1x40x64xf32, #tpu.memory_space<vmem>>
    %dma_wait3A_131 = tpu.memref_squeeze %dma_wait3A_130 : memref<1x40x64xf32, #tpu.memory_space<vmem>> -> memref<40x64xf32, #tpu.memory_space<vmem>>
    %dma_wait3A_132 = arith.constant 0 : i32
    %dma_wait3A_133 = tpu.memref_slice %arg11[%dma_wait3A_132] : memref<20000xi32, #tpu.memory_space<vmem>> -> memref<40xi32, #tpu.memory_space<vmem>>
    %dma_wait3A_134 = arith.constant 0 : i32
    %dma_wait3A_135 = arith.constant 0 : i32
    %dma_wait3A_136 = tpu.memref_slice %arg14[%dma_wait3A_134, %dma_wait3A_135] : memref<10240x64xf32, #tpu.memory_space<vmem_shared>> -> memref<10240x64xf32, #tpu.memory_space<vmem_shared>>
    tpu.wait_indirect_dma semaphore(%arg26 : memref<!tpu.dma_semaphore, #tpu.memory_space<semaphore_mem>>) src(%dma_wait3A_131 : memref<40x64xf32, #tpu.memory_space<vmem>>) dst(%dma_wait3A_136 : memref<10240x64xf32, #tpu.memory_space<vmem_shared>>)
    %eq3A_137 = arith.constant 0 : i32
    %eq3A_138 = arith.cmpi eq, %arg0, %eq3A_137 : i32
    %convert_element_type3A_139 = arith.extui %eq3A_138 : i1 to i32
    %cond3A_140 = arith.constant 0 : i32
    %cond3A_141 = arith.cmpi ne, %convert_element_type3A_139, %cond3A_140 : i32
    scf.if %cond3A_141 {
      %dma_wait3A_268 = arith.constant 0 : i32
      %dma_wait3A_269 = tpu.memref_slice %arg11[%dma_wait3A_268] : memref<20000xi32, #tpu.memory_space<vmem>> -> memref<40xi32, #tpu.memory_space<vmem>>
      %dma_wait3A_270 = arith.constant 0 : i32
      %dma_wait3A_271 = arith.constant 0 : i32
      %dma_wait3A_272 = tpu.memref_slice %arg36[%dma_wait3A_270, %dma_wait3A_271] : memref<10240x16xf32, #tpu.memory_space<vmem_shared>> -> memref<10240x16xf32, #tpu.memory_space<vmem_shared>>
      tpu.wait_indirect_dma semaphore(%arg37 : memref<!tpu.dma_semaphore, #tpu.memory_space<semaphore_mem>>) src(%arg35 : memref<40x16xf32, #tpu.memory_space<vmem>>) dst(%dma_wait3A_272 : memref<10240x16xf32, #tpu.memory_space<vmem_shared>>)
    } else {
    }
    %dma_wait3A_142 = arith.constant 2 : i32
    %dma_wait3A_143 = arith.constant 0 : i32
    %dma_wait3A_144 = arith.constant 0 : i32
    %dma_wait3A_145 = tpu.memref_slice %arg12[%dma_wait3A_142, %dma_wait3A_143, %dma_wait3A_144] : memref<10x40x64xf32, #tpu.memory_space<vmem>> -> memref<1x40x64xf32, #tpu.memory_space<vmem>>
    %dma_wait3A_146 = tpu.memref_squeeze %dma_wait3A_145 : memref<1x40x64xf32, #tpu.memory_space<vmem>> -> memref<40x64xf32, #tpu.memory_space<vmem>>
    %dma_wait3A_147 = arith.constant 0 : i32
    %dma_wait3A_148 = tpu.memref_slice %arg11[%dma_wait3A_147] : memref<20000xi32, #tpu.memory_space<vmem>> -> memref<40xi32, #tpu.memory_space<vmem>>
    %dma_wait3A_149 = arith.constant 0 : i32
    %dma_wait3A_150 = arith.constant 0 : i32
    %dma_wait3A_151 = tpu.memref_slice %arg14[%dma_wait3A_149, %dma_wait3A_150] : memref<10240x64xf32, #tpu.memory_space<vmem_shared>> -> memref<10240x64xf32, #tpu.memory_space<vmem_shared>>
    tpu.wait_indirect_dma semaphore(%arg27 : memref<!tpu.dma_semaphore, #tpu.memory_space<semaphore_mem>>) src(%dma_wait3A_146 : memref<40x64xf32, #tpu.memory_space<vmem>>) dst(%dma_wait3A_151 : memref<10240x64xf32, #tpu.memory_space<vmem_shared>>)
    %eq3A_152 = arith.constant 0 : i32
    %eq3A_153 = arith.cmpi eq, %arg0, %eq3A_152 : i32
    %convert_element_type3A_154 = arith.extui %eq3A_153 : i1 to i32
    %cond3A_155 = arith.constant 0 : i32
    %cond3A_156 = arith.cmpi ne, %convert_element_type3A_154, %cond3A_155 : i32
    scf.if %cond3A_156 {
      %dma_wait3A_268 = arith.constant 0 : i32
      %dma_wait3A_269 = tpu.memref_slice %arg11[%dma_wait3A_268] : memref<20000xi32, #tpu.memory_space<vmem>> -> memref<40xi32, #tpu.memory_space<vmem>>
      %dma_wait3A_270 = arith.constant 0 : i32
      %dma_wait3A_271 = arith.constant 0 : i32
      %dma_wait3A_272 = tpu.memref_slice %arg36[%dma_wait3A_270, %dma_wait3A_271] : memref<10240x16xf32, #tpu.memory_space<vmem_shared>> -> memref<10240x16xf32, #tpu.memory_space<vmem_shared>>
      tpu.wait_indirect_dma semaphore(%arg37 : memref<!tpu.dma_semaphore, #tpu.memory_space<semaphore_mem>>) src(%arg35 : memref<40x16xf32, #tpu.memory_space<vmem>>) dst(%dma_wait3A_272 : memref<10240x16xf32, #tpu.memory_space<vmem_shared>>)
    } else {
    }
    %dma_wait3A_157 = arith.constant 3 : i32
    %dma_wait3A_158 = arith.constant 0 : i32
    %dma_wait3A_159 = arith.constant 0 : i32
    %dma_wait3A_160 = tpu.memref_slice %arg12[%dma_wait3A_157, %dma_wait3A_158, %dma_wait3A_159] : memref<10x40x64xf32, #tpu.memory_space<vmem>> -> memref<1x40x64xf32, #tpu.memory_space<vmem>>
    %dma_wait3A_161 = tpu.memref_squeeze %dma_wait3A_160 : memref<1x40x64xf32, #tpu.memory_space<vmem>> -> memref<40x64xf32, #tpu.memory_space<vmem>>
    %dma_wait3A_162 = arith.constant 0 : i32
    %dma_wait3A_163 = tpu.memref_slice %arg11[%dma_wait3A_162] : memref<20000xi32, #tpu.memory_space<vmem>> -> memref<40xi32, #tpu.memory_space<vmem>>
    %dma_wait3A_164 = arith.constant 0 : i32
    %dma_wait3A_165 = arith.constant 0 : i32
    %dma_wait3A_166 = tpu.memref_slice %arg14[%dma_wait3A_164, %dma_wait3A_165] : memref<10240x64xf32, #tpu.memory_space<vmem_shared>> -> memref<10240x64xf32, #tpu.memory_space<vmem_shared>>
    tpu.wait_indirect_dma semaphore(%arg28 : memref<!tpu.dma_semaphore, #tpu.memory_space<semaphore_mem>>) src(%dma_wait3A_161 : memref<40x64xf32, #tpu.memory_space<vmem>>) dst(%dma_wait3A_166 : memref<10240x64xf32, #tpu.memory_space<vmem_shared>>)
    %eq3A_167 = arith.constant 0 : i32
    %eq3A_168 = arith.cmpi eq, %arg0, %eq3A_167 : i32
    %convert_element_type3A_169 = arith.extui %eq3A_168 : i1 to i32
    %cond3A_170 = arith.constant 0 : i32
    %cond3A_171 = arith.cmpi ne, %convert_element_type3A_169, %cond3A_170 : i32
    scf.if %cond3A_171 {
      %dma_wait3A_268 = arith.constant 0 : i32
      %dma_wait3A_269 = tpu.memref_slice %arg11[%dma_wait3A_268] : memref<20000xi32, #tpu.memory_space<vmem>> -> memref<40xi32, #tpu.memory_space<vmem>>
      %dma_wait3A_270 = arith.constant 0 : i32
      %dma_wait3A_271 = arith.constant 0 : i32
      %dma_wait3A_272 = tpu.memref_slice %arg36[%dma_wait3A_270, %dma_wait3A_271] : memref<10240x16xf32, #tpu.memory_space<vmem_shared>> -> memref<10240x16xf32, #tpu.memory_space<vmem_shared>>
      tpu.wait_indirect_dma semaphore(%arg37 : memref<!tpu.dma_semaphore, #tpu.memory_space<semaphore_mem>>) src(%arg35 : memref<40x16xf32, #tpu.memory_space<vmem>>) dst(%dma_wait3A_272 : memref<10240x16xf32, #tpu.memory_space<vmem_shared>>)
    } else {
    }
    %dma_wait3A_172 = arith.constant 4 : i32
    %dma_wait3A_173 = arith.constant 0 : i32
    %dma_wait3A_174 = arith.constant 0 : i32
    %dma_wait3A_175 = tpu.memref_slice %arg12[%dma_wait3A_172, %dma_wait3A_173, %dma_wait3A_174] : memref<10x40x64xf32, #tpu.memory_space<vmem>> -> memref<1x40x64xf32, #tpu.memory_space<vmem>>
    %dma_wait3A_176 = tpu.memref_squeeze %dma_wait3A_175 : memref<1x40x64xf32, #tpu.memory_space<vmem>> -> memref<40x64xf32, #tpu.memory_space<vmem>>
    %dma_wait3A_177 = arith.constant 0 : i32
    %dma_wait3A_178 = tpu.memref_slice %arg11[%dma_wait3A_177] : memref<20000xi32, #tpu.memory_space<vmem>> -> memref<40xi32, #tpu.memory_space<vmem>>
    %dma_wait3A_179 = arith.constant 0 : i32
    %dma_wait3A_180 = arith.constant 0 : i32
    %dma_wait3A_181 = tpu.memref_slice %arg14[%dma_wait3A_179, %dma_wait3A_180] : memref<10240x64xf32, #tpu.memory_space<vmem_shared>> -> memref<10240x64xf32, #tpu.memory_space<vmem_shared>>
    tpu.wait_indirect_dma semaphore(%arg29 : memref<!tpu.dma_semaphore, #tpu.memory_space<semaphore_mem>>) src(%dma_wait3A_176 : memref<40x64xf32, #tpu.memory_space<vmem>>) dst(%dma_wait3A_181 : memref<10240x64xf32, #tpu.memory_space<vmem_shared>>)
    %eq3A_182 = arith.constant 0 : i32
    %eq3A_183 = arith.cmpi eq, %arg0, %eq3A_182 : i32
    %convert_element_type3A_184 = arith.extui %eq3A_183 : i1 to i32
    %cond3A_185 = arith.constant 0 : i32
    %cond3A_186 = arith.cmpi ne, %convert_element_type3A_184, %cond3A_185 : i32
    scf.if %cond3A_186 {
      %dma_wait3A_268 = arith.constant 0 : i32
      %dma_wait3A_269 = tpu.memref_slice %arg11[%dma_wait3A_268] : memref<20000xi32, #tpu.memory_space<vmem>> -> memref<40xi32, #tpu.memory_space<vmem>>
      %dma_wait3A_270 = arith.constant 0 : i32
      %dma_wait3A_271 = arith.constant 0 : i32
      %dma_wait3A_272 = tpu.memref_slice %arg36[%dma_wait3A_270, %dma_wait3A_271] : memref<10240x16xf32, #tpu.memory_space<vmem_shared>> -> memref<10240x16xf32, #tpu.memory_space<vmem_shared>>
      tpu.wait_indirect_dma semaphore(%arg37 : memref<!tpu.dma_semaphore, #tpu.memory_space<semaphore_mem>>) src(%arg35 : memref<40x16xf32, #tpu.memory_space<vmem>>) dst(%dma_wait3A_272 : memref<10240x16xf32, #tpu.memory_space<vmem_shared>>)
    } else {
    }
    %dma_wait3A_187 = arith.constant 5 : i32
    %dma_wait3A_188 = arith.constant 0 : i32
    %dma_wait3A_189 = arith.constant 0 : i32
    %dma_wait3A_190 = tpu.memref_slice %arg12[%dma_wait3A_187, %dma_wait3A_188, %dma_wait3A_189] : memref<10x40x64xf32, #tpu.memory_space<vmem>> -> memref<1x40x64xf32, #tpu.memory_space<vmem>>
    %dma_wait3A_191 = tpu.memref_squeeze %dma_wait3A_190 : memref<1x40x64xf32, #tpu.memory_space<vmem>> -> memref<40x64xf32, #tpu.memory_space<vmem>>
    %dma_wait3A_192 = arith.constant 0 : i32
    %dma_wait3A_193 = tpu.memref_slice %arg11[%dma_wait3A_192] : memref<20000xi32, #tpu.memory_space<vmem>> -> memref<40xi32, #tpu.memory_space<vmem>>
    %dma_wait3A_194 = arith.constant 0 : i32
    %dma_wait3A_195 = arith.constant 0 : i32
    %dma_wait3A_196 = tpu.memref_slice %arg14[%dma_wait3A_194, %dma_wait3A_195] : memref<10240x64xf32, #tpu.memory_space<vmem_shared>> -> memref<10240x64xf32, #tpu.memory_space<vmem_shared>>
    tpu.wait_indirect_dma semaphore(%arg30 : memref<!tpu.dma_semaphore, #tpu.memory_space<semaphore_mem>>) src(%dma_wait3A_191 : memref<40x64xf32, #tpu.memory_space<vmem>>) dst(%dma_wait3A_196 : memref<10240x64xf32, #tpu.memory_space<vmem_shared>>)
    %eq3A_197 = arith.constant 0 : i32
    %eq3A_198 = arith.cmpi eq, %arg0, %eq3A_197 : i32
    %convert_element_type3A_199 = arith.extui %eq3A_198 : i1 to i32
    %cond3A_200 = arith.constant 0 : i32
    %cond3A_201 = arith.cmpi ne, %convert_element_type3A_199, %cond3A_200 : i32
    scf.if %cond3A_201 {
      %dma_wait3A_268 = arith.constant 0 : i32
      %dma_wait3A_269 = tpu.memref_slice %arg11[%dma_wait3A_268] : memref<20000xi32, #tpu.memory_space<vmem>> -> memref<40xi32, #tpu.memory_space<vmem>>
      %dma_wait3A_270 = arith.constant 0 : i32
      %dma_wait3A_271 = arith.constant 0 : i32
      %dma_wait3A_272 = tpu.memref_slice %arg36[%dma_wait3A_270, %dma_wait3A_271] : memref<10240x16xf32, #tpu.memory_space<vmem_shared>> -> memref<10240x16xf32, #tpu.memory_space<vmem_shared>>
      tpu.wait_indirect_dma semaphore(%arg37 : memref<!tpu.dma_semaphore, #tpu.memory_space<semaphore_mem>>) src(%arg35 : memref<40x16xf32, #tpu.memory_space<vmem>>) dst(%dma_wait3A_272 : memref<10240x16xf32, #tpu.memory_space<vmem_shared>>)
    } else {
    }
    %dma_wait3A_202 = arith.constant 6 : i32
    %dma_wait3A_203 = arith.constant 0 : i32
    %dma_wait3A_204 = arith.constant 0 : i32
    %dma_wait3A_205 = tpu.memref_slice %arg12[%dma_wait3A_202, %dma_wait3A_203, %dma_wait3A_204] : memref<10x40x64xf32, #tpu.memory_space<vmem>> -> memref<1x40x64xf32, #tpu.memory_space<vmem>>
    %dma_wait3A_206 = tpu.memref_squeeze %dma_wait3A_205 : memref<1x40x64xf32, #tpu.memory_space<vmem>> -> memref<40x64xf32, #tpu.memory_space<vmem>>
    %dma_wait3A_207 = arith.constant 0 : i32
    %dma_wait3A_208 = tpu.memref_slice %arg11[%dma_wait3A_207] : memref<20000xi32, #tpu.memory_space<vmem>> -> memref<40xi32, #tpu.memory_space<vmem>>
    %dma_wait3A_209 = arith.constant 0 : i32
    %dma_wait3A_210 = arith.constant 0 : i32
    %dma_wait3A_211 = tpu.memref_slice %arg14[%dma_wait3A_209, %dma_wait3A_210] : memref<10240x64xf32, #tpu.memory_space<vmem_shared>> -> memref<10240x64xf32, #tpu.memory_space<vmem_shared>>
    tpu.wait_indirect_dma semaphore(%arg31 : memref<!tpu.dma_semaphore, #tpu.memory_space<semaphore_mem>>) src(%dma_wait3A_206 : memref<40x64xf32, #tpu.memory_space<vmem>>) dst(%dma_wait3A_211 : memref<10240x64xf32, #tpu.memory_space<vmem_shared>>)
    %eq3A_212 = arith.constant 0 : i32
    %eq3A_213 = arith.cmpi eq, %arg0, %eq3A_212 : i32
    %convert_element_type3A_214 = arith.extui %eq3A_213 : i1 to i32
    %cond3A_215 = arith.constant 0 : i32
    %cond3A_216 = arith.cmpi ne, %convert_element_type3A_214, %cond3A_215 : i32
    scf.if %cond3A_216 {
      %dma_wait3A_268 = arith.constant 0 : i32
      %dma_wait3A_269 = tpu.memref_slice %arg11[%dma_wait3A_268] : memref<20000xi32, #tpu.memory_space<vmem>> -> memref<40xi32, #tpu.memory_space<vmem>>
      %dma_wait3A_270 = arith.constant 0 : i32
      %dma_wait3A_271 = arith.constant 0 : i32
      %dma_wait3A_272 = tpu.memref_slice %arg36[%dma_wait3A_270, %dma_wait3A_271] : memref<10240x16xf32, #tpu.memory_space<vmem_shared>> -> memref<10240x16xf32, #tpu.memory_space<vmem_shared>>
      tpu.wait_indirect_dma semaphore(%arg37 : memref<!tpu.dma_semaphore, #tpu.memory_space<semaphore_mem>>) src(%arg35 : memref<40x16xf32, #tpu.memory_space<vmem>>) dst(%dma_wait3A_272 : memref<10240x16xf32, #tpu.memory_space<vmem_shared>>)
    } else {
    }
    %dma_wait3A_217 = arith.constant 7 : i32
    %dma_wait3A_218 = arith.constant 0 : i32
    %dma_wait3A_219 = arith.constant 0 : i32
    %dma_wait3A_220 = tpu.memref_slice %arg12[%dma_wait3A_217, %dma_wait3A_218, %dma_wait3A_219] : memref<10x40x64xf32, #tpu.memory_space<vmem>> -> memref<1x40x64xf32, #tpu.memory_space<vmem>>
    %dma_wait3A_221 = tpu.memref_squeeze %dma_wait3A_220 : memref<1x40x64xf32, #tpu.memory_space<vmem>> -> memref<40x64xf32, #tpu.memory_space<vmem>>
    %dma_wait3A_222 = arith.constant 0 : i32
    %dma_wait3A_223 = tpu.memref_slice %arg11[%dma_wait3A_222] : memref<20000xi32, #tpu.memory_space<vmem>> -> memref<40xi32, #tpu.memory_space<vmem>>
    %dma_wait3A_224 = arith.constant 0 : i32
    %dma_wait3A_225 = arith.constant 0 : i32
    %dma_wait3A_226 = tpu.memref_slice %arg14[%dma_wait3A_224, %dma_wait3A_225] : memref<10240x64xf32, #tpu.memory_space<vmem_shared>> -> memref<10240x64xf32, #tpu.memory_space<vmem_shared>>
    tpu.wait_indirect_dma semaphore(%arg32 : memref<!tpu.dma_semaphore, #tpu.memory_space<semaphore_mem>>) src(%dma_wait3A_221 : memref<40x64xf32, #tpu.memory_space<vmem>>) dst(%dma_wait3A_226 : memref<10240x64xf32, #tpu.memory_space<vmem_shared>>)
    %eq3A_227 = arith.constant 0 : i32
    %eq3A_228 = arith.cmpi eq, %arg0, %eq3A_227 : i32
    %convert_element_type3A_229 = arith.extui %eq3A_228 : i1 to i32
    %cond3A_230 = arith.constant 0 : i32
    %cond3A_231 = arith.cmpi ne, %convert_element_type3A_229, %cond3A_230 : i32
    scf.if %cond3A_231 {
      %dma_wait3A_268 = arith.constant 0 : i32
      %dma_wait3A_269 = tpu.memref_slice %arg11[%dma_wait3A_268] : memref<20000xi32, #tpu.memory_space<vmem>> -> memref<40xi32, #tpu.memory_space<vmem>>
      %dma_wait3A_270 = arith.constant 0 : i32
      %dma_wait3A_271 = arith.constant 0 : i32
      %dma_wait3A_272 = tpu.memref_slice %arg36[%dma_wait3A_270, %dma_wait3A_271] : memref<10240x16xf32, #tpu.memory_space<vmem_shared>> -> memref<10240x16xf32, #tpu.memory_space<vmem_shared>>
      tpu.wait_indirect_dma semaphore(%arg37 : memref<!tpu.dma_semaphore, #tpu.memory_space<semaphore_mem>>) src(%arg35 : memref<40x16xf32, #tpu.memory_space<vmem>>) dst(%dma_wait3A_272 : memref<10240x16xf32, #tpu.memory_space<vmem_shared>>)
    } else {
    }
    %dma_wait3A_232 = arith.constant 8 : i32
    %dma_wait3A_233 = arith.constant 0 : i32
    %dma_wait3A_234 = arith.constant 0 : i32
    %dma_wait3A_235 = tpu.memref_slice %arg12[%dma_wait3A_232, %dma_wait3A_233, %dma_wait3A_234] : memref<10x40x64xf32, #tpu.memory_space<vmem>> -> memref<1x40x64xf32, #tpu.memory_space<vmem>>
    %dma_wait3A_236 = tpu.memref_squeeze %dma_wait3A_235 : memref<1x40x64xf32, #tpu.memory_space<vmem>> -> memref<40x64xf32, #tpu.memory_space<vmem>>
    %dma_wait3A_237 = arith.constant 0 : i32
    %dma_wait3A_238 = tpu.memref_slice %arg11[%dma_wait3A_237] : memref<20000xi32, #tpu.memory_space<vmem>> -> memref<40xi32, #tpu.memory_space<vmem>>
    %dma_wait3A_239 = arith.constant 0 : i32
    %dma_wait3A_240 = arith.constant 0 : i32
    %dma_wait3A_241 = tpu.memref_slice %arg14[%dma_wait3A_239, %dma_wait3A_240] : memref<10240x64xf32, #tpu.memory_space<vmem_shared>> -> memref<10240x64xf32, #tpu.memory_space<vmem_shared>>
    tpu.wait_indirect_dma semaphore(%arg33 : memref<!tpu.dma_semaphore, #tpu.memory_space<semaphore_mem>>) src(%dma_wait3A_236 : memref<40x64xf32, #tpu.memory_space<vmem>>) dst(%dma_wait3A_241 : memref<10240x64xf32, #tpu.memory_space<vmem_shared>>)
    %eq3A_242 = arith.constant 0 : i32
    %eq3A_243 = arith.cmpi eq, %arg0, %eq3A_242 : i32
    %convert_element_type3A_244 = arith.extui %eq3A_243 : i1 to i32
    %cond3A_245 = arith.constant 0 : i32
    %cond3A_246 = arith.cmpi ne, %convert_element_type3A_244, %cond3A_245 : i32
    scf.if %cond3A_246 {
      %dma_wait3A_268 = arith.constant 0 : i32
      %dma_wait3A_269 = tpu.memref_slice %arg11[%dma_wait3A_268] : memref<20000xi32, #tpu.memory_space<vmem>> -> memref<40xi32, #tpu.memory_space<vmem>>
      %dma_wait3A_270 = arith.constant 0 : i32
      %dma_wait3A_271 = arith.constant 0 : i32
      %dma_wait3A_272 = tpu.memref_slice %arg36[%dma_wait3A_270, %dma_wait3A_271] : memref<10240x16xf32, #tpu.memory_space<vmem_shared>> -> memref<10240x16xf32, #tpu.memory_space<vmem_shared>>
      tpu.wait_indirect_dma semaphore(%arg37 : memref<!tpu.dma_semaphore, #tpu.memory_space<semaphore_mem>>) src(%arg35 : memref<40x16xf32, #tpu.memory_space<vmem>>) dst(%dma_wait3A_272 : memref<10240x16xf32, #tpu.memory_space<vmem_shared>>)
    } else {
    }
    %dma_wait3A_247 = arith.constant 9 : i32
    %dma_wait3A_248 = arith.constant 0 : i32
    %dma_wait3A_249 = arith.constant 0 : i32
    %dma_wait3A_250 = tpu.memref_slice %arg12[%dma_wait3A_247, %dma_wait3A_248, %dma_wait3A_249] : memref<10x40x64xf32, #tpu.memory_space<vmem>> -> memref<1x40x64xf32, #tpu.memory_space<vmem>>
    %dma_wait3A_251 = tpu.memref_squeeze %dma_wait3A_250 : memref<1x40x64xf32, #tpu.memory_space<vmem>> -> memref<40x64xf32, #tpu.memory_space<vmem>>
    %dma_wait3A_252 = arith.constant 0 : i32
    %dma_wait3A_253 = tpu.memref_slice %arg11[%dma_wait3A_252] : memref<20000xi32, #tpu.memory_space<vmem>> -> memref<40xi32, #tpu.memory_space<vmem>>
    %dma_wait3A_254 = arith.constant 0 : i32
    %dma_wait3A_255 = arith.constant 0 : i32
    %dma_wait3A_256 = tpu.memref_slice %arg14[%dma_wait3A_254, %dma_wait3A_255] : memref<10240x64xf32, #tpu.memory_space<vmem_shared>> -> memref<10240x64xf32, #tpu.memory_space<vmem_shared>>
    tpu.wait_indirect_dma semaphore(%arg34 : memref<!tpu.dma_semaphore, #tpu.memory_space<semaphore_mem>>) src(%dma_wait3A_251 : memref<40x64xf32, #tpu.memory_space<vmem>>) dst(%dma_wait3A_256 : memref<10240x64xf32, #tpu.memory_space<vmem_shared>>)
    %eq3A_257 = arith.constant 0 : i32
    %eq3A_258 = arith.cmpi eq, %arg0, %eq3A_257 : i32
    %convert_element_type3A_259 = arith.extui %eq3A_258 : i1 to i32
    %cond3A_260 = arith.constant 0 : i32
    %cond3A_261 = arith.cmpi ne, %convert_element_type3A_259, %cond3A_260 : i32
    scf.if %cond3A_261 {
      %dma_wait3A_268 = arith.constant 0 : i32
      %dma_wait3A_269 = tpu.memref_slice %arg11[%dma_wait3A_268] : memref<20000xi32, #tpu.memory_space<vmem>> -> memref<40xi32, #tpu.memory_space<vmem>>
      %dma_wait3A_270 = arith.constant 0 : i32
      %dma_wait3A_271 = arith.constant 0 : i32
      %dma_wait3A_272 = tpu.memref_slice %arg36[%dma_wait3A_270, %dma_wait3A_271] : memref<10240x16xf32, #tpu.memory_space<vmem_shared>> -> memref<10240x16xf32, #tpu.memory_space<vmem_shared>>
      tpu.wait_indirect_dma semaphore(%arg37 : memref<!tpu.dma_semaphore, #tpu.memory_space<semaphore_mem>>) src(%arg35 : memref<40x16xf32, #tpu.memory_space<vmem>>) dst(%dma_wait3A_272 : memref<10240x16xf32, #tpu.memory_space<vmem_shared>>)
    } else {
    }
    %barrier3A_262 = arith.constant 0 : index
    tpu.barrier barrier_id(%barrier3A_262)
    "tpu.region"() ({
      %run_scoped3A = tpu.sem_alloc : memref<!tpu.dma_semaphore, #tpu.memory_space<semaphore_mem>>
      %dma_start3A_268 = arith.constant 0 : i32
      %dma_start3A_269 = tpu.memref_slice %arg8[%arg0, %mul3A_0, %dma_start3A_268] : memref<2x10240x128xf32, #tpu.memory_space<hbm>> -> memref<1x640x64xf32, #tpu.memory_space<hbm>>
      %dma_start3A_270 = tpu.memref_squeeze %dma_start3A_269 : memref<1x640x64xf32, #tpu.memory_space<hbm>> -> memref<640x64xf32, #tpu.memory_space<hbm>>
      %dma_start3A_271 = arith.constant 0 : i32
      %dma_start3A_272 = tpu.memref_slice %arg14[%mul3A_0, %dma_start3A_271] : memref<10240x64xf32, #tpu.memory_space<vmem_shared>> -> memref<640x64xf32, #tpu.memory_space<vmem_shared>>
      tpu.enqueue_dma source(%dma_start3A_272 : memref<640x64xf32, #tpu.memory_space<vmem_shared>>) target(%dma_start3A_270 : memref<640x64xf32, #tpu.memory_space<hbm>>) target_semaphore(%run_scoped3A : memref<!tpu.dma_semaphore, #tpu.memory_space<semaphore_mem>>)
      %dma_wait3A_273 = arith.constant 0 : i32
      %dma_wait3A_274 = tpu.memref_slice %arg8[%arg0, %mul3A_0, %dma_wait3A_273] : memref<2x10240x128xf32, #tpu.memory_space<hbm>> -> memref<1x640x64xf32, #tpu.memory_space<hbm>>
      %dma_wait3A_275 = tpu.memref_squeeze %dma_wait3A_274 : memref<1x640x64xf32, #tpu.memory_space<hbm>> -> memref<640x64xf32, #tpu.memory_space<hbm>>
      %dma_wait3A_276 = arith.constant 0 : i32
      %dma_wait3A_277 = tpu.memref_slice %arg14[%mul3A_0, %dma_wait3A_276] : memref<10240x64xf32, #tpu.memory_space<vmem_shared>> -> memref<640x64xf32, #tpu.memory_space<vmem_shared>>
      tpu.wait_dma2 semaphore(%run_scoped3A : memref<!tpu.dma_semaphore, #tpu.memory_space<semaphore_mem>>) src(%dma_wait3A_277 : memref<640x64xf32, #tpu.memory_space<vmem_shared>>) dst(%dma_wait3A_275 : memref<640x64xf32, #tpu.memory_space<hbm>>)
      tpu.yield
    }) : () -> ()
    %eq3A_263 = arith.constant 0 : i32
    %eq3A_264 = arith.cmpi eq, %arg0, %eq3A_263 : i32
    %convert_element_type3A_265 = arith.extui %eq3A_264 : i1 to i32
    %cond3A_266 = arith.constant 0 : i32
    %cond3A_267 = arith.cmpi ne, %convert_element_type3A_265, %cond3A_266 : i32
    scf.if %cond3A_267 {
      "tpu.region"() ({
        %run_scoped3A = tpu.sem_alloc : memref<!tpu.dma_semaphore, #tpu.memory_space<semaphore_mem>>
        %dma_start3A_268 = arith.constant 0 : i32
        %dma_start3A_269 = tpu.memref_slice %arg9[%mul3A_0, %dma_start3A_268] : memref<10240x128xf32, #tpu.memory_space<hbm>> -> memref<640x16xf32, #tpu.memory_space<hbm>>
        %dma_start3A_270 = arith.constant 0 : i32
        %dma_start3A_271 = tpu.memref_slice %arg36[%mul3A_0, %dma_start3A_270] : memref<10240x16xf32, #tpu.memory_space<vmem_shared>> -> memref<640x16xf32, #tpu.memory_space<vmem_shared>>
        tpu.enqueue_dma source(%dma_start3A_271 : memref<640x16xf32, #tpu.memory_space<vmem_shared>>) target(%dma_start3A_269 : memref<640x16xf32, #tpu.memory_space<hbm>>) target_semaphore(%run_scoped3A : memref<!tpu.dma_semaphore, #tpu.memory_space<semaphore_mem>>)
        %dma_wait3A_272 = arith.constant 0 : i32
        %dma_wait3A_273 = tpu.memref_slice %arg9[%mul3A_0, %dma_wait3A_272] : memref<10240x128xf32, #tpu.memory_space<hbm>> -> memref<640x16xf32, #tpu.memory_space<hbm>>
        %dma_wait3A_274 = arith.constant 0 : i32
        %dma_wait3A_275 = tpu.memref_slice %arg36[%mul3A_0, %dma_wait3A_274] : memref<10240x16xf32, #tpu.memory_space<vmem_shared>> -> memref<640x16xf32, #tpu.memory_space<vmem_shared>>
        tpu.wait_dma2 semaphore(%run_scoped3A : memref<!tpu.dma_semaphore, #tpu.memory_space<semaphore_mem>>) src(%dma_wait3A_275 : memref<640x16xf32, #tpu.memory_space<vmem_shared>>) dst(%dma_wait3A_273 : memref<640x16xf32, #tpu.memory_space<hbm>>)
        tpu.yield
      }) : () -> ()
    } else {
    }
    return
  }
}

#map = affine_map<(d0, d1) -> (0, 0)>
#map1 = affine_map<(d0, d1) -> (0)>
#map2 = affine_map<(d0, d1) -> (0, 0, 0)>
module attributes {stable_mosaic.version = 14 : i64} {
  func.func @body(%arg0: i32, %arg1: i32, %arg2: memref<20000x64xf32, #tpu.memory_space<hbm>>, %arg3: memref<640000xi32, #tpu.memory_space<hbm>>, %arg4: memref<320000xi32, #tpu.memory_space<hbm>>, %arg5: memref<128x64xf32, #tpu.memory_space<hbm>>, %arg6: memref<640x16xf32, #tpu.memory_space<hbm>>, %arg7: memref<40x16xf32, #tpu.memory_space<hbm>>, %arg8: memref<2x10240x128xf32, #tpu.memory_space<hbm>>, %arg9: memref<20000xi32, #tpu.memory_space<vmem>>, %arg10: memref<20000xi32, #tpu.memory_space<vmem>>, %arg11: memref<10x40x64xf32, #tpu.memory_space<vmem>>, %arg12: memref<128x64xf32, #tpu.memory_space<vmem>>, %arg13: memref<10240x64xf32, #tpu.memory_space<vmem_shared>>, %arg14: memref<!tpu.dma_semaphore, #tpu.memory_space<semaphore_mem>>, %arg15: memref<!tpu.dma_semaphore, #tpu.memory_space<semaphore_mem>>, %arg16: memref<!tpu.dma_semaphore, #tpu.memory_space<semaphore_mem>>, %arg17: memref<!tpu.dma_semaphore, #tpu.memory_space<semaphore_mem>>, %arg18: memref<!tpu.dma_semaphore, #tpu.memory_space<semaphore_mem>>, %arg19: memref<!tpu.dma_semaphore, #tpu.memory_space<semaphore_mem>>, %arg20: memref<!tpu.dma_semaphore, #tpu.memory_space<semaphore_mem>>, %arg21: memref<!tpu.dma_semaphore, #tpu.memory_space<semaphore_mem>>, %arg22: memref<!tpu.dma_semaphore, #tpu.memory_space<semaphore_mem>>, %arg23: memref<!tpu.dma_semaphore, #tpu.memory_space<semaphore_mem>>, %arg24: memref<!tpu.dma_semaphore, #tpu.memory_space<semaphore_mem>>, %arg25: memref<!tpu.dma_semaphore, #tpu.memory_space<semaphore_mem>>, %arg26: memref<!tpu.dma_semaphore, #tpu.memory_space<semaphore_mem>>, %arg27: memref<!tpu.dma_semaphore, #tpu.memory_space<semaphore_mem>>, %arg28: memref<!tpu.dma_semaphore, #tpu.memory_space<semaphore_mem>>, %arg29: memref<!tpu.dma_semaphore, #tpu.memory_space<semaphore_mem>>, %arg30: memref<!tpu.dma_semaphore, #tpu.memory_space<semaphore_mem>>, %arg31: memref<!tpu.dma_semaphore, #tpu.memory_space<semaphore_mem>>, %arg32: memref<!tpu.dma_semaphore, #tpu.memory_space<semaphore_mem>>, %arg33: memref<!tpu.dma_semaphore, #tpu.memory_space<semaphore_mem>>) attributes {dimension_semantics = [#tpu.dimension_semantics<core_parallel>, #tpu.dimension_semantics<subcore_parallel>], iteration_bounds = array<i64: 2, 16>, scalar_prefetch = 0 : i64, scratch_operands = 25 : i64, tpu.core_type = #tpu.core_type<sc_vector_subcore>, window_params = [{transform_indices = #map}, {transform_indices = #map1}, {transform_indices = #map1}, {transform_indices = #map}, {transform_indices = #map}, {transform_indices = #map}, {transform_indices = #map2}]} {
    %mul3A = arith.constant 640 : i32
    %mul3A_0 = arith.muli %arg1, %mul3A : i32
    %mul3A_1 = arith.constant 320000 : i32
    %mul3A_2 = arith.muli %arg0, %mul3A_1 : i32
    %mul3A_3 = arith.constant 20000 : i32
    %mul3A_4 = arith.muli %arg1, %mul3A_3 : i32
    %add3A = arith.addi %mul3A_2, %mul3A_4 : i32
    "tpu.region"() ({
      %run_scoped3A = tpu.sem_alloc : memref<!tpu.dma_semaphore, #tpu.memory_space<semaphore_mem>>
      %dma_start3A_211 = tpu.memref_slice %arg3[%add3A] : memref<640000xi32, #tpu.memory_space<hbm>> -> memref<20000xi32, #tpu.memory_space<hbm>>
      %dma_start3A_212 = tpu.memref_slice %arg3[%add3A] : memref<640000xi32, #tpu.memory_space<hbm>> -> memref<20000xi32, #tpu.memory_space<hbm>>
      tpu.enqueue_dma source(%dma_start3A_212 : memref<20000xi32, #tpu.memory_space<hbm>>) target(%arg9 : memref<20000xi32, #tpu.memory_space<vmem>>) target_semaphore(%run_scoped3A : memref<!tpu.dma_semaphore, #tpu.memory_space<semaphore_mem>>)
      %dma_wait3A_213 = tpu.memref_slice %arg3[%add3A] : memref<640000xi32, #tpu.memory_space<hbm>> -> memref<20000xi32, #tpu.memory_space<hbm>>
      %dma_wait3A_214 = tpu.memref_slice %arg3[%add3A] : memref<640000xi32, #tpu.memory_space<hbm>> -> memref<20000xi32, #tpu.memory_space<hbm>>
      tpu.wait_dma2 semaphore(%run_scoped3A : memref<!tpu.dma_semaphore, #tpu.memory_space<semaphore_mem>>) src(%dma_wait3A_214 : memref<20000xi32, #tpu.memory_space<hbm>>) dst(%arg9 : memref<20000xi32, #tpu.memory_space<vmem>>)
      tpu.yield
    }) : () -> ()
    %dma_start3A = arith.constant 0 : i32
    %dma_start3A_5 = arith.constant 0 : i32
    %dma_start3A_6 = arith.constant 0 : i32
    %dma_start3A_7 = tpu.memref_slice %arg11[%dma_start3A, %dma_start3A_5, %dma_start3A_6] : memref<10x40x64xf32, #tpu.memory_space<vmem>> -> memref<1x40x64xf32, #tpu.memory_space<vmem>>
    %dma_start3A_8 = tpu.memref_squeeze %dma_start3A_7 : memref<1x40x64xf32, #tpu.memory_space<vmem>> -> memref<40x64xf32, #tpu.memory_space<vmem>>
    %dma_start3A_9 = arith.constant 0 : i32
    %dma_start3A_10 = tpu.memref_slice %arg9[%dma_start3A_9] : memref<20000xi32, #tpu.memory_space<vmem>> -> memref<40xi32, #tpu.memory_space<vmem>>
    %dma_start3A_11 = arith.constant 0 : i32
    %dma_start3A_12 = arith.constant 0 : i32
    %dma_start3A_13 = tpu.memref_slice %arg2[%dma_start3A_11, %dma_start3A_12] : memref<20000x64xf32, #tpu.memory_space<hbm>> -> memref<20000x64xf32, #tpu.memory_space<hbm>>
    tpu.enqueue_indirect_dma source(%dma_start3A_13 : memref<20000x64xf32, #tpu.memory_space<hbm>>) target(%dma_start3A_8 : memref<40x64xf32, #tpu.memory_space<vmem>>) offsets(%dma_start3A_10 : memref<40xi32, #tpu.memory_space<vmem>>) semaphore(%arg14 : memref<!tpu.dma_semaphore, #tpu.memory_space<semaphore_mem>>)
    %dma_start3A_14 = arith.constant 1 : i32
    %dma_start3A_15 = arith.constant 0 : i32
    %dma_start3A_16 = arith.constant 0 : i32
    %dma_start3A_17 = tpu.memref_slice %arg11[%dma_start3A_14, %dma_start3A_15, %dma_start3A_16] : memref<10x40x64xf32, #tpu.memory_space<vmem>> -> memref<1x40x64xf32, #tpu.memory_space<vmem>>
    %dma_start3A_18 = tpu.memref_squeeze %dma_start3A_17 : memref<1x40x64xf32, #tpu.memory_space<vmem>> -> memref<40x64xf32, #tpu.memory_space<vmem>>
    %dma_start3A_19 = arith.constant 40 : i32
    %dma_start3A_20 = tpu.memref_slice %arg9[%dma_start3A_19] : memref<20000xi32, #tpu.memory_space<vmem>> -> memref<40xi32, #tpu.memory_space<vmem>>
    %dma_start3A_21 = arith.constant 0 : i32
    %dma_start3A_22 = arith.constant 0 : i32
    %dma_start3A_23 = tpu.memref_slice %arg2[%dma_start3A_21, %dma_start3A_22] : memref<20000x64xf32, #tpu.memory_space<hbm>> -> memref<20000x64xf32, #tpu.memory_space<hbm>>
    tpu.enqueue_indirect_dma source(%dma_start3A_23 : memref<20000x64xf32, #tpu.memory_space<hbm>>) target(%dma_start3A_18 : memref<40x64xf32, #tpu.memory_space<vmem>>) offsets(%dma_start3A_20 : memref<40xi32, #tpu.memory_space<vmem>>) semaphore(%arg15 : memref<!tpu.dma_semaphore, #tpu.memory_space<semaphore_mem>>)
    %dma_start3A_24 = arith.constant 2 : i32
    %dma_start3A_25 = arith.constant 0 : i32
    %dma_start3A_26 = arith.constant 0 : i32
    %dma_start3A_27 = tpu.memref_slice %arg11[%dma_start3A_24, %dma_start3A_25, %dma_start3A_26] : memref<10x40x64xf32, #tpu.memory_space<vmem>> -> memref<1x40x64xf32, #tpu.memory_space<vmem>>
    %dma_start3A_28 = tpu.memref_squeeze %dma_start3A_27 : memref<1x40x64xf32, #tpu.memory_space<vmem>> -> memref<40x64xf32, #tpu.memory_space<vmem>>
    %dma_start3A_29 = arith.constant 80 : i32
    %dma_start3A_30 = tpu.memref_slice %arg9[%dma_start3A_29] : memref<20000xi32, #tpu.memory_space<vmem>> -> memref<40xi32, #tpu.memory_space<vmem>>
    %dma_start3A_31 = arith.constant 0 : i32
    %dma_start3A_32 = arith.constant 0 : i32
    %dma_start3A_33 = tpu.memref_slice %arg2[%dma_start3A_31, %dma_start3A_32] : memref<20000x64xf32, #tpu.memory_space<hbm>> -> memref<20000x64xf32, #tpu.memory_space<hbm>>
    tpu.enqueue_indirect_dma source(%dma_start3A_33 : memref<20000x64xf32, #tpu.memory_space<hbm>>) target(%dma_start3A_28 : memref<40x64xf32, #tpu.memory_space<vmem>>) offsets(%dma_start3A_30 : memref<40xi32, #tpu.memory_space<vmem>>) semaphore(%arg16 : memref<!tpu.dma_semaphore, #tpu.memory_space<semaphore_mem>>)
    %dma_start3A_34 = arith.constant 3 : i32
    %dma_start3A_35 = arith.constant 0 : i32
    %dma_start3A_36 = arith.constant 0 : i32
    %dma_start3A_37 = tpu.memref_slice %arg11[%dma_start3A_34, %dma_start3A_35, %dma_start3A_36] : memref<10x40x64xf32, #tpu.memory_space<vmem>> -> memref<1x40x64xf32, #tpu.memory_space<vmem>>
    %dma_start3A_38 = tpu.memref_squeeze %dma_start3A_37 : memref<1x40x64xf32, #tpu.memory_space<vmem>> -> memref<40x64xf32, #tpu.memory_space<vmem>>
    %dma_start3A_39 = arith.constant 120 : i32
    %dma_start3A_40 = tpu.memref_slice %arg9[%dma_start3A_39] : memref<20000xi32, #tpu.memory_space<vmem>> -> memref<40xi32, #tpu.memory_space<vmem>>
    %dma_start3A_41 = arith.constant 0 : i32
    %dma_start3A_42 = arith.constant 0 : i32
    %dma_start3A_43 = tpu.memref_slice %arg2[%dma_start3A_41, %dma_start3A_42] : memref<20000x64xf32, #tpu.memory_space<hbm>> -> memref<20000x64xf32, #tpu.memory_space<hbm>>
    tpu.enqueue_indirect_dma source(%dma_start3A_43 : memref<20000x64xf32, #tpu.memory_space<hbm>>) target(%dma_start3A_38 : memref<40x64xf32, #tpu.memory_space<vmem>>) offsets(%dma_start3A_40 : memref<40xi32, #tpu.memory_space<vmem>>) semaphore(%arg17 : memref<!tpu.dma_semaphore, #tpu.memory_space<semaphore_mem>>)
    %dma_start3A_44 = arith.constant 4 : i32
    %dma_start3A_45 = arith.constant 0 : i32
    %dma_start3A_46 = arith.constant 0 : i32
    %dma_start3A_47 = tpu.memref_slice %arg11[%dma_start3A_44, %dma_start3A_45, %dma_start3A_46] : memref<10x40x64xf32, #tpu.memory_space<vmem>> -> memref<1x40x64xf32, #tpu.memory_space<vmem>>
    %dma_start3A_48 = tpu.memref_squeeze %dma_start3A_47 : memref<1x40x64xf32, #tpu.memory_space<vmem>> -> memref<40x64xf32, #tpu.memory_space<vmem>>
    %dma_start3A_49 = arith.constant 160 : i32
    %dma_start3A_50 = tpu.memref_slice %arg9[%dma_start3A_49] : memref<20000xi32, #tpu.memory_space<vmem>> -> memref<40xi32, #tpu.memory_space<vmem>>
    %dma_start3A_51 = arith.constant 0 : i32
    %dma_start3A_52 = arith.constant 0 : i32
    %dma_start3A_53 = tpu.memref_slice %arg2[%dma_start3A_51, %dma_start3A_52] : memref<20000x64xf32, #tpu.memory_space<hbm>> -> memref<20000x64xf32, #tpu.memory_space<hbm>>
    tpu.enqueue_indirect_dma source(%dma_start3A_53 : memref<20000x64xf32, #tpu.memory_space<hbm>>) target(%dma_start3A_48 : memref<40x64xf32, #tpu.memory_space<vmem>>) offsets(%dma_start3A_50 : memref<40xi32, #tpu.memory_space<vmem>>) semaphore(%arg18 : memref<!tpu.dma_semaphore, #tpu.memory_space<semaphore_mem>>)
    %dma_start3A_54 = arith.constant 5 : i32
    %dma_start3A_55 = arith.constant 0 : i32
    %dma_start3A_56 = arith.constant 0 : i32
    %dma_start3A_57 = tpu.memref_slice %arg11[%dma_start3A_54, %dma_start3A_55, %dma_start3A_56] : memref<10x40x64xf32, #tpu.memory_space<vmem>> -> memref<1x40x64xf32, #tpu.memory_space<vmem>>
    %dma_start3A_58 = tpu.memref_squeeze %dma_start3A_57 : memref<1x40x64xf32, #tpu.memory_space<vmem>> -> memref<40x64xf32, #tpu.memory_space<vmem>>
    %dma_start3A_59 = arith.constant 200 : i32
    %dma_start3A_60 = tpu.memref_slice %arg9[%dma_start3A_59] : memref<20000xi32, #tpu.memory_space<vmem>> -> memref<40xi32, #tpu.memory_space<vmem>>
    %dma_start3A_61 = arith.constant 0 : i32
    %dma_start3A_62 = arith.constant 0 : i32
    %dma_start3A_63 = tpu.memref_slice %arg2[%dma_start3A_61, %dma_start3A_62] : memref<20000x64xf32, #tpu.memory_space<hbm>> -> memref<20000x64xf32, #tpu.memory_space<hbm>>
    tpu.enqueue_indirect_dma source(%dma_start3A_63 : memref<20000x64xf32, #tpu.memory_space<hbm>>) target(%dma_start3A_58 : memref<40x64xf32, #tpu.memory_space<vmem>>) offsets(%dma_start3A_60 : memref<40xi32, #tpu.memory_space<vmem>>) semaphore(%arg19 : memref<!tpu.dma_semaphore, #tpu.memory_space<semaphore_mem>>)
    %dma_start3A_64 = arith.constant 6 : i32
    %dma_start3A_65 = arith.constant 0 : i32
    %dma_start3A_66 = arith.constant 0 : i32
    %dma_start3A_67 = tpu.memref_slice %arg11[%dma_start3A_64, %dma_start3A_65, %dma_start3A_66] : memref<10x40x64xf32, #tpu.memory_space<vmem>> -> memref<1x40x64xf32, #tpu.memory_space<vmem>>
    %dma_start3A_68 = tpu.memref_squeeze %dma_start3A_67 : memref<1x40x64xf32, #tpu.memory_space<vmem>> -> memref<40x64xf32, #tpu.memory_space<vmem>>
    %dma_start3A_69 = arith.constant 240 : i32
    %dma_start3A_70 = tpu.memref_slice %arg9[%dma_start3A_69] : memref<20000xi32, #tpu.memory_space<vmem>> -> memref<40xi32, #tpu.memory_space<vmem>>
    %dma_start3A_71 = arith.constant 0 : i32
    %dma_start3A_72 = arith.constant 0 : i32
    %dma_start3A_73 = tpu.memref_slice %arg2[%dma_start3A_71, %dma_start3A_72] : memref<20000x64xf32, #tpu.memory_space<hbm>> -> memref<20000x64xf32, #tpu.memory_space<hbm>>
    tpu.enqueue_indirect_dma source(%dma_start3A_73 : memref<20000x64xf32, #tpu.memory_space<hbm>>) target(%dma_start3A_68 : memref<40x64xf32, #tpu.memory_space<vmem>>) offsets(%dma_start3A_70 : memref<40xi32, #tpu.memory_space<vmem>>) semaphore(%arg20 : memref<!tpu.dma_semaphore, #tpu.memory_space<semaphore_mem>>)
    %dma_start3A_74 = arith.constant 7 : i32
    %dma_start3A_75 = arith.constant 0 : i32
    %dma_start3A_76 = arith.constant 0 : i32
    %dma_start3A_77 = tpu.memref_slice %arg11[%dma_start3A_74, %dma_start3A_75, %dma_start3A_76] : memref<10x40x64xf32, #tpu.memory_space<vmem>> -> memref<1x40x64xf32, #tpu.memory_space<vmem>>
    %dma_start3A_78 = tpu.memref_squeeze %dma_start3A_77 : memref<1x40x64xf32, #tpu.memory_space<vmem>> -> memref<40x64xf32, #tpu.memory_space<vmem>>
    %dma_start3A_79 = arith.constant 280 : i32
    %dma_start3A_80 = tpu.memref_slice %arg9[%dma_start3A_79] : memref<20000xi32, #tpu.memory_space<vmem>> -> memref<40xi32, #tpu.memory_space<vmem>>
    %dma_start3A_81 = arith.constant 0 : i32
    %dma_start3A_82 = arith.constant 0 : i32
    %dma_start3A_83 = tpu.memref_slice %arg2[%dma_start3A_81, %dma_start3A_82] : memref<20000x64xf32, #tpu.memory_space<hbm>> -> memref<20000x64xf32, #tpu.memory_space<hbm>>
    tpu.enqueue_indirect_dma source(%dma_start3A_83 : memref<20000x64xf32, #tpu.memory_space<hbm>>) target(%dma_start3A_78 : memref<40x64xf32, #tpu.memory_space<vmem>>) offsets(%dma_start3A_80 : memref<40xi32, #tpu.memory_space<vmem>>) semaphore(%arg21 : memref<!tpu.dma_semaphore, #tpu.memory_space<semaphore_mem>>)
    %dma_start3A_84 = arith.constant 8 : i32
    %dma_start3A_85 = arith.constant 0 : i32
    %dma_start3A_86 = arith.constant 0 : i32
    %dma_start3A_87 = tpu.memref_slice %arg11[%dma_start3A_84, %dma_start3A_85, %dma_start3A_86] : memref<10x40x64xf32, #tpu.memory_space<vmem>> -> memref<1x40x64xf32, #tpu.memory_space<vmem>>
    %dma_start3A_88 = tpu.memref_squeeze %dma_start3A_87 : memref<1x40x64xf32, #tpu.memory_space<vmem>> -> memref<40x64xf32, #tpu.memory_space<vmem>>
    %dma_start3A_89 = arith.constant 320 : i32
    %dma_start3A_90 = tpu.memref_slice %arg9[%dma_start3A_89] : memref<20000xi32, #tpu.memory_space<vmem>> -> memref<40xi32, #tpu.memory_space<vmem>>
    %dma_start3A_91 = arith.constant 0 : i32
    %dma_start3A_92 = arith.constant 0 : i32
    %dma_start3A_93 = tpu.memref_slice %arg2[%dma_start3A_91, %dma_start3A_92] : memref<20000x64xf32, #tpu.memory_space<hbm>> -> memref<20000x64xf32, #tpu.memory_space<hbm>>
    tpu.enqueue_indirect_dma source(%dma_start3A_93 : memref<20000x64xf32, #tpu.memory_space<hbm>>) target(%dma_start3A_88 : memref<40x64xf32, #tpu.memory_space<vmem>>) offsets(%dma_start3A_90 : memref<40xi32, #tpu.memory_space<vmem>>) semaphore(%arg22 : memref<!tpu.dma_semaphore, #tpu.memory_space<semaphore_mem>>)
    %mul3A_94 = arith.constant 20000 : i32
    %mul3A_95 = arith.muli %arg1, %mul3A_94 : i32
    "tpu.region"() ({
      %run_scoped3A = tpu.sem_alloc : memref<!tpu.dma_semaphore, #tpu.memory_space<semaphore_mem>>
      %dma_start3A_211 = tpu.memref_slice %arg4[%mul3A_95] : memref<320000xi32, #tpu.memory_space<hbm>> -> memref<20000xi32, #tpu.memory_space<hbm>>
      %dma_start3A_212 = tpu.memref_slice %arg4[%mul3A_95] : memref<320000xi32, #tpu.memory_space<hbm>> -> memref<20000xi32, #tpu.memory_space<hbm>>
      tpu.enqueue_dma source(%dma_start3A_212 : memref<20000xi32, #tpu.memory_space<hbm>>) target(%arg10 : memref<20000xi32, #tpu.memory_space<vmem>>) target_semaphore(%run_scoped3A : memref<!tpu.dma_semaphore, #tpu.memory_space<semaphore_mem>>)
      %dma_wait3A_213 = tpu.memref_slice %arg4[%mul3A_95] : memref<320000xi32, #tpu.memory_space<hbm>> -> memref<20000xi32, #tpu.memory_space<hbm>>
      %dma_wait3A_214 = tpu.memref_slice %arg4[%mul3A_95] : memref<320000xi32, #tpu.memory_space<hbm>> -> memref<20000xi32, #tpu.memory_space<hbm>>
      tpu.wait_dma2 semaphore(%run_scoped3A : memref<!tpu.dma_semaphore, #tpu.memory_space<semaphore_mem>>) src(%dma_wait3A_214 : memref<20000xi32, #tpu.memory_space<hbm>>) dst(%arg10 : memref<20000xi32, #tpu.memory_space<vmem>>)
      tpu.yield
    }) : () -> ()
    "tpu.region"() ({
      %run_scoped3A = tpu.sem_alloc : memref<!tpu.dma_semaphore, #tpu.memory_space<semaphore_mem>>
      tpu.enqueue_dma source(%arg5 : memref<128x64xf32, #tpu.memory_space<hbm>>) target(%arg12 : memref<128x64xf32, #tpu.memory_space<vmem>>) target_semaphore(%run_scoped3A : memref<!tpu.dma_semaphore, #tpu.memory_space<semaphore_mem>>)
      tpu.wait_dma2 semaphore(%run_scoped3A : memref<!tpu.dma_semaphore, #tpu.memory_space<semaphore_mem>>) src(%arg5 : memref<128x64xf32, #tpu.memory_space<hbm>>) dst(%arg12 : memref<128x64xf32, #tpu.memory_space<vmem>>)
      tpu.yield
    }) : () -> ()
    %add3A_96 = arith.constant 0 : i32
    %add3A_97 = arith.addi %mul3A_0, %add3A_96 : i32
    "tpu.region"() ({
      %run_scoped3A = tpu.sem_alloc : memref<!tpu.dma_semaphore, #tpu.memory_space<semaphore_mem>>
      %dma_start3A_211 = arith.constant 0 : i32
      %dma_start3A_212 = tpu.memref_slice %arg13[%add3A_97, %dma_start3A_211] : memref<10240x64xf32, #tpu.memory_space<vmem_shared>> -> memref<128x64xf32, #tpu.memory_space<vmem_shared>>
      %dma_start3A_213 = arith.constant 0 : i32
      %dma_start3A_214 = tpu.memref_slice %arg13[%add3A_97, %dma_start3A_213] : memref<10240x64xf32, #tpu.memory_space<vmem_shared>> -> memref<128x64xf32, #tpu.memory_space<vmem_shared>>
      tpu.enqueue_dma source(%arg12 : memref<128x64xf32, #tpu.memory_space<vmem>>) target(%dma_start3A_214 : memref<128x64xf32, #tpu.memory_space<vmem_shared>>) target_semaphore(%run_scoped3A : memref<!tpu.dma_semaphore, #tpu.memory_space<semaphore_mem>>)
      %dma_wait3A_215 = arith.constant 0 : i32
      %dma_wait3A_216 = tpu.memref_slice %arg13[%add3A_97, %dma_wait3A_215] : memref<10240x64xf32, #tpu.memory_space<vmem_shared>> -> memref<128x64xf32, #tpu.memory_space<vmem_shared>>
      %dma_wait3A_217 = arith.constant 0 : i32
      %dma_wait3A_218 = tpu.memref_slice %arg13[%add3A_97, %dma_wait3A_217] : memref<10240x64xf32, #tpu.memory_space<vmem_shared>> -> memref<128x64xf32, #tpu.memory_space<vmem_shared>>
      tpu.wait_dma2 semaphore(%run_scoped3A : memref<!tpu.dma_semaphore, #tpu.memory_space<semaphore_mem>>) src(%arg12 : memref<128x64xf32, #tpu.memory_space<vmem>>) dst(%dma_wait3A_218 : memref<128x64xf32, #tpu.memory_space<vmem_shared>>)
      tpu.yield
    }) : () -> ()
    %add3A_98 = arith.constant 128 : i32
    %add3A_99 = arith.addi %mul3A_0, %add3A_98 : i32
    "tpu.region"() ({
      %run_scoped3A = tpu.sem_alloc : memref<!tpu.dma_semaphore, #tpu.memory_space<semaphore_mem>>
      %dma_start3A_211 = arith.constant 0 : i32
      %dma_start3A_212 = tpu.memref_slice %arg13[%add3A_99, %dma_start3A_211] : memref<10240x64xf32, #tpu.memory_space<vmem_shared>> -> memref<128x64xf32, #tpu.memory_space<vmem_shared>>
      %dma_start3A_213 = arith.constant 0 : i32
      %dma_start3A_214 = tpu.memref_slice %arg13[%add3A_99, %dma_start3A_213] : memref<10240x64xf32, #tpu.memory_space<vmem_shared>> -> memref<128x64xf32, #tpu.memory_space<vmem_shared>>
      tpu.enqueue_dma source(%arg12 : memref<128x64xf32, #tpu.memory_space<vmem>>) target(%dma_start3A_214 : memref<128x64xf32, #tpu.memory_space<vmem_shared>>) target_semaphore(%run_scoped3A : memref<!tpu.dma_semaphore, #tpu.memory_space<semaphore_mem>>)
      %dma_wait3A_215 = arith.constant 0 : i32
      %dma_wait3A_216 = tpu.memref_slice %arg13[%add3A_99, %dma_wait3A_215] : memref<10240x64xf32, #tpu.memory_space<vmem_shared>> -> memref<128x64xf32, #tpu.memory_space<vmem_shared>>
      %dma_wait3A_217 = arith.constant 0 : i32
      %dma_wait3A_218 = tpu.memref_slice %arg13[%add3A_99, %dma_wait3A_217] : memref<10240x64xf32, #tpu.memory_space<vmem_shared>> -> memref<128x64xf32, #tpu.memory_space<vmem_shared>>
      tpu.wait_dma2 semaphore(%run_scoped3A : memref<!tpu.dma_semaphore, #tpu.memory_space<semaphore_mem>>) src(%arg12 : memref<128x64xf32, #tpu.memory_space<vmem>>) dst(%dma_wait3A_218 : memref<128x64xf32, #tpu.memory_space<vmem_shared>>)
      tpu.yield
    }) : () -> ()
    %add3A_100 = arith.constant 256 : i32
    %add3A_101 = arith.addi %mul3A_0, %add3A_100 : i32
    "tpu.region"() ({
      %run_scoped3A = tpu.sem_alloc : memref<!tpu.dma_semaphore, #tpu.memory_space<semaphore_mem>>
      %dma_start3A_211 = arith.constant 0 : i32
      %dma_start3A_212 = tpu.memref_slice %arg13[%add3A_101, %dma_start3A_211] : memref<10240x64xf32, #tpu.memory_space<vmem_shared>> -> memref<128x64xf32, #tpu.memory_space<vmem_shared>>
      %dma_start3A_213 = arith.constant 0 : i32
      %dma_start3A_214 = tpu.memref_slice %arg13[%add3A_101, %dma_start3A_213] : memref<10240x64xf32, #tpu.memory_space<vmem_shared>> -> memref<128x64xf32, #tpu.memory_space<vmem_shared>>
      tpu.enqueue_dma source(%arg12 : memref<128x64xf32, #tpu.memory_space<vmem>>) target(%dma_start3A_214 : memref<128x64xf32, #tpu.memory_space<vmem_shared>>) target_semaphore(%run_scoped3A : memref<!tpu.dma_semaphore, #tpu.memory_space<semaphore_mem>>)
      %dma_wait3A_215 = arith.constant 0 : i32
      %dma_wait3A_216 = tpu.memref_slice %arg13[%add3A_101, %dma_wait3A_215] : memref<10240x64xf32, #tpu.memory_space<vmem_shared>> -> memref<128x64xf32, #tpu.memory_space<vmem_shared>>
      %dma_wait3A_217 = arith.constant 0 : i32
      %dma_wait3A_218 = tpu.memref_slice %arg13[%add3A_101, %dma_wait3A_217] : memref<10240x64xf32, #tpu.memory_space<vmem_shared>> -> memref<128x64xf32, #tpu.memory_space<vmem_shared>>
      tpu.wait_dma2 semaphore(%run_scoped3A : memref<!tpu.dma_semaphore, #tpu.memory_space<semaphore_mem>>) src(%arg12 : memref<128x64xf32, #tpu.memory_space<vmem>>) dst(%dma_wait3A_218 : memref<128x64xf32, #tpu.memory_space<vmem_shared>>)
      tpu.yield
    }) : () -> ()
    %add3A_102 = arith.constant 384 : i32
    %add3A_103 = arith.addi %mul3A_0, %add3A_102 : i32
    "tpu.region"() ({
      %run_scoped3A = tpu.sem_alloc : memref<!tpu.dma_semaphore, #tpu.memory_space<semaphore_mem>>
      %dma_start3A_211 = arith.constant 0 : i32
      %dma_start3A_212 = tpu.memref_slice %arg13[%add3A_103, %dma_start3A_211] : memref<10240x64xf32, #tpu.memory_space<vmem_shared>> -> memref<128x64xf32, #tpu.memory_space<vmem_shared>>
      %dma_start3A_213 = arith.constant 0 : i32
      %dma_start3A_214 = tpu.memref_slice %arg13[%add3A_103, %dma_start3A_213] : memref<10240x64xf32, #tpu.memory_space<vmem_shared>> -> memref<128x64xf32, #tpu.memory_space<vmem_shared>>
      tpu.enqueue_dma source(%arg12 : memref<128x64xf32, #tpu.memory_space<vmem>>) target(%dma_start3A_214 : memref<128x64xf32, #tpu.memory_space<vmem_shared>>) target_semaphore(%run_scoped3A : memref<!tpu.dma_semaphore, #tpu.memory_space<semaphore_mem>>)
      %dma_wait3A_215 = arith.constant 0 : i32
      %dma_wait3A_216 = tpu.memref_slice %arg13[%add3A_103, %dma_wait3A_215] : memref<10240x64xf32, #tpu.memory_space<vmem_shared>> -> memref<128x64xf32, #tpu.memory_space<vmem_shared>>
      %dma_wait3A_217 = arith.constant 0 : i32
      %dma_wait3A_218 = tpu.memref_slice %arg13[%add3A_103, %dma_wait3A_217] : memref<10240x64xf32, #tpu.memory_space<vmem_shared>> -> memref<128x64xf32, #tpu.memory_space<vmem_shared>>
      tpu.wait_dma2 semaphore(%run_scoped3A : memref<!tpu.dma_semaphore, #tpu.memory_space<semaphore_mem>>) src(%arg12 : memref<128x64xf32, #tpu.memory_space<vmem>>) dst(%dma_wait3A_218 : memref<128x64xf32, #tpu.memory_space<vmem_shared>>)
      tpu.yield
    }) : () -> ()
    %add3A_104 = arith.constant 512 : i32
    %add3A_105 = arith.addi %mul3A_0, %add3A_104 : i32
    "tpu.region"() ({
      %run_scoped3A = tpu.sem_alloc : memref<!tpu.dma_semaphore, #tpu.memory_space<semaphore_mem>>
      %dma_start3A_211 = arith.constant 0 : i32
      %dma_start3A_212 = tpu.memref_slice %arg13[%add3A_105, %dma_start3A_211] : memref<10240x64xf32, #tpu.memory_space<vmem_shared>> -> memref<128x64xf32, #tpu.memory_space<vmem_shared>>
      %dma_start3A_213 = arith.constant 0 : i32
      %dma_start3A_214 = tpu.memref_slice %arg13[%add3A_105, %dma_start3A_213] : memref<10240x64xf32, #tpu.memory_space<vmem_shared>> -> memref<128x64xf32, #tpu.memory_space<vmem_shared>>
      tpu.enqueue_dma source(%arg12 : memref<128x64xf32, #tpu.memory_space<vmem>>) target(%dma_start3A_214 : memref<128x64xf32, #tpu.memory_space<vmem_shared>>) target_semaphore(%run_scoped3A : memref<!tpu.dma_semaphore, #tpu.memory_space<semaphore_mem>>)
      %dma_wait3A_215 = arith.constant 0 : i32
      %dma_wait3A_216 = tpu.memref_slice %arg13[%add3A_105, %dma_wait3A_215] : memref<10240x64xf32, #tpu.memory_space<vmem_shared>> -> memref<128x64xf32, #tpu.memory_space<vmem_shared>>
      %dma_wait3A_217 = arith.constant 0 : i32
      %dma_wait3A_218 = tpu.memref_slice %arg13[%add3A_105, %dma_wait3A_217] : memref<10240x64xf32, #tpu.memory_space<vmem_shared>> -> memref<128x64xf32, #tpu.memory_space<vmem_shared>>
      tpu.wait_dma2 semaphore(%run_scoped3A : memref<!tpu.dma_semaphore, #tpu.memory_space<semaphore_mem>>) src(%arg12 : memref<128x64xf32, #tpu.memory_space<vmem>>) dst(%dma_wait3A_218 : memref<128x64xf32, #tpu.memory_space<vmem_shared>>)
      tpu.yield
    }) : () -> ()
    %barrier3A = arith.constant 0 : index
    tpu.barrier barrier_id(%barrier3A)
    %scan3A = arith.constant 0 : i32
    %scan3A_106 = arith.constant 0 : i32
    %scan3A_107 = arith.constant 50 : i32
    %scan3A_108 = arith.addi %scan3A_106, %scan3A_107 : i32
    %scan3A_109 = arith.constant 1 : i32
    scf.for %scan3A_211 = %scan3A_106 to %scan3A_108 step %scan3A_109  : i32 {
      %mul3A_212 = arith.constant 10 : i32
      %mul3A_213 = arith.muli %scan3A_211, %mul3A_212 : i32
      %add3A_214 = arith.constant 0 : i32
      %add3A_215 = arith.addi %mul3A_213, %add3A_214 : i32
      %dma_wait3A_216 = arith.constant 0 : i32
      %dma_wait3A_217 = arith.constant 0 : i32
      %dma_wait3A_218 = arith.constant 0 : i32
      %dma_wait3A_219 = tpu.memref_slice %arg11[%dma_wait3A_216, %dma_wait3A_217, %dma_wait3A_218] : memref<10x40x64xf32, #tpu.memory_space<vmem>> -> memref<1x40x64xf32, #tpu.memory_space<vmem>>
      %dma_wait3A_220 = tpu.memref_squeeze %dma_wait3A_219 : memref<1x40x64xf32, #tpu.memory_space<vmem>> -> memref<40x64xf32, #tpu.memory_space<vmem>>
      %dma_wait3A_221 = arith.constant 0 : i32
      %dma_wait3A_222 = tpu.memref_slice %arg9[%dma_wait3A_221] : memref<20000xi32, #tpu.memory_space<vmem>> -> memref<40xi32, #tpu.memory_space<vmem>>
      %dma_wait3A_223 = arith.constant 0 : i32
      %dma_wait3A_224 = arith.constant 0 : i32
      %dma_wait3A_225 = tpu.memref_slice %arg2[%dma_wait3A_223, %dma_wait3A_224] : memref<20000x64xf32, #tpu.memory_space<hbm>> -> memref<20000x64xf32, #tpu.memory_space<hbm>>
      tpu.wait_indirect_dma semaphore(%arg14 : memref<!tpu.dma_semaphore, #tpu.memory_space<semaphore_mem>>) src(%dma_wait3A_225 : memref<20000x64xf32, #tpu.memory_space<hbm>>) dst(%dma_wait3A_220 : memref<40x64xf32, #tpu.memory_space<vmem>>)
      %mul3A_226 = arith.constant 40 : i32
      %mul3A_227 = arith.muli %add3A_215, %mul3A_226 : i32
      %dma_start3A_228 = arith.constant 0 : i32
      %dma_start3A_229 = arith.constant 0 : i32
      %dma_start3A_230 = arith.constant 0 : i32
      %dma_start3A_231 = tpu.memref_slice %arg11[%dma_start3A_228, %dma_start3A_229, %dma_start3A_230] : memref<10x40x64xf32, #tpu.memory_space<vmem>> -> memref<1x40x64xf32, #tpu.memory_space<vmem>>
      %dma_start3A_232 = tpu.memref_squeeze %dma_start3A_231 : memref<1x40x64xf32, #tpu.memory_space<vmem>> -> memref<40x64xf32, #tpu.memory_space<vmem>>
      %dma_start3A_233 = tpu.memref_slice %arg10[%mul3A_227] : memref<20000xi32, #tpu.memory_space<vmem>> -> memref<40xi32, #tpu.memory_space<vmem>>
      %dma_start3A_234 = arith.constant 0 : i32
      %dma_start3A_235 = arith.constant 0 : i32
      %dma_start3A_236 = tpu.memref_slice %arg13[%dma_start3A_234, %dma_start3A_235] : memref<10240x64xf32, #tpu.memory_space<vmem_shared>> -> memref<10240x64xf32, #tpu.memory_space<vmem_shared>>
      tpu.enqueue_indirect_dma source(%dma_start3A_232 : memref<40x64xf32, #tpu.memory_space<vmem>>) target(%dma_start3A_236 : memref<10240x64xf32, #tpu.memory_space<vmem_shared>>) offsets(%dma_start3A_233 : memref<40xi32, #tpu.memory_space<vmem>>) semaphore(%arg24 : memref<!tpu.dma_semaphore, #tpu.memory_space<semaphore_mem>>) {add = true}
      %add3A_237 = arith.constant 9 : i32
      %add3A_238 = arith.addi %add3A_215, %add3A_237 : i32
      %lt3A = arith.constant 500 : i32
      %lt3A_239 = arith.cmpi slt, %add3A_238, %lt3A : i32
      %convert_element_type3A = arith.extui %lt3A_239 : i1 to i32
      %cond3A = arith.constant 0 : i32
      %cond3A_240 = arith.cmpi ne, %convert_element_type3A, %cond3A : i32
      scf.if %cond3A_240 {
        %ge3A = arith.constant 10 : i32
        %ge3A_529 = arith.cmpi sge, %add3A_238, %ge3A : i32
        %convert_element_type3A_530 = arith.extui %ge3A_529 : i1 to i32
        %cond3A_531 = arith.constant 0 : i32
        %cond3A_532 = arith.cmpi ne, %convert_element_type3A_530, %cond3A_531 : i32
        scf.if %cond3A_532 {
          %dma_wait3A_544 = arith.constant 9 : i32
          %dma_wait3A_545 = arith.constant 0 : i32
          %dma_wait3A_546 = arith.constant 0 : i32
          %dma_wait3A_547 = tpu.memref_slice %arg11[%dma_wait3A_544, %dma_wait3A_545, %dma_wait3A_546] : memref<10x40x64xf32, #tpu.memory_space<vmem>> -> memref<1x40x64xf32, #tpu.memory_space<vmem>>
          %dma_wait3A_548 = tpu.memref_squeeze %dma_wait3A_547 : memref<1x40x64xf32, #tpu.memory_space<vmem>> -> memref<40x64xf32, #tpu.memory_space<vmem>>
          %dma_wait3A_549 = arith.constant 0 : i32
          %dma_wait3A_550 = tpu.memref_slice %arg10[%dma_wait3A_549] : memref<20000xi32, #tpu.memory_space<vmem>> -> memref<40xi32, #tpu.memory_space<vmem>>
          %dma_wait3A_551 = arith.constant 0 : i32
          %dma_wait3A_552 = arith.constant 0 : i32
          %dma_wait3A_553 = tpu.memref_slice %arg13[%dma_wait3A_551, %dma_wait3A_552] : memref<10240x64xf32, #tpu.memory_space<vmem_shared>> -> memref<10240x64xf32, #tpu.memory_space<vmem_shared>>
          tpu.wait_indirect_dma semaphore(%arg33 : memref<!tpu.dma_semaphore, #tpu.memory_space<semaphore_mem>>) src(%dma_wait3A_548 : memref<40x64xf32, #tpu.memory_space<vmem>>) dst(%dma_wait3A_553 : memref<10240x64xf32, #tpu.memory_space<vmem_shared>>)
        } else {
        }
        %mul3A_533 = arith.constant 40 : i32
        %mul3A_534 = arith.muli %add3A_238, %mul3A_533 : i32
        %dma_start3A_535 = arith.constant 9 : i32
        %dma_start3A_536 = arith.constant 0 : i32
        %dma_start3A_537 = arith.constant 0 : i32
        %dma_start3A_538 = tpu.memref_slice %arg11[%dma_start3A_535, %dma_start3A_536, %dma_start3A_537] : memref<10x40x64xf32, #tpu.memory_space<vmem>> -> memref<1x40x64xf32, #tpu.memory_space<vmem>>
        %dma_start3A_539 = tpu.memref_squeeze %dma_start3A_538 : memref<1x40x64xf32, #tpu.memory_space<vmem>> -> memref<40x64xf32, #tpu.memory_space<vmem>>
        %dma_start3A_540 = tpu.memref_slice %arg9[%mul3A_534] : memref<20000xi32, #tpu.memory_space<vmem>> -> memref<40xi32, #tpu.memory_space<vmem>>
        %dma_start3A_541 = arith.constant 0 : i32
        %dma_start3A_542 = arith.constant 0 : i32
        %dma_start3A_543 = tpu.memref_slice %arg2[%dma_start3A_541, %dma_start3A_542] : memref<20000x64xf32, #tpu.memory_space<hbm>> -> memref<20000x64xf32, #tpu.memory_space<hbm>>
        tpu.enqueue_indirect_dma source(%dma_start3A_543 : memref<20000x64xf32, #tpu.memory_space<hbm>>) target(%dma_start3A_539 : memref<40x64xf32, #tpu.memory_space<vmem>>) offsets(%dma_start3A_540 : memref<40xi32, #tpu.memory_space<vmem>>) semaphore(%arg23 : memref<!tpu.dma_semaphore, #tpu.memory_space<semaphore_mem>>)
      } else {
      }
      %mul3A_241 = arith.constant 10 : i32
      %mul3A_242 = arith.muli %scan3A_211, %mul3A_241 : i32
      %add3A_243 = arith.constant 1 : i32
      %add3A_244 = arith.addi %mul3A_242, %add3A_243 : i32
      %dma_wait3A_245 = arith.constant 1 : i32
      %dma_wait3A_246 = arith.constant 0 : i32
      %dma_wait3A_247 = arith.constant 0 : i32
      %dma_wait3A_248 = tpu.memref_slice %arg11[%dma_wait3A_245, %dma_wait3A_246, %dma_wait3A_247] : memref<10x40x64xf32, #tpu.memory_space<vmem>> -> memref<1x40x64xf32, #tpu.memory_space<vmem>>
      %dma_wait3A_249 = tpu.memref_squeeze %dma_wait3A_248 : memref<1x40x64xf32, #tpu.memory_space<vmem>> -> memref<40x64xf32, #tpu.memory_space<vmem>>
      %dma_wait3A_250 = arith.constant 0 : i32
      %dma_wait3A_251 = tpu.memref_slice %arg9[%dma_wait3A_250] : memref<20000xi32, #tpu.memory_space<vmem>> -> memref<40xi32, #tpu.memory_space<vmem>>
      %dma_wait3A_252 = arith.constant 0 : i32
      %dma_wait3A_253 = arith.constant 0 : i32
      %dma_wait3A_254 = tpu.memref_slice %arg2[%dma_wait3A_252, %dma_wait3A_253] : memref<20000x64xf32, #tpu.memory_space<hbm>> -> memref<20000x64xf32, #tpu.memory_space<hbm>>
      tpu.wait_indirect_dma semaphore(%arg15 : memref<!tpu.dma_semaphore, #tpu.memory_space<semaphore_mem>>) src(%dma_wait3A_254 : memref<20000x64xf32, #tpu.memory_space<hbm>>) dst(%dma_wait3A_249 : memref<40x64xf32, #tpu.memory_space<vmem>>)
      %mul3A_255 = arith.constant 40 : i32
      %mul3A_256 = arith.muli %add3A_244, %mul3A_255 : i32
      %dma_start3A_257 = arith.constant 1 : i32
      %dma_start3A_258 = arith.constant 0 : i32
      %dma_start3A_259 = arith.constant 0 : i32
      %dma_start3A_260 = tpu.memref_slice %arg11[%dma_start3A_257, %dma_start3A_258, %dma_start3A_259] : memref<10x40x64xf32, #tpu.memory_space<vmem>> -> memref<1x40x64xf32, #tpu.memory_space<vmem>>
      %dma_start3A_261 = tpu.memref_squeeze %dma_start3A_260 : memref<1x40x64xf32, #tpu.memory_space<vmem>> -> memref<40x64xf32, #tpu.memory_space<vmem>>
      %dma_start3A_262 = tpu.memref_slice %arg10[%mul3A_256] : memref<20000xi32, #tpu.memory_space<vmem>> -> memref<40xi32, #tpu.memory_space<vmem>>
      %dma_start3A_263 = arith.constant 0 : i32
      %dma_start3A_264 = arith.constant 0 : i32
      %dma_start3A_265 = tpu.memref_slice %arg13[%dma_start3A_263, %dma_start3A_264] : memref<10240x64xf32, #tpu.memory_space<vmem_shared>> -> memref<10240x64xf32, #tpu.memory_space<vmem_shared>>
      tpu.enqueue_indirect_dma source(%dma_start3A_261 : memref<40x64xf32, #tpu.memory_space<vmem>>) target(%dma_start3A_265 : memref<10240x64xf32, #tpu.memory_space<vmem_shared>>) offsets(%dma_start3A_262 : memref<40xi32, #tpu.memory_space<vmem>>) semaphore(%arg25 : memref<!tpu.dma_semaphore, #tpu.memory_space<semaphore_mem>>) {add = true}
      %add3A_266 = arith.constant 9 : i32
      %add3A_267 = arith.addi %add3A_244, %add3A_266 : i32
      %lt3A_268 = arith.constant 500 : i32
      %lt3A_269 = arith.cmpi slt, %add3A_267, %lt3A_268 : i32
      %convert_element_type3A_270 = arith.extui %lt3A_269 : i1 to i32
      %cond3A_271 = arith.constant 0 : i32
      %cond3A_272 = arith.cmpi ne, %convert_element_type3A_270, %cond3A_271 : i32
      scf.if %cond3A_272 {
        %ge3A = arith.constant 10 : i32
        %ge3A_529 = arith.cmpi sge, %add3A_267, %ge3A : i32
        %convert_element_type3A_530 = arith.extui %ge3A_529 : i1 to i32
        %cond3A_531 = arith.constant 0 : i32
        %cond3A_532 = arith.cmpi ne, %convert_element_type3A_530, %cond3A_531 : i32
        scf.if %cond3A_532 {
          %dma_wait3A_544 = arith.constant 0 : i32
          %dma_wait3A_545 = arith.constant 0 : i32
          %dma_wait3A_546 = arith.constant 0 : i32
          %dma_wait3A_547 = tpu.memref_slice %arg11[%dma_wait3A_544, %dma_wait3A_545, %dma_wait3A_546] : memref<10x40x64xf32, #tpu.memory_space<vmem>> -> memref<1x40x64xf32, #tpu.memory_space<vmem>>
          %dma_wait3A_548 = tpu.memref_squeeze %dma_wait3A_547 : memref<1x40x64xf32, #tpu.memory_space<vmem>> -> memref<40x64xf32, #tpu.memory_space<vmem>>
          %dma_wait3A_549 = arith.constant 0 : i32
          %dma_wait3A_550 = tpu.memref_slice %arg10[%dma_wait3A_549] : memref<20000xi32, #tpu.memory_space<vmem>> -> memref<40xi32, #tpu.memory_space<vmem>>
          %dma_wait3A_551 = arith.constant 0 : i32
          %dma_wait3A_552 = arith.constant 0 : i32
          %dma_wait3A_553 = tpu.memref_slice %arg13[%dma_wait3A_551, %dma_wait3A_552] : memref<10240x64xf32, #tpu.memory_space<vmem_shared>> -> memref<10240x64xf32, #tpu.memory_space<vmem_shared>>
          tpu.wait_indirect_dma semaphore(%arg24 : memref<!tpu.dma_semaphore, #tpu.memory_space<semaphore_mem>>) src(%dma_wait3A_548 : memref<40x64xf32, #tpu.memory_space<vmem>>) dst(%dma_wait3A_553 : memref<10240x64xf32, #tpu.memory_space<vmem_shared>>)
        } else {
        }
        %mul3A_533 = arith.constant 40 : i32
        %mul3A_534 = arith.muli %add3A_267, %mul3A_533 : i32
        %dma_start3A_535 = arith.constant 0 : i32
        %dma_start3A_536 = arith.constant 0 : i32
        %dma_start3A_537 = arith.constant 0 : i32
        %dma_start3A_538 = tpu.memref_slice %arg11[%dma_start3A_535, %dma_start3A_536, %dma_start3A_537] : memref<10x40x64xf32, #tpu.memory_space<vmem>> -> memref<1x40x64xf32, #tpu.memory_space<vmem>>
        %dma_start3A_539 = tpu.memref_squeeze %dma_start3A_538 : memref<1x40x64xf32, #tpu.memory_space<vmem>> -> memref<40x64xf32, #tpu.memory_space<vmem>>
        %dma_start3A_540 = tpu.memref_slice %arg9[%mul3A_534] : memref<20000xi32, #tpu.memory_space<vmem>> -> memref<40xi32, #tpu.memory_space<vmem>>
        %dma_start3A_541 = arith.constant 0 : i32
        %dma_start3A_542 = arith.constant 0 : i32
        %dma_start3A_543 = tpu.memref_slice %arg2[%dma_start3A_541, %dma_start3A_542] : memref<20000x64xf32, #tpu.memory_space<hbm>> -> memref<20000x64xf32, #tpu.memory_space<hbm>>
        tpu.enqueue_indirect_dma source(%dma_start3A_543 : memref<20000x64xf32, #tpu.memory_space<hbm>>) target(%dma_start3A_539 : memref<40x64xf32, #tpu.memory_space<vmem>>) offsets(%dma_start3A_540 : memref<40xi32, #tpu.memory_space<vmem>>) semaphore(%arg14 : memref<!tpu.dma_semaphore, #tpu.memory_space<semaphore_mem>>)
      } else {
      }
      %mul3A_273 = arith.constant 10 : i32
      %mul3A_274 = arith.muli %scan3A_211, %mul3A_273 : i32
      %add3A_275 = arith.constant 2 : i32
      %add3A_276 = arith.addi %mul3A_274, %add3A_275 : i32
      %dma_wait3A_277 = arith.constant 2 : i32
      %dma_wait3A_278 = arith.constant 0 : i32
      %dma_wait3A_279 = arith.constant 0 : i32
      %dma_wait3A_280 = tpu.memref_slice %arg11[%dma_wait3A_277, %dma_wait3A_278, %dma_wait3A_279] : memref<10x40x64xf32, #tpu.memory_space<vmem>> -> memref<1x40x64xf32, #tpu.memory_space<vmem>>
      %dma_wait3A_281 = tpu.memref_squeeze %dma_wait3A_280 : memref<1x40x64xf32, #tpu.memory_space<vmem>> -> memref<40x64xf32, #tpu.memory_space<vmem>>
      %dma_wait3A_282 = arith.constant 0 : i32
      %dma_wait3A_283 = tpu.memref_slice %arg9[%dma_wait3A_282] : memref<20000xi32, #tpu.memory_space<vmem>> -> memref<40xi32, #tpu.memory_space<vmem>>
      %dma_wait3A_284 = arith.constant 0 : i32
      %dma_wait3A_285 = arith.constant 0 : i32
      %dma_wait3A_286 = tpu.memref_slice %arg2[%dma_wait3A_284, %dma_wait3A_285] : memref<20000x64xf32, #tpu.memory_space<hbm>> -> memref<20000x64xf32, #tpu.memory_space<hbm>>
      tpu.wait_indirect_dma semaphore(%arg16 : memref<!tpu.dma_semaphore, #tpu.memory_space<semaphore_mem>>) src(%dma_wait3A_286 : memref<20000x64xf32, #tpu.memory_space<hbm>>) dst(%dma_wait3A_281 : memref<40x64xf32, #tpu.memory_space<vmem>>)
      %mul3A_287 = arith.constant 40 : i32
      %mul3A_288 = arith.muli %add3A_276, %mul3A_287 : i32
      %dma_start3A_289 = arith.constant 2 : i32
      %dma_start3A_290 = arith.constant 0 : i32
      %dma_start3A_291 = arith.constant 0 : i32
      %dma_start3A_292 = tpu.memref_slice %arg11[%dma_start3A_289, %dma_start3A_290, %dma_start3A_291] : memref<10x40x64xf32, #tpu.memory_space<vmem>> -> memref<1x40x64xf32, #tpu.memory_space<vmem>>
      %dma_start3A_293 = tpu.memref_squeeze %dma_start3A_292 : memref<1x40x64xf32, #tpu.memory_space<vmem>> -> memref<40x64xf32, #tpu.memory_space<vmem>>
      %dma_start3A_294 = tpu.memref_slice %arg10[%mul3A_288] : memref<20000xi32, #tpu.memory_space<vmem>> -> memref<40xi32, #tpu.memory_space<vmem>>
      %dma_start3A_295 = arith.constant 0 : i32
      %dma_start3A_296 = arith.constant 0 : i32
      %dma_start3A_297 = tpu.memref_slice %arg13[%dma_start3A_295, %dma_start3A_296] : memref<10240x64xf32, #tpu.memory_space<vmem_shared>> -> memref<10240x64xf32, #tpu.memory_space<vmem_shared>>
      tpu.enqueue_indirect_dma source(%dma_start3A_293 : memref<40x64xf32, #tpu.memory_space<vmem>>) target(%dma_start3A_297 : memref<10240x64xf32, #tpu.memory_space<vmem_shared>>) offsets(%dma_start3A_294 : memref<40xi32, #tpu.memory_space<vmem>>) semaphore(%arg26 : memref<!tpu.dma_semaphore, #tpu.memory_space<semaphore_mem>>) {add = true}
      %add3A_298 = arith.constant 9 : i32
      %add3A_299 = arith.addi %add3A_276, %add3A_298 : i32
      %lt3A_300 = arith.constant 500 : i32
      %lt3A_301 = arith.cmpi slt, %add3A_299, %lt3A_300 : i32
      %convert_element_type3A_302 = arith.extui %lt3A_301 : i1 to i32
      %cond3A_303 = arith.constant 0 : i32
      %cond3A_304 = arith.cmpi ne, %convert_element_type3A_302, %cond3A_303 : i32
      scf.if %cond3A_304 {
        %ge3A = arith.constant 10 : i32
        %ge3A_529 = arith.cmpi sge, %add3A_299, %ge3A : i32
        %convert_element_type3A_530 = arith.extui %ge3A_529 : i1 to i32
        %cond3A_531 = arith.constant 0 : i32
        %cond3A_532 = arith.cmpi ne, %convert_element_type3A_530, %cond3A_531 : i32
        scf.if %cond3A_532 {
          %dma_wait3A_544 = arith.constant 1 : i32
          %dma_wait3A_545 = arith.constant 0 : i32
          %dma_wait3A_546 = arith.constant 0 : i32
          %dma_wait3A_547 = tpu.memref_slice %arg11[%dma_wait3A_544, %dma_wait3A_545, %dma_wait3A_546] : memref<10x40x64xf32, #tpu.memory_space<vmem>> -> memref<1x40x64xf32, #tpu.memory_space<vmem>>
          %dma_wait3A_548 = tpu.memref_squeeze %dma_wait3A_547 : memref<1x40x64xf32, #tpu.memory_space<vmem>> -> memref<40x64xf32, #tpu.memory_space<vmem>>
          %dma_wait3A_549 = arith.constant 0 : i32
          %dma_wait3A_550 = tpu.memref_slice %arg10[%dma_wait3A_549] : memref<20000xi32, #tpu.memory_space<vmem>> -> memref<40xi32, #tpu.memory_space<vmem>>
          %dma_wait3A_551 = arith.constant 0 : i32
          %dma_wait3A_552 = arith.constant 0 : i32
          %dma_wait3A_553 = tpu.memref_slice %arg13[%dma_wait3A_551, %dma_wait3A_552] : memref<10240x64xf32, #tpu.memory_space<vmem_shared>> -> memref<10240x64xf32, #tpu.memory_space<vmem_shared>>
          tpu.wait_indirect_dma semaphore(%arg25 : memref<!tpu.dma_semaphore, #tpu.memory_space<semaphore_mem>>) src(%dma_wait3A_548 : memref<40x64xf32, #tpu.memory_space<vmem>>) dst(%dma_wait3A_553 : memref<10240x64xf32, #tpu.memory_space<vmem_shared>>)
        } else {
        }
        %mul3A_533 = arith.constant 40 : i32
        %mul3A_534 = arith.muli %add3A_299, %mul3A_533 : i32
        %dma_start3A_535 = arith.constant 1 : i32
        %dma_start3A_536 = arith.constant 0 : i32
        %dma_start3A_537 = arith.constant 0 : i32
        %dma_start3A_538 = tpu.memref_slice %arg11[%dma_start3A_535, %dma_start3A_536, %dma_start3A_537] : memref<10x40x64xf32, #tpu.memory_space<vmem>> -> memref<1x40x64xf32, #tpu.memory_space<vmem>>
        %dma_start3A_539 = tpu.memref_squeeze %dma_start3A_538 : memref<1x40x64xf32, #tpu.memory_space<vmem>> -> memref<40x64xf32, #tpu.memory_space<vmem>>
        %dma_start3A_540 = tpu.memref_slice %arg9[%mul3A_534] : memref<20000xi32, #tpu.memory_space<vmem>> -> memref<40xi32, #tpu.memory_space<vmem>>
        %dma_start3A_541 = arith.constant 0 : i32
        %dma_start3A_542 = arith.constant 0 : i32
        %dma_start3A_543 = tpu.memref_slice %arg2[%dma_start3A_541, %dma_start3A_542] : memref<20000x64xf32, #tpu.memory_space<hbm>> -> memref<20000x64xf32, #tpu.memory_space<hbm>>
        tpu.enqueue_indirect_dma source(%dma_start3A_543 : memref<20000x64xf32, #tpu.memory_space<hbm>>) target(%dma_start3A_539 : memref<40x64xf32, #tpu.memory_space<vmem>>) offsets(%dma_start3A_540 : memref<40xi32, #tpu.memory_space<vmem>>) semaphore(%arg15 : memref<!tpu.dma_semaphore, #tpu.memory_space<semaphore_mem>>)
      } else {
      }
      %mul3A_305 = arith.constant 10 : i32
      %mul3A_306 = arith.muli %scan3A_211, %mul3A_305 : i32
      %add3A_307 = arith.constant 3 : i32
      %add3A_308 = arith.addi %mul3A_306, %add3A_307 : i32
      %dma_wait3A_309 = arith.constant 3 : i32
      %dma_wait3A_310 = arith.constant 0 : i32
      %dma_wait3A_311 = arith.constant 0 : i32
      %dma_wait3A_312 = tpu.memref_slice %arg11[%dma_wait3A_309, %dma_wait3A_310, %dma_wait3A_311] : memref<10x40x64xf32, #tpu.memory_space<vmem>> -> memref<1x40x64xf32, #tpu.memory_space<vmem>>
      %dma_wait3A_313 = tpu.memref_squeeze %dma_wait3A_312 : memref<1x40x64xf32, #tpu.memory_space<vmem>> -> memref<40x64xf32, #tpu.memory_space<vmem>>
      %dma_wait3A_314 = arith.constant 0 : i32
      %dma_wait3A_315 = tpu.memref_slice %arg9[%dma_wait3A_314] : memref<20000xi32, #tpu.memory_space<vmem>> -> memref<40xi32, #tpu.memory_space<vmem>>
      %dma_wait3A_316 = arith.constant 0 : i32
      %dma_wait3A_317 = arith.constant 0 : i32
      %dma_wait3A_318 = tpu.memref_slice %arg2[%dma_wait3A_316, %dma_wait3A_317] : memref<20000x64xf32, #tpu.memory_space<hbm>> -> memref<20000x64xf32, #tpu.memory_space<hbm>>
      tpu.wait_indirect_dma semaphore(%arg17 : memref<!tpu.dma_semaphore, #tpu.memory_space<semaphore_mem>>) src(%dma_wait3A_318 : memref<20000x64xf32, #tpu.memory_space<hbm>>) dst(%dma_wait3A_313 : memref<40x64xf32, #tpu.memory_space<vmem>>)
      %mul3A_319 = arith.constant 40 : i32
      %mul3A_320 = arith.muli %add3A_308, %mul3A_319 : i32
      %dma_start3A_321 = arith.constant 3 : i32
      %dma_start3A_322 = arith.constant 0 : i32
      %dma_start3A_323 = arith.constant 0 : i32
      %dma_start3A_324 = tpu.memref_slice %arg11[%dma_start3A_321, %dma_start3A_322, %dma_start3A_323] : memref<10x40x64xf32, #tpu.memory_space<vmem>> -> memref<1x40x64xf32, #tpu.memory_space<vmem>>
      %dma_start3A_325 = tpu.memref_squeeze %dma_start3A_324 : memref<1x40x64xf32, #tpu.memory_space<vmem>> -> memref<40x64xf32, #tpu.memory_space<vmem>>
      %dma_start3A_326 = tpu.memref_slice %arg10[%mul3A_320] : memref<20000xi32, #tpu.memory_space<vmem>> -> memref<40xi32, #tpu.memory_space<vmem>>
      %dma_start3A_327 = arith.constant 0 : i32
      %dma_start3A_328 = arith.constant 0 : i32
      %dma_start3A_329 = tpu.memref_slice %arg13[%dma_start3A_327, %dma_start3A_328] : memref<10240x64xf32, #tpu.memory_space<vmem_shared>> -> memref<10240x64xf32, #tpu.memory_space<vmem_shared>>
      tpu.enqueue_indirect_dma source(%dma_start3A_325 : memref<40x64xf32, #tpu.memory_space<vmem>>) target(%dma_start3A_329 : memref<10240x64xf32, #tpu.memory_space<vmem_shared>>) offsets(%dma_start3A_326 : memref<40xi32, #tpu.memory_space<vmem>>) semaphore(%arg27 : memref<!tpu.dma_semaphore, #tpu.memory_space<semaphore_mem>>) {add = true}
      %add3A_330 = arith.constant 9 : i32
      %add3A_331 = arith.addi %add3A_308, %add3A_330 : i32
      %lt3A_332 = arith.constant 500 : i32
      %lt3A_333 = arith.cmpi slt, %add3A_331, %lt3A_332 : i32
      %convert_element_type3A_334 = arith.extui %lt3A_333 : i1 to i32
      %cond3A_335 = arith.constant 0 : i32
      %cond3A_336 = arith.cmpi ne, %convert_element_type3A_334, %cond3A_335 : i32
      scf.if %cond3A_336 {
        %ge3A = arith.constant 10 : i32
        %ge3A_529 = arith.cmpi sge, %add3A_331, %ge3A : i32
        %convert_element_type3A_530 = arith.extui %ge3A_529 : i1 to i32
        %cond3A_531 = arith.constant 0 : i32
        %cond3A_532 = arith.cmpi ne, %convert_element_type3A_530, %cond3A_531 : i32
        scf.if %cond3A_532 {
          %dma_wait3A_544 = arith.constant 2 : i32
          %dma_wait3A_545 = arith.constant 0 : i32
          %dma_wait3A_546 = arith.constant 0 : i32
          %dma_wait3A_547 = tpu.memref_slice %arg11[%dma_wait3A_544, %dma_wait3A_545, %dma_wait3A_546] : memref<10x40x64xf32, #tpu.memory_space<vmem>> -> memref<1x40x64xf32, #tpu.memory_space<vmem>>
          %dma_wait3A_548 = tpu.memref_squeeze %dma_wait3A_547 : memref<1x40x64xf32, #tpu.memory_space<vmem>> -> memref<40x64xf32, #tpu.memory_space<vmem>>
          %dma_wait3A_549 = arith.constant 0 : i32
          %dma_wait3A_550 = tpu.memref_slice %arg10[%dma_wait3A_549] : memref<20000xi32, #tpu.memory_space<vmem>> -> memref<40xi32, #tpu.memory_space<vmem>>
          %dma_wait3A_551 = arith.constant 0 : i32
          %dma_wait3A_552 = arith.constant 0 : i32
          %dma_wait3A_553 = tpu.memref_slice %arg13[%dma_wait3A_551, %dma_wait3A_552] : memref<10240x64xf32, #tpu.memory_space<vmem_shared>> -> memref<10240x64xf32, #tpu.memory_space<vmem_shared>>
          tpu.wait_indirect_dma semaphore(%arg26 : memref<!tpu.dma_semaphore, #tpu.memory_space<semaphore_mem>>) src(%dma_wait3A_548 : memref<40x64xf32, #tpu.memory_space<vmem>>) dst(%dma_wait3A_553 : memref<10240x64xf32, #tpu.memory_space<vmem_shared>>)
        } else {
        }
        %mul3A_533 = arith.constant 40 : i32
        %mul3A_534 = arith.muli %add3A_331, %mul3A_533 : i32
        %dma_start3A_535 = arith.constant 2 : i32
        %dma_start3A_536 = arith.constant 0 : i32
        %dma_start3A_537 = arith.constant 0 : i32
        %dma_start3A_538 = tpu.memref_slice %arg11[%dma_start3A_535, %dma_start3A_536, %dma_start3A_537] : memref<10x40x64xf32, #tpu.memory_space<vmem>> -> memref<1x40x64xf32, #tpu.memory_space<vmem>>
        %dma_start3A_539 = tpu.memref_squeeze %dma_start3A_538 : memref<1x40x64xf32, #tpu.memory_space<vmem>> -> memref<40x64xf32, #tpu.memory_space<vmem>>
        %dma_start3A_540 = tpu.memref_slice %arg9[%mul3A_534] : memref<20000xi32, #tpu.memory_space<vmem>> -> memref<40xi32, #tpu.memory_space<vmem>>
        %dma_start3A_541 = arith.constant 0 : i32
        %dma_start3A_542 = arith.constant 0 : i32
        %dma_start3A_543 = tpu.memref_slice %arg2[%dma_start3A_541, %dma_start3A_542] : memref<20000x64xf32, #tpu.memory_space<hbm>> -> memref<20000x64xf32, #tpu.memory_space<hbm>>
        tpu.enqueue_indirect_dma source(%dma_start3A_543 : memref<20000x64xf32, #tpu.memory_space<hbm>>) target(%dma_start3A_539 : memref<40x64xf32, #tpu.memory_space<vmem>>) offsets(%dma_start3A_540 : memref<40xi32, #tpu.memory_space<vmem>>) semaphore(%arg16 : memref<!tpu.dma_semaphore, #tpu.memory_space<semaphore_mem>>)
      } else {
      }
      %mul3A_337 = arith.constant 10 : i32
      %mul3A_338 = arith.muli %scan3A_211, %mul3A_337 : i32
      %add3A_339 = arith.constant 4 : i32
      %add3A_340 = arith.addi %mul3A_338, %add3A_339 : i32
      %dma_wait3A_341 = arith.constant 4 : i32
      %dma_wait3A_342 = arith.constant 0 : i32
      %dma_wait3A_343 = arith.constant 0 : i32
      %dma_wait3A_344 = tpu.memref_slice %arg11[%dma_wait3A_341, %dma_wait3A_342, %dma_wait3A_343] : memref<10x40x64xf32, #tpu.memory_space<vmem>> -> memref<1x40x64xf32, #tpu.memory_space<vmem>>
      %dma_wait3A_345 = tpu.memref_squeeze %dma_wait3A_344 : memref<1x40x64xf32, #tpu.memory_space<vmem>> -> memref<40x64xf32, #tpu.memory_space<vmem>>
      %dma_wait3A_346 = arith.constant 0 : i32
      %dma_wait3A_347 = tpu.memref_slice %arg9[%dma_wait3A_346] : memref<20000xi32, #tpu.memory_space<vmem>> -> memref<40xi32, #tpu.memory_space<vmem>>
      %dma_wait3A_348 = arith.constant 0 : i32
      %dma_wait3A_349 = arith.constant 0 : i32
      %dma_wait3A_350 = tpu.memref_slice %arg2[%dma_wait3A_348, %dma_wait3A_349] : memref<20000x64xf32, #tpu.memory_space<hbm>> -> memref<20000x64xf32, #tpu.memory_space<hbm>>
      tpu.wait_indirect_dma semaphore(%arg18 : memref<!tpu.dma_semaphore, #tpu.memory_space<semaphore_mem>>) src(%dma_wait3A_350 : memref<20000x64xf32, #tpu.memory_space<hbm>>) dst(%dma_wait3A_345 : memref<40x64xf32, #tpu.memory_space<vmem>>)
      %mul3A_351 = arith.constant 40 : i32
      %mul3A_352 = arith.muli %add3A_340, %mul3A_351 : i32
      %dma_start3A_353 = arith.constant 4 : i32
      %dma_start3A_354 = arith.constant 0 : i32
      %dma_start3A_355 = arith.constant 0 : i32
      %dma_start3A_356 = tpu.memref_slice %arg11[%dma_start3A_353, %dma_start3A_354, %dma_start3A_355] : memref<10x40x64xf32, #tpu.memory_space<vmem>> -> memref<1x40x64xf32, #tpu.memory_space<vmem>>
      %dma_start3A_357 = tpu.memref_squeeze %dma_start3A_356 : memref<1x40x64xf32, #tpu.memory_space<vmem>> -> memref<40x64xf32, #tpu.memory_space<vmem>>
      %dma_start3A_358 = tpu.memref_slice %arg10[%mul3A_352] : memref<20000xi32, #tpu.memory_space<vmem>> -> memref<40xi32, #tpu.memory_space<vmem>>
      %dma_start3A_359 = arith.constant 0 : i32
      %dma_start3A_360 = arith.constant 0 : i32
      %dma_start3A_361 = tpu.memref_slice %arg13[%dma_start3A_359, %dma_start3A_360] : memref<10240x64xf32, #tpu.memory_space<vmem_shared>> -> memref<10240x64xf32, #tpu.memory_space<vmem_shared>>
      tpu.enqueue_indirect_dma source(%dma_start3A_357 : memref<40x64xf32, #tpu.memory_space<vmem>>) target(%dma_start3A_361 : memref<10240x64xf32, #tpu.memory_space<vmem_shared>>) offsets(%dma_start3A_358 : memref<40xi32, #tpu.memory_space<vmem>>) semaphore(%arg28 : memref<!tpu.dma_semaphore, #tpu.memory_space<semaphore_mem>>) {add = true}
      %add3A_362 = arith.constant 9 : i32
      %add3A_363 = arith.addi %add3A_340, %add3A_362 : i32
      %lt3A_364 = arith.constant 500 : i32
      %lt3A_365 = arith.cmpi slt, %add3A_363, %lt3A_364 : i32
      %convert_element_type3A_366 = arith.extui %lt3A_365 : i1 to i32
      %cond3A_367 = arith.constant 0 : i32
      %cond3A_368 = arith.cmpi ne, %convert_element_type3A_366, %cond3A_367 : i32
      scf.if %cond3A_368 {
        %ge3A = arith.constant 10 : i32
        %ge3A_529 = arith.cmpi sge, %add3A_363, %ge3A : i32
        %convert_element_type3A_530 = arith.extui %ge3A_529 : i1 to i32
        %cond3A_531 = arith.constant 0 : i32
        %cond3A_532 = arith.cmpi ne, %convert_element_type3A_530, %cond3A_531 : i32
        scf.if %cond3A_532 {
          %dma_wait3A_544 = arith.constant 3 : i32
          %dma_wait3A_545 = arith.constant 0 : i32
          %dma_wait3A_546 = arith.constant 0 : i32
          %dma_wait3A_547 = tpu.memref_slice %arg11[%dma_wait3A_544, %dma_wait3A_545, %dma_wait3A_546] : memref<10x40x64xf32, #tpu.memory_space<vmem>> -> memref<1x40x64xf32, #tpu.memory_space<vmem>>
          %dma_wait3A_548 = tpu.memref_squeeze %dma_wait3A_547 : memref<1x40x64xf32, #tpu.memory_space<vmem>> -> memref<40x64xf32, #tpu.memory_space<vmem>>
          %dma_wait3A_549 = arith.constant 0 : i32
          %dma_wait3A_550 = tpu.memref_slice %arg10[%dma_wait3A_549] : memref<20000xi32, #tpu.memory_space<vmem>> -> memref<40xi32, #tpu.memory_space<vmem>>
          %dma_wait3A_551 = arith.constant 0 : i32
          %dma_wait3A_552 = arith.constant 0 : i32
          %dma_wait3A_553 = tpu.memref_slice %arg13[%dma_wait3A_551, %dma_wait3A_552] : memref<10240x64xf32, #tpu.memory_space<vmem_shared>> -> memref<10240x64xf32, #tpu.memory_space<vmem_shared>>
          tpu.wait_indirect_dma semaphore(%arg27 : memref<!tpu.dma_semaphore, #tpu.memory_space<semaphore_mem>>) src(%dma_wait3A_548 : memref<40x64xf32, #tpu.memory_space<vmem>>) dst(%dma_wait3A_553 : memref<10240x64xf32, #tpu.memory_space<vmem_shared>>)
        } else {
        }
        %mul3A_533 = arith.constant 40 : i32
        %mul3A_534 = arith.muli %add3A_363, %mul3A_533 : i32
        %dma_start3A_535 = arith.constant 3 : i32
        %dma_start3A_536 = arith.constant 0 : i32
        %dma_start3A_537 = arith.constant 0 : i32
        %dma_start3A_538 = tpu.memref_slice %arg11[%dma_start3A_535, %dma_start3A_536, %dma_start3A_537] : memref<10x40x64xf32, #tpu.memory_space<vmem>> -> memref<1x40x64xf32, #tpu.memory_space<vmem>>
        %dma_start3A_539 = tpu.memref_squeeze %dma_start3A_538 : memref<1x40x64xf32, #tpu.memory_space<vmem>> -> memref<40x64xf32, #tpu.memory_space<vmem>>
        %dma_start3A_540 = tpu.memref_slice %arg9[%mul3A_534] : memref<20000xi32, #tpu.memory_space<vmem>> -> memref<40xi32, #tpu.memory_space<vmem>>
        %dma_start3A_541 = arith.constant 0 : i32
        %dma_start3A_542 = arith.constant 0 : i32
        %dma_start3A_543 = tpu.memref_slice %arg2[%dma_start3A_541, %dma_start3A_542] : memref<20000x64xf32, #tpu.memory_space<hbm>> -> memref<20000x64xf32, #tpu.memory_space<hbm>>
        tpu.enqueue_indirect_dma source(%dma_start3A_543 : memref<20000x64xf32, #tpu.memory_space<hbm>>) target(%dma_start3A_539 : memref<40x64xf32, #tpu.memory_space<vmem>>) offsets(%dma_start3A_540 : memref<40xi32, #tpu.memory_space<vmem>>) semaphore(%arg17 : memref<!tpu.dma_semaphore, #tpu.memory_space<semaphore_mem>>)
      } else {
      }
      %mul3A_369 = arith.constant 10 : i32
      %mul3A_370 = arith.muli %scan3A_211, %mul3A_369 : i32
      %add3A_371 = arith.constant 5 : i32
      %add3A_372 = arith.addi %mul3A_370, %add3A_371 : i32
      %dma_wait3A_373 = arith.constant 5 : i32
      %dma_wait3A_374 = arith.constant 0 : i32
      %dma_wait3A_375 = arith.constant 0 : i32
      %dma_wait3A_376 = tpu.memref_slice %arg11[%dma_wait3A_373, %dma_wait3A_374, %dma_wait3A_375] : memref<10x40x64xf32, #tpu.memory_space<vmem>> -> memref<1x40x64xf32, #tpu.memory_space<vmem>>
      %dma_wait3A_377 = tpu.memref_squeeze %dma_wait3A_376 : memref<1x40x64xf32, #tpu.memory_space<vmem>> -> memref<40x64xf32, #tpu.memory_space<vmem>>
      %dma_wait3A_378 = arith.constant 0 : i32
      %dma_wait3A_379 = tpu.memref_slice %arg9[%dma_wait3A_378] : memref<20000xi32, #tpu.memory_space<vmem>> -> memref<40xi32, #tpu.memory_space<vmem>>
      %dma_wait3A_380 = arith.constant 0 : i32
      %dma_wait3A_381 = arith.constant 0 : i32
      %dma_wait3A_382 = tpu.memref_slice %arg2[%dma_wait3A_380, %dma_wait3A_381] : memref<20000x64xf32, #tpu.memory_space<hbm>> -> memref<20000x64xf32, #tpu.memory_space<hbm>>
      tpu.wait_indirect_dma semaphore(%arg19 : memref<!tpu.dma_semaphore, #tpu.memory_space<semaphore_mem>>) src(%dma_wait3A_382 : memref<20000x64xf32, #tpu.memory_space<hbm>>) dst(%dma_wait3A_377 : memref<40x64xf32, #tpu.memory_space<vmem>>)
      %mul3A_383 = arith.constant 40 : i32
      %mul3A_384 = arith.muli %add3A_372, %mul3A_383 : i32
      %dma_start3A_385 = arith.constant 5 : i32
      %dma_start3A_386 = arith.constant 0 : i32
      %dma_start3A_387 = arith.constant 0 : i32
      %dma_start3A_388 = tpu.memref_slice %arg11[%dma_start3A_385, %dma_start3A_386, %dma_start3A_387] : memref<10x40x64xf32, #tpu.memory_space<vmem>> -> memref<1x40x64xf32, #tpu.memory_space<vmem>>
      %dma_start3A_389 = tpu.memref_squeeze %dma_start3A_388 : memref<1x40x64xf32, #tpu.memory_space<vmem>> -> memref<40x64xf32, #tpu.memory_space<vmem>>
      %dma_start3A_390 = tpu.memref_slice %arg10[%mul3A_384] : memref<20000xi32, #tpu.memory_space<vmem>> -> memref<40xi32, #tpu.memory_space<vmem>>
      %dma_start3A_391 = arith.constant 0 : i32
      %dma_start3A_392 = arith.constant 0 : i32
      %dma_start3A_393 = tpu.memref_slice %arg13[%dma_start3A_391, %dma_start3A_392] : memref<10240x64xf32, #tpu.memory_space<vmem_shared>> -> memref<10240x64xf32, #tpu.memory_space<vmem_shared>>
      tpu.enqueue_indirect_dma source(%dma_start3A_389 : memref<40x64xf32, #tpu.memory_space<vmem>>) target(%dma_start3A_393 : memref<10240x64xf32, #tpu.memory_space<vmem_shared>>) offsets(%dma_start3A_390 : memref<40xi32, #tpu.memory_space<vmem>>) semaphore(%arg29 : memref<!tpu.dma_semaphore, #tpu.memory_space<semaphore_mem>>) {add = true}
      %add3A_394 = arith.constant 9 : i32
      %add3A_395 = arith.addi %add3A_372, %add3A_394 : i32
      %lt3A_396 = arith.constant 500 : i32
      %lt3A_397 = arith.cmpi slt, %add3A_395, %lt3A_396 : i32
      %convert_element_type3A_398 = arith.extui %lt3A_397 : i1 to i32
      %cond3A_399 = arith.constant 0 : i32
      %cond3A_400 = arith.cmpi ne, %convert_element_type3A_398, %cond3A_399 : i32
      scf.if %cond3A_400 {
        %ge3A = arith.constant 10 : i32
        %ge3A_529 = arith.cmpi sge, %add3A_395, %ge3A : i32
        %convert_element_type3A_530 = arith.extui %ge3A_529 : i1 to i32
        %cond3A_531 = arith.constant 0 : i32
        %cond3A_532 = arith.cmpi ne, %convert_element_type3A_530, %cond3A_531 : i32
        scf.if %cond3A_532 {
          %dma_wait3A_544 = arith.constant 4 : i32
          %dma_wait3A_545 = arith.constant 0 : i32
          %dma_wait3A_546 = arith.constant 0 : i32
          %dma_wait3A_547 = tpu.memref_slice %arg11[%dma_wait3A_544, %dma_wait3A_545, %dma_wait3A_546] : memref<10x40x64xf32, #tpu.memory_space<vmem>> -> memref<1x40x64xf32, #tpu.memory_space<vmem>>
          %dma_wait3A_548 = tpu.memref_squeeze %dma_wait3A_547 : memref<1x40x64xf32, #tpu.memory_space<vmem>> -> memref<40x64xf32, #tpu.memory_space<vmem>>
          %dma_wait3A_549 = arith.constant 0 : i32
          %dma_wait3A_550 = tpu.memref_slice %arg10[%dma_wait3A_549] : memref<20000xi32, #tpu.memory_space<vmem>> -> memref<40xi32, #tpu.memory_space<vmem>>
          %dma_wait3A_551 = arith.constant 0 : i32
          %dma_wait3A_552 = arith.constant 0 : i32
          %dma_wait3A_553 = tpu.memref_slice %arg13[%dma_wait3A_551, %dma_wait3A_552] : memref<10240x64xf32, #tpu.memory_space<vmem_shared>> -> memref<10240x64xf32, #tpu.memory_space<vmem_shared>>
          tpu.wait_indirect_dma semaphore(%arg28 : memref<!tpu.dma_semaphore, #tpu.memory_space<semaphore_mem>>) src(%dma_wait3A_548 : memref<40x64xf32, #tpu.memory_space<vmem>>) dst(%dma_wait3A_553 : memref<10240x64xf32, #tpu.memory_space<vmem_shared>>)
        } else {
        }
        %mul3A_533 = arith.constant 40 : i32
        %mul3A_534 = arith.muli %add3A_395, %mul3A_533 : i32
        %dma_start3A_535 = arith.constant 4 : i32
        %dma_start3A_536 = arith.constant 0 : i32
        %dma_start3A_537 = arith.constant 0 : i32
        %dma_start3A_538 = tpu.memref_slice %arg11[%dma_start3A_535, %dma_start3A_536, %dma_start3A_537] : memref<10x40x64xf32, #tpu.memory_space<vmem>> -> memref<1x40x64xf32, #tpu.memory_space<vmem>>
        %dma_start3A_539 = tpu.memref_squeeze %dma_start3A_538 : memref<1x40x64xf32, #tpu.memory_space<vmem>> -> memref<40x64xf32, #tpu.memory_space<vmem>>
        %dma_start3A_540 = tpu.memref_slice %arg9[%mul3A_534] : memref<20000xi32, #tpu.memory_space<vmem>> -> memref<40xi32, #tpu.memory_space<vmem>>
        %dma_start3A_541 = arith.constant 0 : i32
        %dma_start3A_542 = arith.constant 0 : i32
        %dma_start3A_543 = tpu.memref_slice %arg2[%dma_start3A_541, %dma_start3A_542] : memref<20000x64xf32, #tpu.memory_space<hbm>> -> memref<20000x64xf32, #tpu.memory_space<hbm>>
        tpu.enqueue_indirect_dma source(%dma_start3A_543 : memref<20000x64xf32, #tpu.memory_space<hbm>>) target(%dma_start3A_539 : memref<40x64xf32, #tpu.memory_space<vmem>>) offsets(%dma_start3A_540 : memref<40xi32, #tpu.memory_space<vmem>>) semaphore(%arg18 : memref<!tpu.dma_semaphore, #tpu.memory_space<semaphore_mem>>)
      } else {
      }
      %mul3A_401 = arith.constant 10 : i32
      %mul3A_402 = arith.muli %scan3A_211, %mul3A_401 : i32
      %add3A_403 = arith.constant 6 : i32
      %add3A_404 = arith.addi %mul3A_402, %add3A_403 : i32
      %dma_wait3A_405 = arith.constant 6 : i32
      %dma_wait3A_406 = arith.constant 0 : i32
      %dma_wait3A_407 = arith.constant 0 : i32
      %dma_wait3A_408 = tpu.memref_slice %arg11[%dma_wait3A_405, %dma_wait3A_406, %dma_wait3A_407] : memref<10x40x64xf32, #tpu.memory_space<vmem>> -> memref<1x40x64xf32, #tpu.memory_space<vmem>>
      %dma_wait3A_409 = tpu.memref_squeeze %dma_wait3A_408 : memref<1x40x64xf32, #tpu.memory_space<vmem>> -> memref<40x64xf32, #tpu.memory_space<vmem>>
      %dma_wait3A_410 = arith.constant 0 : i32
      %dma_wait3A_411 = tpu.memref_slice %arg9[%dma_wait3A_410] : memref<20000xi32, #tpu.memory_space<vmem>> -> memref<40xi32, #tpu.memory_space<vmem>>
      %dma_wait3A_412 = arith.constant 0 : i32
      %dma_wait3A_413 = arith.constant 0 : i32
      %dma_wait3A_414 = tpu.memref_slice %arg2[%dma_wait3A_412, %dma_wait3A_413] : memref<20000x64xf32, #tpu.memory_space<hbm>> -> memref<20000x64xf32, #tpu.memory_space<hbm>>
      tpu.wait_indirect_dma semaphore(%arg20 : memref<!tpu.dma_semaphore, #tpu.memory_space<semaphore_mem>>) src(%dma_wait3A_414 : memref<20000x64xf32, #tpu.memory_space<hbm>>) dst(%dma_wait3A_409 : memref<40x64xf32, #tpu.memory_space<vmem>>)
      %mul3A_415 = arith.constant 40 : i32
      %mul3A_416 = arith.muli %add3A_404, %mul3A_415 : i32
      %dma_start3A_417 = arith.constant 6 : i32
      %dma_start3A_418 = arith.constant 0 : i32
      %dma_start3A_419 = arith.constant 0 : i32
      %dma_start3A_420 = tpu.memref_slice %arg11[%dma_start3A_417, %dma_start3A_418, %dma_start3A_419] : memref<10x40x64xf32, #tpu.memory_space<vmem>> -> memref<1x40x64xf32, #tpu.memory_space<vmem>>
      %dma_start3A_421 = tpu.memref_squeeze %dma_start3A_420 : memref<1x40x64xf32, #tpu.memory_space<vmem>> -> memref<40x64xf32, #tpu.memory_space<vmem>>
      %dma_start3A_422 = tpu.memref_slice %arg10[%mul3A_416] : memref<20000xi32, #tpu.memory_space<vmem>> -> memref<40xi32, #tpu.memory_space<vmem>>
      %dma_start3A_423 = arith.constant 0 : i32
      %dma_start3A_424 = arith.constant 0 : i32
      %dma_start3A_425 = tpu.memref_slice %arg13[%dma_start3A_423, %dma_start3A_424] : memref<10240x64xf32, #tpu.memory_space<vmem_shared>> -> memref<10240x64xf32, #tpu.memory_space<vmem_shared>>
      tpu.enqueue_indirect_dma source(%dma_start3A_421 : memref<40x64xf32, #tpu.memory_space<vmem>>) target(%dma_start3A_425 : memref<10240x64xf32, #tpu.memory_space<vmem_shared>>) offsets(%dma_start3A_422 : memref<40xi32, #tpu.memory_space<vmem>>) semaphore(%arg30 : memref<!tpu.dma_semaphore, #tpu.memory_space<semaphore_mem>>) {add = true}
      %add3A_426 = arith.constant 9 : i32
      %add3A_427 = arith.addi %add3A_404, %add3A_426 : i32
      %lt3A_428 = arith.constant 500 : i32
      %lt3A_429 = arith.cmpi slt, %add3A_427, %lt3A_428 : i32
      %convert_element_type3A_430 = arith.extui %lt3A_429 : i1 to i32
      %cond3A_431 = arith.constant 0 : i32
      %cond3A_432 = arith.cmpi ne, %convert_element_type3A_430, %cond3A_431 : i32
      scf.if %cond3A_432 {
        %ge3A = arith.constant 10 : i32
        %ge3A_529 = arith.cmpi sge, %add3A_427, %ge3A : i32
        %convert_element_type3A_530 = arith.extui %ge3A_529 : i1 to i32
        %cond3A_531 = arith.constant 0 : i32
        %cond3A_532 = arith.cmpi ne, %convert_element_type3A_530, %cond3A_531 : i32
        scf.if %cond3A_532 {
          %dma_wait3A_544 = arith.constant 5 : i32
          %dma_wait3A_545 = arith.constant 0 : i32
          %dma_wait3A_546 = arith.constant 0 : i32
          %dma_wait3A_547 = tpu.memref_slice %arg11[%dma_wait3A_544, %dma_wait3A_545, %dma_wait3A_546] : memref<10x40x64xf32, #tpu.memory_space<vmem>> -> memref<1x40x64xf32, #tpu.memory_space<vmem>>
          %dma_wait3A_548 = tpu.memref_squeeze %dma_wait3A_547 : memref<1x40x64xf32, #tpu.memory_space<vmem>> -> memref<40x64xf32, #tpu.memory_space<vmem>>
          %dma_wait3A_549 = arith.constant 0 : i32
          %dma_wait3A_550 = tpu.memref_slice %arg10[%dma_wait3A_549] : memref<20000xi32, #tpu.memory_space<vmem>> -> memref<40xi32, #tpu.memory_space<vmem>>
          %dma_wait3A_551 = arith.constant 0 : i32
          %dma_wait3A_552 = arith.constant 0 : i32
          %dma_wait3A_553 = tpu.memref_slice %arg13[%dma_wait3A_551, %dma_wait3A_552] : memref<10240x64xf32, #tpu.memory_space<vmem_shared>> -> memref<10240x64xf32, #tpu.memory_space<vmem_shared>>
          tpu.wait_indirect_dma semaphore(%arg29 : memref<!tpu.dma_semaphore, #tpu.memory_space<semaphore_mem>>) src(%dma_wait3A_548 : memref<40x64xf32, #tpu.memory_space<vmem>>) dst(%dma_wait3A_553 : memref<10240x64xf32, #tpu.memory_space<vmem_shared>>)
        } else {
        }
        %mul3A_533 = arith.constant 40 : i32
        %mul3A_534 = arith.muli %add3A_427, %mul3A_533 : i32
        %dma_start3A_535 = arith.constant 5 : i32
        %dma_start3A_536 = arith.constant 0 : i32
        %dma_start3A_537 = arith.constant 0 : i32
        %dma_start3A_538 = tpu.memref_slice %arg11[%dma_start3A_535, %dma_start3A_536, %dma_start3A_537] : memref<10x40x64xf32, #tpu.memory_space<vmem>> -> memref<1x40x64xf32, #tpu.memory_space<vmem>>
        %dma_start3A_539 = tpu.memref_squeeze %dma_start3A_538 : memref<1x40x64xf32, #tpu.memory_space<vmem>> -> memref<40x64xf32, #tpu.memory_space<vmem>>
        %dma_start3A_540 = tpu.memref_slice %arg9[%mul3A_534] : memref<20000xi32, #tpu.memory_space<vmem>> -> memref<40xi32, #tpu.memory_space<vmem>>
        %dma_start3A_541 = arith.constant 0 : i32
        %dma_start3A_542 = arith.constant 0 : i32
        %dma_start3A_543 = tpu.memref_slice %arg2[%dma_start3A_541, %dma_start3A_542] : memref<20000x64xf32, #tpu.memory_space<hbm>> -> memref<20000x64xf32, #tpu.memory_space<hbm>>
        tpu.enqueue_indirect_dma source(%dma_start3A_543 : memref<20000x64xf32, #tpu.memory_space<hbm>>) target(%dma_start3A_539 : memref<40x64xf32, #tpu.memory_space<vmem>>) offsets(%dma_start3A_540 : memref<40xi32, #tpu.memory_space<vmem>>) semaphore(%arg19 : memref<!tpu.dma_semaphore, #tpu.memory_space<semaphore_mem>>)
      } else {
      }
      %mul3A_433 = arith.constant 10 : i32
      %mul3A_434 = arith.muli %scan3A_211, %mul3A_433 : i32
      %add3A_435 = arith.constant 7 : i32
      %add3A_436 = arith.addi %mul3A_434, %add3A_435 : i32
      %dma_wait3A_437 = arith.constant 7 : i32
      %dma_wait3A_438 = arith.constant 0 : i32
      %dma_wait3A_439 = arith.constant 0 : i32
      %dma_wait3A_440 = tpu.memref_slice %arg11[%dma_wait3A_437, %dma_wait3A_438, %dma_wait3A_439] : memref<10x40x64xf32, #tpu.memory_space<vmem>> -> memref<1x40x64xf32, #tpu.memory_space<vmem>>
      %dma_wait3A_441 = tpu.memref_squeeze %dma_wait3A_440 : memref<1x40x64xf32, #tpu.memory_space<vmem>> -> memref<40x64xf32, #tpu.memory_space<vmem>>
      %dma_wait3A_442 = arith.constant 0 : i32
      %dma_wait3A_443 = tpu.memref_slice %arg9[%dma_wait3A_442] : memref<20000xi32, #tpu.memory_space<vmem>> -> memref<40xi32, #tpu.memory_space<vmem>>
      %dma_wait3A_444 = arith.constant 0 : i32
      %dma_wait3A_445 = arith.constant 0 : i32
      %dma_wait3A_446 = tpu.memref_slice %arg2[%dma_wait3A_444, %dma_wait3A_445] : memref<20000x64xf32, #tpu.memory_space<hbm>> -> memref<20000x64xf32, #tpu.memory_space<hbm>>
      tpu.wait_indirect_dma semaphore(%arg21 : memref<!tpu.dma_semaphore, #tpu.memory_space<semaphore_mem>>) src(%dma_wait3A_446 : memref<20000x64xf32, #tpu.memory_space<hbm>>) dst(%dma_wait3A_441 : memref<40x64xf32, #tpu.memory_space<vmem>>)
      %mul3A_447 = arith.constant 40 : i32
      %mul3A_448 = arith.muli %add3A_436, %mul3A_447 : i32
      %dma_start3A_449 = arith.constant 7 : i32
      %dma_start3A_450 = arith.constant 0 : i32
      %dma_start3A_451 = arith.constant 0 : i32
      %dma_start3A_452 = tpu.memref_slice %arg11[%dma_start3A_449, %dma_start3A_450, %dma_start3A_451] : memref<10x40x64xf32, #tpu.memory_space<vmem>> -> memref<1x40x64xf32, #tpu.memory_space<vmem>>
      %dma_start3A_453 = tpu.memref_squeeze %dma_start3A_452 : memref<1x40x64xf32, #tpu.memory_space<vmem>> -> memref<40x64xf32, #tpu.memory_space<vmem>>
      %dma_start3A_454 = tpu.memref_slice %arg10[%mul3A_448] : memref<20000xi32, #tpu.memory_space<vmem>> -> memref<40xi32, #tpu.memory_space<vmem>>
      %dma_start3A_455 = arith.constant 0 : i32
      %dma_start3A_456 = arith.constant 0 : i32
      %dma_start3A_457 = tpu.memref_slice %arg13[%dma_start3A_455, %dma_start3A_456] : memref<10240x64xf32, #tpu.memory_space<vmem_shared>> -> memref<10240x64xf32, #tpu.memory_space<vmem_shared>>
      tpu.enqueue_indirect_dma source(%dma_start3A_453 : memref<40x64xf32, #tpu.memory_space<vmem>>) target(%dma_start3A_457 : memref<10240x64xf32, #tpu.memory_space<vmem_shared>>) offsets(%dma_start3A_454 : memref<40xi32, #tpu.memory_space<vmem>>) semaphore(%arg31 : memref<!tpu.dma_semaphore, #tpu.memory_space<semaphore_mem>>) {add = true}
      %add3A_458 = arith.constant 9 : i32
      %add3A_459 = arith.addi %add3A_436, %add3A_458 : i32
      %lt3A_460 = arith.constant 500 : i32
      %lt3A_461 = arith.cmpi slt, %add3A_459, %lt3A_460 : i32
      %convert_element_type3A_462 = arith.extui %lt3A_461 : i1 to i32
      %cond3A_463 = arith.constant 0 : i32
      %cond3A_464 = arith.cmpi ne, %convert_element_type3A_462, %cond3A_463 : i32
      scf.if %cond3A_464 {
        %ge3A = arith.constant 10 : i32
        %ge3A_529 = arith.cmpi sge, %add3A_459, %ge3A : i32
        %convert_element_type3A_530 = arith.extui %ge3A_529 : i1 to i32
        %cond3A_531 = arith.constant 0 : i32
        %cond3A_532 = arith.cmpi ne, %convert_element_type3A_530, %cond3A_531 : i32
        scf.if %cond3A_532 {
          %dma_wait3A_544 = arith.constant 6 : i32
          %dma_wait3A_545 = arith.constant 0 : i32
          %dma_wait3A_546 = arith.constant 0 : i32
          %dma_wait3A_547 = tpu.memref_slice %arg11[%dma_wait3A_544, %dma_wait3A_545, %dma_wait3A_546] : memref<10x40x64xf32, #tpu.memory_space<vmem>> -> memref<1x40x64xf32, #tpu.memory_space<vmem>>
          %dma_wait3A_548 = tpu.memref_squeeze %dma_wait3A_547 : memref<1x40x64xf32, #tpu.memory_space<vmem>> -> memref<40x64xf32, #tpu.memory_space<vmem>>
          %dma_wait3A_549 = arith.constant 0 : i32
          %dma_wait3A_550 = tpu.memref_slice %arg10[%dma_wait3A_549] : memref<20000xi32, #tpu.memory_space<vmem>> -> memref<40xi32, #tpu.memory_space<vmem>>
          %dma_wait3A_551 = arith.constant 0 : i32
          %dma_wait3A_552 = arith.constant 0 : i32
          %dma_wait3A_553 = tpu.memref_slice %arg13[%dma_wait3A_551, %dma_wait3A_552] : memref<10240x64xf32, #tpu.memory_space<vmem_shared>> -> memref<10240x64xf32, #tpu.memory_space<vmem_shared>>
          tpu.wait_indirect_dma semaphore(%arg30 : memref<!tpu.dma_semaphore, #tpu.memory_space<semaphore_mem>>) src(%dma_wait3A_548 : memref<40x64xf32, #tpu.memory_space<vmem>>) dst(%dma_wait3A_553 : memref<10240x64xf32, #tpu.memory_space<vmem_shared>>)
        } else {
        }
        %mul3A_533 = arith.constant 40 : i32
        %mul3A_534 = arith.muli %add3A_459, %mul3A_533 : i32
        %dma_start3A_535 = arith.constant 6 : i32
        %dma_start3A_536 = arith.constant 0 : i32
        %dma_start3A_537 = arith.constant 0 : i32
        %dma_start3A_538 = tpu.memref_slice %arg11[%dma_start3A_535, %dma_start3A_536, %dma_start3A_537] : memref<10x40x64xf32, #tpu.memory_space<vmem>> -> memref<1x40x64xf32, #tpu.memory_space<vmem>>
        %dma_start3A_539 = tpu.memref_squeeze %dma_start3A_538 : memref<1x40x64xf32, #tpu.memory_space<vmem>> -> memref<40x64xf32, #tpu.memory_space<vmem>>
        %dma_start3A_540 = tpu.memref_slice %arg9[%mul3A_534] : memref<20000xi32, #tpu.memory_space<vmem>> -> memref<40xi32, #tpu.memory_space<vmem>>
        %dma_start3A_541 = arith.constant 0 : i32
        %dma_start3A_542 = arith.constant 0 : i32
        %dma_start3A_543 = tpu.memref_slice %arg2[%dma_start3A_541, %dma_start3A_542] : memref<20000x64xf32, #tpu.memory_space<hbm>> -> memref<20000x64xf32, #tpu.memory_space<hbm>>
        tpu.enqueue_indirect_dma source(%dma_start3A_543 : memref<20000x64xf32, #tpu.memory_space<hbm>>) target(%dma_start3A_539 : memref<40x64xf32, #tpu.memory_space<vmem>>) offsets(%dma_start3A_540 : memref<40xi32, #tpu.memory_space<vmem>>) semaphore(%arg20 : memref<!tpu.dma_semaphore, #tpu.memory_space<semaphore_mem>>)
      } else {
      }
      %mul3A_465 = arith.constant 10 : i32
      %mul3A_466 = arith.muli %scan3A_211, %mul3A_465 : i32
      %add3A_467 = arith.constant 8 : i32
      %add3A_468 = arith.addi %mul3A_466, %add3A_467 : i32
      %dma_wait3A_469 = arith.constant 8 : i32
      %dma_wait3A_470 = arith.constant 0 : i32
      %dma_wait3A_471 = arith.constant 0 : i32
      %dma_wait3A_472 = tpu.memref_slice %arg11[%dma_wait3A_469, %dma_wait3A_470, %dma_wait3A_471] : memref<10x40x64xf32, #tpu.memory_space<vmem>> -> memref<1x40x64xf32, #tpu.memory_space<vmem>>
      %dma_wait3A_473 = tpu.memref_squeeze %dma_wait3A_472 : memref<1x40x64xf32, #tpu.memory_space<vmem>> -> memref<40x64xf32, #tpu.memory_space<vmem>>
      %dma_wait3A_474 = arith.constant 0 : i32
      %dma_wait3A_475 = tpu.memref_slice %arg9[%dma_wait3A_474] : memref<20000xi32, #tpu.memory_space<vmem>> -> memref<40xi32, #tpu.memory_space<vmem>>
      %dma_wait3A_476 = arith.constant 0 : i32
      %dma_wait3A_477 = arith.constant 0 : i32
      %dma_wait3A_478 = tpu.memref_slice %arg2[%dma_wait3A_476, %dma_wait3A_477] : memref<20000x64xf32, #tpu.memory_space<hbm>> -> memref<20000x64xf32, #tpu.memory_space<hbm>>
      tpu.wait_indirect_dma semaphore(%arg22 : memref<!tpu.dma_semaphore, #tpu.memory_space<semaphore_mem>>) src(%dma_wait3A_478 : memref<20000x64xf32, #tpu.memory_space<hbm>>) dst(%dma_wait3A_473 : memref<40x64xf32, #tpu.memory_space<vmem>>)
      %mul3A_479 = arith.constant 40 : i32
      %mul3A_480 = arith.muli %add3A_468, %mul3A_479 : i32
      %dma_start3A_481 = arith.constant 8 : i32
      %dma_start3A_482 = arith.constant 0 : i32
      %dma_start3A_483 = arith.constant 0 : i32
      %dma_start3A_484 = tpu.memref_slice %arg11[%dma_start3A_481, %dma_start3A_482, %dma_start3A_483] : memref<10x40x64xf32, #tpu.memory_space<vmem>> -> memref<1x40x64xf32, #tpu.memory_space<vmem>>
      %dma_start3A_485 = tpu.memref_squeeze %dma_start3A_484 : memref<1x40x64xf32, #tpu.memory_space<vmem>> -> memref<40x64xf32, #tpu.memory_space<vmem>>
      %dma_start3A_486 = tpu.memref_slice %arg10[%mul3A_480] : memref<20000xi32, #tpu.memory_space<vmem>> -> memref<40xi32, #tpu.memory_space<vmem>>
      %dma_start3A_487 = arith.constant 0 : i32
      %dma_start3A_488 = arith.constant 0 : i32
      %dma_start3A_489 = tpu.memref_slice %arg13[%dma_start3A_487, %dma_start3A_488] : memref<10240x64xf32, #tpu.memory_space<vmem_shared>> -> memref<10240x64xf32, #tpu.memory_space<vmem_shared>>
      tpu.enqueue_indirect_dma source(%dma_start3A_485 : memref<40x64xf32, #tpu.memory_space<vmem>>) target(%dma_start3A_489 : memref<10240x64xf32, #tpu.memory_space<vmem_shared>>) offsets(%dma_start3A_486 : memref<40xi32, #tpu.memory_space<vmem>>) semaphore(%arg32 : memref<!tpu.dma_semaphore, #tpu.memory_space<semaphore_mem>>) {add = true}
      %add3A_490 = arith.constant 9 : i32
      %add3A_491 = arith.addi %add3A_468, %add3A_490 : i32
      %lt3A_492 = arith.constant 500 : i32
      %lt3A_493 = arith.cmpi slt, %add3A_491, %lt3A_492 : i32
      %convert_element_type3A_494 = arith.extui %lt3A_493 : i1 to i32
      %cond3A_495 = arith.constant 0 : i32
      %cond3A_496 = arith.cmpi ne, %convert_element_type3A_494, %cond3A_495 : i32
      scf.if %cond3A_496 {
        %ge3A = arith.constant 10 : i32
        %ge3A_529 = arith.cmpi sge, %add3A_491, %ge3A : i32
        %convert_element_type3A_530 = arith.extui %ge3A_529 : i1 to i32
        %cond3A_531 = arith.constant 0 : i32
        %cond3A_532 = arith.cmpi ne, %convert_element_type3A_530, %cond3A_531 : i32
        scf.if %cond3A_532 {
          %dma_wait3A_544 = arith.constant 7 : i32
          %dma_wait3A_545 = arith.constant 0 : i32
          %dma_wait3A_546 = arith.constant 0 : i32
          %dma_wait3A_547 = tpu.memref_slice %arg11[%dma_wait3A_544, %dma_wait3A_545, %dma_wait3A_546] : memref<10x40x64xf32, #tpu.memory_space<vmem>> -> memref<1x40x64xf32, #tpu.memory_space<vmem>>
          %dma_wait3A_548 = tpu.memref_squeeze %dma_wait3A_547 : memref<1x40x64xf32, #tpu.memory_space<vmem>> -> memref<40x64xf32, #tpu.memory_space<vmem>>
          %dma_wait3A_549 = arith.constant 0 : i32
          %dma_wait3A_550 = tpu.memref_slice %arg10[%dma_wait3A_549] : memref<20000xi32, #tpu.memory_space<vmem>> -> memref<40xi32, #tpu.memory_space<vmem>>
          %dma_wait3A_551 = arith.constant 0 : i32
          %dma_wait3A_552 = arith.constant 0 : i32
          %dma_wait3A_553 = tpu.memref_slice %arg13[%dma_wait3A_551, %dma_wait3A_552] : memref<10240x64xf32, #tpu.memory_space<vmem_shared>> -> memref<10240x64xf32, #tpu.memory_space<vmem_shared>>
          tpu.wait_indirect_dma semaphore(%arg31 : memref<!tpu.dma_semaphore, #tpu.memory_space<semaphore_mem>>) src(%dma_wait3A_548 : memref<40x64xf32, #tpu.memory_space<vmem>>) dst(%dma_wait3A_553 : memref<10240x64xf32, #tpu.memory_space<vmem_shared>>)
        } else {
        }
        %mul3A_533 = arith.constant 40 : i32
        %mul3A_534 = arith.muli %add3A_491, %mul3A_533 : i32
        %dma_start3A_535 = arith.constant 7 : i32
        %dma_start3A_536 = arith.constant 0 : i32
        %dma_start3A_537 = arith.constant 0 : i32
        %dma_start3A_538 = tpu.memref_slice %arg11[%dma_start3A_535, %dma_start3A_536, %dma_start3A_537] : memref<10x40x64xf32, #tpu.memory_space<vmem>> -> memref<1x40x64xf32, #tpu.memory_space<vmem>>
        %dma_start3A_539 = tpu.memref_squeeze %dma_start3A_538 : memref<1x40x64xf32, #tpu.memory_space<vmem>> -> memref<40x64xf32, #tpu.memory_space<vmem>>
        %dma_start3A_540 = tpu.memref_slice %arg9[%mul3A_534] : memref<20000xi32, #tpu.memory_space<vmem>> -> memref<40xi32, #tpu.memory_space<vmem>>
        %dma_start3A_541 = arith.constant 0 : i32
        %dma_start3A_542 = arith.constant 0 : i32
        %dma_start3A_543 = tpu.memref_slice %arg2[%dma_start3A_541, %dma_start3A_542] : memref<20000x64xf32, #tpu.memory_space<hbm>> -> memref<20000x64xf32, #tpu.memory_space<hbm>>
        tpu.enqueue_indirect_dma source(%dma_start3A_543 : memref<20000x64xf32, #tpu.memory_space<hbm>>) target(%dma_start3A_539 : memref<40x64xf32, #tpu.memory_space<vmem>>) offsets(%dma_start3A_540 : memref<40xi32, #tpu.memory_space<vmem>>) semaphore(%arg21 : memref<!tpu.dma_semaphore, #tpu.memory_space<semaphore_mem>>)
      } else {
      }
      %mul3A_497 = arith.constant 10 : i32
      %mul3A_498 = arith.muli %scan3A_211, %mul3A_497 : i32
      %add3A_499 = arith.constant 9 : i32
      %add3A_500 = arith.addi %mul3A_498, %add3A_499 : i32
      %dma_wait3A_501 = arith.constant 9 : i32
      %dma_wait3A_502 = arith.constant 0 : i32
      %dma_wait3A_503 = arith.constant 0 : i32
      %dma_wait3A_504 = tpu.memref_slice %arg11[%dma_wait3A_501, %dma_wait3A_502, %dma_wait3A_503] : memref<10x40x64xf32, #tpu.memory_space<vmem>> -> memref<1x40x64xf32, #tpu.memory_space<vmem>>
      %dma_wait3A_505 = tpu.memref_squeeze %dma_wait3A_504 : memref<1x40x64xf32, #tpu.memory_space<vmem>> -> memref<40x64xf32, #tpu.memory_space<vmem>>
      %dma_wait3A_506 = arith.constant 0 : i32
      %dma_wait3A_507 = tpu.memref_slice %arg9[%dma_wait3A_506] : memref<20000xi32, #tpu.memory_space<vmem>> -> memref<40xi32, #tpu.memory_space<vmem>>
      %dma_wait3A_508 = arith.constant 0 : i32
      %dma_wait3A_509 = arith.constant 0 : i32
      %dma_wait3A_510 = tpu.memref_slice %arg2[%dma_wait3A_508, %dma_wait3A_509] : memref<20000x64xf32, #tpu.memory_space<hbm>> -> memref<20000x64xf32, #tpu.memory_space<hbm>>
      tpu.wait_indirect_dma semaphore(%arg23 : memref<!tpu.dma_semaphore, #tpu.memory_space<semaphore_mem>>) src(%dma_wait3A_510 : memref<20000x64xf32, #tpu.memory_space<hbm>>) dst(%dma_wait3A_505 : memref<40x64xf32, #tpu.memory_space<vmem>>)
      %mul3A_511 = arith.constant 40 : i32
      %mul3A_512 = arith.muli %add3A_500, %mul3A_511 : i32
      %dma_start3A_513 = arith.constant 9 : i32
      %dma_start3A_514 = arith.constant 0 : i32
      %dma_start3A_515 = arith.constant 0 : i32
      %dma_start3A_516 = tpu.memref_slice %arg11[%dma_start3A_513, %dma_start3A_514, %dma_start3A_515] : memref<10x40x64xf32, #tpu.memory_space<vmem>> -> memref<1x40x64xf32, #tpu.memory_space<vmem>>
      %dma_start3A_517 = tpu.memref_squeeze %dma_start3A_516 : memref<1x40x64xf32, #tpu.memory_space<vmem>> -> memref<40x64xf32, #tpu.memory_space<vmem>>
      %dma_start3A_518 = tpu.memref_slice %arg10[%mul3A_512] : memref<20000xi32, #tpu.memory_space<vmem>> -> memref<40xi32, #tpu.memory_space<vmem>>
      %dma_start3A_519 = arith.constant 0 : i32
      %dma_start3A_520 = arith.constant 0 : i32
      %dma_start3A_521 = tpu.memref_slice %arg13[%dma_start3A_519, %dma_start3A_520] : memref<10240x64xf32, #tpu.memory_space<vmem_shared>> -> memref<10240x64xf32, #tpu.memory_space<vmem_shared>>
      tpu.enqueue_indirect_dma source(%dma_start3A_517 : memref<40x64xf32, #tpu.memory_space<vmem>>) target(%dma_start3A_521 : memref<10240x64xf32, #tpu.memory_space<vmem_shared>>) offsets(%dma_start3A_518 : memref<40xi32, #tpu.memory_space<vmem>>) semaphore(%arg33 : memref<!tpu.dma_semaphore, #tpu.memory_space<semaphore_mem>>) {add = true}
      %add3A_522 = arith.constant 9 : i32
      %add3A_523 = arith.addi %add3A_500, %add3A_522 : i32
      %lt3A_524 = arith.constant 500 : i32
      %lt3A_525 = arith.cmpi slt, %add3A_523, %lt3A_524 : i32
      %convert_element_type3A_526 = arith.extui %lt3A_525 : i1 to i32
      %cond3A_527 = arith.constant 0 : i32
      %cond3A_528 = arith.cmpi ne, %convert_element_type3A_526, %cond3A_527 : i32
      scf.if %cond3A_528 {
        %ge3A = arith.constant 10 : i32
        %ge3A_529 = arith.cmpi sge, %add3A_523, %ge3A : i32
        %convert_element_type3A_530 = arith.extui %ge3A_529 : i1 to i32
        %cond3A_531 = arith.constant 0 : i32
        %cond3A_532 = arith.cmpi ne, %convert_element_type3A_530, %cond3A_531 : i32
        scf.if %cond3A_532 {
          %dma_wait3A_544 = arith.constant 8 : i32
          %dma_wait3A_545 = arith.constant 0 : i32
          %dma_wait3A_546 = arith.constant 0 : i32
          %dma_wait3A_547 = tpu.memref_slice %arg11[%dma_wait3A_544, %dma_wait3A_545, %dma_wait3A_546] : memref<10x40x64xf32, #tpu.memory_space<vmem>> -> memref<1x40x64xf32, #tpu.memory_space<vmem>>
          %dma_wait3A_548 = tpu.memref_squeeze %dma_wait3A_547 : memref<1x40x64xf32, #tpu.memory_space<vmem>> -> memref<40x64xf32, #tpu.memory_space<vmem>>
          %dma_wait3A_549 = arith.constant 0 : i32
          %dma_wait3A_550 = tpu.memref_slice %arg10[%dma_wait3A_549] : memref<20000xi32, #tpu.memory_space<vmem>> -> memref<40xi32, #tpu.memory_space<vmem>>
          %dma_wait3A_551 = arith.constant 0 : i32
          %dma_wait3A_552 = arith.constant 0 : i32
          %dma_wait3A_553 = tpu.memref_slice %arg13[%dma_wait3A_551, %dma_wait3A_552] : memref<10240x64xf32, #tpu.memory_space<vmem_shared>> -> memref<10240x64xf32, #tpu.memory_space<vmem_shared>>
          tpu.wait_indirect_dma semaphore(%arg32 : memref<!tpu.dma_semaphore, #tpu.memory_space<semaphore_mem>>) src(%dma_wait3A_548 : memref<40x64xf32, #tpu.memory_space<vmem>>) dst(%dma_wait3A_553 : memref<10240x64xf32, #tpu.memory_space<vmem_shared>>)
        } else {
        }
        %mul3A_533 = arith.constant 40 : i32
        %mul3A_534 = arith.muli %add3A_523, %mul3A_533 : i32
        %dma_start3A_535 = arith.constant 8 : i32
        %dma_start3A_536 = arith.constant 0 : i32
        %dma_start3A_537 = arith.constant 0 : i32
        %dma_start3A_538 = tpu.memref_slice %arg11[%dma_start3A_535, %dma_start3A_536, %dma_start3A_537] : memref<10x40x64xf32, #tpu.memory_space<vmem>> -> memref<1x40x64xf32, #tpu.memory_space<vmem>>
        %dma_start3A_539 = tpu.memref_squeeze %dma_start3A_538 : memref<1x40x64xf32, #tpu.memory_space<vmem>> -> memref<40x64xf32, #tpu.memory_space<vmem>>
        %dma_start3A_540 = tpu.memref_slice %arg9[%mul3A_534] : memref<20000xi32, #tpu.memory_space<vmem>> -> memref<40xi32, #tpu.memory_space<vmem>>
        %dma_start3A_541 = arith.constant 0 : i32
        %dma_start3A_542 = arith.constant 0 : i32
        %dma_start3A_543 = tpu.memref_slice %arg2[%dma_start3A_541, %dma_start3A_542] : memref<20000x64xf32, #tpu.memory_space<hbm>> -> memref<20000x64xf32, #tpu.memory_space<hbm>>
        tpu.enqueue_indirect_dma source(%dma_start3A_543 : memref<20000x64xf32, #tpu.memory_space<hbm>>) target(%dma_start3A_539 : memref<40x64xf32, #tpu.memory_space<vmem>>) offsets(%dma_start3A_540 : memref<40xi32, #tpu.memory_space<vmem>>) semaphore(%arg22 : memref<!tpu.dma_semaphore, #tpu.memory_space<semaphore_mem>>)
      } else {
      }
    }
    %scan3A_110 = arith.constant 50 : i32
    %dma_wait3A = arith.constant 0 : i32
    %dma_wait3A_111 = arith.constant 0 : i32
    %dma_wait3A_112 = arith.constant 0 : i32
    %dma_wait3A_113 = tpu.memref_slice %arg11[%dma_wait3A, %dma_wait3A_111, %dma_wait3A_112] : memref<10x40x64xf32, #tpu.memory_space<vmem>> -> memref<1x40x64xf32, #tpu.memory_space<vmem>>
    %dma_wait3A_114 = tpu.memref_squeeze %dma_wait3A_113 : memref<1x40x64xf32, #tpu.memory_space<vmem>> -> memref<40x64xf32, #tpu.memory_space<vmem>>
    %dma_wait3A_115 = arith.constant 0 : i32
    %dma_wait3A_116 = tpu.memref_slice %arg10[%dma_wait3A_115] : memref<20000xi32, #tpu.memory_space<vmem>> -> memref<40xi32, #tpu.memory_space<vmem>>
    %dma_wait3A_117 = arith.constant 0 : i32
    %dma_wait3A_118 = arith.constant 0 : i32
    %dma_wait3A_119 = tpu.memref_slice %arg13[%dma_wait3A_117, %dma_wait3A_118] : memref<10240x64xf32, #tpu.memory_space<vmem_shared>> -> memref<10240x64xf32, #tpu.memory_space<vmem_shared>>
    tpu.wait_indirect_dma semaphore(%arg24 : memref<!tpu.dma_semaphore, #tpu.memory_space<semaphore_mem>>) src(%dma_wait3A_114 : memref<40x64xf32, #tpu.memory_space<vmem>>) dst(%dma_wait3A_119 : memref<10240x64xf32, #tpu.memory_space<vmem_shared>>)
    %dma_wait3A_120 = arith.constant 1 : i32
    %dma_wait3A_121 = arith.constant 0 : i32
    %dma_wait3A_122 = arith.constant 0 : i32
    %dma_wait3A_123 = tpu.memref_slice %arg11[%dma_wait3A_120, %dma_wait3A_121, %dma_wait3A_122] : memref<10x40x64xf32, #tpu.memory_space<vmem>> -> memref<1x40x64xf32, #tpu.memory_space<vmem>>
    %dma_wait3A_124 = tpu.memref_squeeze %dma_wait3A_123 : memref<1x40x64xf32, #tpu.memory_space<vmem>> -> memref<40x64xf32, #tpu.memory_space<vmem>>
    %dma_wait3A_125 = arith.constant 0 : i32
    %dma_wait3A_126 = tpu.memref_slice %arg10[%dma_wait3A_125] : memref<20000xi32, #tpu.memory_space<vmem>> -> memref<40xi32, #tpu.memory_space<vmem>>
    %dma_wait3A_127 = arith.constant 0 : i32
    %dma_wait3A_128 = arith.constant 0 : i32
    %dma_wait3A_129 = tpu.memref_slice %arg13[%dma_wait3A_127, %dma_wait3A_128] : memref<10240x64xf32, #tpu.memory_space<vmem_shared>> -> memref<10240x64xf32, #tpu.memory_space<vmem_shared>>
    tpu.wait_indirect_dma semaphore(%arg25 : memref<!tpu.dma_semaphore, #tpu.memory_space<semaphore_mem>>) src(%dma_wait3A_124 : memref<40x64xf32, #tpu.memory_space<vmem>>) dst(%dma_wait3A_129 : memref<10240x64xf32, #tpu.memory_space<vmem_shared>>)
    %dma_wait3A_130 = arith.constant 2 : i32
    %dma_wait3A_131 = arith.constant 0 : i32
    %dma_wait3A_132 = arith.constant 0 : i32
    %dma_wait3A_133 = tpu.memref_slice %arg11[%dma_wait3A_130, %dma_wait3A_131, %dma_wait3A_132] : memref<10x40x64xf32, #tpu.memory_space<vmem>> -> memref<1x40x64xf32, #tpu.memory_space<vmem>>
    %dma_wait3A_134 = tpu.memref_squeeze %dma_wait3A_133 : memref<1x40x64xf32, #tpu.memory_space<vmem>> -> memref<40x64xf32, #tpu.memory_space<vmem>>
    %dma_wait3A_135 = arith.constant 0 : i32
    %dma_wait3A_136 = tpu.memref_slice %arg10[%dma_wait3A_135] : memref<20000xi32, #tpu.memory_space<vmem>> -> memref<40xi32, #tpu.memory_space<vmem>>
    %dma_wait3A_137 = arith.constant 0 : i32
    %dma_wait3A_138 = arith.constant 0 : i32
    %dma_wait3A_139 = tpu.memref_slice %arg13[%dma_wait3A_137, %dma_wait3A_138] : memref<10240x64xf32, #tpu.memory_space<vmem_shared>> -> memref<10240x64xf32, #tpu.memory_space<vmem_shared>>
    tpu.wait_indirect_dma semaphore(%arg26 : memref<!tpu.dma_semaphore, #tpu.memory_space<semaphore_mem>>) src(%dma_wait3A_134 : memref<40x64xf32, #tpu.memory_space<vmem>>) dst(%dma_wait3A_139 : memref<10240x64xf32, #tpu.memory_space<vmem_shared>>)
    %dma_wait3A_140 = arith.constant 3 : i32
    %dma_wait3A_141 = arith.constant 0 : i32
    %dma_wait3A_142 = arith.constant 0 : i32
    %dma_wait3A_143 = tpu.memref_slice %arg11[%dma_wait3A_140, %dma_wait3A_141, %dma_wait3A_142] : memref<10x40x64xf32, #tpu.memory_space<vmem>> -> memref<1x40x64xf32, #tpu.memory_space<vmem>>
    %dma_wait3A_144 = tpu.memref_squeeze %dma_wait3A_143 : memref<1x40x64xf32, #tpu.memory_space<vmem>> -> memref<40x64xf32, #tpu.memory_space<vmem>>
    %dma_wait3A_145 = arith.constant 0 : i32
    %dma_wait3A_146 = tpu.memref_slice %arg10[%dma_wait3A_145] : memref<20000xi32, #tpu.memory_space<vmem>> -> memref<40xi32, #tpu.memory_space<vmem>>
    %dma_wait3A_147 = arith.constant 0 : i32
    %dma_wait3A_148 = arith.constant 0 : i32
    %dma_wait3A_149 = tpu.memref_slice %arg13[%dma_wait3A_147, %dma_wait3A_148] : memref<10240x64xf32, #tpu.memory_space<vmem_shared>> -> memref<10240x64xf32, #tpu.memory_space<vmem_shared>>
    tpu.wait_indirect_dma semaphore(%arg27 : memref<!tpu.dma_semaphore, #tpu.memory_space<semaphore_mem>>) src(%dma_wait3A_144 : memref<40x64xf32, #tpu.memory_space<vmem>>) dst(%dma_wait3A_149 : memref<10240x64xf32, #tpu.memory_space<vmem_shared>>)
    %dma_wait3A_150 = arith.constant 4 : i32
    %dma_wait3A_151 = arith.constant 0 : i32
    %dma_wait3A_152 = arith.constant 0 : i32
    %dma_wait3A_153 = tpu.memref_slice %arg11[%dma_wait3A_150, %dma_wait3A_151, %dma_wait3A_152] : memref<10x40x64xf32, #tpu.memory_space<vmem>> -> memref<1x40x64xf32, #tpu.memory_space<vmem>>
    %dma_wait3A_154 = tpu.memref_squeeze %dma_wait3A_153 : memref<1x40x64xf32, #tpu.memory_space<vmem>> -> memref<40x64xf32, #tpu.memory_space<vmem>>
    %dma_wait3A_155 = arith.constant 0 : i32
    %dma_wait3A_156 = tpu.memref_slice %arg10[%dma_wait3A_155] : memref<20000xi32, #tpu.memory_space<vmem>> -> memref<40xi32, #tpu.memory_space<vmem>>
    %dma_wait3A_157 = arith.constant 0 : i32
    %dma_wait3A_158 = arith.constant 0 : i32
    %dma_wait3A_159 = tpu.memref_slice %arg13[%dma_wait3A_157, %dma_wait3A_158] : memref<10240x64xf32, #tpu.memory_space<vmem_shared>> -> memref<10240x64xf32, #tpu.memory_space<vmem_shared>>
    tpu.wait_indirect_dma semaphore(%arg28 : memref<!tpu.dma_semaphore, #tpu.memory_space<semaphore_mem>>) src(%dma_wait3A_154 : memref<40x64xf32, #tpu.memory_space<vmem>>) dst(%dma_wait3A_159 : memref<10240x64xf32, #tpu.memory_space<vmem_shared>>)
    %dma_wait3A_160 = arith.constant 5 : i32
    %dma_wait3A_161 = arith.constant 0 : i32
    %dma_wait3A_162 = arith.constant 0 : i32
    %dma_wait3A_163 = tpu.memref_slice %arg11[%dma_wait3A_160, %dma_wait3A_161, %dma_wait3A_162] : memref<10x40x64xf32, #tpu.memory_space<vmem>> -> memref<1x40x64xf32, #tpu.memory_space<vmem>>
    %dma_wait3A_164 = tpu.memref_squeeze %dma_wait3A_163 : memref<1x40x64xf32, #tpu.memory_space<vmem>> -> memref<40x64xf32, #tpu.memory_space<vmem>>
    %dma_wait3A_165 = arith.constant 0 : i32
    %dma_wait3A_166 = tpu.memref_slice %arg10[%dma_wait3A_165] : memref<20000xi32, #tpu.memory_space<vmem>> -> memref<40xi32, #tpu.memory_space<vmem>>
    %dma_wait3A_167 = arith.constant 0 : i32
    %dma_wait3A_168 = arith.constant 0 : i32
    %dma_wait3A_169 = tpu.memref_slice %arg13[%dma_wait3A_167, %dma_wait3A_168] : memref<10240x64xf32, #tpu.memory_space<vmem_shared>> -> memref<10240x64xf32, #tpu.memory_space<vmem_shared>>
    tpu.wait_indirect_dma semaphore(%arg29 : memref<!tpu.dma_semaphore, #tpu.memory_space<semaphore_mem>>) src(%dma_wait3A_164 : memref<40x64xf32, #tpu.memory_space<vmem>>) dst(%dma_wait3A_169 : memref<10240x64xf32, #tpu.memory_space<vmem_shared>>)
    %dma_wait3A_170 = arith.constant 6 : i32
    %dma_wait3A_171 = arith.constant 0 : i32
    %dma_wait3A_172 = arith.constant 0 : i32
    %dma_wait3A_173 = tpu.memref_slice %arg11[%dma_wait3A_170, %dma_wait3A_171, %dma_wait3A_172] : memref<10x40x64xf32, #tpu.memory_space<vmem>> -> memref<1x40x64xf32, #tpu.memory_space<vmem>>
    %dma_wait3A_174 = tpu.memref_squeeze %dma_wait3A_173 : memref<1x40x64xf32, #tpu.memory_space<vmem>> -> memref<40x64xf32, #tpu.memory_space<vmem>>
    %dma_wait3A_175 = arith.constant 0 : i32
    %dma_wait3A_176 = tpu.memref_slice %arg10[%dma_wait3A_175] : memref<20000xi32, #tpu.memory_space<vmem>> -> memref<40xi32, #tpu.memory_space<vmem>>
    %dma_wait3A_177 = arith.constant 0 : i32
    %dma_wait3A_178 = arith.constant 0 : i32
    %dma_wait3A_179 = tpu.memref_slice %arg13[%dma_wait3A_177, %dma_wait3A_178] : memref<10240x64xf32, #tpu.memory_space<vmem_shared>> -> memref<10240x64xf32, #tpu.memory_space<vmem_shared>>
    tpu.wait_indirect_dma semaphore(%arg30 : memref<!tpu.dma_semaphore, #tpu.memory_space<semaphore_mem>>) src(%dma_wait3A_174 : memref<40x64xf32, #tpu.memory_space<vmem>>) dst(%dma_wait3A_179 : memref<10240x64xf32, #tpu.memory_space<vmem_shared>>)
    %dma_wait3A_180 = arith.constant 7 : i32
    %dma_wait3A_181 = arith.constant 0 : i32
    %dma_wait3A_182 = arith.constant 0 : i32
    %dma_wait3A_183 = tpu.memref_slice %arg11[%dma_wait3A_180, %dma_wait3A_181, %dma_wait3A_182] : memref<10x40x64xf32, #tpu.memory_space<vmem>> -> memref<1x40x64xf32, #tpu.memory_space<vmem>>
    %dma_wait3A_184 = tpu.memref_squeeze %dma_wait3A_183 : memref<1x40x64xf32, #tpu.memory_space<vmem>> -> memref<40x64xf32, #tpu.memory_space<vmem>>
    %dma_wait3A_185 = arith.constant 0 : i32
    %dma_wait3A_186 = tpu.memref_slice %arg10[%dma_wait3A_185] : memref<20000xi32, #tpu.memory_space<vmem>> -> memref<40xi32, #tpu.memory_space<vmem>>
    %dma_wait3A_187 = arith.constant 0 : i32
    %dma_wait3A_188 = arith.constant 0 : i32
    %dma_wait3A_189 = tpu.memref_slice %arg13[%dma_wait3A_187, %dma_wait3A_188] : memref<10240x64xf32, #tpu.memory_space<vmem_shared>> -> memref<10240x64xf32, #tpu.memory_space<vmem_shared>>
    tpu.wait_indirect_dma semaphore(%arg31 : memref<!tpu.dma_semaphore, #tpu.memory_space<semaphore_mem>>) src(%dma_wait3A_184 : memref<40x64xf32, #tpu.memory_space<vmem>>) dst(%dma_wait3A_189 : memref<10240x64xf32, #tpu.memory_space<vmem_shared>>)
    %dma_wait3A_190 = arith.constant 8 : i32
    %dma_wait3A_191 = arith.constant 0 : i32
    %dma_wait3A_192 = arith.constant 0 : i32
    %dma_wait3A_193 = tpu.memref_slice %arg11[%dma_wait3A_190, %dma_wait3A_191, %dma_wait3A_192] : memref<10x40x64xf32, #tpu.memory_space<vmem>> -> memref<1x40x64xf32, #tpu.memory_space<vmem>>
    %dma_wait3A_194 = tpu.memref_squeeze %dma_wait3A_193 : memref<1x40x64xf32, #tpu.memory_space<vmem>> -> memref<40x64xf32, #tpu.memory_space<vmem>>
    %dma_wait3A_195 = arith.constant 0 : i32
    %dma_wait3A_196 = tpu.memref_slice %arg10[%dma_wait3A_195] : memref<20000xi32, #tpu.memory_space<vmem>> -> memref<40xi32, #tpu.memory_space<vmem>>
    %dma_wait3A_197 = arith.constant 0 : i32
    %dma_wait3A_198 = arith.constant 0 : i32
    %dma_wait3A_199 = tpu.memref_slice %arg13[%dma_wait3A_197, %dma_wait3A_198] : memref<10240x64xf32, #tpu.memory_space<vmem_shared>> -> memref<10240x64xf32, #tpu.memory_space<vmem_shared>>
    tpu.wait_indirect_dma semaphore(%arg32 : memref<!tpu.dma_semaphore, #tpu.memory_space<semaphore_mem>>) src(%dma_wait3A_194 : memref<40x64xf32, #tpu.memory_space<vmem>>) dst(%dma_wait3A_199 : memref<10240x64xf32, #tpu.memory_space<vmem_shared>>)
    %dma_wait3A_200 = arith.constant 9 : i32
    %dma_wait3A_201 = arith.constant 0 : i32
    %dma_wait3A_202 = arith.constant 0 : i32
    %dma_wait3A_203 = tpu.memref_slice %arg11[%dma_wait3A_200, %dma_wait3A_201, %dma_wait3A_202] : memref<10x40x64xf32, #tpu.memory_space<vmem>> -> memref<1x40x64xf32, #tpu.memory_space<vmem>>
    %dma_wait3A_204 = tpu.memref_squeeze %dma_wait3A_203 : memref<1x40x64xf32, #tpu.memory_space<vmem>> -> memref<40x64xf32, #tpu.memory_space<vmem>>
    %dma_wait3A_205 = arith.constant 0 : i32
    %dma_wait3A_206 = tpu.memref_slice %arg10[%dma_wait3A_205] : memref<20000xi32, #tpu.memory_space<vmem>> -> memref<40xi32, #tpu.memory_space<vmem>>
    %dma_wait3A_207 = arith.constant 0 : i32
    %dma_wait3A_208 = arith.constant 0 : i32
    %dma_wait3A_209 = tpu.memref_slice %arg13[%dma_wait3A_207, %dma_wait3A_208] : memref<10240x64xf32, #tpu.memory_space<vmem_shared>> -> memref<10240x64xf32, #tpu.memory_space<vmem_shared>>
    tpu.wait_indirect_dma semaphore(%arg33 : memref<!tpu.dma_semaphore, #tpu.memory_space<semaphore_mem>>) src(%dma_wait3A_204 : memref<40x64xf32, #tpu.memory_space<vmem>>) dst(%dma_wait3A_209 : memref<10240x64xf32, #tpu.memory_space<vmem_shared>>)
    %barrier3A_210 = arith.constant 0 : index
    tpu.barrier barrier_id(%barrier3A_210)
    "tpu.region"() ({
      %run_scoped3A = tpu.sem_alloc : memref<!tpu.dma_semaphore, #tpu.memory_space<semaphore_mem>>
      %dma_start3A_211 = arith.constant 0 : i32
      %dma_start3A_212 = tpu.memref_slice %arg8[%arg0, %mul3A_0, %dma_start3A_211] : memref<2x10240x128xf32, #tpu.memory_space<hbm>> -> memref<1x640x64xf32, #tpu.memory_space<hbm>>
      %dma_start3A_213 = tpu.memref_squeeze %dma_start3A_212 : memref<1x640x64xf32, #tpu.memory_space<hbm>> -> memref<640x64xf32, #tpu.memory_space<hbm>>
      %dma_start3A_214 = arith.constant 0 : i32
      %dma_start3A_215 = tpu.memref_slice %arg13[%mul3A_0, %dma_start3A_214] : memref<10240x64xf32, #tpu.memory_space<vmem_shared>> -> memref<640x64xf32, #tpu.memory_space<vmem_shared>>
      tpu.enqueue_dma source(%dma_start3A_215 : memref<640x64xf32, #tpu.memory_space<vmem_shared>>) target(%dma_start3A_213 : memref<640x64xf32, #tpu.memory_space<hbm>>) target_semaphore(%run_scoped3A : memref<!tpu.dma_semaphore, #tpu.memory_space<semaphore_mem>>)
      %dma_wait3A_216 = arith.constant 0 : i32
      %dma_wait3A_217 = tpu.memref_slice %arg8[%arg0, %mul3A_0, %dma_wait3A_216] : memref<2x10240x128xf32, #tpu.memory_space<hbm>> -> memref<1x640x64xf32, #tpu.memory_space<hbm>>
      %dma_wait3A_218 = tpu.memref_squeeze %dma_wait3A_217 : memref<1x640x64xf32, #tpu.memory_space<hbm>> -> memref<640x64xf32, #tpu.memory_space<hbm>>
      %dma_wait3A_219 = arith.constant 0 : i32
      %dma_wait3A_220 = tpu.memref_slice %arg13[%mul3A_0, %dma_wait3A_219] : memref<10240x64xf32, #tpu.memory_space<vmem_shared>> -> memref<640x64xf32, #tpu.memory_space<vmem_shared>>
      tpu.wait_dma2 semaphore(%run_scoped3A : memref<!tpu.dma_semaphore, #tpu.memory_space<semaphore_mem>>) src(%dma_wait3A_220 : memref<640x64xf32, #tpu.memory_space<vmem_shared>>) dst(%dma_wait3A_218 : memref<640x64xf32, #tpu.memory_space<hbm>>)
      tpu.yield
    }) : () -> ()
    return
  }
}

module attributes {stable_mosaic.version = 14 : i64} {
  func.func @_tc_layer1_body(%arg0: i32, %arg1: memref<2x1000x128xf32, #tpu.memory_space<vmem>>, %arg2: memref<1000x128xf32, #tpu.memory_space<vmem>>, %arg3: memref<1000x128xf32, #tpu.memory_space<vmem>>, %arg4: memref<128x128xf32, #tpu.memory_space<vmem>>, %arg5: memref<1000x128xf32, #tpu.memory_space<vmem>>, %arg6: memref<1000x1xf32, #tpu.memory_space<vmem>>) attributes {dimension_semantics = [#tpu.dimension_semantics<arbitrary>], iteration_bounds = array<i64: 10>, scalar_prefetch = 0 : i64, scratch_operands = 0 : i64, tpu.core_type = #tpu.core_type<tc>, window_params = [{transform_indices = @transform_0, window_bounds = array<i64: 2, 1000, 128>}, {transform_indices = @transform_1, window_bounds = array<i64: 1000, 128>}, {transform_indices = @transform_2, window_bounds = array<i64: 1000, 128>}, {pipeline_mode = #tpu.pipeline_mode<synchronous>, transform_indices = @transform_3, window_bounds = array<i64: 128, 128>}, {transform_indices = @transform_4, window_bounds = array<i64: 1000, 128>}, {transform_indices = @transform_5, window_bounds = array<i64: 1000, 1>}]} {
    %get3A = arith.constant 0 : index
    %get3A_0 = arith.constant 0 : index
    %get3A_1 = vector.load %arg2[%get3A, %get3A_0] : memref<1000x128xf32, #tpu.memory_space<vmem>>, vector<1000x1xf32>
    %max3A = arith.constant 1.000000e+00 : f32
    %max3A_2 = vector.broadcast %max3A : f32 to vector<1000x1xf32>
    %max3A_3 = arith.maximumf %get3A_1, %max3A_2 : vector<1000x1xf32>
    %div3A = arith.constant 1.000000e+00 : f32
    %div3A_4 = vector.broadcast %div3A : f32 to vector<1000x1xf32>
    %div3A_5 = arith.divf %div3A_4, %max3A_3 : vector<1000x1xf32>
    %get3A_6 = arith.constant 0 : index
    %get3A_7 = arith.constant 0 : index
    %get3A_8 = arith.constant 0 : index
    %get3A_9 = vector.load %arg1[%get3A_6, %get3A_7, %get3A_8] : memref<2x1000x128xf32, #tpu.memory_space<vmem>>, vector<1x1000x64xf32>
    %get3A_10 = vector.shape_cast %get3A_9 : vector<1x1000x64xf32> to vector<1000x64xf32>
    %get3A_11 = arith.constant 1 : index
    %get3A_12 = arith.constant 0 : index
    %get3A_13 = arith.constant 0 : index
    %get3A_14 = vector.load %arg1[%get3A_11, %get3A_12, %get3A_13] : memref<2x1000x128xf32, #tpu.memory_space<vmem>>, vector<1x1000x64xf32>
    %get3A_15 = vector.shape_cast %get3A_14 : vector<1x1000x64xf32> to vector<1000x64xf32>
    %concatenate3A = tpu.concatenate %get3A_10, %get3A_15 in 1 : vector<1000x64xf32>, vector<1000x64xf32> -> vector<1000x128xf32>
    %mul3A = vector.broadcast %div3A_5 : vector<1000x1xf32> to vector<1000x128xf32>
    %mul3A_16 = arith.mulf %concatenate3A, %mul3A : vector<1000x128xf32>
    %get3A_17 = arith.constant 0 : index
    %get3A_18 = arith.constant 0 : index
    %get3A_19 = vector.load %arg4[%get3A_17, %get3A_18] : memref<128x128xf32, #tpu.memory_space<vmem>>, vector<128x128xf32>
    %dot_general3A = arith.constant dense<0.000000e+00> : vector<1000x128xf32>
    %dot_general3A_20 = tpu.matmul %mul3A_16, %get3A_19, %dot_general3A {dimension_numbers = #tpu.dot_dimension_numbers<[1], [0], [0], [1], [0, 0, 1, 1], [], []>, transpose_lhs_hint = false} : vector<1000x128xf32>, vector<128x128xf32>, vector<1000x128xf32> -> vector<1000x128xf32>
    %get3A_21 = arith.constant 0 : index
    %get3A_22 = arith.constant 0 : index
    %get3A_23 = vector.load %arg3[%get3A_21, %get3A_22] : memref<1000x128xf32, #tpu.memory_space<vmem>>, vector<1000x128xf32>
    %add3A = arith.addf %dot_general3A_20, %get3A_23 : vector<1000x128xf32>
    %max3A_24 = arith.constant 0.000000e+00 : f32
    %max3A_25 = vector.broadcast %max3A_24 : f32 to vector<1000x128xf32>
    %max3A_26 = arith.maximumf %add3A, %max3A_25 : vector<1000x128xf32>
    %swap3A = arith.constant 0 : index
    %swap3A_27 = arith.constant 0 : index
    %swap3A_28 = vector.load %arg5[%swap3A, %swap3A_27] : memref<1000x128xf32, #tpu.memory_space<vmem>>, vector<1000x128xf32>
    tpu.vector_store %arg5[%swap3A, %swap3A_27], %max3A_26 {strides = array<i32>} : memref<1000x128xf32, #tpu.memory_space<vmem>>, vector<1000x128xf32>,
    %swap3A_29 = arith.constant 0 : index
    %swap3A_30 = arith.constant 0 : index
    %swap3A_31 = vector.load %arg6[%swap3A_29, %swap3A_30] : memref<1000x1xf32, #tpu.memory_space<vmem>>, vector<1000x1xf32>
    tpu.vector_store %arg6[%swap3A_29, %swap3A_30], %div3A_5 {strides = array<i32>} : memref<1000x1xf32, #tpu.memory_space<vmem>>, vector<1000x1xf32>,
    return
  }
  func.func @transform_0(%arg0: i32) -> (i32, i32, i32) {
    %c0_i32 = arith.constant 0 : i32
    %c0_i32_0 = arith.constant 0 : i32
    %c0_i32_1 = arith.constant 0 : i32
    return %c0_i32, %arg0, %c0_i32_0 : i32, i32, i32
  }
  func.func @transform_1(%arg0: i32) -> (i32, i32) {
    %c0_i32 = arith.constant 0 : i32
    %c0_i32_0 = arith.constant 0 : i32
    return %arg0, %c0_i32 : i32, i32
  }
  func.func @transform_2(%arg0: i32) -> (i32, i32) {
    %c0_i32 = arith.constant 0 : i32
    %c0_i32_0 = arith.constant 0 : i32
    return %arg0, %c0_i32 : i32, i32
  }
  func.func @transform_3(%arg0: i32) -> (i32, i32) {
    %c0_i32 = arith.constant 0 : i32
    %c0_i32_0 = arith.constant 0 : i32
    %c0_i32_1 = arith.constant 0 : i32
    return %c0_i32, %c0_i32_0 : i32, i32
  }
  func.func @transform_4(%arg0: i32) -> (i32, i32) {
    %c0_i32 = arith.constant 0 : i32
    %c0_i32_0 = arith.constant 0 : i32
    return %arg0, %c0_i32 : i32, i32
  }
  func.func @transform_5(%arg0: i32) -> (i32, i32) {
    %c0_i32 = arith.constant 0 : i32
    %c0_i32_0 = arith.constant 0 : i32
    return %arg0, %c0_i32 : i32, i32
  }
}

module attributes {stable_mosaic.version = 14 : i64} {
  func.func @_tc_root_body(%arg0: i32, %arg1: memref<1000x128xf32, #tpu.memory_space<vmem>>, %arg2: memref<128x128xf32, #tpu.memory_space<vmem>>, %arg3: memref<1x128xf32, #tpu.memory_space<vmem>>, %arg4: memref<1000x128xf32, #tpu.memory_space<vmem>>) attributes {dimension_semantics = [#tpu.dimension_semantics<arbitrary>], iteration_bounds = array<i64: 10>, scalar_prefetch = 0 : i64, scratch_operands = 0 : i64, tpu.core_type = #tpu.core_type<tc>, window_params = [{transform_indices = @transform_0, window_bounds = array<i64: 1000, 128>}, {pipeline_mode = #tpu.pipeline_mode<synchronous>, transform_indices = @transform_1, window_bounds = array<i64: 128, 128>}, {pipeline_mode = #tpu.pipeline_mode<synchronous>, transform_indices = @transform_2, window_bounds = array<i64: 1, 128>}, {transform_indices = @transform_3, window_bounds = array<i64: 1000, 128>}]} {
    %get3A = arith.constant 0 : index
    %get3A_0 = arith.constant 0 : index
    %get3A_1 = vector.load %arg1[%get3A, %get3A_0] : memref<1000x128xf32, #tpu.memory_space<vmem>>, vector<1000x128xf32>
    %get3A_2 = arith.constant 0 : index
    %get3A_3 = arith.constant 0 : index
    %get3A_4 = vector.load %arg2[%get3A_2, %get3A_3] : memref<128x128xf32, #tpu.memory_space<vmem>>, vector<128x128xf32>
    %dot_general3A = arith.constant dense<0.000000e+00> : vector<1000x128xf32>
    %dot_general3A_5 = tpu.matmul %get3A_1, %get3A_4, %dot_general3A {dimension_numbers = #tpu.dot_dimension_numbers<[1], [0], [0], [1], [0, 0, 1, 1], [], []>, transpose_lhs_hint = false} : vector<1000x128xf32>, vector<128x128xf32>, vector<1000x128xf32> -> vector<1000x128xf32>
    %get3A_6 = arith.constant 0 : index
    %get3A_7 = arith.constant 0 : index
    %get3A_8 = vector.load %arg3[%get3A_6, %get3A_7] : memref<1x128xf32, #tpu.memory_space<vmem>>, vector<1x128xf32>
    %add3A = vector.broadcast %get3A_8 : vector<1x128xf32> to vector<1000x128xf32>
    %add3A_9 = arith.addf %dot_general3A_5, %add3A : vector<1000x128xf32>
    %swap3A = arith.constant 0 : index
    %swap3A_10 = arith.constant 0 : index
    %swap3A_11 = vector.load %arg4[%swap3A, %swap3A_10] : memref<1000x128xf32, #tpu.memory_space<vmem>>, vector<1000x128xf32>
    tpu.vector_store %arg4[%swap3A, %swap3A_10], %add3A_9 {strides = array<i32>} : memref<1000x128xf32, #tpu.memory_space<vmem>>, vector<1000x128xf32>,
    return
  }
  func.func @transform_0(%arg0: i32) -> (i32, i32) {
    %c0_i32 = arith.constant 0 : i32
    %c0_i32_0 = arith.constant 0 : i32
    return %arg0, %c0_i32 : i32, i32
  }
  func.func @transform_1(%arg0: i32) -> (i32, i32) {
    %c0_i32 = arith.constant 0 : i32
    %c0_i32_0 = arith.constant 0 : i32
    %c0_i32_1 = arith.constant 0 : i32
    return %c0_i32, %c0_i32_0 : i32, i32
  }
  func.func @transform_2(%arg0: i32) -> (i32, i32) {
    %c0_i32 = arith.constant 0 : i32
    %c0_i32_0 = arith.constant 0 : i32
    %c0_i32_1 = arith.constant 0 : i32
    return %c0_i32, %c0_i32_0 : i32, i32
  }
  func.func @transform_3(%arg0: i32) -> (i32, i32) {
    %c0_i32 = arith.constant 0 : i32
    %c0_i32_0 = arith.constant 0 : i32
    return %arg0, %c0_i32 : i32, i32
  }
}

module attributes {stable_mosaic.version = 14 : i64} {
  func.func @_tc_layer2_body(%arg0: i32, %arg1: memref<2x1000x128xf32, #tpu.memory_space<vmem>>, %arg2: memref<1000x1xf32, #tpu.memory_space<vmem>>, %arg3: memref<1000x128xf32, #tpu.memory_space<vmem>>, %arg4: memref<128x128xf32, #tpu.memory_space<vmem>>, %arg5: memref<1000x128xf32, #tpu.memory_space<vmem>>) attributes {dimension_semantics = [#tpu.dimension_semantics<arbitrary>], iteration_bounds = array<i64: 10>, scalar_prefetch = 0 : i64, scratch_operands = 0 : i64, tpu.core_type = #tpu.core_type<tc>, window_params = [{transform_indices = @transform_0, window_bounds = array<i64: 2, 1000, 128>}, {transform_indices = @transform_1, window_bounds = array<i64: 1000, 1>}, {transform_indices = @transform_2, window_bounds = array<i64: 1000, 128>}, {pipeline_mode = #tpu.pipeline_mode<synchronous>, transform_indices = @transform_3, window_bounds = array<i64: 128, 128>}, {transform_indices = @transform_4, window_bounds = array<i64: 1000, 128>}]} {
    %get3A = arith.constant 0 : index
    %get3A_0 = arith.constant 0 : index
    %get3A_1 = arith.constant 0 : index
    %get3A_2 = vector.load %arg1[%get3A, %get3A_0, %get3A_1] : memref<2x1000x128xf32, #tpu.memory_space<vmem>>, vector<1x1000x64xf32>
    %get3A_3 = vector.shape_cast %get3A_2 : vector<1x1000x64xf32> to vector<1000x64xf32>
    %get3A_4 = arith.constant 1 : index
    %get3A_5 = arith.constant 0 : index
    %get3A_6 = arith.constant 0 : index
    %get3A_7 = vector.load %arg1[%get3A_4, %get3A_5, %get3A_6] : memref<2x1000x128xf32, #tpu.memory_space<vmem>>, vector<1x1000x64xf32>
    %get3A_8 = vector.shape_cast %get3A_7 : vector<1x1000x64xf32> to vector<1000x64xf32>
    %concatenate3A = tpu.concatenate %get3A_3, %get3A_8 in 1 : vector<1000x64xf32>, vector<1000x64xf32> -> vector<1000x128xf32>
    %get3A_9 = arith.constant 0 : index
    %get3A_10 = arith.constant 0 : index
    %get3A_11 = vector.load %arg2[%get3A_9, %get3A_10] : memref<1000x1xf32, #tpu.memory_space<vmem>>, vector<1000x1xf32>
    %mul3A = vector.broadcast %get3A_11 : vector<1000x1xf32> to vector<1000x128xf32>
    %mul3A_12 = arith.mulf %concatenate3A, %mul3A : vector<1000x128xf32>
    %get3A_13 = arith.constant 0 : index
    %get3A_14 = arith.constant 0 : index
    %get3A_15 = vector.load %arg4[%get3A_13, %get3A_14] : memref<128x128xf32, #tpu.memory_space<vmem>>, vector<128x128xf32>
    %dot_general3A = arith.constant dense<0.000000e+00> : vector<1000x128xf32>
    %dot_general3A_16 = tpu.matmul %mul3A_12, %get3A_15, %dot_general3A {dimension_numbers = #tpu.dot_dimension_numbers<[1], [0], [0], [1], [0, 0, 1, 1], [], []>, transpose_lhs_hint = false} : vector<1000x128xf32>, vector<128x128xf32>, vector<1000x128xf32> -> vector<1000x128xf32>
    %get3A_17 = arith.constant 0 : index
    %get3A_18 = arith.constant 0 : index
    %get3A_19 = vector.load %arg3[%get3A_17, %get3A_18] : memref<1000x128xf32, #tpu.memory_space<vmem>>, vector<1000x128xf32>
    %add3A = arith.addf %dot_general3A_16, %get3A_19 : vector<1000x128xf32>
    %swap3A = arith.constant 0 : index
    %swap3A_20 = arith.constant 0 : index
    %swap3A_21 = vector.load %arg5[%swap3A, %swap3A_20] : memref<1000x128xf32, #tpu.memory_space<vmem>>, vector<1000x128xf32>
    tpu.vector_store %arg5[%swap3A, %swap3A_20], %add3A {strides = array<i32>} : memref<1000x128xf32, #tpu.memory_space<vmem>>, vector<1000x128xf32>,
    return
  }
  func.func @transform_0(%arg0: i32) -> (i32, i32, i32) {
    %c0_i32 = arith.constant 0 : i32
    %c0_i32_0 = arith.constant 0 : i32
    %c0_i32_1 = arith.constant 0 : i32
    return %c0_i32, %arg0, %c0_i32_0 : i32, i32, i32
  }
  func.func @transform_1(%arg0: i32) -> (i32, i32) {
    %c0_i32 = arith.constant 0 : i32
    %c0_i32_0 = arith.constant 0 : i32
    return %arg0, %c0_i32 : i32, i32
  }
  func.func @transform_2(%arg0: i32) -> (i32, i32) {
    %c0_i32 = arith.constant 0 : i32
    %c0_i32_0 = arith.constant 0 : i32
    return %arg0, %c0_i32 : i32, i32
  }
  func.func @transform_3(%arg0: i32) -> (i32, i32) {
    %c0_i32 = arith.constant 0 : i32
    %c0_i32_0 = arith.constant 0 : i32
    %c0_i32_1 = arith.constant 0 : i32
    return %c0_i32, %c0_i32_0 : i32, i32
  }
  func.func @transform_4(%arg0: i32) -> (i32, i32) {
    %c0_i32 = arith.constant 0 : i32
    %c0_i32_0 = arith.constant 0 : i32
    return %arg0, %c0_i32 : i32, i32
  }
}

</mosaic_0001>

<sc_bundles>
// kernel: kernel.11.cloned.1.call-start
scs
__scs_entry_jumppad:
0x0: {  	(pc) =	sbr.rel $0x88, $3  }
0x1: {  	(tag) =	ssettag $0x0;
	lr =	simm.s32 $0x1  }
0x2: {  	[smem:$0x3F99] =	sst lr;
	_ =	strace $0xD0000000  }
0x3: {  	_ = 	snop  }
0x4: {  	_ = 	snop  }
0x5: {  	_ = 	snop  }
0x6: {  	_ = 	snop  }
0x7: {  	_ = 	snop  }
__scs_overlays_trampoline_lowered:
0x8: {  	[smem:$0x3FA8] =	sst s0  }
0x9: {  	[smem:$0x3FA9] =	sst s1  }
0xa: {  	[smem:$0x3FAA] =	sst s2  }
0xb: {  	[smem:$0x3FAB] =	sst s3  }
0xc: {  	[smem:$0x3FAC] =	sst s4  }
0xd: {  	[smem:$0x3FAD] =	sst s5  }
0xe: {  	[smem:$0x3FAE] =	sst s6  }
0xf: {  	[smem:$0x3FAF] =	sst s7  }
0x10: {  	[smem:$0x3FB0] =	sst s8  }
0x11: {  	[smem:$0x3FB1] =	sst s9;
	s0 =	simm.s32 @!p0 $0x0  }
0x12: {  	s1 =	sld [smem:$0x3F97];
	s0 =	simm.s32 @p0 $0x1  }
0x13: {  	[smem:$0x3FB2] =	sst s0;
	s0 =	simm.s32 @!p1 $0x0  }
0x14: {  	s2 =	sld [smem:$0x3F96];
	s0 =	simm.s32 @p1 $0x1  }
0x15: {  	[smem:$0x3FB3] =	sst s0;
	s0 =	simm.s32 @!p2 $0x0  }
0x16: {  	s3 =	sld [smem:$0x3FDB];
	s0 =	simm.s32 @p2 $0x1  }
0x17: {  	s4 =	simm.s32 $0x1BF5;
	[smem:$0x3FB5] =	sst s0  }
0x18: {  	s0 =	sld [smem:$0x3F98];
	_ =	swait.ge [sflag:s4], $0x0  }
0x19: {  	s7 =	sld [smem:$0x3F99]  }
0x1a: {  	s8 =	sadd.s32 $0xFFFFE003, lr  }
0x1b: {  	s9 =	sadd.s32 $0xFFFFFEF7, lr;
	s5 =	simm.s32 $0xFFFFFFFF;
	p2 =	slt.u32 s8, $0xFFFFF086  }
0x1c: {  	p1 =	slt.u32 s9, $0xF7A;
	s5 =	simm.s32 @!p2 $0x0  }
0x1d: {  	s5 =	simm.s32 @p1 $0x1;
	p0 =	seq.s32 s7, s2  }
0x1e: {  	s7 =	smul.u32 @!p0 $0xF7A, s2;
	p2 =	seq.s32 @!p0 s5, $0x0  }
0x1f: {  	s9 =	smul.u32 $0xF7A, s1;
	s8 =	simm.s32 @!p0 $0x1BF5;
	p2 =	por !p2, p0  }
0x20: {  	[sflag:s8] =	ssyncset.s32 @!p0 $0xFFFFF086;
	s6 =	sadd.s32 @!p0 s3, s7;
	s7 =	simm.s32 @!p0 $0x108  }
0x21: {  	s3 =	sadd.s32 s3, s9;
	s6 =	sadd.s32 @!p0 $0x88, s6;
	s7 =	simm.s32 @p2 $0x1082  }
0x22: {  	[simem:s7], [sflag:s8] =	dma.local @!p0 [hbm:s6], $0xF7A  }
0x23: {  	s9 =	sor.u32 $0xD0000000, s2;
	s6 =	simm.s32 $0x108;
	_ =	swait.ge @!p0 [sflag:s8], $0x0  }
0x24: {  	s3 =	sadd.s32 $0x88, s3;
	s6 =	simm.s32 @!p1 $0x1082;
	[sflag:s4] =	ssyncset.s32 $0xFFFFF086  }
0x25: {  	[simem:s6], [sflag:s4] =	dma.local [hbm:s3], $0xF7A  }
0x26: {  	[smem:$0x3F99] =	sst s1;
	(tag) =	ssettag s2;
	_ =	strace s9  }
0x27: {  	s1 =	sld [smem:$0x3FA9]  }
0x28: {  	s2 =	sld [smem:$0x3FAA]  }
0x29: {  	s4 =	sld [smem:$0x3FAC]  }
0x2a: {  	p0 =	seq.s32 s5, $0x0;
	s5 =	sld [smem:$0x3FAD]  }
0x2b: {  	s6 =	sld [smem:$0x3FAE]  }
0x2c: {  	s7 =	sld [smem:$0x3FAF]  }
0x2d: {  	s3 =	simm.s32 $0x108;
	s8 =	sld [smem:$0x3FB0]  }
0x2e: {  	s3 =	simm.s32 @!p0 $0x1082;
	s9 =	sld [smem:$0x3FB1]  }
0x2f: {  	lr =	sadd.s32 s0, s3;
	s0 =	sld [smem:$0x3FA8]  }
0x30: {  	s3 =	sld [smem:$0x3FAB]  }
0x31: {  	[smem:$0x3FB4] =	sst s10  }
0x32: {  	s10 =	sld [smem:$0x3FB2];
	_ =	sdelay $0x3  }
0x33: {  	p0 =	seq.s32 s10, $0x1;
	s10 =	sld [smem:$0x3FB4];
	_ =	sdelay $0x3  }
0x34: {  	[smem:$0x3FB4] =	sst s10  }
0x35: {  	s10 =	sld [smem:$0x3FB3];
	_ =	sdelay $0x3  }
0x36: {  	p1 =	seq.s32 s10, $0x1;
	s10 =	sld [smem:$0x3FB4];
	_ =	sdelay $0x3  }
0x37: {  	[smem:$0x3FB4] =	sst s10  }
0x38: {  	s10 =	sld [smem:$0x3FB5]  }
0x39: {  	_ = 	snop;
	(pc) =	sbr.ind lr, $3  }
0x3a: {  	_ = 	snop  }
0x3b: {  	_ = 	snop  }
0x3c: {  	p2 =	seq.s32 s10, $0x1;
	s10 =	sld [smem:$0x3FB4]  }
0x3d: {  	_ =	shalt  }
0x3e: {  	_ =	shalt  }
0x3f: {  	_ =	shalt  }
0x40: {  	_ =	shalt  }
0x41: {  	_ =	shalt  }
0x42: {  	_ =	shalt  }
0x43: {  	_ =	shalt  }
0x44: {  	_ =	shalt  }
0x45: {  	_ =	shalt  }
0x46: {  	_ =	shalt  }
0x47: {  	_ =	shalt  }
0x48: {  	_ =	shalt  }
0x49: {  	_ =	shalt  }
0x4a: {  	_ =	shalt  }
0x4b: {  	_ =	shalt  }
0x4c: {  	_ =	shalt  }
0x4d: {  	_ =	shalt  }
0x4e: {  	_ =	shalt  }
0x4f: {  	_ =	shalt  }
0x50: {  	_ =	shalt  }
0x51: {  	_ =	shalt  }
0x52: {  	_ =	shalt  }
0x53: {  	_ =	shalt  }
0x54: {  	_ =	shalt  }
0x55: {  	_ =	shalt  }
0x56: {  	_ =	shalt  }
0x57: {  	_ =	shalt  }
0x58: {  	_ =	shalt  }
0x59: {  	_ =	shalt  }
0x5a: {  	_ =	shalt  }
0x5b: {  	_ =	shalt  }
0x5c: {  	_ =	shalt  }
0x5d: {  	_ =	shalt  }
0x5e: {  	_ =	shalt  }
0x5f: {  	_ =	shalt  }
0x60: {  	_ =	shalt  }
0x61: {  	_ =	shalt  }
0x62: {  	_ =	shalt  }
0x63: {  	_ =	shalt  }
0x64: {  	_ =	shalt  }
0x65: {  	_ =	shalt  }
0x66: {  	_ =	shalt  }
0x67: {  	_ =	shalt  }
0x68: {  	_ =	shalt  }
0x69: {  	_ =	shalt  }
0x6a: {  	_ =	shalt  }
0x6b: {  	_ =	shalt  }
0x6c: {  	_ =	shalt  }
0x6d: {  	_ =	shalt  }
0x6e: {  	_ =	shalt  }
0x6f: {  	_ =	shalt  }
0x70: {  	_ =	shalt  }
0x71: {  	_ =	shalt  }
0x72: {  	_ =	shalt  }
0x73: {  	_ =	shalt  }
0x74: {  	_ =	shalt  }
0x75: {  	_ =	shalt  }
0x76: {  	_ =	shalt  }
0x77: {  	_ =	shalt  }
0x78: {  	_ =	shalt  }
0x79: {  	_ =	shalt  }
0x7a: {  	_ =	shalt  }
0x7b: {  	_ =	shalt  }
0x7c: {  	_ =	shalt  }
0x7d: {  	_ =	shalt  }
0x7e: {  	_ =	shalt  }
0x7f: {  	_ =	shalt  }
0x80: {  	_ =	shalt  }
0x81: {  	_ =	shalt  }
0x82: {  	_ =	shalt  }
0x83: {  	_ =	shalt  }
0x84: {  	_ =	shalt  }
0x85: {  	_ =	shalt  }
0x86: {  	_ =	shalt  }
0x87: {  	_ =	shalt  }
.Lfunc_end0:
.L_simem_size_0:
called_computation.1_lowered:
.L_overlay_start_0:
0x88: {  	s2 =	sld [smem:$0x3FD9]  }
0x89: {  	s3 =	sld [smem:$0x3FFE];
	_ =	sdelay $0x1  }
0x8a: {  	s1 =	srdreg.scid  }
0x8b: {  	s0 =	sand.u32 $0x1, s1  }
0x8c: {  	s17 =	sshll.u32 s0, $0xA;
	s2 =	sadd.s32 s3, s2  }
0x8d: {  	s2 =	sadd.s32 s2, s17  }
0x8e: {  	[smem:$0x3FC0] =	sst s2  }
0x8f: {  	_ = 	snop  }
0x90: {  	s2 =	sld [smem:$0x3FD0];
	(tm) =	ssettm $0x1  }
0x91: {  	s18 =	sld [smem:$0x3FFB];
	_ =	sdelay $0x3  }
0x92: {  	_ =	strace s18  }
0x93: {  	s3 =	sld [smem:$0x3FFC];
	_ =	sdelay $0x3  }
0x94: {  	_ =	strace s3  }
0x95: {  	s3 =	sld [smem:$0x3FFD];
	_ =	sdelay $0x3  }
0x96: {  	_ =	strace s3  }
0x97: {  	_ =	strace $0x8FFFFFFF  }
0x98: {  	s19 =	sld [smem:$0x3FDB];
	_ =	sdelay $0x1  }
0x99: {  	s4 =	simm.s32 $_scs_section_size  }
0x9a: {  	s5 =	simm.s32 $_size__tile_overlayer_lowered;
	s6 =	simm.s32 $_tile_overlayer_lowered  }
0x9b: {  	s22 =	simm.s32 $0x1BFF;
	s21 =	sshll.u32 s6, $0x1;
	s3 =	sadd.s32 s4, s19  }
0x9c: {  	s7 =	simm.s32 $0x0;
	s20 =	sshll.u32 s5, $0x1;
	s5 =	sadd.s32 s21, s3  }
0x9d: {  	[timem:s7], [sflag:s22] =	dma.local [hbm:s5], s20  }
0x9e: {  	_ =	swait.ge [sflag:s22], s20  }
0x9f: {  	s4 =	ssub.s32 $0x0, s20;
	[sflag:s22] =	ssyncset.done $0x0  }
0xa0: {  	[sflag:s22] =	ssyncadd.s32 s4;
	_ =	sdelay $0x1  }
0xa1: {  	s23 =	simm.s32 $0x1B8B  }
0xa2: {  	_ =	swait.ge [sflag:s23], $0x1  }
0xa3: {  	[sflag:s23] =	ssyncset.done $0x0  }
0xa4: {  	s25 =	simm.s32 $0x1B8E;
	s24 =	sld [smem:$0x3FFE];
	[sflag:s23] =	ssyncadd.s32 $0xFFFFFFFF  }
0xa5: {  	s26 =	simm.s32 $execute0_lowered;
	[smem:$0x3FD2] =	sst s25  }
0xa6: {  	s5 =	sshll.u32 s26, $0x1;
	_ =	strace $0x80000049;
	[dreg:$0x1] =	wrdreg $0xFFFFFFFF  }
0xa7: {  	s28 =	simm.s32 $_size_execute0_lowered;
	s3 =	sadd.s32 s3, s5;
	[dreg:$0x0] =	wrdreg $0x0  }
0xa8: {  	s5 =	sshll.u32 s28, $0x1;
	[dreg:$0x2] =	wrdreg s3  }
0xa9: {  	[dreg:$0x3] =	wrdreg s5  }
0xaa: {  	[dreg:$0x4] =	wrdreg $0xC0  }
0xab: {  	_ =	task [dreg:s7], $0x5FFFF  }
0xac: {  	[dreg:$0x1] =	wrdreg $0xFFFFFFFF  }
0xad: {  	[dreg:$0x0] =	wrdreg $0x60  }
0xae: {  	[dreg:$0x2] =	wrdreg s2  }
0xaf: {  	[dreg:$0x3] =	wrdreg s24  }
0xb0: {  	[dreg:$0x4] =	wrdreg $0x120400  }
0xb1: {  	[dreg:$0x5] =	wrdreg $0x9  }
0xb2: {  	_ =	task.clear_ibuf [dreg:s7], $0x6FFFF;
	_ =	strace $0x90000049  }
0xb3: {  	s29 =	simm.s32 $0x9;
	_ =	strace $0x8000004B  }
0xb4: {  	_ =	swait.ge [sflag:s29], $0x1  }
0xb5: {  	[sflag:s29] =	ssyncadd.s32 $0xFFFFFFFF  }
0xb6: {  	_ =	strace $0x9000004B  }
0xb7: {  	_ =	sfence  }
0xb8: {  	s30 =	sld [smem:$0x0];
	_ =	sdelay $0x2  }
0xb9: {  	s31 =	sshll.u32 s1, $0xD;
	s1 =	sshrl.u32 s1, $0x2  }
0xba: {  	s3 =	sand.u32 $0x4000, s31;
	s1 =	sadd.s32 s1, s30  }
0xbb: {  	s0 =	sor.u32 s3, s0;
	s1 =	sshll.u32 s1, $0x11  }
0xbc: {  	s0 =	sor.u32 s1, s0  }
0xbd: {  	s0 =	sadd.s32 $0x8F2B, s0  }
0xbe: {  	[sflag:s0] =	ssyncadd.remote.s32 $0x1  }
0xbf: {  	_ =	sfence.sel $0xFFFF  }
0xc0: {  	[dreg:$0x0] =	wrdreg $0xFFFFFFFF;
	(pc) =	sbr.abs _section_cstart, $3  }
0xc1: {  	[dreg:$0x1] =	wrdreg $0xFFFFFFFF  }
0xc2: {  	_ =	task.clear_ibuf [dreg:s7], $0x2FFFF;
	_ =	strace $0x9FFFFFFF  }
0xc3: {  	(tm) =	ssettm $0x7FFFFFFF  }
tec
execute0_lowered:
.L_overlay_start_1:
0x0: {  	(tag) =	ssettag $0x1  }
0x1: {  	s1 =	rddreg [dreg:$0x0]  }
0x2: {  	s0 =	srdreg.scid;
	s2 =	rddreg [dreg:$0x1]  }
0x3: {  	s4 =	stileid.u32;
	s3 =	rddreg [dreg:$0x2]  }
0x4: {  	s8 =	simm.s32 $0x0;
	s15 =	simm.s32 $0x15;
	s16 =	simm.s32 $0x28  }
0x5: {  	s31 =	simm.s32 $0xE240;
	s28 =	simm.s32 $0x6;
	s5 =	smul.u32 $0x4E20, s4  }
0x6: {  	s29 =	simm.s32 $0x8;
	s30 =	simm.s32 $0xA;
	s17 =	smul.u32 $0x14000, s4  }
0x7: {  	s9 =	simm.s32 $0x10;
	s0 =	sand.u32 $0x1, s0;
	s18 =	smul.u32 $0x28000, s4  }
0x8: {  	s12 =	simm.s32 $0x13;
	s14 =	simm.s32 $0x0;
	s6 =	smul.u32 $0x4E200, s0  }
0x9: {  	[smem:$0x7FF] =	sst s8;
	s19 =	sadd.s32 $0x20600, s2;
	s7 =	smul.u32 $0x140000, s0  }
0xa: {  	_ =	strace $0x8000004A;
	[dreg:$0x4] =	wrdreg s19;
	s0 =	ssub.s32 $0x2, s0  }
0xb: {  	s20 =	sshrl.u32 s0, $0x1;
	s8 =	sshrl.u32 s18, $0x2;
	s18 =	simm.s32 $0xA640  }
0xc: {  	s6 =	sadd.s32 s5, s6;
	s5 =	sshrl.u32 s5, $0x3;
	s7 =	sadd.s32 s17, s7  }
0xd: {  	s0 =	ssub.s32 s0, s20;
	s6 =	sshrl.u32 s6, $0x3;
	s5 =	sadd.s32 s5, s2  }
0xe: {  	s7 =	sshrl.u32 s7, $0x3;
	s0 =	smax.u32 s0, $0x1;
	s6 =	sadd.s32 s6, s2  }
0xf: {  	s2 =	sadd.s32 s7, s2;
	s22 =	sadd.s32 $0x2800, s5;
	[dreg:$0xc] =	wrdreg s0  }
0x10: {  	s7 =	sadd.s32 s8, s3;
	s21 =	sadd.s32 $0xC600, s6;
	[dreg:$0x6] =	wrdreg s22  }
0x11: {  	s17 =	simm.s32 $0x9C40;
	s23 =	sadd.s32 $0x2000, s7;
	[dreg:$0x5] =	wrdreg s21  }
0x12: {  	s20 =	simm.s32 $0x10040;
	s24 =	sadd.s32 $0x4000, s7;
	[dreg:$0x7] =	wrdreg s23  }
.Ltmp0:
0x13: {  	s25 =	sadd.s32 $0x6000, s7;
	[dreg:$0x8] =	wrdreg s24;
	(pc) =	sbr.rel .LBB2_1-.Ltmp0, $4  }
0x14: {  	s0 =	simm.s32 $0xEC40;
	s26 =	sadd.s32 $0x8000, s7;
	[dreg:$0x9] =	wrdreg s25  }
0x15: {  	s2 =	sadd.s32 $0x20C00, s2;
	s22 =	simm.s32 $0xBA40;
	[dreg:$0xa] =	wrdreg s26  }
0x16: {  	[dreg:$0xb] =	wrdreg s2;
	s26 =	simm.s32 $0xCE40;
	s21 =	simm.s32 $0x1  }
0x17: {  	s23 =	simm.s32 $0xF640;
	s24 =	simm.s32 $0x2;
	s25 =	simm.s32 $0x4  }
.LBB2_4:
0x18: {  	s2 =	simm.s32 $0xB  }
0x19: {  	_ =	swait.ge [sflag:s2], $0xA00  }
0x1a: {  	[sflag:s2] =	ssyncset.done $0x0  }
0x1b: {  	s19 =	simm.s32 $0xC;
	[sflag:s2] =	ssyncadd.s32 $0xFFFFF600  }
0x1c: {  	_ =	swait.ge [sflag:s19], $0xA00  }
0x1d: {  	[sflag:s19] =	ssyncset.done $0x0  }
0x1e: {  	s4 =	simm.s32 $0xD;
	[sflag:s19] =	ssyncadd.s32 $0xFFFFF600  }
0x1f: {  	_ =	swait.ge [sflag:s4], $0xA00  }
0x20: {  	[sflag:s4] =	ssyncset.done $0x0  }
0x21: {  	s5 =	simm.s32 $0xE;
	[sflag:s4] =	ssyncadd.s32 $0xFFFFF600  }
0x22: {  	_ =	swait.ge [sflag:s5], $0xA00  }
0x23: {  	[sflag:s5] =	ssyncset.done $0x0  }
0x24: {  	s6 =	simm.s32 $0xF;
	[sflag:s5] =	ssyncadd.s32 $0xFFFFF600  }
0x25: {  	_ =	swait.ge [sflag:s6], $0xA00  }
0x26: {  	[sflag:s6] =	ssyncset.done $0x0  }
0x27: {  	[sflag:s6] =	ssyncadd.s32 $0xFFFFF600  }
0x28: {  	_ =	swait.ge [sflag:s9], $0xA00  }
0x29: {  	[sflag:s9] =	ssyncset.done $0x0  }
0x2a: {  	s8 =	simm.s32 $0x11;
	[sflag:s9] =	ssyncadd.s32 $0xFFFFF600  }
0x2b: {  	_ =	swait.ge [sflag:s8], $0xA00  }
0x2c: {  	[sflag:s8] =	ssyncset.done $0x0  }
0x2d: {  	s10 =	simm.s32 $0x12;
	[sflag:s8] =	ssyncadd.s32 $0xFFFFF600  }
0x2e: {  	_ =	swait.ge [sflag:s10], $0xA00  }
0x2f: {  	[sflag:s10] =	ssyncset.done $0x0  }
0x30: {  	[sflag:s10] =	ssyncadd.s32 $0xFFFFF600  }
0x31: {  	_ =	swait.ge [sflag:s12], $0xA00  }
0x32: {  	[sflag:s12] =	ssyncset.done $0x0  }
0x33: {  	s11 =	simm.s32 $0x14;
	[sflag:s12] =	ssyncadd.s32 $0xFFFFF600  }
0x34: {  	_ =	swait.ge [sflag:s11], $0xA00  }
0x35: {  	[sflag:s11] =	ssyncset.done $0x0  }
0x36: {  	s13 =	stileid.u32;
	[sflag:s11] =	ssyncadd.s32 $0xFFFFF600  }
0x37: {  	s2 =	sshll.u32 s13, $0x6;
	[bflag:$0x0] =	sbarrier.arrive $0xFFFF  }
0x38: {  	s2 =	sor.u32 $0x1C15, s2;
	s4 =	sshrl.u32 s7, $0x3;
	s5 =	rddreg [dreg:$0xb]  }
0x39: {  	[hbm:s5@s9], [sflag:s2] =	dma.strided [spmem:s4@s29], $0x1400, s21, $0x8   }
0x3a: {  	_ =	swait.ge [sflag:s15], $0x1400  }
0x3b: {  	s14 =	sadd.s32 $0x1, s14;
	s19 =	rddreg [dreg:$0xc]  }
0x3c: {  	p0 =	sne.s32 s14, s19  }
.Ltmp1:
0x3d: {  	_ = 	snop;
	(pc) =	sbr.rel @!p0 .LBB2_5-.Ltmp1, $3  }
0x3e: {  	_ =	sdelay $0x1  }
0x3f: {  	[sflag:s15] =	ssyncset.done $0x0  }
0x40: {  	[sflag:s15] =	ssyncadd.s32 $0xFFFFEC00  }
.LBB2_1:
0x41: {  	s2 =	simm.s32 $0x0;
	s4 =	rddreg [dreg:$0x5]  }
0x42: {  	[tilespmem:s2], [sflag:$0x15] =	stream.linear.gather [hbm4b:s4+s2], $0x4E20, $0x38;
	[tilespmem:$0x1C040] =	vst v63  }
0x43: {  	_ =	swait.ge [sflag:s15], $0x4E20  }
0x44: {  	[sflag:s15] =	ssyncset.done $0x0  }
0x45: {  	[sflag:s15] =	ssyncadd.s32 $0xFFFFB1E0  }
0x46: {  	[tilespmem:s17], [sflag:$0x1] =	stream.indirect.gather [hbm4b:s1+s16], $0x40, s2, s16, $0xb8;
	[tilespmem:$0x1C040] =	vst v63  }
0x47: {  	_ = 	snop  }
0x48: {  	[tilespmem:s18], [sflag:$0x2] =	stream.indirect.gather [hbm4b:s1+s16], $0x40, s16, s16, $0xb8;
	[tilespmem:$0x1C040] =	vst v63  }
0x49: {  	s13 =	simm.s32 $0x50;
	s5 =	simm.s32 $0xB040  }
0x4a: {  	[tilespmem:s5], [sflag:$0x3] =	stream.indirect.gather [hbm4b:s1+s16], $0x40, s13, s16, $0xb8;
	[tilespmem:$0x1C040] =	vst v63  }
0x4b: {  	s19 =	simm.s32 $0x78  }
0x4c: {  	[tilespmem:s22], [sflag:$0x4] =	stream.indirect.gather [hbm4b:s1+s16], $0x40, s19, s16, $0xb8;
	[tilespmem:$0x1C040] =	vst v63  }
0x4d: {  	s6 =	simm.s32 $0xC440;
	s5 =	simm.s32 $0xA0  }
0x4e: {  	[tilespmem:s6], [sflag:$0x5] =	stream.indirect.gather [hbm4b:s1+s16], $0x40, s5, s16, $0xb8;
	[tilespmem:$0x1C040] =	vst v63  }
0x4f: {  	s8 =	simm.s32 $0xC8  }
0x50: {  	[tilespmem:s26], [sflag:$0x6] =	stream.indirect.gather [hbm4b:s1+s16], $0x40, s8, s16, $0xb8;
	[tilespmem:$0x1C040] =	vst v63  }
0x51: {  	s10 =	simm.s32 $0xF0;
	s11 =	simm.s32 $0xD840  }
0x52: {  	[tilespmem:s11], [sflag:$0x7] =	stream.indirect.gather [hbm4b:s1+s16], $0x40, s10, s16, $0xb8;
	[tilespmem:$0x1C040] =	vst v63  }
0x53: {  	s13 =	simm.s32 $0x118  }
0x54: {  	[tilespmem:s31], [sflag:$0x8] =	stream.indirect.gather [hbm4b:s1+s16], $0x40, s13, s16, $0xb8;
	[tilespmem:$0x1C040] =	vst v63  }
0x55: {  	s19 =	simm.s32 $0x140  }
0x56: {  	[tilespmem:s0], [sflag:$0x9] =	stream.indirect.gather [hbm4b:s1+s16], $0x40, s19, s16, $0xb8;
	[tilespmem:$0x1C040] =	vst v63  }
0x57: {  	s5 =	rddreg [dreg:$0x6];
	s6 =	simm.s32 $0x4E20  }
0x58: {  	[tilespmem:s6], [sflag:$0x15] =	stream.linear.gather [hbm4b:s5+s2], $0x4E20, $0x38;
	[tilespmem:$0x1C040] =	vst v63  }
0x59: {  	_ =	swait.ge [sflag:s15], $0x4E20  }
0x5a: {  	[sflag:s15] =	ssyncset.done $0x0  }
0x5b: {  	s8 =	rddreg [dreg:$0x4];
	[sflag:s15] =	ssyncadd.s32 $0xFFFFB1E0  }
0x5c: {  	[tilespmem:s20], [sflag:$0x15] =	stream.linear.gather [hbm4b:s8+s2], $0x2000, $0x38;
	[tilespmem:$0x1C040] =	vst v63  }
0x5d: {  	_ =	swait.ge [sflag:s15], $0x2000  }
0x5e: {  	[sflag:s15] =	ssyncset.done $0x0  }
0x5f: {  	[sflag:s15] =	ssyncadd.s32 $0xFFFFE000  }
0x60: {  	[spmem:s7] =	stream.linear.scatter [tilespmem:s20], [sflag:$0x15], $0x2000, $0x38;
	[tilespmem:$0x1C040] =	vst v63  }
0x61: {  	_ =	swait.ge [sflag:s15], $0x2000  }
0x62: {  	[sflag:s15] =	ssyncset.done $0x0  }
0x63: {  	s10 =	rddreg [dreg:$0x7];
	[sflag:s15] =	ssyncadd.s32 $0xFFFFE000  }
0x64: {  	[spmem:s10] =	stream.linear.scatter [tilespmem:s20], [sflag:$0x15], $0x2000, $0x38;
	[tilespmem:$0x1C040] =	vst v63  }
0x65: {  	_ =	swait.ge [sflag:s15], $0x2000  }
0x66: {  	[sflag:s15] =	ssyncset.done $0x0  }
0x67: {  	s11 =	rddreg [dreg:$0x8];
	[sflag:s15] =	ssyncadd.s32 $0xFFFFE000  }
0x68: {  	[spmem:s11] =	stream.linear.scatter [tilespmem:s20], [sflag:$0x15], $0x2000, $0x38;
	[tilespmem:$0x1C040] =	vst v63  }
0x69: {  	_ =	swait.ge [sflag:s15], $0x2000  }
0x6a: {  	[sflag:s15] =	ssyncset.done $0x0  }
0x6b: {  	s13 =	rddreg [dreg:$0x9];
	[sflag:s15] =	ssyncadd.s32 $0xFFFFE000  }
0x6c: {  	[spmem:s13] =	stream.linear.scatter [tilespmem:s20], [sflag:$0x15], $0x2000, $0x38;
	[tilespmem:$0x1C040] =	vst v63  }
0x6d: {  	_ =	swait.ge [sflag:s15], $0x2000  }
0x6e: {  	[sflag:s15] =	ssyncset.done $0x0  }
0x6f: {  	s19 =	rddreg [dreg:$0xa];
	[sflag:s15] =	ssyncadd.s32 $0xFFFFE000  }
0x70: {  	[spmem:s19] =	stream.linear.scatter [tilespmem:s20], [sflag:$0x15], $0x2000, $0x38;
	[tilespmem:$0x1C040] =	vst v63  }
0x71: {  	_ =	swait.ge [sflag:s15], $0x2000  }
0x72: {  	[sflag:s15] =	ssyncset.done $0x0  }
0x73: {  	[sflag:s15] =	ssyncadd.s32 $0xFFFFE000  }
0x74: {  	s2 =	simm.s32 $0x0;
	[bflag:$0x0] =	sbarrier.arrive $0xFFFF  }
.LBB2_2:
0x75: {  	_ =	swait.ge [sflag:s21], $0xA00  }
0x76: {  	s19 =	sshra.s32 s2, $0x2;
	[sflag:s21] =	ssyncset.done $0x0  }
0x77: {  	p0 =	seq.s32 s2, $0x0;
	s5 =	sadd.s32 $0x4E20, s19;
	[sflag:s21] =	ssyncadd.s32 $0xFFFFF600  }
0x78: {  	[spmem:s3] =	stream.indirect.scatter.add.f32 [tilespmem:s17], [sflag:$0xB], $0x40, s5, s16, $0xb8;
	[tilespmem:$0x1C040] =	vst v63  }
0x79: {  	s5 =	simm.s32 @!p0 $0x14  }
0x7a: {  	_ =	swait.ge @!p0 [sflag:s5], $0xA00  }
0x7b: {  	[sflag:s5] =	ssyncset.done @!p0 $0x0  }
0x7c: {  	s8 =	sadd.s32 $0x168, s19;
	[sflag:s5] =	ssyncadd.s32 @!p0 $0xFFFFF600  }
0x7d: {  	[tilespmem:s23], [sflag:$0xA] =	stream.indirect.gather [hbm4b:s1+s16], $0x40, s8, s16, $0xb8;
	[tilespmem:$0x1C040] =	vst v63  }
0x7e: {  	_ =	swait.ge [sflag:s24], $0xA00  }
0x7f: {  	p0 =	seq.s32 s2, $0x13240;
	[sflag:s24] =	ssyncset.done $0x0  }
0x80: {  	s10 =	sadd.s32 $0x4E48, s19;
	s5 =	simm.s32 @p0 $0x3;
	[sflag:s24] =	ssyncadd.s32 $0xFFFFF600  }
0x81: {  	[spmem:s3] =	stream.indirect.scatter.add.f32 [tilespmem:s18], [sflag:$0xC], $0x40, s10, s16, $0xb8;
	[tilespmem:$0x1C040] =	vst v63  }
0x82: {  	_ =	swait.ge @p0 [sflag:s5], $0xA00  }
0x83: {  	s8 =	sshra.s32 @p0 s2, $0x2;
	s6 =	simm.s32 @p0 $0xB040;
	[sflag:s5] =	ssyncset.done @p0 $0x0  }
0x84: {  	s10 =	simm.s32 @p0 $0x28;
	[sflag:s5] =	ssyncadd.s32 @p0 $0xFFFFF600;
	s5 =	sadd.s32 @p0 $0x4E70, s8  }
0x85: {  	[spmem:s3] =	stream.indirect.scatter.add.f32 @p0 [tilespmem:s6], [sflag:$0xD], $0x40, s5, s10, $0xb8;
	[tilespmem:$0x1C040] =	vst v63  }
0x86: {  	s5 =	simm.s32 @!p0 $0xB  }
0x87: {  	_ =	swait.ge @!p0 [sflag:s5], $0xA00  }
0x88: {  	[sflag:s5] =	ssyncset.done @!p0 $0x0  }
0x89: {  	[sflag:s5] =	ssyncadd.s32 @!p0 $0xFFFFF600;
	s5 =	sshra.s32 @!p0 s2, $0x2  }
0x8a: {  	s13 =	simm.s32 @!p0 $0x9C40;
	s6 =	simm.s32 @!p0 $0x28;
	s11 =	sadd.s32 @!p0 $0x190, s5  }
0x8b: {  	[tilespmem:s13], [sflag:$0x1] =	stream.indirect.gather @!p0 [hbm4b:s1+s6], $0x40, s11, s6, $0xb8;
	[tilespmem:$0x1C040] =	vst v63  }
0x8c: {  	s11 =	simm.s32 @!p0 $0x3  }
0x8d: {  	_ =	swait.ge @!p0 [sflag:s11], $0xA00  }
0x8e: {  	[sflag:s11] =	ssyncset.done @!p0 $0x0  }
0x8f: {  	s13 =	simm.s32 @!p0 $0xB040;
	[sflag:s11] =	ssyncadd.s32 @!p0 $0xFFFFF600;
	s11 =	sadd.s32 @!p0 $0x4E70, s5  }
0x90: {  	[spmem:s3] =	stream.indirect.scatter.add.f32 @!p0 [tilespmem:s13], [sflag:$0xD], $0x40, s11, s6, $0xb8;
	[tilespmem:$0x1C040] =	vst v63  }
0x91: {  	s11 =	simm.s32 @!p0 $0xC  }
0x92: {  	_ =	swait.ge @!p0 [sflag:s11], $0xA00  }
0x93: {  	[sflag:s11] =	ssyncset.done @!p0 $0x0  }
0x94: {  	s4 =	simm.s32 @!p0 $0xA640;
	[sflag:s11] =	ssyncadd.s32 @!p0 $0xFFFFF600;
	s11 =	sadd.s32 @!p0 $0x1B8, s5  }
0x95: {  	[tilespmem:s4], [sflag:$0x2] =	stream.indirect.gather @!p0 [hbm4b:s1+s6], $0x40, s11, s6, $0xb8;
	[tilespmem:$0x1C040] =	vst v63  }
0x96: {  	_ =	swait.ge [sflag:s25], $0xA00  }
0x97: {  	[sflag:s25] =	ssyncset.done $0x0  }
0x98: {  	s11 =	sadd.s32 $0x4E98, s19;
	s4 =	simm.s32 @p0 $0x5;
	[sflag:s25] =	ssyncadd.s32 $0xFFFFF600  }
0x99: {  	[spmem:s3] =	stream.indirect.scatter.add.f32 [tilespmem:s22], [sflag:$0xE], $0x40, s11, s16, $0xb8;
	[tilespmem:$0x1C040] =	vst v63  }
0x9a: {  	_ =	swait.ge @p0 [sflag:s4], $0xA00  }
0x9b: {  	[sflag:s4] =	ssyncset.done @p0 $0x0  }
0x9c: {  	s11 =	simm.s32 @p0 $0xC440;
	[sflag:s4] =	ssyncadd.s32 @p0 $0xFFFFF600;
	s4 =	sadd.s32 @p0 $0x4EC0, s8  }
0x9d: {  	[spmem:s3] =	stream.indirect.scatter.add.f32 @p0 [tilespmem:s11], [sflag:$0xF], $0x40, s4, s10, $0xb8;
	[tilespmem:$0x1C040] =	vst v63  }
0x9e: {  	s4 =	simm.s32 @!p0 $0xD  }
0x9f: {  	_ =	swait.ge @!p0 [sflag:s4], $0xA00  }
0xa0: {  	[sflag:s4] =	ssyncset.done @!p0 $0x0  }
0xa1: {  	[sflag:s4] =	ssyncadd.s32 @!p0 $0xFFFFF600;
	s4 =	sadd.s32 @!p0 $0x1E0, s5  }
0xa2: {  	[tilespmem:s13], [sflag:$0x3] =	stream.indirect.gather @!p0 [hbm4b:s1+s6], $0x40, s4, s6, $0xb8;
	[tilespmem:$0x1C040] =	vst v63  }
0xa3: {  	s4 =	simm.s32 @!p0 $0x5  }
0xa4: {  	_ =	swait.ge @!p0 [sflag:s4], $0xA00  }
0xa5: {  	[sflag:s4] =	ssyncset.done @!p0 $0x0  }
0xa6: {  	s11 =	simm.s32 @!p0 $0xC440;
	[sflag:s4] =	ssyncadd.s32 @!p0 $0xFFFFF600;
	s4 =	sadd.s32 @!p0 $0x4EC0, s5  }
0xa7: {  	[spmem:s3] =	stream.indirect.scatter.add.f32 @!p0 [tilespmem:s11], [sflag:$0xF], $0x40, s4, s6, $0xb8;
	[tilespmem:$0x1C040] =	vst v63  }
0xa8: {  	s4 =	simm.s32 @!p0 $0xE  }
0xa9: {  	_ =	swait.ge @!p0 [sflag:s4], $0xA00  }
0xaa: {  	[sflag:s4] =	ssyncset.done @!p0 $0x0  }
0xab: {  	s13 =	simm.s32 @!p0 $0xBA40;
	[sflag:s4] =	ssyncadd.s32 @!p0 $0xFFFFF600;
	s4 =	sadd.s32 @!p0 $0x208, s5  }
0xac: {  	[tilespmem:s13], [sflag:$0x4] =	stream.indirect.gather @!p0 [hbm4b:s1+s6], $0x40, s4, s6, $0xb8;
	[tilespmem:$0x1C040] =	vst v63  }
0xad: {  	_ =	swait.ge [sflag:s28], $0xA00  }
0xae: {  	[sflag:s28] =	ssyncset.done $0x0  }
0xaf: {  	s13 =	sadd.s32 $0x4EE8, s19;
	s4 =	simm.s32 @p0 $0x7;
	[sflag:s28] =	ssyncadd.s32 $0xFFFFF600  }
0xb0: {  	[spmem:s3] =	stream.indirect.scatter.add.f32 [tilespmem:s26], [sflag:$0x10], $0x40, s13, s16, $0xb8;
	[tilespmem:$0x1C040] =	vst v63  }
0xb1: {  	_ =	swait.ge @p0 [sflag:s4], $0xA00  }
0xb2: {  	[sflag:s4] =	ssyncset.done @p0 $0x0  }
0xb3: {  	s13 =	simm.s32 @p0 $0xD840;
	[sflag:s4] =	ssyncadd.s32 @p0 $0xFFFFF600;
	s4 =	sadd.s32 @p0 $0x4F10, s8  }
0xb4: {  	[spmem:s3] =	stream.indirect.scatter.add.f32 @p0 [tilespmem:s13], [sflag:$0x11], $0x40, s4, s10, $0xb8;
	[tilespmem:$0x1C040] =	vst v63  }
0xb5: {  	s4 =	simm.s32 @!p0 $0xF  }
0xb6: {  	_ =	swait.ge @!p0 [sflag:s4], $0xA00  }
0xb7: {  	[sflag:s4] =	ssyncset.done @!p0 $0x0  }
0xb8: {  	[sflag:s4] =	ssyncadd.s32 @!p0 $0xFFFFF600;
	s4 =	sadd.s32 @!p0 $0x230, s5  }
0xb9: {  	[tilespmem:s11], [sflag:$0x5] =	stream.indirect.gather @!p0 [hbm4b:s1+s6], $0x40, s4, s6, $0xb8;
	[tilespmem:$0x1C040] =	vst v63  }
0xba: {  	s4 =	simm.s32 @!p0 $0x7  }
0xbb: {  	_ =	swait.ge @!p0 [sflag:s4], $0xA00  }
0xbc: {  	[sflag:s4] =	ssyncset.done @!p0 $0x0  }
0xbd: {  	s11 =	simm.s32 @!p0 $0xD840;
	[sflag:s4] =	ssyncadd.s32 @!p0 $0xFFFFF600;
	s4 =	sadd.s32 @!p0 $0x4F10, s5  }
0xbe: {  	[spmem:s3] =	stream.indirect.scatter.add.f32 @!p0 [tilespmem:s11], [sflag:$0x11], $0x40, s4, s6, $0xb8;
	[tilespmem:$0x1C040] =	vst v63  }
0xbf: {  	s4 =	simm.s32 @!p0 $0x10  }
0xc0: {  	_ =	swait.ge @!p0 [sflag:s4], $0xA00  }
0xc1: {  	[sflag:s4] =	ssyncset.done @!p0 $0x0  }
0xc2: {  	s13 =	simm.s32 @!p0 $0xCE40;
	[sflag:s4] =	ssyncadd.s32 @!p0 $0xFFFFF600;
	s4 =	sadd.s32 @!p0 $0x258, s5  }
0xc3: {  	[tilespmem:s13], [sflag:$0x6] =	stream.indirect.gather @!p0 [hbm4b:s1+s6], $0x40, s4, s6, $0xb8;
	[tilespmem:$0x1C040] =	vst v63  }
0xc4: {  	_ =	swait.ge [sflag:s29], $0xA00  }
0xc5: {  	[sflag:s29] =	ssyncset.done $0x0  }
0xc6: {  	s13 =	sadd.s32 $0x4F38, s19;
	s4 =	simm.s32 @p0 $0x9;
	[sflag:s29] =	ssyncadd.s32 $0xFFFFF600  }
0xc7: {  	[spmem:s3] =	stream.indirect.scatter.add.f32 [tilespmem:s31], [sflag:$0x12], $0x40, s13, s16, $0xb8;
	[tilespmem:$0x1C040] =	vst v63  }
0xc8: {  	_ =	swait.ge @p0 [sflag:s4], $0xA00  }
0xc9: {  	[sflag:s4] =	ssyncset.done @p0 $0x0  }
0xca: {  	[sflag:s4] =	ssyncadd.s32 @p0 $0xFFFFF600;
	s4 =	sadd.s32 @p0 $0x4F60, s8;
	s8 =	simm.s32 @p0 $0xEC40  }
0xcb: {  	[spmem:s3] =	stream.indirect.scatter.add.f32 @p0 [tilespmem:s8], [sflag:$0x13], $0x40, s4, s10, $0xb8;
	[tilespmem:$0x1C040] =	vst v63  }
0xcc: {  	s4 =	simm.s32 @!p0 $0x11  }
0xcd: {  	_ =	swait.ge @!p0 [sflag:s4], $0xA00  }
0xce: {  	[sflag:s4] =	ssyncset.done @!p0 $0x0  }
0xcf: {  	[sflag:s4] =	ssyncadd.s32 @!p0 $0xFFFFF600;
	s4 =	sadd.s32 @!p0 $0x280, s5  }
0xd0: {  	[tilespmem:s11], [sflag:$0x7] =	stream.indirect.gather @!p0 [hbm4b:s1+s6], $0x40, s4, s6, $0xb8;
	[tilespmem:$0x1C040] =	vst v63  }
0xd1: {  	s4 =	simm.s32 @!p0 $0x9  }
0xd2: {  	_ =	swait.ge @!p0 [sflag:s4], $0xA00  }
0xd3: {  	[sflag:s4] =	ssyncset.done @!p0 $0x0  }
0xd4: {  	s8 =	simm.s32 @!p0 $0xEC40;
	[sflag:s4] =	ssyncadd.s32 @!p0 $0xFFFFF600;
	s4 =	sadd.s32 @!p0 $0x4F60, s5  }
0xd5: {  	[spmem:s3] =	stream.indirect.scatter.add.f32 @!p0 [tilespmem:s8], [sflag:$0x13], $0x40, s4, s6, $0xb8;
	[tilespmem:$0x1C040] =	vst v63  }
0xd6: {  	s4 =	simm.s32 @!p0 $0x12  }
0xd7: {  	_ =	swait.ge @!p0 [sflag:s4], $0xA00  }
0xd8: {  	[sflag:s4] =	ssyncset.done @!p0 $0x0  }
0xd9: {  	[sflag:s4] =	ssyncadd.s32 @!p0 $0xFFFFF600;
	s4 =	sadd.s32 @!p0 $0x2A8, s5;
	s5 =	simm.s32 @!p0 $0xE240  }
0xda: {  	[tilespmem:s5], [sflag:$0x8] =	stream.indirect.gather @!p0 [hbm4b:s1+s6], $0x40, s4, s6, $0xb8;
	[tilespmem:$0x1C040] =	vst v63  }
.Ltmp2:
0xdb: {  	_ = 	snop;
	(pc) =	sbr.rel @p0 .LBB2_4-.Ltmp2, $4  }
0xdc: {  	_ =	swait.ge [sflag:s30], $0xA00  }
0xdd: {  	[sflag:s30] =	ssyncset.done $0x0  }
0xde: {  	s13 =	sadd.s32 $0x4F88, s19;
	[sflag:s30] =	ssyncadd.s32 $0xFFFFF600  }
0xdf: {  	[spmem:s3] =	stream.indirect.scatter.add.f32 [tilespmem:s23], [sflag:$0x14], $0x40, s13, s16, $0xb8;
	[tilespmem:$0x1C040] =	vst v63  }
.Ltmp3:
0xe0: {  	(pc) =	sbr.rel .LBB2_2-.Ltmp3, $4  }
0xe1: {  	_ =	swait.ge [sflag:s12], $0xA00  }
0xe2: {  	[sflag:s12] =	ssyncset.done $0x0  }
0xe3: {  	s4 =	sadd.s32 $0x2D0, s19;
	s2 =	sadd.s32 $0x640, s2;
	[sflag:s12] =	ssyncadd.s32 $0xFFFFF600  }
0xe4: {  	[tilespmem:s0], [sflag:$0x9] =	stream.indirect.gather [hbm4b:s1+s16], $0x40, s4, s16, $0xb8;
	[tilespmem:$0x1C040] =	vst v63  }
.LBB2_5:
0xe5: {  	_ =	sfence.sel $0x180000  }
0xe6: {  	[bflag:$0x0] =	sbarrier.arrive $0xFFFF  }
0xe7: {  	_ =	strace $0x9000004A  }
0xe8: {  	s0 =	stileid.u32;
	[bflag:$0x2] =	sbarrier.arrive $0xFFFF  }
0xe9: {  	p0 =	sne.s32 s0, $0x0;
	s0 =	rddreg [dreg:$0x3]  }
0xea: {  	s0 =	sadd.s32 @!p0 $0x100000, s0  }
0xeb: {  	[sflag:s0] =	ssyncadd.tile.s32 @!p0 $0x1;
	_ =	shalt  }
.Lfunc_end2:
_tile_overlayer_lowered:
.L_overlay_start_2:
0xec: {  	(tag) =	ssettag $0x2  }
0xed: {  	s0 =	rddreg [dreg:$0x0];
	s2 =	stileid.u32  }
0xee: {  	s1 =	rddreg [dreg:$0x1];
	p0 =	sne.s32 s2, $0x0  }
0xef: {  	s3 =	rddreg [dreg:$0x2];
	[bflag:$0x3] =	sbarrier.arrive $0xFFFF;
	s2 =	simm.s32 @!p0 $0x1C15  }
0xf0: {  	[timem:s3], [sflag:s2] =	dma.local @!p0 [hbm:s0], s1  }
0xf1: {  	s0 =	simm.s32 @!p0 $0x15  }
0xf2: {  	_ =	swait.ge @!p0 [sflag:s0], s1  }
0xf3: {  	s1 =	ssub.s32 @!p0 $0x0, s1;
	[sflag:s0] =	ssyncset.done @!p0 $0x0  }
0xf4: {  	[sflag:s0] =	ssyncadd.s32 @!p0 s1  }
0xf5: {  	[bflag:$0x3] =	sbarrier.arrive $0xFFFF  }
0xf6: {  	_ =	shalt  }

// kernel: kernel.8.cloned.1.call-start
scs
__scs_entry_jumppad:
0x0: {  	(pc) =	sbr.rel $0x88, $3  }
0x1: {  	(tag) =	ssettag $0x0;
	lr =	simm.s32 $0x1  }
0x2: {  	[smem:$0x3F99] =	sst lr;
	_ =	strace $0xD0000000  }
0x3: {  	_ = 	snop  }
0x4: {  	_ = 	snop  }
0x5: {  	_ = 	snop  }
0x6: {  	_ = 	snop  }
0x7: {  	_ = 	snop  }
__scs_overlays_trampoline_lowered:
0x8: {  	[smem:$0x3FA8] =	sst s0  }
0x9: {  	[smem:$0x3FA9] =	sst s1  }
0xa: {  	[smem:$0x3FAA] =	sst s2  }
0xb: {  	[smem:$0x3FAB] =	sst s3  }
0xc: {  	[smem:$0x3FAC] =	sst s4  }
0xd: {  	[smem:$0x3FAD] =	sst s5  }
0xe: {  	[smem:$0x3FAE] =	sst s6  }
0xf: {  	[smem:$0x3FAF] =	sst s7  }
0x10: {  	[smem:$0x3FB0] =	sst s8  }
0x11: {  	[smem:$0x3FB1] =	sst s9;
	s0 =	simm.s32 @!p0 $0x0  }
0x12: {  	s1 =	sld [smem:$0x3F97];
	s0 =	simm.s32 @p0 $0x1  }
0x13: {  	[smem:$0x3FB2] =	sst s0;
	s0 =	simm.s32 @!p1 $0x0  }
0x14: {  	s2 =	sld [smem:$0x3F96];
	s0 =	simm.s32 @p1 $0x1  }
0x15: {  	[smem:$0x3FB3] =	sst s0;
	s0 =	simm.s32 @!p2 $0x0  }
0x16: {  	s3 =	sld [smem:$0x3FDB];
	s0 =	simm.s32 @p2 $0x1  }
0x17: {  	s4 =	simm.s32 $0x1BF5;
	[smem:$0x3FB5] =	sst s0  }
0x18: {  	s0 =	sld [smem:$0x3F98];
	_ =	swait.ge [sflag:s4], $0x0  }
0x19: {  	s7 =	sld [smem:$0x3F99]  }
0x1a: {  	s8 =	sadd.s32 $0xFFFFE003, lr  }
0x1b: {  	s9 =	sadd.s32 $0xFFFFFEF7, lr;
	s5 =	simm.s32 $0xFFFFFFFF;
	p2 =	slt.u32 s8, $0xFFFFF086  }
0x1c: {  	p1 =	slt.u32 s9, $0xF7A;
	s5 =	simm.s32 @!p2 $0x0  }
0x1d: {  	s5 =	simm.s32 @p1 $0x1;
	p0 =	seq.s32 s7, s2  }
0x1e: {  	s7 =	smul.u32 @!p0 $0xF7A, s2;
	p2 =	seq.s32 @!p0 s5, $0x0  }
0x1f: {  	s9 =	smul.u32 $0xF7A, s1;
	s8 =	simm.s32 @!p0 $0x1BF5;
	p2 =	por !p2, p0  }
0x20: {  	[sflag:s8] =	ssyncset.s32 @!p0 $0xFFFFF086;
	s6 =	sadd.s32 @!p0 s3, s7;
	s7 =	simm.s32 @!p0 $0x108  }
0x21: {  	s3 =	sadd.s32 s3, s9;
	s6 =	sadd.s32 @!p0 $0x88, s6;
	s7 =	simm.s32 @p2 $0x1082  }
0x22: {  	[simem:s7], [sflag:s8] =	dma.local @!p0 [hbm:s6], $0xF7A  }
0x23: {  	s9 =	sor.u32 $0xD0000000, s2;
	s6 =	simm.s32 $0x108;
	_ =	swait.ge @!p0 [sflag:s8], $0x0  }
0x24: {  	s3 =	sadd.s32 $0x88, s3;
	s6 =	simm.s32 @!p1 $0x1082;
	[sflag:s4] =	ssyncset.s32 $0xFFFFF086  }
0x25: {  	[simem:s6], [sflag:s4] =	dma.local [hbm:s3], $0xF7A  }
0x26: {  	[smem:$0x3F99] =	sst s1;
	(tag) =	ssettag s2;
	_ =	strace s9  }
0x27: {  	s1 =	sld [smem:$0x3FA9]  }
0x28: {  	s2 =	sld [smem:$0x3FAA]  }
0x29: {  	s4 =	sld [smem:$0x3FAC]  }
0x2a: {  	p0 =	seq.s32 s5, $0x0;
	s5 =	sld [smem:$0x3FAD]  }
0x2b: {  	s6 =	sld [smem:$0x3FAE]  }
0x2c: {  	s7 =	sld [smem:$0x3FAF]  }
0x2d: {  	s3 =	simm.s32 $0x108;
	s8 =	sld [smem:$0x3FB0]  }
0x2e: {  	s3 =	simm.s32 @!p0 $0x1082;
	s9 =	sld [smem:$0x3FB1]  }
0x2f: {  	lr =	sadd.s32 s0, s3;
	s0 =	sld [smem:$0x3FA8]  }
0x30: {  	s3 =	sld [smem:$0x3FAB]  }
0x31: {  	[smem:$0x3FB4] =	sst s10  }
0x32: {  	s10 =	sld [smem:$0x3FB2];
	_ =	sdelay $0x3  }
0x33: {  	p0 =	seq.s32 s10, $0x1;
	s10 =	sld [smem:$0x3FB4];
	_ =	sdelay $0x3  }
0x34: {  	[smem:$0x3FB4] =	sst s10  }
0x35: {  	s10 =	sld [smem:$0x3FB3];
	_ =	sdelay $0x3  }
0x36: {  	p1 =	seq.s32 s10, $0x1;
	s10 =	sld [smem:$0x3FB4];
	_ =	sdelay $0x3  }
0x37: {  	[smem:$0x3FB4] =	sst s10  }
0x38: {  	s10 =	sld [smem:$0x3FB5]  }
0x39: {  	_ = 	snop;
	(pc) =	sbr.ind lr, $3  }
0x3a: {  	_ = 	snop  }
0x3b: {  	_ = 	snop  }
0x3c: {  	p2 =	seq.s32 s10, $0x1;
	s10 =	sld [smem:$0x3FB4]  }
0x3d: {  	_ =	shalt  }
0x3e: {  	_ =	shalt  }
0x3f: {  	_ =	shalt  }
0x40: {  	_ =	shalt  }
0x41: {  	_ =	shalt  }
0x42: {  	_ =	shalt  }
0x43: {  	_ =	shalt  }
0x44: {  	_ =	shalt  }
0x45: {  	_ =	shalt  }
0x46: {  	_ =	shalt  }
0x47: {  	_ =	shalt  }
0x48: {  	_ =	shalt  }
0x49: {  	_ =	shalt  }
0x4a: {  	_ =	shalt  }
0x4b: {  	_ =	shalt  }
0x4c: {  	_ =	shalt  }
0x4d: {  	_ =	shalt  }
0x4e: {  	_ =	shalt  }
0x4f: {  	_ =	shalt  }
0x50: {  	_ =	shalt  }
0x51: {  	_ =	shalt  }
0x52: {  	_ =	shalt  }
0x53: {  	_ =	shalt  }
0x54: {  	_ =	shalt  }
0x55: {  	_ =	shalt  }
0x56: {  	_ =	shalt  }
0x57: {  	_ =	shalt  }
0x58: {  	_ =	shalt  }
0x59: {  	_ =	shalt  }
0x5a: {  	_ =	shalt  }
0x5b: {  	_ =	shalt  }
0x5c: {  	_ =	shalt  }
0x5d: {  	_ =	shalt  }
0x5e: {  	_ =	shalt  }
0x5f: {  	_ =	shalt  }
0x60: {  	_ =	shalt  }
0x61: {  	_ =	shalt  }
0x62: {  	_ =	shalt  }
0x63: {  	_ =	shalt  }
0x64: {  	_ =	shalt  }
0x65: {  	_ =	shalt  }
0x66: {  	_ =	shalt  }
0x67: {  	_ =	shalt  }
0x68: {  	_ =	shalt  }
0x69: {  	_ =	shalt  }
0x6a: {  	_ =	shalt  }
0x6b: {  	_ =	shalt  }
0x6c: {  	_ =	shalt  }
0x6d: {  	_ =	shalt  }
0x6e: {  	_ =	shalt  }
0x6f: {  	_ =	shalt  }
0x70: {  	_ =	shalt  }
0x71: {  	_ =	shalt  }
0x72: {  	_ =	shalt  }
0x73: {  	_ =	shalt  }
0x74: {  	_ =	shalt  }
0x75: {  	_ =	shalt  }
0x76: {  	_ =	shalt  }
0x77: {  	_ =	shalt  }
0x78: {  	_ =	shalt  }
0x79: {  	_ =	shalt  }
0x7a: {  	_ =	shalt  }
0x7b: {  	_ =	shalt  }
0x7c: {  	_ =	shalt  }
0x7d: {  	_ =	shalt  }
0x7e: {  	_ =	shalt  }
0x7f: {  	_ =	shalt  }
0x80: {  	_ =	shalt  }
0x81: {  	_ =	shalt  }
0x82: {  	_ =	shalt  }
0x83: {  	_ =	shalt  }
0x84: {  	_ =	shalt  }
0x85: {  	_ =	shalt  }
0x86: {  	_ =	shalt  }
0x87: {  	_ =	shalt  }
.Lfunc_end0:
.L_simem_size_0:
called_computation_lowered:
.L_overlay_start_0:
0x88: {  	s2 =	sld [smem:$0x3FD9]  }
0x89: {  	s3 =	sld [smem:$0x3FFE];
	_ =	sdelay $0x1  }
0x8a: {  	s1 =	srdreg.scid  }
0x8b: {  	s0 =	sand.u32 $0x1, s1  }
0x8c: {  	s17 =	sshll.u32 s0, $0xA;
	s2 =	sadd.s32 s3, s2  }
0x8d: {  	s2 =	sadd.s32 s2, s17  }
0x8e: {  	[smem:$0x3FC0] =	sst s2  }
0x8f: {  	_ = 	snop  }
0x90: {  	s2 =	sld [smem:$0x3FC9];
	(tm) =	ssettm $0x1  }
0x91: {  	s18 =	sld [smem:$0x3FFB];
	_ =	sdelay $0x3  }
0x92: {  	_ =	strace s18  }
0x93: {  	s3 =	sld [smem:$0x3FFC];
	_ =	sdelay $0x3  }
0x94: {  	_ =	strace s3  }
0x95: {  	s3 =	sld [smem:$0x3FFD];
	_ =	sdelay $0x3  }
0x96: {  	_ =	strace s3  }
0x97: {  	_ =	strace $0x8FFFFFFF  }
0x98: {  	s19 =	sld [smem:$0x3FDB];
	_ =	sdelay $0x1  }
0x99: {  	s4 =	simm.s32 $_scs_section_size  }
0x9a: {  	s5 =	simm.s32 $_size__tile_overlayer_lowered;
	s6 =	simm.s32 $_tile_overlayer_lowered  }
0x9b: {  	s22 =	simm.s32 $0x1BFF;
	s21 =	sshll.u32 s6, $0x1;
	s3 =	sadd.s32 s4, s19  }
0x9c: {  	s7 =	simm.s32 $0x0;
	s20 =	sshll.u32 s5, $0x1;
	s5 =	sadd.s32 s21, s3  }
0x9d: {  	[timem:s7], [sflag:s22] =	dma.local [hbm:s5], s20  }
0x9e: {  	_ =	swait.ge [sflag:s22], s20  }
0x9f: {  	s4 =	ssub.s32 $0x0, s20;
	[sflag:s22] =	ssyncset.done $0x0  }
0xa0: {  	[sflag:s22] =	ssyncadd.s32 s4;
	_ =	sdelay $0x1  }
0xa1: {  	s23 =	simm.s32 $0x1B8B  }
0xa2: {  	_ =	swait.ge [sflag:s23], $0x1  }
0xa3: {  	[sflag:s23] =	ssyncset.done $0x0  }
0xa4: {  	s25 =	simm.s32 $0x1B8E;
	s24 =	sld [smem:$0x3FFE];
	[sflag:s23] =	ssyncadd.s32 $0xFFFFFFFF  }
0xa5: {  	s26 =	simm.s32 $execute0_lowered;
	[smem:$0x3FD2] =	sst s25  }
0xa6: {  	s5 =	sshll.u32 s26, $0x1;
	_ =	strace $0x80000046;
	[dreg:$0x1] =	wrdreg $0xFFFFFFFF  }
0xa7: {  	s28 =	simm.s32 $_size_execute0_lowered;
	s3 =	sadd.s32 s3, s5;
	[dreg:$0x0] =	wrdreg $0x0  }
0xa8: {  	s5 =	sshll.u32 s28, $0x1;
	[dreg:$0x2] =	wrdreg s3  }
0xa9: {  	[dreg:$0x3] =	wrdreg s5  }
0xaa: {  	[dreg:$0x4] =	wrdreg $0xC0  }
0xab: {  	_ =	task [dreg:s7], $0x5FFFF  }
0xac: {  	[dreg:$0x1] =	wrdreg $0xFFFFFFFF  }
0xad: {  	[dreg:$0x0] =	wrdreg $0x60  }
0xae: {  	[dreg:$0x2] =	wrdreg s2  }
0xaf: {  	[dreg:$0x3] =	wrdreg s24  }
0xb0: {  	[dreg:$0x4] =	wrdreg $0x120400  }
0xb1: {  	[dreg:$0x5] =	wrdreg $0x1C2C00  }
0xb2: {  	[dreg:$0x6] =	wrdreg $0x9  }
0xb3: {  	_ =	task.clear_ibuf [dreg:s7], $0x7FFFF;
	_ =	strace $0x90000046  }
0xb4: {  	s29 =	simm.s32 $0x9;
	_ =	strace $0x80000048  }
0xb5: {  	_ =	swait.ge [sflag:s29], $0x1  }
0xb6: {  	[sflag:s29] =	ssyncadd.s32 $0xFFFFFFFF  }
0xb7: {  	_ =	strace $0x90000048  }
0xb8: {  	_ =	sfence  }
0xb9: {  	s30 =	sld [smem:$0x0];
	_ =	sdelay $0x2  }
0xba: {  	s31 =	sshll.u32 s1, $0xD;
	s1 =	sshrl.u32 s1, $0x2  }
0xbb: {  	s3 =	sand.u32 $0x4000, s31;
	s1 =	sadd.s32 s1, s30  }
0xbc: {  	s0 =	sor.u32 s3, s0;
	s1 =	sshll.u32 s1, $0x11  }
0xbd: {  	s0 =	sor.u32 s1, s0  }
0xbe: {  	s0 =	sadd.s32 $0x8F2B, s0  }
0xbf: {  	[sflag:s0] =	ssyncadd.remote.s32 $0x1  }
0xc0: {  	_ =	sfence.sel $0xFFFF  }
0xc1: {  	[dreg:$0x0] =	wrdreg $0xFFFFFFFF;
	(pc) =	sbr.abs _section_cstart, $3  }
0xc2: {  	[dreg:$0x1] =	wrdreg $0xFFFFFFFF  }
0xc3: {  	_ =	task.clear_ibuf [dreg:s7], $0x2FFFF;
	_ =	strace $0x9FFFFFFF  }
0xc4: {  	(tm) =	ssettm $0x7FFFFFFF  }
0xc5: {  	_ =	shalt  }
tec
execute0_lowered:
.L_overlay_start_1:
0x0: {  	(tag) =	ssettag $0x1  }
0x1: {  	s1 =	rddreg [dreg:$0x0]  }
0x2: {  	s0 =	rddreg [dreg:$0x1];
	s2 =	srdreg.scid  }
0x3: {  	s25 =	stileid.u32;
	s3 =	rddreg [dreg:$0x2]  }
0x4: {  	s5 =	rddreg [dreg:$0x3];
	s8 =	simm.s32 $0x0;
	s28 =	simm.s32 $0x16  }
0x5: {  	s11 =	simm.s32 $0x3;
	s29 =	simm.s32 $0x13;
	s12 =	smul.u32 $0x4E20, s25  }
0x6: {  	s4 =	sand.u32 $0x1, s2;
	s7 =	smul.u32 $0x14000, s25;
	[smem:$0x7FF] =	sst s8  }
0x7: {  	s9 =	sadd.s32 $0x20600, s0;
	s14 =	sadd.s32 $0x20000, s0;
	s10 =	smul.u32 $0x28000, s25  }
0x8: {  	s19 =	smul.u32 $0xA000, s25;
	_ =	strace $0x80000047;
	[dreg:$0x5] =	wrdreg s9  }
0x9: {  	s15 =	sadd.s32 $0x20A00, s0;
	s6 =	smul.u32 $0x4E200, s4;
	[dreg:$0x6] =	wrdreg s14  }
0xa: {  	s13 =	smul.u32 $0x140000, s4;
	[dreg:$0x7] =	wrdreg s15;
	s16 =	ssub.s32 $0x2, s4  }
0xb: {  	p0 =	sne.s32 s4, $0x0;
	s9 =	simm.s32 $0x1;
	s14 =	simm.s32 $0x15  }
0xc: {  	s15 =	simm.s32 $0x4;
	s2 =	sshrl.u32 s12, $0x3;
	s17 =	sshrl.u32 s16, $0x1  }
0xd: {  	s18 =	sshrl.u32 s10, $0x2;
	s22 =	sshrl.u32 s19, $0x2;
	s10 =	simm.s32 $0x2  }
0xe: {  	s19 =	simm.s32 $0x6;
	s6 =	sadd.s32 s12, s6;
	s2 =	sadd.s32 s2, s0  }
0xf: {  	s8 =	sadd.s32 s7, s13;
	s7 =	sshrl.u32 s7, $0x3;
	s31 =	sadd.s32 s18, s3  }
0x10: {  	s12 =	simm.s32 $0x7;
	s18 =	simm.s32 $0x0;
	s6 =	sshrl.u32 s6, $0x3  }
0x11: {  	s8 =	sshrl.u32 s8, $0x3;
	s2 =	sadd.s32 $0x2800, s2;
	[dreg:$0xa] =	wrdreg s31  }
0x12: {  	s20 =	sadd.s32 $0x2000, s31;
	s21 =	sadd.s32 $0x4000, s31;
	[dreg:$0x9] =	wrdreg s2  }
0x13: {  	s23 =	sadd.s32 $0x6000, s31;
	s24 =	sadd.s32 $0x8000, s31;
	[dreg:$0xb] =	wrdreg s20  }
0x14: {  	s6 =	sadd.s32 s6, s0;
	s8 =	sadd.s32 s8, s0;
	[dreg:$0xc] =	wrdreg s21  }
0x15: {  	s0 =	sadd.s32 s7, s0;
	s7 =	ssub.s32 s16, s17;
	[dreg:$0xd] =	wrdreg s23  }
0x16: {  	[dreg:$0xe] =	wrdreg s24;
	s2 =	sadd.s32 s22, s5;
	s22 =	simm.s32 $0x28  }
0x17: {  	s17 =	simm.s32 $0x5;
	s20 =	simm.s32 $0xF;
	s21 =	simm.s32 $0x11  }
0x18: {  	s23 =	simm.s32 $0x9;
	s6 =	sadd.s32 $0xC600, s6;
	[dreg:$0xf] =	wrdreg s2  }
.Ltmp0:
0x19: {  	s26 =	sadd.s32 $0x48C00, s8;
	[dreg:$0x8] =	wrdreg s6;
	(pc) =	sbr.rel .LBB2_1-.Ltmp0, $4  }
0x1a: {  	s24 =	simm.s32 $0x12;
	s0 =	sadd.s32 $0x20C00, s0;
	[dreg:$0x10] =	wrdreg s26  }
0x1b: {  	s30 =	smax.u32 s7, $0x1;
	s2 =	simm.s32 $0xEC40;
	[dreg:$0x11] =	wrdreg s0  }
0x1c: {  	s8 =	simm.s32 $0x1C040;
	s7 =	simm.s32 $0x8;
	[dreg:$0x12] =	wrdreg s30  }
0x1d: {  	s0 =	simm.s32 $0xF640;
	s6 =	simm.s32 $0x10;
	s26 =	simm.s32 $0xA  }
.LBB2_51:
0x1e: {  	s13 =	simm.s32 $0xB  }
0x1f: {  	_ =	swait.ge [sflag:s13], $0xA00  }
0x20: {  	[sflag:s13] =	ssyncset.done $0x0  }
0x21: {  	s25 =	simm.s32 $0xC;
	[sflag:s13] =	ssyncadd.s32 $0xFFFFF600  }
0x22: {  	_ =	swait.ge [sflag:s25], $0xA00  }
0x23: {  	[sflag:s25] =	ssyncset.done $0x0  }
0x24: {  	s28 =	simm.s32 $0xD;
	[sflag:s25] =	ssyncadd.s32 $0xFFFFF600  }
0x25: {  	_ =	swait.ge [sflag:s28], $0xA00  }
0x26: {  	[sflag:s28] =	ssyncset.done $0x0  }
0x27: {  	s30 =	simm.s32 $0xE;
	[sflag:s28] =	ssyncadd.s32 $0xFFFFF600  }
0x28: {  	_ =	swait.ge [sflag:s30], $0xA00  }
0x29: {  	[sflag:s30] =	ssyncset.done $0x0  }
0x2a: {  	[sflag:s30] =	ssyncadd.s32 $0xFFFFF600  }
0x2b: {  	_ =	swait.ge [sflag:s20], $0xA00  }
0x2c: {  	[sflag:s20] =	ssyncset.done $0x0  }
0x2d: {  	[sflag:s20] =	ssyncadd.s32 $0xFFFFF600  }
0x2e: {  	_ =	swait.ge [sflag:s6], $0xA00  }
0x2f: {  	[sflag:s6] =	ssyncset.done $0x0  }
0x30: {  	[sflag:s6] =	ssyncadd.s32 $0xFFFFF600  }
0x31: {  	_ =	swait.ge [sflag:s21], $0xA00  }
0x32: {  	[sflag:s21] =	ssyncset.done $0x0  }
0x33: {  	[sflag:s21] =	ssyncadd.s32 $0xFFFFF600  }
0x34: {  	_ =	swait.ge [sflag:s24], $0xA00  }
0x35: {  	[sflag:s24] =	ssyncset.done $0x0  }
0x36: {  	[sflag:s24] =	ssyncadd.s32 $0xFFFFF600  }
0x37: {  	_ =	swait.ge [sflag:s29], $0xA00  }
0x38: {  	[sflag:s29] =	ssyncset.done $0x0  }
0x39: {  	s31 =	simm.s32 $0x14;
	[sflag:s29] =	ssyncadd.s32 $0xFFFFF600  }
0x3a: {  	_ =	swait.ge [sflag:s31], $0xA00  }
0x3b: {  	[sflag:s31] =	ssyncset.done $0x0  }
0x3c: {  	s18 =	rddreg [dreg:$0x13];
	[sflag:s31] =	ssyncadd.s32 $0xFFFFF600  }
.LBB2_52:
0x3d: {  	s13 =	stileid.u32;
	[bflag:$0x0] =	sbarrier.arrive $0xFFFF  }
0x3e: {  	s13 =	sshll.u32 s13, $0x6;
	s31 =	rddreg [dreg:$0xa]  }
0x3f: {  	s25 =	rddreg [dreg:$0x10];
	s13 =	sor.u32 $0x1C16, s13;
	s16 =	sshrl.u32 s31, $0x3  }
0x40: {  	[hbm:s25@s6], [sflag:s13] =	dma.strided [spmem:s16@s7], $0x1400, s9, $0x8   }
0x41: {  	s25 =	simm.s32 $0x16  }
0x42: {  	s28 =	simm.s32 @!p0 $0x2;
	_ =	swait.ge [sflag:s25], $0x1400  }
0x43: {  	s20 =	simm.s32 @!p0 $0x10;
	[sflag:s25] =	ssyncset.done $0x0;
	s30 =	rddreg [dreg:$0x11]  }
0x44: {  	s16 =	rddreg [dreg:$0x14];
	[sflag:s25] =	ssyncadd.s32 $0xFFFFEC00;
	s25 =	simm.s32 @!p0 $0x1  }
0x45: {  	[hbm:s30@s20], [sflag:s13] =	dma.strided @!p0 [spmem:s16@s28], $0x500, s25, $0x2   }
0x46: {  	s13 =	simm.s32 @!p0 $0x16  }
0x47: {  	_ =	swait.ge @!p0 [sflag:s13], $0x500  }
0x48: {  	s18 =	sadd.s32 $0x1, s18;
	s30 =	rddreg [dreg:$0x12]  }
0x49: {  	p1 =	sne.s32 s18, s30  }
.Ltmp1:
0x4a: {  	_ = 	snop;
	(pc) =	sbr.rel @!p1 .LBB2_53-.Ltmp1, $3  }
0x4b: {  	_ =	sdelay $0x1  }
0x4c: {  	s25 =	stileid.u32;
	[sflag:s13] =	ssyncset.done @!p0 $0x0  }
0x4d: {  	s28 =	simm.s32 $0x16;
	s20 =	simm.s32 $0xF;
	[sflag:s13] =	ssyncadd.s32 @!p0 $0xFFFFFB00  }
.LBB2_1:
0x4e: {  	[dreg:$0x13] =	wrdreg s18  }
0x4f: {  	s13 =	simm.s32 $0x0;
	s16 =	rddreg [dreg:$0x8]  }
0x50: {  	[tilespmem:s13], [sflag:$0x16] =	stream.linear.gather [hbm4b:s16+s13], $0x4E20, $0x38;
	[tilespmem:$0x1EAC0] =	vst v63  }
0x51: {  	_ =	swait.ge [sflag:s28], $0x4E20  }
0x52: {  	[sflag:s28] =	ssyncset.done $0x0  }
0x53: {  	s18 =	simm.s32 $0x9C40;
	[sflag:s28] =	ssyncadd.s32 $0xFFFFB1E0  }
0x54: {  	[tilespmem:s18], [sflag:$0x1] =	stream.indirect.gather [hbm4b:s1+s22], $0x40, s13, s22, $0xb8;
	[tilespmem:$0x1EAC0] =	vst v63  }
0x55: {  	s30 =	simm.s32 $0xA640  }
0x56: {  	[tilespmem:s30], [sflag:$0x2] =	stream.indirect.gather [hbm4b:s1+s22], $0x40, s22, s22, $0xb8;
	[tilespmem:$0x1EAC0] =	vst v63  }
0x57: {  	s18 =	simm.s32 $0x50;
	s30 =	simm.s32 $0xB040  }
0x58: {  	[tilespmem:s30], [sflag:$0x3] =	stream.indirect.gather [hbm4b:s1+s22], $0x40, s18, s22, $0xb8;
	[tilespmem:$0x1EAC0] =	vst v63  }
0x59: {  	s18 =	simm.s32 $0x78;
	s30 =	simm.s32 $0xBA40  }
0x5a: {  	[tilespmem:s30], [sflag:$0x4] =	stream.indirect.gather [hbm4b:s1+s22], $0x40, s18, s22, $0xb8;
	[tilespmem:$0x1EAC0] =	vst v63  }
0x5b: {  	s18 =	simm.s32 $0xA0;
	s30 =	simm.s32 $0xC440  }
0x5c: {  	[tilespmem:s30], [sflag:$0x5] =	stream.indirect.gather [hbm4b:s1+s22], $0x40, s18, s22, $0xb8;
	[tilespmem:$0x1EAC0] =	vst v63  }
0x5d: {  	s18 =	simm.s32 $0xC8;
	s30 =	simm.s32 $0xCE40  }
0x5e: {  	[tilespmem:s30], [sflag:$0x6] =	stream.indirect.gather [hbm4b:s1+s22], $0x40, s18, s22, $0xb8;
	[tilespmem:$0x1EAC0] =	vst v63  }
0x5f: {  	s18 =	simm.s32 $0xF0;
	s30 =	simm.s32 $0xD840  }
0x60: {  	[tilespmem:s30], [sflag:$0x7] =	stream.indirect.gather [hbm4b:s1+s22], $0x40, s18, s22, $0xb8;
	[tilespmem:$0x1EAC0] =	vst v63  }
0x61: {  	s18 =	simm.s32 $0x118;
	s30 =	simm.s32 $0xE240  }
0x62: {  	[tilespmem:s30], [sflag:$0x8] =	stream.indirect.gather [hbm4b:s1+s22], $0x40, s18, s22, $0xb8;
	[tilespmem:$0x1EAC0] =	vst v63  }
0x63: {  	s30 =	simm.s32 $0x140  }
0x64: {  	[tilespmem:s2], [sflag:$0x9] =	stream.indirect.gather [hbm4b:s1+s22], $0x40, s30, s22, $0xb8;
	[tilespmem:$0x1EAC0] =	vst v63  }
0x65: {  	s18 =	rddreg [dreg:$0x9];
	s30 =	simm.s32 $0x4E20  }
0x66: {  	[tilespmem:s30], [sflag:$0x16] =	stream.linear.gather [hbm4b:s18+s13], $0x4E20, $0x38;
	[tilespmem:$0x1EAC0] =	vst v63  }
0x67: {  	_ =	swait.ge [sflag:s28], $0x4E20  }
0x68: {  	[sflag:s28] =	ssyncset.done $0x0  }
0x69: {  	s18 =	simm.s32 $0x10040;
	s30 =	rddreg [dreg:$0x5];
	[sflag:s28] =	ssyncadd.s32 $0xFFFFB1E0  }
0x6a: {  	[tilespmem:s18], [sflag:$0x16] =	stream.linear.gather [hbm4b:s30+s13], $0x2000, $0x38;
	[tilespmem:$0x1EAC0] =	vst v63  }
0x6b: {  	_ =	swait.ge [sflag:s28], $0x2000  }
0x6c: {  	[sflag:s28] =	ssyncset.done $0x0  }
0x6d: {  	[sflag:s28] =	ssyncadd.s32 $0xFFFFE000  }
0x6e: {  	[spmem:s31] =	stream.linear.scatter [tilespmem:s18], [sflag:$0x16], $0x2000, $0x38;
	[tilespmem:$0x1EAC0] =	vst v63  }
0x6f: {  	_ =	swait.ge [sflag:s28], $0x2000  }
0x70: {  	[sflag:s28] =	ssyncset.done $0x0  }
0x71: {  	s30 =	rddreg [dreg:$0xb];
	[sflag:s28] =	ssyncadd.s32 $0xFFFFE000  }
0x72: {  	[spmem:s30] =	stream.linear.scatter [tilespmem:s18], [sflag:$0x16], $0x2000, $0x38;
	[tilespmem:$0x1EAC0] =	vst v63  }
0x73: {  	_ =	swait.ge [sflag:s28], $0x2000  }
0x74: {  	[sflag:s28] =	ssyncset.done $0x0  }
0x75: {  	s30 =	rddreg [dreg:$0xc];
	[sflag:s28] =	ssyncadd.s32 $0xFFFFE000  }
0x76: {  	[spmem:s30] =	stream.linear.scatter [tilespmem:s18], [sflag:$0x16], $0x2000, $0x38;
	[tilespmem:$0x1EAC0] =	vst v63  }
0x77: {  	_ =	swait.ge [sflag:s28], $0x2000  }
0x78: {  	[sflag:s28] =	ssyncset.done $0x0  }
0x79: {  	s30 =	rddreg [dreg:$0xd];
	[sflag:s28] =	ssyncadd.s32 $0xFFFFE000  }
0x7a: {  	[spmem:s30] =	stream.linear.scatter [tilespmem:s18], [sflag:$0x16], $0x2000, $0x38;
	[tilespmem:$0x1EAC0] =	vst v63  }
0x7b: {  	_ =	swait.ge [sflag:s28], $0x2000  }
0x7c: {  	[sflag:s28] =	ssyncset.done $0x0  }
0x7d: {  	s30 =	rddreg [dreg:$0xe];
	[sflag:s28] =	ssyncadd.s32 $0xFFFFE000  }
0x7e: {  	[spmem:s30] =	stream.linear.scatter [tilespmem:s18], [sflag:$0x16], $0x2000, $0x38;
	[tilespmem:$0x1EAC0] =	vst v63  }
0x7f: {  	_ =	swait.ge [sflag:s28], $0x2000  }
0x80: {  	[sflag:s28] =	ssyncset.done $0x0  }
0x81: {  	s30 =	rddreg [dreg:$0x7];
	[sflag:s28] =	ssyncadd.s32 $0xFFFFE000  }
0x82: {  	[tilespmem:s8], [sflag:$0x16] =	stream.linear.gather [hbm4b:s30+s13], $0x280, $0x38;
	[tilespmem:$0x1EAC0] =	vst v63  }
0x83: {  	_ =	swait.ge [sflag:s28], $0x280  }
0x84: {  	s25 =	sshll.u32 @!p0 s25, $0x6;
	s13 =	rddreg [dreg:$0xf]  }
0x85: {  	[sflag:s28] =	ssyncset.done $0x0;
	s16 =	sshrl.u32 @!p0 s13, $0x3;
	s13 =	rddreg [dreg:$0x6]  }
0x86: {  	s25 =	sor.u32 @!p0 $0x1C16, s25;
	[sflag:s28] =	ssyncadd.s32 $0xFFFFFD80;
	[dreg:$0x14] =	wrdreg s16  }
0x87: {  	[spmem:s16], [sflag:s25] =	dma.local @!p0 [hbm:s13], $0x500  }
0x88: {  	s25 =	simm.s32 @!p0 $0x16  }
.Ltmp2:
0x89: {  	_ =	swait.ge @!p0 [sflag:s25], $0x500;
	(pc) =	sbr.rel .LBB2_2-.Ltmp2, $4  }
0x8a: {  	[sflag:s25] =	ssyncset.done @!p0 $0x0  }
0x8b: {  	[sflag:s25] =	ssyncadd.s32 @!p0 $0xFFFFFB00  }
0x8c: {  	[bflag:$0x0] =	sbarrier.arrive $0xFFFF  }
0x8d: {  	s31 =	simm.s32 $0x0;
	s25 =	simm.s32 $0x0  }
.LBB2_49:
0x8e: {  	s13 =	sadd.s32 $0x2D0, s30;
	s25 =	sadd.s32 $0x640, s25;
	s31 =	sadd.s32 $0xFFFFFFFF, s31  }
0x8f: {  	[tilespmem:s2], [sflag:$0x9] =	stream.indirect.gather [hbm4b:s1+s22], $0x40, s13, s22, $0xb8;
	[tilespmem:$0x1EAC0] =	vst v63  }
.LBB2_2:
0x90: {  	_ =	swait.ge [sflag:s9], $0xA00  }
0x91: {  	s30 =	sshra.s32 s25, $0x2;
	[sflag:s9] =	ssyncset.done $0x0  }
0x92: {  	s13 =	simm.s32 $0x9C40;
	s28 =	sadd.s32 $0x4E20, s30;
	[sflag:s9] =	ssyncadd.s32 $0xFFFFF600  }
0x93: {  	[spmem:s3] =	stream.indirect.scatter.add.f32 [tilespmem:s13], [sflag:$0xB], $0x40, s28, s22, $0xb8;
	[tilespmem:$0x1EAC0] =	vst v63  }
0x94: {  	s16 =	simm.s32 @!p0 $0x1C040;
	p1 =	seq.s32 s31, $0x0;
	s13 =	simm.s32 @!p0 $0x28  }
0x95: {  	[spmem:s5] =	stream.indirect.scatter.add.f32 @!p0 [tilespmem:s16], [sflag:$0x15], $0x10, s28, s13, $0xb8;
	[tilespmem:$0x1EAC0] =	vst v63  }
0x96: {  	s28 =	simm.s32 @!p1 $0x14  }
0x97: {  	p2 =	sne.s32 @!p1 s4, $0x0;
	_ =	swait.ge @!p1 [sflag:s28], $0xA00  }
0x98: {  	p2 =	por p2, p1;
	[sflag:s28] =	ssyncset.done @!p1 $0x0  }
0x99: {  	[sflag:s28] =	ssyncadd.s32 @!p1 $0xFFFFF600;
	s28 =	simm.s32 @!p2 $0x15  }
0x9a: {  	_ =	swait.ge @!p2 [sflag:s28], $0x280  }
0x9b: {  	[sflag:s28] =	ssyncset.done @!p2 $0x0  }
0x9c: {  	[sflag:s28] =	ssyncadd.s32 @!p2 $0xFFFFFD80;
	s28 =	sadd.s32 $0x168, s30  }
0x9d: {  	[tilespmem:s0], [sflag:$0xA] =	stream.indirect.gather [hbm4b:s1+s22], $0x40, s28, s22, $0xb8;
	[tilespmem:$0x1EAC0] =	vst v63  }
0x9e: {  	_ =	swait.ge [sflag:s10], $0xA00  }
0x9f: {  	[sflag:s10] =	ssyncset.done $0x0  }
0xa0: {  	s18 =	simm.s32 $0xA640;
	s28 =	sadd.s32 $0x4E48, s30;
	[sflag:s10] =	ssyncadd.s32 $0xFFFFF600  }
0xa1: {  	[spmem:s3] =	stream.indirect.scatter.add.f32 [tilespmem:s18], [sflag:$0xC], $0x40, s28, s22, $0xb8;
	[tilespmem:$0x1EAC0] =	vst v63  }
0xa2: {  	p1 =	seq.s32 s31, $0xFFFFFFCF  }
0xa3: {  	[spmem:s5] =	stream.indirect.scatter.add.f32 @!p0 [tilespmem:s16], [sflag:$0x15], $0x10, s28, s13, $0xb8;
	[tilespmem:$0x1EAC0] =	vst v63  }
0xa4: {  	s13 =	simm.s32 @!p1 $0xB  }
0xa5: {  	p2 =	sne.s32 @!p1 s4, $0x0;
	_ =	swait.ge @!p1 [sflag:s13], $0xA00  }
0xa6: {  	p2 =	por p2, p1;
	[sflag:s13] =	ssyncset.done @!p1 $0x0  }
0xa7: {  	[sflag:s13] =	ssyncadd.s32 @!p1 $0xFFFFF600;
	s13 =	simm.s32 @!p2 $0x15  }
0xa8: {  	_ =	swait.ge @!p2 [sflag:s13], $0x280  }
0xa9: {  	[sflag:s13] =	ssyncset.done @!p2 $0x0  }
0xaa: {  	[sflag:s13] =	ssyncadd.s32 @!p2 $0xFFFFFD80;
	s13 =	sshra.s32 @!p1 s25, $0x2  }
0xab: {  	s16 =	simm.s32 @!p1 $0x28;
	s28 =	simm.s32 @!p1 $0x9C40;
	s13 =	sadd.s32 @!p1 $0x190, s13  }
0xac: {  	[tilespmem:s28], [sflag:$0x1] =	stream.indirect.gather @!p1 [hbm4b:s1+s16], $0x40, s13, s16, $0xb8;
	[tilespmem:$0x1EAC0] =	vst v63  }
.Ltmp3:
0xad: {  	_ = 	snop;
	(pc) =	sbr.rel @p0 .LBB2_5-.Ltmp3, $4  }
0xae: {  	_ =	swait.ge [sflag:s11], $0xA00  }
0xaf: {  	[sflag:s11] =	ssyncset.done $0x0  }
0xb0: {  	s18 =	simm.s32 $0xB040;
	s28 =	sadd.s32 $0x4E70, s30;
	[sflag:s11] =	ssyncadd.s32 $0xFFFFF600  }
0xb1: {  	[spmem:s3] =	stream.indirect.scatter.add.f32 [tilespmem:s18], [sflag:$0xD], $0x40, s28, s22, $0xb8;
	[tilespmem:$0x1EAC0] =	vst v63  }
.Ltmp4:
0xb2: {  	(pc) =	sbr.rel @p1 .LBB2_8-.Ltmp4, $2  }
0xb3: {  	_ =	sdelay $0x2  }
0xb4: {  	[spmem:s5] =	stream.indirect.scatter.add.f32 [tilespmem:s8], [sflag:$0x15], $0x10, s28, s22, $0xb8;
	[tilespmem:$0x1EAC0] =	vst v63  }
0xb5: {  	s13 =	simm.s32 $0xC  }
0xb6: {  	_ =	swait.ge [sflag:s13], $0xA00  }
.Ltmp5:
0xb7: {  	[sflag:s13] =	ssyncset.done $0x0;
	(pc) =	sbr.rel .LBB2_7-.Ltmp5, $4  }
0xb8: {  	[sflag:s13] =	ssyncadd.s32 $0xFFFFF600  }
0xb9: {  	_ =	swait.ge [sflag:s14], $0x280  }
0xba: {  	[sflag:s14] =	ssyncset.done $0x0  }
0xbb: {  	[sflag:s14] =	ssyncadd.s32 $0xFFFFFD80  }
.LBB2_5:
.Ltmp6:
0xbc: {  	(pc) =	sbr.rel @p1 .LBB2_8-.Ltmp6, $1  }
0xbd: {  	_ =	sdelay $0x3  }
0xbe: {  	s13 =	simm.s32 $0xC  }
0xbf: {  	_ =	swait.ge [sflag:s13], $0xA00  }
0xc0: {  	[sflag:s13] =	ssyncset.done $0x0  }
0xc1: {  	[sflag:s13] =	ssyncadd.s32 $0xFFFFF600  }
.LBB2_7:
0xc2: {  	s13 =	sadd.s32 $0x1B8, s30;
	s16 =	simm.s32 $0xA640  }
0xc3: {  	[tilespmem:s16], [sflag:$0x2] =	stream.indirect.gather [hbm4b:s1+s22], $0x40, s13, s22, $0xb8;
	[tilespmem:$0x1EAC0] =	vst v63  }
.LBB2_8:
.Ltmp7:
0xc4: {  	(pc) =	sbr.rel @p0 .LBB2_11-.Ltmp7, $4  }
0xc5: {  	_ =	swait.ge [sflag:s15], $0xA00  }
0xc6: {  	[sflag:s15] =	ssyncset.done $0x0  }
0xc7: {  	s28 =	sadd.s32 $0x4E98, s30;
	s13 =	simm.s32 $0xBA40;
	[sflag:s15] =	ssyncadd.s32 $0xFFFFF600  }
0xc8: {  	[spmem:s3] =	stream.indirect.scatter.add.f32 [tilespmem:s13], [sflag:$0xE], $0x40, s28, s22, $0xb8;
	[tilespmem:$0x1EAC0] =	vst v63  }
.Ltmp8:
0xc9: {  	(pc) =	sbr.rel @p1 .LBB2_14-.Ltmp8, $2  }
0xca: {  	_ =	sdelay $0x2  }
0xcb: {  	[spmem:s5] =	stream.indirect.scatter.add.f32 [tilespmem:s8], [sflag:$0x15], $0x10, s28, s22, $0xb8;
	[tilespmem:$0x1EAC0] =	vst v63  }
0xcc: {  	s13 =	simm.s32 $0xD  }
0xcd: {  	_ =	swait.ge [sflag:s13], $0xA00  }
.Ltmp9:
0xce: {  	[sflag:s13] =	ssyncset.done $0x0;
	(pc) =	sbr.rel .LBB2_13-.Ltmp9, $4  }
0xcf: {  	[sflag:s13] =	ssyncadd.s32 $0xFFFFF600  }
0xd0: {  	_ =	swait.ge [sflag:s14], $0x280  }
0xd1: {  	[sflag:s14] =	ssyncset.done $0x0  }
0xd2: {  	[sflag:s14] =	ssyncadd.s32 $0xFFFFFD80  }
.LBB2_11:
.Ltmp10:
0xd3: {  	(pc) =	sbr.rel @p1 .LBB2_14-.Ltmp10, $1  }
0xd4: {  	_ =	sdelay $0x3  }
0xd5: {  	s13 =	simm.s32 $0xD  }
0xd6: {  	_ =	swait.ge [sflag:s13], $0xA00  }
0xd7: {  	[sflag:s13] =	ssyncset.done $0x0  }
0xd8: {  	[sflag:s13] =	ssyncadd.s32 $0xFFFFF600  }
.LBB2_13:
0xd9: {  	s13 =	sadd.s32 $0x1E0, s30;
	s16 =	simm.s32 $0xB040  }
0xda: {  	[tilespmem:s16], [sflag:$0x3] =	stream.indirect.gather [hbm4b:s1+s22], $0x40, s13, s22, $0xb8;
	[tilespmem:$0x1EAC0] =	vst v63  }
.LBB2_14:
.Ltmp11:
0xdb: {  	(pc) =	sbr.rel @p0 .LBB2_17-.Ltmp11, $4  }
0xdc: {  	_ =	swait.ge [sflag:s17], $0xA00  }
0xdd: {  	[sflag:s17] =	ssyncset.done $0x0  }
0xde: {  	s28 =	sadd.s32 $0x4EC0, s30;
	s13 =	simm.s32 $0xC440;
	[sflag:s17] =	ssyncadd.s32 $0xFFFFF600  }
0xdf: {  	[spmem:s3] =	stream.indirect.scatter.add.f32 [tilespmem:s13], [sflag:$0xF], $0x40, s28, s22, $0xb8;
	[tilespmem:$0x1EAC0] =	vst v63  }
.Ltmp12:
0xe0: {  	(pc) =	sbr.rel @p1 .LBB2_20-.Ltmp12, $2  }
0xe1: {  	_ =	sdelay $0x2  }
0xe2: {  	[spmem:s5] =	stream.indirect.scatter.add.f32 [tilespmem:s8], [sflag:$0x15], $0x10, s28, s22, $0xb8;
	[tilespmem:$0x1EAC0] =	vst v63  }
0xe3: {  	s13 =	simm.s32 $0xE  }
0xe4: {  	_ =	swait.ge [sflag:s13], $0xA00  }
.Ltmp13:
0xe5: {  	[sflag:s13] =	ssyncset.done $0x0;
	(pc) =	sbr.rel .LBB2_19-.Ltmp13, $4  }
0xe6: {  	[sflag:s13] =	ssyncadd.s32 $0xFFFFF600  }
0xe7: {  	_ =	swait.ge [sflag:s14], $0x280  }
0xe8: {  	[sflag:s14] =	ssyncset.done $0x0  }
0xe9: {  	[sflag:s14] =	ssyncadd.s32 $0xFFFFFD80  }
.LBB2_17:
.Ltmp14:
0xea: {  	(pc) =	sbr.rel @p1 .LBB2_20-.Ltmp14, $1  }
0xeb: {  	_ =	sdelay $0x3  }
0xec: {  	s13 =	simm.s32 $0xE  }
0xed: {  	_ =	swait.ge [sflag:s13], $0xA00  }
0xee: {  	[sflag:s13] =	ssyncset.done $0x0  }
0xef: {  	[sflag:s13] =	ssyncadd.s32 $0xFFFFF600  }
.LBB2_19:
0xf0: {  	s13 =	sadd.s32 $0x208, s30;
	s16 =	simm.s32 $0xBA40  }
0xf1: {  	[tilespmem:s16], [sflag:$0x4] =	stream.indirect.gather [hbm4b:s1+s22], $0x40, s13, s22, $0xb8;
	[tilespmem:$0x1EAC0] =	vst v63  }
.LBB2_20:
.Ltmp15:
0xf2: {  	(pc) =	sbr.rel @p0 .LBB2_23-.Ltmp15, $4  }
0xf3: {  	_ =	swait.ge [sflag:s19], $0xA00  }
0xf4: {  	[sflag:s19] =	ssyncset.done $0x0  }
0xf5: {  	s28 =	sadd.s32 $0x4EE8, s30;
	s13 =	simm.s32 $0xCE40;
	[sflag:s19] =	ssyncadd.s32 $0xFFFFF600  }
0xf6: {  	[spmem:s3] =	stream.indirect.scatter.add.f32 [tilespmem:s13], [sflag:$0x10], $0x40, s28, s22, $0xb8;
	[tilespmem:$0x1EAC0] =	vst v63  }
.Ltmp16:
0xf7: {  	(pc) =	sbr.rel @p1 .LBB2_26-.Ltmp16, $2  }
0xf8: {  	_ =	sdelay $0x2  }
0xf9: {  	[spmem:s5] =	stream.indirect.scatter.add.f32 [tilespmem:s8], [sflag:$0x15], $0x10, s28, s22, $0xb8;
	[tilespmem:$0x1EAC0] =	vst v63  }
0xfa: {  	_ =	swait.ge [sflag:s20], $0xA00  }
.Ltmp17:
0xfb: {  	[sflag:s20] =	ssyncset.done $0x0;
	(pc) =	sbr.rel .LBB2_25-.Ltmp17, $4  }
0xfc: {  	[sflag:s20] =	ssyncadd.s32 $0xFFFFF600  }
0xfd: {  	_ =	swait.ge [sflag:s14], $0x280  }
0xfe: {  	[sflag:s14] =	ssyncset.done $0x0  }
0xff: {  	[sflag:s14] =	ssyncadd.s32 $0xFFFFFD80  }
.LBB2_23:
.Ltmp18:
0x100: {  	(pc) =	sbr.rel @p1 .LBB2_26-.Ltmp18, $1  }
0x101: {  	_ =	sdelay $0x3  }
0x102: {  	_ =	swait.ge [sflag:s20], $0xA00  }
0x103: {  	[sflag:s20] =	ssyncset.done $0x0  }
0x104: {  	[sflag:s20] =	ssyncadd.s32 $0xFFFFF600  }
.LBB2_25:
0x105: {  	s13 =	sadd.s32 $0x230, s30;
	s16 =	simm.s32 $0xC440  }
0x106: {  	[tilespmem:s16], [sflag:$0x5] =	stream.indirect.gather [hbm4b:s1+s22], $0x40, s13, s22, $0xb8;
	[tilespmem:$0x1EAC0] =	vst v63  }
.LBB2_26:
.Ltmp19:
0x107: {  	(pc) =	sbr.rel @p0 .LBB2_29-.Ltmp19, $4  }
0x108: {  	_ =	swait.ge [sflag:s12], $0xA00  }
0x109: {  	[sflag:s12] =	ssyncset.done $0x0  }
0x10a: {  	s28 =	sadd.s32 $0x4F10, s30;
	s13 =	simm.s32 $0xD840;
	[sflag:s12] =	ssyncadd.s32 $0xFFFFF600  }
0x10b: {  	[spmem:s3] =	stream.indirect.scatter.add.f32 [tilespmem:s13], [sflag:$0x11], $0x40, s28, s22, $0xb8;
	[tilespmem:$0x1EAC0] =	vst v63  }
.Ltmp20:
0x10c: {  	(pc) =	sbr.rel @p1 .LBB2_32-.Ltmp20, $2  }
0x10d: {  	_ =	sdelay $0x2  }
0x10e: {  	[spmem:s5] =	stream.indirect.scatter.add.f32 [tilespmem:s8], [sflag:$0x15], $0x10, s28, s22, $0xb8;
	[tilespmem:$0x1EAC0] =	vst v63  }
0x10f: {  	_ =	swait.ge [sflag:s6], $0xA00  }
.Ltmp21:
0x110: {  	[sflag:s6] =	ssyncset.done $0x0;
	(pc) =	sbr.rel .LBB2_31-.Ltmp21, $4  }
0x111: {  	[sflag:s6] =	ssyncadd.s32 $0xFFFFF600  }
0x112: {  	_ =	swait.ge [sflag:s14], $0x280  }
0x113: {  	[sflag:s14] =	ssyncset.done $0x0  }
0x114: {  	[sflag:s14] =	ssyncadd.s32 $0xFFFFFD80  }
.LBB2_29:
.Ltmp22:
0x115: {  	(pc) =	sbr.rel @p1 .LBB2_32-.Ltmp22, $1  }
0x116: {  	_ =	sdelay $0x3  }
0x117: {  	_ =	swait.ge [sflag:s6], $0xA00  }
0x118: {  	[sflag:s6] =	ssyncset.done $0x0  }
0x119: {  	[sflag:s6] =	ssyncadd.s32 $0xFFFFF600  }
.LBB2_31:
0x11a: {  	s13 =	sadd.s32 $0x258, s30;
	s16 =	simm.s32 $0xCE40  }
0x11b: {  	[tilespmem:s16], [sflag:$0x6] =	stream.indirect.gather [hbm4b:s1+s22], $0x40, s13, s22, $0xb8;
	[tilespmem:$0x1EAC0] =	vst v63  }
.LBB2_32:
.Ltmp23:
0x11c: {  	(pc) =	sbr.rel @p0 .LBB2_35-.Ltmp23, $4  }
0x11d: {  	_ =	swait.ge [sflag:s7], $0xA00  }
0x11e: {  	[sflag:s7] =	ssyncset.done $0x0  }
0x11f: {  	s28 =	sadd.s32 $0x4F38, s30;
	s13 =	simm.s32 $0xE240;
	[sflag:s7] =	ssyncadd.s32 $0xFFFFF600  }
0x120: {  	[spmem:s3] =	stream.indirect.scatter.add.f32 [tilespmem:s13], [sflag:$0x12], $0x40, s28, s22, $0xb8;
	[tilespmem:$0x1EAC0] =	vst v63  }
.Ltmp24:
0x121: {  	(pc) =	sbr.rel @p1 .LBB2_38-.Ltmp24, $2  }
0x122: {  	_ =	sdelay $0x2  }
0x123: {  	[spmem:s5] =	stream.indirect.scatter.add.f32 [tilespmem:s8], [sflag:$0x15], $0x10, s28, s22, $0xb8;
	[tilespmem:$0x1EAC0] =	vst v63  }
0x124: {  	_ =	swait.ge [sflag:s21], $0xA00  }
.Ltmp25:
0x125: {  	[sflag:s21] =	ssyncset.done $0x0;
	(pc) =	sbr.rel .LBB2_37-.Ltmp25, $4  }
0x126: {  	[sflag:s21] =	ssyncadd.s32 $0xFFFFF600  }
0x127: {  	_ =	swait.ge [sflag:s14], $0x280  }
0x128: {  	[sflag:s14] =	ssyncset.done $0x0  }
0x129: {  	[sflag:s14] =	ssyncadd.s32 $0xFFFFFD80  }
.LBB2_35:
.Ltmp26:
0x12a: {  	(pc) =	sbr.rel @p1 .LBB2_38-.Ltmp26, $1  }
0x12b: {  	_ =	sdelay $0x3  }
0x12c: {  	_ =	swait.ge [sflag:s21], $0xA00  }
0x12d: {  	[sflag:s21] =	ssyncset.done $0x0  }
0x12e: {  	[sflag:s21] =	ssyncadd.s32 $0xFFFFF600  }
.LBB2_37:
0x12f: {  	s13 =	sadd.s32 $0x280, s30;
	s16 =	simm.s32 $0xD840  }
0x130: {  	[tilespmem:s16], [sflag:$0x7] =	stream.indirect.gather [hbm4b:s1+s22], $0x40, s13, s22, $0xb8;
	[tilespmem:$0x1EAC0] =	vst v63  }
.LBB2_38:
.Ltmp27:
0x131: {  	(pc) =	sbr.rel @p0 .LBB2_41-.Ltmp27, $4  }
0x132: {  	_ =	swait.ge [sflag:s23], $0xA00  }
0x133: {  	[sflag:s23] =	ssyncset.done $0x0  }
0x134: {  	s28 =	sadd.s32 $0x4F60, s30;
	[sflag:s23] =	ssyncadd.s32 $0xFFFFF600  }
0x135: {  	[spmem:s3] =	stream.indirect.scatter.add.f32 [tilespmem:s2], [sflag:$0x13], $0x40, s28, s22, $0xb8;
	[tilespmem:$0x1EAC0] =	vst v63  }
.Ltmp28:
0x136: {  	(pc) =	sbr.rel @p1 .LBB2_44-.Ltmp28, $2  }
0x137: {  	_ =	sdelay $0x2  }
0x138: {  	[spmem:s5] =	stream.indirect.scatter.add.f32 [tilespmem:s8], [sflag:$0x15], $0x10, s28, s22, $0xb8;
	[tilespmem:$0x1EAC0] =	vst v63  }
0x139: {  	_ =	swait.ge [sflag:s24], $0xA00  }
.Ltmp29:
0x13a: {  	[sflag:s24] =	ssyncset.done $0x0;
	(pc) =	sbr.rel .LBB2_43-.Ltmp29, $4  }
0x13b: {  	[sflag:s24] =	ssyncadd.s32 $0xFFFFF600  }
0x13c: {  	_ =	swait.ge [sflag:s14], $0x280  }
0x13d: {  	[sflag:s14] =	ssyncset.done $0x0  }
0x13e: {  	[sflag:s14] =	ssyncadd.s32 $0xFFFFFD80  }
.LBB2_41:
.Ltmp30:
0x13f: {  	(pc) =	sbr.rel @p1 .LBB2_44-.Ltmp30, $1  }
0x140: {  	_ =	sdelay $0x3  }
0x141: {  	_ =	swait.ge [sflag:s24], $0xA00  }
0x142: {  	[sflag:s24] =	ssyncset.done $0x0  }
0x143: {  	[sflag:s24] =	ssyncadd.s32 $0xFFFFF600  }
.LBB2_43:
0x144: {  	s13 =	sadd.s32 $0x2A8, s30;
	s16 =	simm.s32 $0xE240  }
0x145: {  	[tilespmem:s16], [sflag:$0x8] =	stream.indirect.gather [hbm4b:s1+s22], $0x40, s13, s22, $0xb8;
	[tilespmem:$0x1EAC0] =	vst v63  }
.LBB2_44:
.Ltmp31:
0x146: {  	(pc) =	sbr.rel @p0 .LBB2_47-.Ltmp31, $4  }
0x147: {  	_ =	swait.ge [sflag:s26], $0xA00  }
0x148: {  	[sflag:s26] =	ssyncset.done $0x0  }
0x149: {  	s28 =	sadd.s32 $0x4F88, s30;
	[sflag:s26] =	ssyncadd.s32 $0xFFFFF600  }
0x14a: {  	[spmem:s3] =	stream.indirect.scatter.add.f32 [tilespmem:s0], [sflag:$0x14], $0x40, s28, s22, $0xb8;
	[tilespmem:$0x1EAC0] =	vst v63  }
.Ltmp32:
0x14b: {  	(pc) =	sbr.rel @p1 .LBB2_50-.Ltmp32, $2  }
0x14c: {  	_ =	sdelay $0x2  }
0x14d: {  	[spmem:s5] =	stream.indirect.scatter.add.f32 [tilespmem:s8], [sflag:$0x15], $0x10, s28, s22, $0xb8;
	[tilespmem:$0x1EAC0] =	vst v63  }
0x14e: {  	_ =	swait.ge [sflag:s29], $0xA00  }
.Ltmp33:
0x14f: {  	[sflag:s29] =	ssyncset.done $0x0;
	(pc) =	sbr.rel .LBB2_49-.Ltmp33, $4  }
0x150: {  	[sflag:s29] =	ssyncadd.s32 $0xFFFFF600  }
0x151: {  	_ =	swait.ge [sflag:s14], $0x280  }
0x152: {  	[sflag:s14] =	ssyncset.done $0x0  }
0x153: {  	[sflag:s14] =	ssyncadd.s32 $0xFFFFFD80  }
.LBB2_47:
.Ltmp34:
0x154: {  	(pc) =	sbr.rel @p1 .LBB2_51-.Ltmp34, $1  }
0x155: {  	_ =	sdelay $0x3  }
.Ltmp35:
0x156: {  	(pc) =	sbr.rel .LBB2_49-.Ltmp35, $4  }
0x157: {  	_ = 	snop  }
0x158: {  	_ =	swait.ge [sflag:s29], $0xA00  }
0x159: {  	[sflag:s29] =	ssyncset.done $0x0  }
0x15a: {  	[sflag:s29] =	ssyncadd.s32 $0xFFFFF600  }
.LBB2_50:
0x15b: {  	s13 =	simm.s32 $0xB  }
0x15c: {  	_ =	swait.ge [sflag:s13], $0xA00  }
0x15d: {  	[sflag:s13] =	ssyncset.done $0x0  }
0x15e: {  	[sflag:s13] =	ssyncadd.s32 $0xFFFFF600  }
0x15f: {  	_ =	swait.ge [sflag:s14], $0x280  }
0x160: {  	[sflag:s14] =	ssyncset.done $0x0  }
0x161: {  	s25 =	simm.s32 $0xC;
	[sflag:s14] =	ssyncadd.s32 $0xFFFFFD80  }
0x162: {  	_ =	swait.ge [sflag:s25], $0xA00  }
0x163: {  	[sflag:s25] =	ssyncset.done $0x0  }
0x164: {  	[sflag:s25] =	ssyncadd.s32 $0xFFFFF600  }
0x165: {  	_ =	swait.ge [sflag:s14], $0x280  }
0x166: {  	[sflag:s14] =	ssyncset.done $0x0  }
0x167: {  	s28 =	simm.s32 $0xD;
	[sflag:s14] =	ssyncadd.s32 $0xFFFFFD80  }
0x168: {  	_ =	swait.ge [sflag:s28], $0xA00  }
0x169: {  	[sflag:s28] =	ssyncset.done $0x0  }
0x16a: {  	[sflag:s28] =	ssyncadd.s32 $0xFFFFF600  }
0x16b: {  	_ =	swait.ge [sflag:s14], $0x280  }
0x16c: {  	[sflag:s14] =	ssyncset.done $0x0  }
0x16d: {  	s30 =	simm.s32 $0xE;
	[sflag:s14] =	ssyncadd.s32 $0xFFFFFD80  }
0x16e: {  	_ =	swait.ge [sflag:s30], $0xA00  }
0x16f: {  	[sflag:s30] =	ssyncset.done $0x0  }
0x170: {  	[sflag:s30] =	ssyncadd.s32 $0xFFFFF600  }
0x171: {  	_ =	swait.ge [sflag:s14], $0x280  }
0x172: {  	[sflag:s14] =	ssyncset.done $0x0  }
0x173: {  	[sflag:s14] =	ssyncadd.s32 $0xFFFFFD80  }
0x174: {  	_ =	swait.ge [sflag:s20], $0xA00  }
0x175: {  	[sflag:s20] =	ssyncset.done $0x0  }
0x176: {  	[sflag:s20] =	ssyncadd.s32 $0xFFFFF600  }
0x177: {  	_ =	swait.ge [sflag:s14], $0x280  }
0x178: {  	[sflag:s14] =	ssyncset.done $0x0  }
0x179: {  	[sflag:s14] =	ssyncadd.s32 $0xFFFFFD80  }
0x17a: {  	_ =	swait.ge [sflag:s6], $0xA00  }
0x17b: {  	[sflag:s6] =	ssyncset.done $0x0  }
0x17c: {  	[sflag:s6] =	ssyncadd.s32 $0xFFFFF600  }
0x17d: {  	_ =	swait.ge [sflag:s14], $0x280  }
0x17e: {  	[sflag:s14] =	ssyncset.done $0x0  }
0x17f: {  	[sflag:s14] =	ssyncadd.s32 $0xFFFFFD80  }
0x180: {  	_ =	swait.ge [sflag:s21], $0xA00  }
0x181: {  	[sflag:s21] =	ssyncset.done $0x0  }
0x182: {  	[sflag:s21] =	ssyncadd.s32 $0xFFFFF600  }
0x183: {  	_ =	swait.ge [sflag:s14], $0x280  }
0x184: {  	[sflag:s14] =	ssyncset.done $0x0  }
0x185: {  	[sflag:s14] =	ssyncadd.s32 $0xFFFFFD80  }
0x186: {  	_ =	swait.ge [sflag:s24], $0xA00  }
0x187: {  	[sflag:s24] =	ssyncset.done $0x0  }
0x188: {  	[sflag:s24] =	ssyncadd.s32 $0xFFFFF600  }
0x189: {  	_ =	swait.ge [sflag:s14], $0x280  }
0x18a: {  	[sflag:s14] =	ssyncset.done $0x0  }
0x18b: {  	[sflag:s14] =	ssyncadd.s32 $0xFFFFFD80  }
0x18c: {  	_ =	swait.ge [sflag:s29], $0xA00  }
0x18d: {  	[sflag:s29] =	ssyncset.done $0x0  }
0x18e: {  	[sflag:s29] =	ssyncadd.s32 $0xFFFFF600  }
0x18f: {  	_ =	swait.ge [sflag:s14], $0x280  }
0x190: {  	[sflag:s14] =	ssyncset.done $0x0  }
0x191: {  	s31 =	simm.s32 $0x14;
	[sflag:s14] =	ssyncadd.s32 $0xFFFFFD80  }
0x192: {  	_ =	swait.ge [sflag:s31], $0xA00  }
.Ltmp36:
0x193: {  	[sflag:s31] =	ssyncset.done $0x0;
	(pc) =	sbr.rel .LBB2_52-.Ltmp36, $4  }
0x194: {  	[sflag:s31] =	ssyncadd.s32 $0xFFFFF600  }
0x195: {  	_ =	swait.ge [sflag:s14], $0x280  }
0x196: {  	[sflag:s14] =	ssyncset.done $0x0  }
0x197: {  	s18 =	rddreg [dreg:$0x13];
	[sflag:s14] =	ssyncadd.s32 $0xFFFFFD80  }
.LBB2_53:
0x198: {  	_ =	sfence.sel $0x180000  }
0x199: {  	[bflag:$0x0] =	sbarrier.arrive $0xFFFF  }
0x19a: {  	_ =	strace $0x90000047  }
0x19b: {  	[bflag:$0x2] =	sbarrier.arrive $0xFFFF  }
0x19c: {  	p0 =	sne.s32 s25, $0x0;
	s0 =	rddreg [dreg:$0x4]  }
0x19d: {  	s0 =	sadd.s32 @!p0 $0x100000, s0  }
0x19e: {  	[sflag:s0] =	ssyncadd.tile.s32 @!p0 $0x1;
	_ =	shalt  }
.Lfunc_end2:
_tile_overlayer_lowered:
.L_overlay_start_2:
0x19f: {  	(tag) =	ssettag $0x2  }
0x1a0: {  	s0 =	rddreg [dreg:$0x0];
	s2 =	stileid.u32  }
0x1a1: {  	s1 =	rddreg [dreg:$0x1];
	p0 =	sne.s32 s2, $0x0  }
0x1a2: {  	s3 =	rddreg [dreg:$0x2];
	[bflag:$0x3] =	sbarrier.arrive $0xFFFF;
	s2 =	simm.s32 @!p0 $0x1C16  }
0x1a3: {  	[timem:s3], [sflag:s2] =	dma.local @!p0 [hbm:s0], s1  }
0x1a4: {  	s0 =	simm.s32 @!p0 $0x16  }
0x1a5: {  	_ =	swait.ge @!p0 [sflag:s0], s1  }
0x1a6: {  	s1 =	ssub.s32 @!p0 $0x0, s1;
	[sflag:s0] =	ssyncset.done @!p0 $0x0  }
0x1a7: {  	[sflag:s0] =	ssyncadd.s32 @!p0 s1  }
0x1a8: {  	[bflag:$0x3] =	sbarrier.arrive $0xFFFF  }
0x1a9: {  	_ =	shalt  }

</sc_bundles>
